<compile_context>
chip_gen: v7x
topology: tpu7x:2x2x1
jax: 0.10.2.dev20260603
libtpu: 0.0.44.dev20260713+nightly
codegen_flags: <defaults>
</compile_context>

<pallas_src>
import functools

import jax
import jax.numpy as jnp
from jax import lax
from jax.experimental import pallas as pl
from jax.experimental.pallas import tpu as pltpu
from jax.experimental.pallas import tpu_sc as plsc

N = 10000
NP = 10240
E = 160000
XD = 256
ED = 16
H = 256
GW = 512
GWP = 256

NC, NS = 2, 16
NW = NC * NS
KG = 48
GCH = 104
NBUF = 4
EPW = KG * GCH
ETAIL = NW * EPW

CPW = H // NW
KS = 640
SCH = E // KS


def _mask16():
    return jnp.int32(-65536)


def _pack_bf16_pairs(v):
    HH = H // 2
    lo = jnp.concatenate([v[:, 0:HH], v[:, 2 * HH:3 * HH]], axis=1)
    hi = jnp.concatenate([v[:, HH:2 * HH], v[:, 3 * HH:4 * HH]], axis=1)
    wl = lax.bitcast_convert_type(lo, jnp.int32)
    wh = lax.bitcast_convert_type(hi, jnp.int32)
    rl = wl + jnp.int32(0x7FFF) + ((wl >> 16) & 1)
    rh = wh + jnp.int32(0x7FFF) + ((wh >> 16) & 1)
    word = ((rl >> 16) & jnp.int32(0xFFFF)) | (rh & _mask16())
    return lax.bitcast_convert_type(word, jnp.float32)


def _tables_body(x_ref, wa_ref, wb_ref, ba_ref, a_ref, b_ref):
    xb = x_ref[...]
    a = jnp.dot(xb, wa_ref[...], preferred_element_type=jnp.float32) + ba_ref[...]
    bt = jnp.dot(xb, wb_ref[...], preferred_element_type=jnp.float32)
    a_ref[...] = _pack_bf16_pairs(a)
    b_ref[...] = _pack_bf16_pairs(bt)


def _tables(x2, WA, WB, bA):
    BN = 2000
    return pl.pallas_call(
        _tables_body,
        grid=(N // BN,),
        in_specs=[
            pl.BlockSpec((BN, XD), lambda i: (i, 0)),
            pl.BlockSpec((XD, GW), lambda i: (0, 0)),
            pl.BlockSpec((XD, GW), lambda i: (0, 0)),
            pl.BlockSpec((1, GW), lambda i: (0, 0)),
        ],
        out_specs=[
            pl.BlockSpec((BN, GWP), lambda i: (i, 0)),
            pl.BlockSpec((BN, GWP), lambda i: (i, 0)),
        ],
        out_shape=[jax.ShapeDtypeStruct((N, GWP), jnp.float32)] * 2,
    )(x2, WA, WB, bA)


def _sc_gather(A, B, ei_flat):
    mesh = plsc.VectorSubcoreMesh(core_axis_name="c", subcore_axis_name="s")

    @functools.partial(
        pl.kernel,
        mesh=mesh,
        out_type=(jax.ShapeDtypeStruct((E, GWP), jnp.float32),
                  jax.ShapeDtypeStruct((E, GWP), jnp.float32)),
        compiler_params=pltpu.CompilerParams(use_tc_tiling_on_sc=True),
        scratch_types=[
            pltpu.VMEM((NBUF, KG), jnp.int32),
            pltpu.VMEM((NBUF, KG), jnp.int32),
            pltpu.VMEM((NBUF, KG, GWP), jnp.float32),
            pltpu.VMEM((NBUF, KG, GWP), jnp.float32),
            [pltpu.SemaphoreType.DMA] * NBUF,
            [pltpu.SemaphoreType.DMA] * NBUF,
            [pltpu.SemaphoreType.DMA] * NBUF,
            [pltpu.SemaphoreType.DMA] * NBUF,
        ],
    )
    def k(a_hbm, b_hbm, ei_hbm, outa_hbm, outb_hbm,
          idxr, idxs, bufa, bufb, semi, sema, semb, semo):
        wid = lax.axis_index("s") * NC + lax.axis_index("c")
        base = wid * EPW

        def issue_idx(c, b):
            pltpu.async_copy(ei_hbm.at[pl.ds(E + base + c * KG, KG)],
                             idxr.at[b], semi[b])
            pltpu.async_copy(ei_hbm.at[pl.ds(base + c * KG, KG)],
                             idxs.at[b], semi[b])

        for b0 in range(NBUF):
            issue_idx(b0, b0)

        def rnd(p, carry):
            for b in range(NBUF):
                c = p * NBUF + b
                pltpu.make_async_copy(ei_hbm.at[pl.ds(0, KG)],
                                      idxr.at[b], semi[b]).wait()
                pltpu.make_async_copy(ei_hbm.at[pl.ds(0, KG)],
                                      idxs.at[b], semi[b]).wait()

                @pl.when(c >= NBUF)
                def _():
                    pltpu.make_async_copy(
                        bufa.at[b], outa_hbm.at[pl.ds(base, KG)],
                        semo[b]).wait()
                    pltpu.make_async_copy(
                        bufb.at[b], outb_hbm.at[pl.ds(base, KG)],
                        semo[b]).wait()

                ca = pltpu.async_copy(a_hbm.at[idxr.at[b]], bufa.at[b],
                                      sema[b])
                cb = pltpu.async_copy(b_hbm.at[idxs.at[b]], bufb.at[b],
                                      semb[b])

                @pl.when(c + NBUF < GCH)
                def _():
                    issue_idx(c + NBUF, b)

                ca.wait()
                cb.wait()
                pltpu.async_copy(bufa.at[b],
                                 outa_hbm.at[pl.ds(base + c * KG, KG)],
                                 semo[b])
                pltpu.async_copy(bufb.at[b],
                                 outb_hbm.at[pl.ds(base + c * KG, KG)],
                                 semo[b])
            return carry

        lax.fori_loop(0, GCH // NBUF, rnd, 0)
        for b in range(NBUF):
            pltpu.make_async_copy(bufa.at[b], outa_hbm.at[pl.ds(base, KG)],
                                  semo[b]).wait()
            pltpu.make_async_copy(bufb.at[b], outb_hbm.at[pl.ds(base, KG)],
                                  semo[b]).wait()

        @pl.when(wid <= 4)
        def _tail_full():
            toff = ETAIL + wid * KG
            pltpu.sync_copy(ei_hbm.at[pl.ds(E + toff, KG)], idxr.at[0])
            pltpu.sync_copy(ei_hbm.at[pl.ds(toff, KG)], idxs.at[0])
            pltpu.async_copy(a_hbm.at[idxr.at[0]], bufa.at[0], sema[0]).wait()
            pltpu.async_copy(b_hbm.at[idxs.at[0]], bufb.at[0], semb[0]).wait()
            pltpu.sync_copy(bufa.at[0], outa_hbm.at[pl.ds(toff, KG)])
            pltpu.sync_copy(bufb.at[0], outb_hbm.at[pl.ds(toff, KG)])

        @pl.when(wid == 5)
        def _tail_rem():
            KT = 16
            toff = ETAIL + 5 * KG
            pltpu.sync_copy(ei_hbm.at[pl.ds(E + toff, KT)],
                            idxr.at[0, pl.ds(0, KT)])
            pltpu.sync_copy(ei_hbm.at[pl.ds(toff, KT)],
                            idxs.at[0, pl.ds(0, KT)])
            pltpu.async_copy(a_hbm.at[idxr.at[0, pl.ds(0, KT)]],
                             bufa.at[0, pl.ds(0, KT)], sema[0]).wait()
            pltpu.async_copy(b_hbm.at[idxs.at[0, pl.ds(0, KT)]],
                             bufb.at[0, pl.ds(0, KT)], semb[0]).wait()
            pltpu.sync_copy(bufa.at[0, pl.ds(0, KT)],
                            outa_hbm.at[pl.ds(toff, KT)])
            pltpu.sync_copy(bufb.at[0, pl.ds(0, KT)],
                            outb_hbm.at[pl.ds(toff, KT)])

    return k(A, B, ei_flat)


def _unpack_pair(ref):
    w = lax.bitcast_convert_type(ref[...], jnp.int32)
    lo = lax.bitcast_convert_type(w << 16, jnp.float32)
    hi = lax.bitcast_convert_type(w & _mask16(), jnp.float32)
    return lo, hi


def _edge_body(ga_ref, gb_ref, e_ref, we_ref, pw2_ref, pb2_ref, f_ref,
               fw2_ref, fb2_ref, eout_ref, mt_ref):
    lo_a, hi_a = _unpack_pair(ga_ref)
    lo_b, hi_b = _unpack_pair(gb_ref)
    lo = lo_a + lo_b
    hi = hi_a + hi_b
    HH = H // 2
    g1 = jnp.concatenate([lo[:, :HH], hi[:, :HH]], axis=1)
    g2 = jnp.concatenate([lo[:, HH:], hi[:, HH:]], axis=1)
    h1 = jnp.maximum(
        g1 + jnp.dot(e_ref[...], we_ref[...], preferred_element_type=jnp.float32),
        0.0)
    eo = jnp.dot(h1, pw2_ref[...], preferred_element_type=jnp.float32) + pb2_ref[...]
    eout_ref[...] = eo
    h2 = jnp.maximum(
        g2 + jnp.dot(eo, f_ref[...], preferred_element_type=jnp.float32),
        0.0)
    mt = lax.dot_general(fw2_ref[...], h2.astype(jnp.bfloat16),
                         (((0,), (1,)), ((), ())),
                         preferred_element_type=jnp.float32)
    mt_ref[...] = mt + fb2_ref[...]


def _edge_mlp(Ga, Gb, e2, We, pW2, pb2, F, fW2, fb2col):
    TE = 1280
    return pl.pallas_call(
        _edge_body,
        grid=(E // TE,),
        in_specs=[
            pl.BlockSpec((TE, GWP), lambda i: (i, 0)),
            pl.BlockSpec((TE, GWP), lambda i: (i, 0)),
            pl.BlockSpec((TE, ED), lambda i: (i, 0)),
            pl.BlockSpec((ED, H), lambda i: (0, 0)),
            pl.BlockSpec((H, ED), lambda i: (0, 0)),
            pl.BlockSpec((1, ED), lambda i: (0, 0)),
            pl.BlockSpec((ED, H), lambda i: (0, 0)),
            pl.BlockSpec((H, H), lambda i: (0, 0)),
            pl.BlockSpec((H, 1), lambda i: (0, 0)),
        ],
        out_specs=[
            pl.BlockSpec((TE, ED), lambda i: (i, 0)),
            pl.BlockSpec((H, TE), lambda i: (0, i)),
        ],
        out_shape=[
            jax.ShapeDtypeStruct((E, ED), jnp.float32),
            jax.ShapeDtypeStruct((H, E), jnp.float32),
        ],
    )(Ga, Gb, e2, We, pW2, pb2, F, fW2, fb2col)


def _sc_scatter(mT, ei_flat):
    mesh = plsc.VectorSubcoreMesh(core_axis_name="c", subcore_axis_name="s")

    @functools.partial(
        pl.kernel,
        mesh=mesh,
        out_type=jax.ShapeDtypeStruct((H * NP,), jnp.float32),
        compiler_params=pltpu.CompilerParams(needs_layout_passes=False),
        scratch_types=[
            pltpu.VMEM((2, KS), jnp.int32),
            pltpu.VMEM((2, CPW, KS), jnp.float32),
            pltpu.VMEM((CPW * NP,), jnp.float32),
            [pltpu.SemaphoreType.DMA] * 2,
            [pltpu.SemaphoreType.DMA] * 2,
        ],
    )
    def k(mt_hbm, r_hbm, aggt_hbm, idxb, mbuf, acc, semi, semm):
        wid = lax.axis_index("s") * NC + lax.axis_index("c")
        zeros = jnp.zeros((16,), jnp.float32)

        def issue(c, b):
            pltpu.async_copy(r_hbm.at[pl.ds(E + c * KS, KS)], idxb.at[b],
                             semi[b])
            pltpu.async_copy(
                mt_hbm.at[pl.ds(wid * CPW, CPW), pl.ds(c * KS, KS)],
                mbuf.at[b], semm[b])

        issue(0, 0)
        issue(1, 1)

        def zchunk(j, c2):
            for v in range(16):
                acc[pl.ds((j * 16 + v) * 16, 16)] = zeros
            return c2

        lax.fori_loop(0, CPW * NP // 256, zchunk, 0)

        def pair(p, carry):
            for b in range(2):
                c = p * 2 + b
                pltpu.make_async_copy(r_hbm.at[pl.ds(0, KS)], idxb.at[b],
                                      semi[b]).wait()
                pltpu.make_async_copy(
                    mt_hbm.at[pl.ds(0, CPW), pl.ds(0, KS)], mbuf.at[b],
                    semm[b]).wait()

                @plsc.parallel_loop(0, KS // 16, unroll=4)
                def group(g):
                    ids = idxb[b, pl.ds(g * 16, 16)]
                    for ci in range(CPW):
                        data = mbuf[b, ci, pl.ds(g * 16, 16)]
                        plsc.addupdate_scatter(acc, [ids + (ci * NP)], data)

                @pl.when(c + 2 < SCH)
                def _():
                    issue(c + 2, b)
            return carry

        lax.fori_loop(0, SCH // 2, pair, 0)
        pltpu.sync_copy(acc, aggt_hbm.at[pl.ds(wid * CPW * NP, CPW * NP)])

    return k(mT, ei_flat)


def _node_body(x_ref, aggt_ref, na_ref, nb_ref, b1_ref, w2_ref, b2_ref,
               out_ref):
    agg_contrib = lax.dot_general(aggt_ref[...], nb_ref[...],
                                  (((0,), (0,)), ((), ())),
                                  preferred_element_type=jnp.float32)
    h = jnp.maximum(
        jnp.dot(x_ref[...], na_ref[...], preferred_element_type=jnp.float32)
        + agg_contrib + b1_ref[...], 0.0)
    out_ref[...] = jnp.dot(h, w2_ref[...], preferred_element_type=jnp.float32) + b2_ref[...]


def _node_mlp(x2, aggT, nuA, nuB, nb1, nW2, nb2):
    BN = 2048
    return pl.pallas_call(
        _node_body,
        grid=(NP // BN,),
        in_specs=[
            pl.BlockSpec((BN, XD), lambda i: (i, 0)),
            pl.BlockSpec((H, BN), lambda i: (0, i)),
            pl.BlockSpec((XD, H), lambda i: (0, 0)),
            pl.BlockSpec((H, H), lambda i: (0, 0)),
            pl.BlockSpec((1, H), lambda i: (0, 0)),
            pl.BlockSpec((H, XD), lambda i: (0, 0)),
            pl.BlockSpec((1, XD), lambda i: (0, 0)),
        ],
        out_specs=pl.BlockSpec((BN, XD), lambda i: (i, 0)),
        out_shape=jax.ShapeDtypeStruct((N, XD), jnp.float32),
    )(x2, aggT, nuA, nuB, nb1, nW2, nb2)


def kernel(x, e, edge_index, psi_W1, psi_b1, psi_W2, psi_b2,
           phi_W1, phi_b1, phi_W2, phi_b2, nu_W1, nu_b1, nu_W2, nu_b2):
    x2 = x.reshape(N, XD)
    e2 = e.reshape(E, ED)
    ei_flat = edge_index.astype(jnp.int32).reshape(2 * E)

    We = psi_W1[:ED]
    WA = jnp.concatenate([psi_W1[ED:ED + XD], phi_W1[:XD]], axis=1)
    WB = jnp.concatenate([psi_W1[ED + XD:], phi_W1[XD:2 * XD]], axis=1)
    bA = jnp.concatenate([psi_b1, phi_b1]).reshape(1, GW)
    F = phi_W1[2 * XD:]

    A, B = _tables(x2, WA, WB, bA)
    Ga, Gb = _sc_gather(A, B, ei_flat)
    e_out, mT = _edge_mlp(Ga, Gb, e2, We, psi_W2, psi_b2.reshape(1, ED),
                          F, phi_W2.astype(jnp.bfloat16),
                          phi_b2.reshape(H, 1))
    aggT = _sc_scatter(mT, ei_flat).reshape(H, NP)
    x_out = _node_mlp(x2, aggT, nu_W1[:XD], nu_W1[XD:], nu_b1.reshape(1, H),
                      nu_W2, nu_b2.reshape(1, XD))
    return (x_out.reshape(1, N, XD), e_out.reshape(1, E, ED))

# --- scband reference (transcript-rebuilt; emitter-appended) ---
"""Pipeline reference for scband-message-passing-68367289417948 (READ-ONLY COPY).

The authoritative reference and input builder live on the scoring server;
editing this copy changes nothing except your own understanding.
"""

import jax, jax.numpy as jnp
import numpy as np


def mlp(h, W1, b1, W2, b2):
    h = jnp.dot(h, W1) + b1
    h = jax.nn.relu(h)
    return jnp.dot(h, W2) + b2


def setup_inputs(seed: int = 0) -> dict:
    key = jax.random.key(seed)
    ks = jax.random.split(key, 16)
    B, N, E = 1, 10000, 160000
    x_dim, e_dim, hidden = 256, 16, 256
    x_out_dim, e_out_dim = 256, 16
    x = jax.random.normal(ks[0], (B, N, x_dim), dtype=jnp.float32)
    e = jax.random.normal(ks[1], (B, E, e_dim), dtype=jnp.float32)
    edge_index = jax.random.randint(ks[2], (2, E), 0, N)
    psi_in = e_dim + x_dim + x_dim  # 528
    phi_in = x_dim + x_dim + e_out_dim  # 528
    nu_in = x_dim + x_out_dim  # 512

    def lin(k, fan_in, fan_out):
        return jax.random.normal(k, (fan_in, fan_out), dtype=jnp.float32) / np.sqrt(fan_in)

    params = {
        'psi_W1': lin(ks[3], psi_in, hidden), 'psi_b1': jnp.zeros((hidden,), jnp.float32),
        'psi_W2': lin(ks[4], hidden, e_out_dim), 'psi_b2': jnp.zeros((e_out_dim,), jnp.float32),
        'phi_W1': lin(ks[5], phi_in, hidden), 'phi_b1': jnp.zeros((hidden,), jnp.float32),
        'phi_W2': lin(ks[6], hidden, x_out_dim), 'phi_b2': jnp.zeros((x_out_dim,), jnp.float32),
        'nu_W1': lin(ks[7], nu_in, hidden), 'nu_b1': jnp.zeros((hidden,), jnp.float32),
        'nu_W2': lin(ks[8], hidden, x_out_dim), 'nu_b2': jnp.zeros((x_out_dim,), jnp.float32),
    }
    out = {'x': x, 'e': e, 'edge_index': edge_index}
    out.update(params)
    return out


def reference(x, e, edge_index, psi_W1, psi_b1, psi_W2, psi_b2,
              phi_W1, phi_b1, phi_W2, phi_b2, nu_W1, nu_b1, nu_W2, nu_b2):
    senders = edge_index[0]
    receivers = edge_index[1]
    x_j = x[:, senders, :]
    x_i = x[:, receivers, :]
    psi_in = jnp.concatenate([e, x_i, x_j], axis=-1)
    e_out = mlp(psi_in, psi_W1, psi_b1, psi_W2, psi_b2)
    phi_in = jnp.concatenate([x_i, x_j, e_out], axis=-1)
    messages = mlp(phi_in, phi_W1, phi_b1, phi_W2, phi_b2)
    B, N = x.shape[0], x.shape[1]
    agg = jnp.zeros((B, N, messages.shape[-1]), dtype=x.dtype)
    agg = agg.at[:, receivers, :].add(messages)
    node_in = jnp.concatenate([x, agg], axis=-1)
    x_out = mlp(node_in, nu_W1, nu_b1, nu_W2, nu_b2)
    return (x_out, e_out)

if __name__ == "__main__":
    import jax
    _d = setup_inputs()
    print(jax.jit(kernel)(*tuple(_d.values())))

</pallas_src>

<mosaic_0001>
#map = affine_map<(d0, d1) -> (0, 0)>
#map1 = affine_map<(d0, d1) -> (0)>
module attributes {stable_mosaic.version = 14 : i64} {
  func.func @k(%arg0: i32, %arg1: i32, %arg2: memref<10000x256xf32, #tpu.memory_space<hbm>>, %arg3: memref<10000x256xf32, #tpu.memory_space<hbm>>, %arg4: memref<320000xi32, #tpu.memory_space<hbm>>, %arg5: memref<160000x256xf32, #tpu.memory_space<hbm>>, %arg6: memref<160000x256xf32, #tpu.memory_space<hbm>>, %arg7: memref<4x48xi32, #tpu.memory_space<vmem>>, %arg8: memref<4x48xi32, #tpu.memory_space<vmem>>, %arg9: memref<4x48x256xf32, #tpu.memory_space<vmem>>, %arg10: memref<4x48x256xf32, #tpu.memory_space<vmem>>, %arg11: memref<!tpu.dma_semaphore, #tpu.memory_space<semaphore_mem>>, %arg12: memref<!tpu.dma_semaphore, #tpu.memory_space<semaphore_mem>>, %arg13: memref<!tpu.dma_semaphore, #tpu.memory_space<semaphore_mem>>, %arg14: memref<!tpu.dma_semaphore, #tpu.memory_space<semaphore_mem>>, %arg15: memref<!tpu.dma_semaphore, #tpu.memory_space<semaphore_mem>>, %arg16: memref<!tpu.dma_semaphore, #tpu.memory_space<semaphore_mem>>, %arg17: memref<!tpu.dma_semaphore, #tpu.memory_space<semaphore_mem>>, %arg18: memref<!tpu.dma_semaphore, #tpu.memory_space<semaphore_mem>>, %arg19: memref<!tpu.dma_semaphore, #tpu.memory_space<semaphore_mem>>, %arg20: memref<!tpu.dma_semaphore, #tpu.memory_space<semaphore_mem>>, %arg21: memref<!tpu.dma_semaphore, #tpu.memory_space<semaphore_mem>>, %arg22: memref<!tpu.dma_semaphore, #tpu.memory_space<semaphore_mem>>, %arg23: memref<!tpu.dma_semaphore, #tpu.memory_space<semaphore_mem>>, %arg24: memref<!tpu.dma_semaphore, #tpu.memory_space<semaphore_mem>>, %arg25: memref<!tpu.dma_semaphore, #tpu.memory_space<semaphore_mem>>, %arg26: memref<!tpu.dma_semaphore, #tpu.memory_space<semaphore_mem>>) attributes {dimension_semantics = [#tpu.dimension_semantics<core_parallel>, #tpu.dimension_semantics<subcore_parallel>], iteration_bounds = array<i64: 2, 16>, scalar_prefetch = 0 : i64, scratch_operands = 20 : i64, tpu.core_type = #tpu.core_type<sc_vector_subcore>, window_params = [{transform_indices = #map}, {transform_indices = #map}, {transform_indices = #map1}, {transform_indices = #map}, {transform_indices = #map}]} {
    %mul3A = arith.constant 2 : i32
    %mul3A_0 = arith.muli %arg1, %mul3A : i32
    %add3A = arith.addi %mul3A_0, %arg0 : i32
    %mul3A_1 = arith.constant 4992 : i32
    %mul3A_2 = arith.muli %add3A, %mul3A_1 : i32
    %add3A_3 = arith.constant 160000 : i32
    %add3A_4 = arith.addi %add3A_3, %mul3A_2 : i32
    %add3A_5 = arith.constant 0 : i32
    %add3A_6 = arith.addi %add3A_4, %add3A_5 : i32
    %dma_start3A = arith.constant 0 : i32
    %dma_start3A_7 = arith.constant 0 : i32
    %dma_start3A_8 = tpu.memref_slice %arg7[%dma_start3A, %dma_start3A_7] : memref<4x48xi32, #tpu.memory_space<vmem>> -> memref<1x48xi32, #tpu.memory_space<vmem>>
    %dma_start3A_9 = tpu.memref_squeeze %dma_start3A_8 : memref<1x48xi32, #tpu.memory_space<vmem>> -> memref<48xi32, #tpu.memory_space<vmem>>
    %dma_start3A_10 = tpu.memref_slice %arg4[%add3A_6] : memref<320000xi32, #tpu.memory_space<hbm>> -> memref<48xi32, #tpu.memory_space<hbm>>
    %dma_start3A_11 = arith.constant 0 : i32
    %dma_start3A_12 = tpu.memref_slice %arg7[%dma_start3A, %dma_start3A_11] : memref<4x48xi32, #tpu.memory_space<vmem>> -> memref<1x48xi32, #tpu.memory_space<vmem>>
    %dma_start3A_13 = tpu.memref_squeeze %dma_start3A_12 : memref<1x48xi32, #tpu.memory_space<vmem>> -> memref<48xi32, #tpu.memory_space<vmem>>
    %dma_start3A_14 = tpu.memref_slice %arg4[%add3A_6] : memref<320000xi32, #tpu.memory_space<hbm>> -> memref<48xi32, #tpu.memory_space<hbm>>
    tpu.enqueue_dma source(%dma_start3A_14 : memref<48xi32, #tpu.memory_space<hbm>>) target(%dma_start3A_13 : memref<48xi32, #tpu.memory_space<vmem>>) target_semaphore(%arg11 : memref<!tpu.dma_semaphore, #tpu.memory_space<semaphore_mem>>)
    %add3A_15 = arith.constant 0 : i32
    %add3A_16 = arith.addi %mul3A_2, %add3A_15 : i32
    %dma_start3A_17 = arith.constant 0 : i32
    %dma_start3A_18 = arith.constant 0 : i32
    %dma_start3A_19 = tpu.memref_slice %arg8[%dma_start3A_17, %dma_start3A_18] : memref<4x48xi32, #tpu.memory_space<vmem>> -> memref<1x48xi32, #tpu.memory_space<vmem>>
    %dma_start3A_20 = tpu.memref_squeeze %dma_start3A_19 : memref<1x48xi32, #tpu.memory_space<vmem>> -> memref<48xi32, #tpu.memory_space<vmem>>
    %dma_start3A_21 = tpu.memref_slice %arg4[%add3A_16] : memref<320000xi32, #tpu.memory_space<hbm>> -> memref<48xi32, #tpu.memory_space<hbm>>
    %dma_start3A_22 = arith.constant 0 : i32
    %dma_start3A_23 = tpu.memref_slice %arg8[%dma_start3A_17, %dma_start3A_22] : memref<4x48xi32, #tpu.memory_space<vmem>> -> memref<1x48xi32, #tpu.memory_space<vmem>>
    %dma_start3A_24 = tpu.memref_squeeze %dma_start3A_23 : memref<1x48xi32, #tpu.memory_space<vmem>> -> memref<48xi32, #tpu.memory_space<vmem>>
    %dma_start3A_25 = tpu.memref_slice %arg4[%add3A_16] : memref<320000xi32, #tpu.memory_space<hbm>> -> memref<48xi32, #tpu.memory_space<hbm>>
    tpu.enqueue_dma source(%dma_start3A_25 : memref<48xi32, #tpu.memory_space<hbm>>) target(%dma_start3A_24 : memref<48xi32, #tpu.memory_space<vmem>>) target_semaphore(%arg11 : memref<!tpu.dma_semaphore, #tpu.memory_space<semaphore_mem>>)
    %add3A_26 = arith.constant 160000 : i32
    %add3A_27 = arith.addi %add3A_26, %mul3A_2 : i32
    %add3A_28 = arith.constant 48 : i32
    %add3A_29 = arith.addi %add3A_27, %add3A_28 : i32
    %dma_start3A_30 = arith.constant 1 : i32
    %dma_start3A_31 = arith.constant 0 : i32
    %dma_start3A_32 = tpu.memref_slice %arg7[%dma_start3A_30, %dma_start3A_31] : memref<4x48xi32, #tpu.memory_space<vmem>> -> memref<1x48xi32, #tpu.memory_space<vmem>>
    %dma_start3A_33 = tpu.memref_squeeze %dma_start3A_32 : memref<1x48xi32, #tpu.memory_space<vmem>> -> memref<48xi32, #tpu.memory_space<vmem>>
    %dma_start3A_34 = tpu.memref_slice %arg4[%add3A_29] : memref<320000xi32, #tpu.memory_space<hbm>> -> memref<48xi32, #tpu.memory_space<hbm>>
    %dma_start3A_35 = arith.constant 0 : i32
    %dma_start3A_36 = tpu.memref_slice %arg7[%dma_start3A_30, %dma_start3A_35] : memref<4x48xi32, #tpu.memory_space<vmem>> -> memref<1x48xi32, #tpu.memory_space<vmem>>
    %dma_start3A_37 = tpu.memref_squeeze %dma_start3A_36 : memref<1x48xi32, #tpu.memory_space<vmem>> -> memref<48xi32, #tpu.memory_space<vmem>>
    %dma_start3A_38 = tpu.memref_slice %arg4[%add3A_29] : memref<320000xi32, #tpu.memory_space<hbm>> -> memref<48xi32, #tpu.memory_space<hbm>>
    tpu.enqueue_dma source(%dma_start3A_38 : memref<48xi32, #tpu.memory_space<hbm>>) target(%dma_start3A_37 : memref<48xi32, #tpu.memory_space<vmem>>) target_semaphore(%arg12 : memref<!tpu.dma_semaphore, #tpu.memory_space<semaphore_mem>>)
    %add3A_39 = arith.constant 48 : i32
    %add3A_40 = arith.addi %mul3A_2, %add3A_39 : i32
    %dma_start3A_41 = arith.constant 1 : i32
    %dma_start3A_42 = arith.constant 0 : i32
    %dma_start3A_43 = tpu.memref_slice %arg8[%dma_start3A_41, %dma_start3A_42] : memref<4x48xi32, #tpu.memory_space<vmem>> -> memref<1x48xi32, #tpu.memory_space<vmem>>
    %dma_start3A_44 = tpu.memref_squeeze %dma_start3A_43 : memref<1x48xi32, #tpu.memory_space<vmem>> -> memref<48xi32, #tpu.memory_space<vmem>>
    %dma_start3A_45 = tpu.memref_slice %arg4[%add3A_40] : memref<320000xi32, #tpu.memory_space<hbm>> -> memref<48xi32, #tpu.memory_space<hbm>>
    %dma_start3A_46 = arith.constant 0 : i32
    %dma_start3A_47 = tpu.memref_slice %arg8[%dma_start3A_41, %dma_start3A_46] : memref<4x48xi32, #tpu.memory_space<vmem>> -> memref<1x48xi32, #tpu.memory_space<vmem>>
    %dma_start3A_48 = tpu.memref_squeeze %dma_start3A_47 : memref<1x48xi32, #tpu.memory_space<vmem>> -> memref<48xi32, #tpu.memory_space<vmem>>
    %dma_start3A_49 = tpu.memref_slice %arg4[%add3A_40] : memref<320000xi32, #tpu.memory_space<hbm>> -> memref<48xi32, #tpu.memory_space<hbm>>
    tpu.enqueue_dma source(%dma_start3A_49 : memref<48xi32, #tpu.memory_space<hbm>>) target(%dma_start3A_48 : memref<48xi32, #tpu.memory_space<vmem>>) target_semaphore(%arg12 : memref<!tpu.dma_semaphore, #tpu.memory_space<semaphore_mem>>)
    %add3A_50 = arith.constant 160000 : i32
    %add3A_51 = arith.addi %add3A_50, %mul3A_2 : i32
    %add3A_52 = arith.constant 96 : i32
    %add3A_53 = arith.addi %add3A_51, %add3A_52 : i32
    %dma_start3A_54 = arith.constant 2 : i32
    %dma_start3A_55 = arith.constant 0 : i32
    %dma_start3A_56 = tpu.memref_slice %arg7[%dma_start3A_54, %dma_start3A_55] : memref<4x48xi32, #tpu.memory_space<vmem>> -> memref<1x48xi32, #tpu.memory_space<vmem>>
    %dma_start3A_57 = tpu.memref_squeeze %dma_start3A_56 : memref<1x48xi32, #tpu.memory_space<vmem>> -> memref<48xi32, #tpu.memory_space<vmem>>
    %dma_start3A_58 = tpu.memref_slice %arg4[%add3A_53] : memref<320000xi32, #tpu.memory_space<hbm>> -> memref<48xi32, #tpu.memory_space<hbm>>
    %dma_start3A_59 = arith.constant 0 : i32
    %dma_start3A_60 = tpu.memref_slice %arg7[%dma_start3A_54, %dma_start3A_59] : memref<4x48xi32, #tpu.memory_space<vmem>> -> memref<1x48xi32, #tpu.memory_space<vmem>>
    %dma_start3A_61 = tpu.memref_squeeze %dma_start3A_60 : memref<1x48xi32, #tpu.memory_space<vmem>> -> memref<48xi32, #tpu.memory_space<vmem>>
    %dma_start3A_62 = tpu.memref_slice %arg4[%add3A_53] : memref<320000xi32, #tpu.memory_space<hbm>> -> memref<48xi32, #tpu.memory_space<hbm>>
    tpu.enqueue_dma source(%dma_start3A_62 : memref<48xi32, #tpu.memory_space<hbm>>) target(%dma_start3A_61 : memref<48xi32, #tpu.memory_space<vmem>>) target_semaphore(%arg13 : memref<!tpu.dma_semaphore, #tpu.memory_space<semaphore_mem>>)
    %add3A_63 = arith.constant 96 : i32
    %add3A_64 = arith.addi %mul3A_2, %add3A_63 : i32
    %dma_start3A_65 = arith.constant 2 : i32
    %dma_start3A_66 = arith.constant 0 : i32
    %dma_start3A_67 = tpu.memref_slice %arg8[%dma_start3A_65, %dma_start3A_66] : memref<4x48xi32, #tpu.memory_space<vmem>> -> memref<1x48xi32, #tpu.memory_space<vmem>>
    %dma_start3A_68 = tpu.memref_squeeze %dma_start3A_67 : memref<1x48xi32, #tpu.memory_space<vmem>> -> memref<48xi32, #tpu.memory_space<vmem>>
    %dma_start3A_69 = tpu.memref_slice %arg4[%add3A_64] : memref<320000xi32, #tpu.memory_space<hbm>> -> memref<48xi32, #tpu.memory_space<hbm>>
    %dma_start3A_70 = arith.constant 0 : i32
    %dma_start3A_71 = tpu.memref_slice %arg8[%dma_start3A_65, %dma_start3A_70] : memref<4x48xi32, #tpu.memory_space<vmem>> -> memref<1x48xi32, #tpu.memory_space<vmem>>
    %dma_start3A_72 = tpu.memref_squeeze %dma_start3A_71 : memref<1x48xi32, #tpu.memory_space<vmem>> -> memref<48xi32, #tpu.memory_space<vmem>>
    %dma_start3A_73 = tpu.memref_slice %arg4[%add3A_64] : memref<320000xi32, #tpu.memory_space<hbm>> -> memref<48xi32, #tpu.memory_space<hbm>>
    tpu.enqueue_dma source(%dma_start3A_73 : memref<48xi32, #tpu.memory_space<hbm>>) target(%dma_start3A_72 : memref<48xi32, #tpu.memory_space<vmem>>) target_semaphore(%arg13 : memref<!tpu.dma_semaphore, #tpu.memory_space<semaphore_mem>>)
    %add3A_74 = arith.constant 160000 : i32
    %add3A_75 = arith.addi %add3A_74, %mul3A_2 : i32
    %add3A_76 = arith.constant 144 : i32
    %add3A_77 = arith.addi %add3A_75, %add3A_76 : i32
    %dma_start3A_78 = arith.constant 3 : i32
    %dma_start3A_79 = arith.constant 0 : i32
    %dma_start3A_80 = tpu.memref_slice %arg7[%dma_start3A_78, %dma_start3A_79] : memref<4x48xi32, #tpu.memory_space<vmem>> -> memref<1x48xi32, #tpu.memory_space<vmem>>
    %dma_start3A_81 = tpu.memref_squeeze %dma_start3A_80 : memref<1x48xi32, #tpu.memory_space<vmem>> -> memref<48xi32, #tpu.memory_space<vmem>>
    %dma_start3A_82 = tpu.memref_slice %arg4[%add3A_77] : memref<320000xi32, #tpu.memory_space<hbm>> -> memref<48xi32, #tpu.memory_space<hbm>>
    %dma_start3A_83 = arith.constant 0 : i32
    %dma_start3A_84 = tpu.memref_slice %arg7[%dma_start3A_78, %dma_start3A_83] : memref<4x48xi32, #tpu.memory_space<vmem>> -> memref<1x48xi32, #tpu.memory_space<vmem>>
    %dma_start3A_85 = tpu.memref_squeeze %dma_start3A_84 : memref<1x48xi32, #tpu.memory_space<vmem>> -> memref<48xi32, #tpu.memory_space<vmem>>
    %dma_start3A_86 = tpu.memref_slice %arg4[%add3A_77] : memref<320000xi32, #tpu.memory_space<hbm>> -> memref<48xi32, #tpu.memory_space<hbm>>
    tpu.enqueue_dma source(%dma_start3A_86 : memref<48xi32, #tpu.memory_space<hbm>>) target(%dma_start3A_85 : memref<48xi32, #tpu.memory_space<vmem>>) target_semaphore(%arg14 : memref<!tpu.dma_semaphore, #tpu.memory_space<semaphore_mem>>)
    %add3A_87 = arith.constant 144 : i32
    %add3A_88 = arith.addi %mul3A_2, %add3A_87 : i32
    %dma_start3A_89 = arith.constant 3 : i32
    %dma_start3A_90 = arith.constant 0 : i32
    %dma_start3A_91 = tpu.memref_slice %arg8[%dma_start3A_89, %dma_start3A_90] : memref<4x48xi32, #tpu.memory_space<vmem>> -> memref<1x48xi32, #tpu.memory_space<vmem>>
    %dma_start3A_92 = tpu.memref_squeeze %dma_start3A_91 : memref<1x48xi32, #tpu.memory_space<vmem>> -> memref<48xi32, #tpu.memory_space<vmem>>
    %dma_start3A_93 = tpu.memref_slice %arg4[%add3A_88] : memref<320000xi32, #tpu.memory_space<hbm>> -> memref<48xi32, #tpu.memory_space<hbm>>
    %dma_start3A_94 = arith.constant 0 : i32
    %dma_start3A_95 = tpu.memref_slice %arg8[%dma_start3A_89, %dma_start3A_94] : memref<4x48xi32, #tpu.memory_space<vmem>> -> memref<1x48xi32, #tpu.memory_space<vmem>>
    %dma_start3A_96 = tpu.memref_squeeze %dma_start3A_95 : memref<1x48xi32, #tpu.memory_space<vmem>> -> memref<48xi32, #tpu.memory_space<vmem>>
    %dma_start3A_97 = tpu.memref_slice %arg4[%add3A_88] : memref<320000xi32, #tpu.memory_space<hbm>> -> memref<48xi32, #tpu.memory_space<hbm>>
    tpu.enqueue_dma source(%dma_start3A_97 : memref<48xi32, #tpu.memory_space<hbm>>) target(%dma_start3A_96 : memref<48xi32, #tpu.memory_space<vmem>>) target_semaphore(%arg14 : memref<!tpu.dma_semaphore, #tpu.memory_space<semaphore_mem>>)
    %scan3A = arith.constant 0 : i32
    %scan3A_98 = arith.constant 0 : i32
    %scan3A_99 = arith.constant 26 : i32
    %scan3A_100 = arith.addi %scan3A_98, %scan3A_99 : i32
    %scan3A_101 = arith.constant 1 : i32
    scf.for %scan3A_212 = %scan3A_98 to %scan3A_100 step %scan3A_101  : i32 {
      %mul3A_213 = arith.constant 4 : i32
      %mul3A_214 = arith.muli %scan3A_212, %mul3A_213 : i32
      %add3A_215 = arith.constant 0 : i32
      %add3A_216 = arith.addi %mul3A_214, %add3A_215 : i32
      %dma_wait3A_217 = arith.constant 0 : i32
      %dma_wait3A_218 = arith.constant 0 : i32
      %dma_wait3A_219 = tpu.memref_slice %arg7[%dma_wait3A_217, %dma_wait3A_218] : memref<4x48xi32, #tpu.memory_space<vmem>> -> memref<1x48xi32, #tpu.memory_space<vmem>>
      %dma_wait3A_220 = tpu.memref_squeeze %dma_wait3A_219 : memref<1x48xi32, #tpu.memory_space<vmem>> -> memref<48xi32, #tpu.memory_space<vmem>>
      %dma_wait3A_221 = arith.constant 0 : i32
      %dma_wait3A_222 = tpu.memref_slice %arg4[%dma_wait3A_221] : memref<320000xi32, #tpu.memory_space<hbm>> -> memref<48xi32, #tpu.memory_space<hbm>>
      %dma_wait3A_223 = arith.constant 0 : i32
      %dma_wait3A_224 = tpu.memref_slice %arg7[%dma_wait3A_217, %dma_wait3A_223] : memref<4x48xi32, #tpu.memory_space<vmem>> -> memref<1x48xi32, #tpu.memory_space<vmem>>
      %dma_wait3A_225 = tpu.memref_squeeze %dma_wait3A_224 : memref<1x48xi32, #tpu.memory_space<vmem>> -> memref<48xi32, #tpu.memory_space<vmem>>
      %dma_wait3A_226 = arith.constant 0 : i32
      %dma_wait3A_227 = tpu.memref_slice %arg4[%dma_wait3A_226] : memref<320000xi32, #tpu.memory_space<hbm>> -> memref<48xi32, #tpu.memory_space<hbm>>
      tpu.wait_dma2 semaphore(%arg11 : memref<!tpu.dma_semaphore, #tpu.memory_space<semaphore_mem>>) src(%dma_wait3A_227 : memref<48xi32, #tpu.memory_space<hbm>>) dst(%dma_wait3A_225 : memref<48xi32, #tpu.memory_space<vmem>>)
      %dma_wait3A_228 = arith.constant 0 : i32
      %dma_wait3A_229 = arith.constant 0 : i32
      %dma_wait3A_230 = tpu.memref_slice %arg8[%dma_wait3A_228, %dma_wait3A_229] : memref<4x48xi32, #tpu.memory_space<vmem>> -> memref<1x48xi32, #tpu.memory_space<vmem>>
      %dma_wait3A_231 = tpu.memref_squeeze %dma_wait3A_230 : memref<1x48xi32, #tpu.memory_space<vmem>> -> memref<48xi32, #tpu.memory_space<vmem>>
      %dma_wait3A_232 = arith.constant 0 : i32
      %dma_wait3A_233 = tpu.memref_slice %arg4[%dma_wait3A_232] : memref<320000xi32, #tpu.memory_space<hbm>> -> memref<48xi32, #tpu.memory_space<hbm>>
      %dma_wait3A_234 = arith.constant 0 : i32
      %dma_wait3A_235 = tpu.memref_slice %arg8[%dma_wait3A_228, %dma_wait3A_234] : memref<4x48xi32, #tpu.memory_space<vmem>> -> memref<1x48xi32, #tpu.memory_space<vmem>>
      %dma_wait3A_236 = tpu.memref_squeeze %dma_wait3A_235 : memref<1x48xi32, #tpu.memory_space<vmem>> -> memref<48xi32, #tpu.memory_space<vmem>>
      %dma_wait3A_237 = arith.constant 0 : i32
      %dma_wait3A_238 = tpu.memref_slice %arg4[%dma_wait3A_237] : memref<320000xi32, #tpu.memory_space<hbm>> -> memref<48xi32, #tpu.memory_space<hbm>>
      tpu.wait_dma2 semaphore(%arg11 : memref<!tpu.dma_semaphore, #tpu.memory_space<semaphore_mem>>) src(%dma_wait3A_238 : memref<48xi32, #tpu.memory_space<hbm>>) dst(%dma_wait3A_236 : memref<48xi32, #tpu.memory_space<vmem>>)
      %ge3A = arith.constant 4 : i32
      %ge3A_239 = arith.cmpi sge, %add3A_216, %ge3A : i32
      %convert_element_type3A_240 = arith.extui %ge3A_239 : i1 to i32
      %cond3A_241 = arith.constant 0 : i32
      %cond3A_242 = arith.cmpi ne, %convert_element_type3A_240, %cond3A_241 : i32
      scf.if %cond3A_242 {
        %dma_wait3A_683 = arith.constant 0 : i32
        %dma_wait3A_684 = arith.constant 0 : i32
        %dma_wait3A_685 = arith.constant 0 : i32
        %dma_wait3A_686 = tpu.memref_slice %arg9[%dma_wait3A_683, %dma_wait3A_684, %dma_wait3A_685] : memref<4x48x256xf32, #tpu.memory_space<vmem>> -> memref<1x48x256xf32, #tpu.memory_space<vmem>>
        %dma_wait3A_687 = tpu.memref_squeeze %dma_wait3A_686 : memref<1x48x256xf32, #tpu.memory_space<vmem>> -> memref<48x256xf32, #tpu.memory_space<vmem>>
        %dma_wait3A_688 = arith.constant 0 : i32
        %dma_wait3A_689 = tpu.memref_slice %arg5[%mul3A_2, %dma_wait3A_688] : memref<160000x256xf32, #tpu.memory_space<hbm>> -> memref<48x256xf32, #tpu.memory_space<hbm>>
        %dma_wait3A_690 = arith.constant 0 : i32
        %dma_wait3A_691 = tpu.memref_slice %arg5[%mul3A_2, %dma_wait3A_690] : memref<160000x256xf32, #tpu.memory_space<hbm>> -> memref<48x256xf32, #tpu.memory_space<hbm>>
        %dma_wait3A_692 = arith.constant 0 : i32
        %dma_wait3A_693 = arith.constant 0 : i32
        %dma_wait3A_694 = tpu.memref_slice %arg9[%dma_wait3A_683, %dma_wait3A_692, %dma_wait3A_693] : memref<4x48x256xf32, #tpu.memory_space<vmem>> -> memref<1x48x256xf32, #tpu.memory_space<vmem>>
        %dma_wait3A_695 = tpu.memref_squeeze %dma_wait3A_694 : memref<1x48x256xf32, #tpu.memory_space<vmem>> -> memref<48x256xf32, #tpu.memory_space<vmem>>
        tpu.wait_dma2 semaphore(%arg23 : memref<!tpu.dma_semaphore, #tpu.memory_space<semaphore_mem>>) src(%dma_wait3A_695 : memref<48x256xf32, #tpu.memory_space<vmem>>) dst(%dma_wait3A_691 : memref<48x256xf32, #tpu.memory_space<hbm>>)
        %dma_wait3A_696 = arith.constant 0 : i32
        %dma_wait3A_697 = arith.constant 0 : i32
        %dma_wait3A_698 = arith.constant 0 : i32
        %dma_wait3A_699 = tpu.memref_slice %arg10[%dma_wait3A_696, %dma_wait3A_697, %dma_wait3A_698] : memref<4x48x256xf32, #tpu.memory_space<vmem>> -> memref<1x48x256xf32, #tpu.memory_space<vmem>>
        %dma_wait3A_700 = tpu.memref_squeeze %dma_wait3A_699 : memref<1x48x256xf32, #tpu.memory_space<vmem>> -> memref<48x256xf32, #tpu.memory_space<vmem>>
        %dma_wait3A_701 = arith.constant 0 : i32
        %dma_wait3A_702 = tpu.memref_slice %arg6[%mul3A_2, %dma_wait3A_701] : memref<160000x256xf32, #tpu.memory_space<hbm>> -> memref<48x256xf32, #tpu.memory_space<hbm>>
        %dma_wait3A_703 = arith.constant 0 : i32
        %dma_wait3A_704 = tpu.memref_slice %arg6[%mul3A_2, %dma_wait3A_703] : memref<160000x256xf32, #tpu.memory_space<hbm>> -> memref<48x256xf32, #tpu.memory_space<hbm>>
        %dma_wait3A_705 = arith.constant 0 : i32
        %dma_wait3A_706 = arith.constant 0 : i32
        %dma_wait3A_707 = tpu.memref_slice %arg10[%dma_wait3A_696, %dma_wait3A_705, %dma_wait3A_706] : memref<4x48x256xf32, #tpu.memory_space<vmem>> -> memref<1x48x256xf32, #tpu.memory_space<vmem>>
        %dma_wait3A_708 = tpu.memref_squeeze %dma_wait3A_707 : memref<1x48x256xf32, #tpu.memory_space<vmem>> -> memref<48x256xf32, #tpu.memory_space<vmem>>
        tpu.wait_dma2 semaphore(%arg23 : memref<!tpu.dma_semaphore, #tpu.memory_space<semaphore_mem>>) src(%dma_wait3A_708 : memref<48x256xf32, #tpu.memory_space<vmem>>) dst(%dma_wait3A_704 : memref<48x256xf32, #tpu.memory_space<hbm>>)
      } else {
      }
      %dma_start3A_243 = arith.constant 0 : i32
      %dma_start3A_244 = arith.constant 0 : i32
      %dma_start3A_245 = arith.constant 0 : i32
      %dma_start3A_246 = arith.constant 0 : i32
      %dma_start3A_247 = tpu.memref_slice %arg9[%dma_start3A_244, %dma_start3A_245, %dma_start3A_246] : memref<4x48x256xf32, #tpu.memory_space<vmem>> -> memref<1x48x256xf32, #tpu.memory_space<vmem>>
      %dma_start3A_248 = tpu.memref_squeeze %dma_start3A_247 : memref<1x48x256xf32, #tpu.memory_space<vmem>> -> memref<48x256xf32, #tpu.memory_space<vmem>>
      %dma_start3A_249 = arith.constant 0 : i32
      %dma_start3A_250 = tpu.memref_slice %arg7[%dma_start3A_243, %dma_start3A_249] : memref<4x48xi32, #tpu.memory_space<vmem>> -> memref<1x48xi32, #tpu.memory_space<vmem>>
      %dma_start3A_251 = tpu.memref_squeeze %dma_start3A_250 : memref<1x48xi32, #tpu.memory_space<vmem>> -> memref<48xi32, #tpu.memory_space<vmem>>
      %dma_start3A_252 = arith.constant 0 : i32
      %dma_start3A_253 = arith.constant 0 : i32
      %dma_start3A_254 = tpu.memref_slice %arg2[%dma_start3A_252, %dma_start3A_253] : memref<10000x256xf32, #tpu.memory_space<hbm>> -> memref<10000x256xf32, #tpu.memory_space<hbm>>
      tpu.enqueue_indirect_dma source(%dma_start3A_254 : memref<10000x256xf32, #tpu.memory_space<hbm>>) target(%dma_start3A_248 : memref<48x256xf32, #tpu.memory_space<vmem>>) offsets(%dma_start3A_251 : memref<48xi32, #tpu.memory_space<vmem>>) semaphore(%arg15 : memref<!tpu.dma_semaphore, #tpu.memory_space<semaphore_mem>>)
      %dma_start3A_255 = arith.constant 0 : i32
      %dma_start3A_256 = arith.constant 0 : i32
      %dma_start3A_257 = arith.constant 0 : i32
      %dma_start3A_258 = arith.constant 0 : i32
      %dma_start3A_259 = tpu.memref_slice %arg10[%dma_start3A_256, %dma_start3A_257, %dma_start3A_258] : memref<4x48x256xf32, #tpu.memory_space<vmem>> -> memref<1x48x256xf32, #tpu.memory_space<vmem>>
      %dma_start3A_260 = tpu.memref_squeeze %dma_start3A_259 : memref<1x48x256xf32, #tpu.memory_space<vmem>> -> memref<48x256xf32, #tpu.memory_space<vmem>>
      %dma_start3A_261 = arith.constant 0 : i32
      %dma_start3A_262 = tpu.memref_slice %arg8[%dma_start3A_255, %dma_start3A_261] : memref<4x48xi32, #tpu.memory_space<vmem>> -> memref<1x48xi32, #tpu.memory_space<vmem>>
      %dma_start3A_263 = tpu.memref_squeeze %dma_start3A_262 : memref<1x48xi32, #tpu.memory_space<vmem>> -> memref<48xi32, #tpu.memory_space<vmem>>
      %dma_start3A_264 = arith.constant 0 : i32
      %dma_start3A_265 = arith.constant 0 : i32
      %dma_start3A_266 = tpu.memref_slice %arg3[%dma_start3A_264, %dma_start3A_265] : memref<10000x256xf32, #tpu.memory_space<hbm>> -> memref<10000x256xf32, #tpu.memory_space<hbm>>
      tpu.enqueue_indirect_dma source(%dma_start3A_266 : memref<10000x256xf32, #tpu.memory_space<hbm>>) target(%dma_start3A_260 : memref<48x256xf32, #tpu.memory_space<vmem>>) offsets(%dma_start3A_263 : memref<48xi32, #tpu.memory_space<vmem>>) semaphore(%arg19 : memref<!tpu.dma_semaphore, #tpu.memory_space<semaphore_mem>>)
      %add3A_267 = arith.constant 4 : i32
      %add3A_268 = arith.addi %add3A_216, %add3A_267 : i32
      %lt3A = arith.constant 104 : i32
      %lt3A_269 = arith.cmpi slt, %add3A_268, %lt3A : i32
      %convert_element_type3A_270 = arith.extui %lt3A_269 : i1 to i32
      %cond3A_271 = arith.constant 0 : i32
      %cond3A_272 = arith.cmpi ne, %convert_element_type3A_270, %cond3A_271 : i32
      scf.if %cond3A_272 {
        %add3A_683 = arith.constant 4 : i32
        %add3A_684 = arith.addi %add3A_216, %add3A_683 : i32
        %add3A_685 = arith.constant 160000 : i32
        %add3A_686 = arith.addi %add3A_685, %mul3A_2 : i32
        %mul3A_687 = arith.constant 48 : i32
        %mul3A_688 = arith.muli %add3A_684, %mul3A_687 : i32
        %add3A_689 = arith.addi %add3A_686, %mul3A_688 : i32
        %dma_start3A_690 = arith.constant 0 : i32
        %dma_start3A_691 = arith.constant 0 : i32
        %dma_start3A_692 = tpu.memref_slice %arg7[%dma_start3A_690, %dma_start3A_691] : memref<4x48xi32, #tpu.memory_space<vmem>> -> memref<1x48xi32, #tpu.memory_space<vmem>>
        %dma_start3A_693 = tpu.memref_squeeze %dma_start3A_692 : memref<1x48xi32, #tpu.memory_space<vmem>> -> memref<48xi32, #tpu.memory_space<vmem>>
        %dma_start3A_694 = tpu.memref_slice %arg4[%add3A_689] : memref<320000xi32, #tpu.memory_space<hbm>> -> memref<48xi32, #tpu.memory_space<hbm>>
        %dma_start3A_695 = arith.constant 0 : i32
        %dma_start3A_696 = tpu.memref_slice %arg7[%dma_start3A_690, %dma_start3A_695] : memref<4x48xi32, #tpu.memory_space<vmem>> -> memref<1x48xi32, #tpu.memory_space<vmem>>
        %dma_start3A_697 = tpu.memref_squeeze %dma_start3A_696 : memref<1x48xi32, #tpu.memory_space<vmem>> -> memref<48xi32, #tpu.memory_space<vmem>>
        %dma_start3A_698 = tpu.memref_slice %arg4[%add3A_689] : memref<320000xi32, #tpu.memory_space<hbm>> -> memref<48xi32, #tpu.memory_space<hbm>>
        tpu.enqueue_dma source(%dma_start3A_698 : memref<48xi32, #tpu.memory_space<hbm>>) target(%dma_start3A_697 : memref<48xi32, #tpu.memory_space<vmem>>) target_semaphore(%arg11 : memref<!tpu.dma_semaphore, #tpu.memory_space<semaphore_mem>>)
        %mul3A_699 = arith.constant 48 : i32
        %mul3A_700 = arith.muli %add3A_684, %mul3A_699 : i32
        %add3A_701 = arith.addi %mul3A_2, %mul3A_700 : i32
        %dma_start3A_702 = arith.constant 0 : i32
        %dma_start3A_703 = arith.constant 0 : i32
        %dma_start3A_704 = tpu.memref_slice %arg8[%dma_start3A_702, %dma_start3A_703] : memref<4x48xi32, #tpu.memory_space<vmem>> -> memref<1x48xi32, #tpu.memory_space<vmem>>
        %dma_start3A_705 = tpu.memref_squeeze %dma_start3A_704 : memref<1x48xi32, #tpu.memory_space<vmem>> -> memref<48xi32, #tpu.memory_space<vmem>>
        %dma_start3A_706 = tpu.memref_slice %arg4[%add3A_701] : memref<320000xi32, #tpu.memory_space<hbm>> -> memref<48xi32, #tpu.memory_space<hbm>>
        %dma_start3A_707 = arith.constant 0 : i32
        %dma_start3A_708 = tpu.memref_slice %arg8[%dma_start3A_702, %dma_start3A_707] : memref<4x48xi32, #tpu.memory_space<vmem>> -> memref<1x48xi32, #tpu.memory_space<vmem>>
        %dma_start3A_709 = tpu.memref_squeeze %dma_start3A_708 : memref<1x48xi32, #tpu.memory_space<vmem>> -> memref<48xi32, #tpu.memory_space<vmem>>
        %dma_start3A_710 = tpu.memref_slice %arg4[%add3A_701] : memref<320000xi32, #tpu.memory_space<hbm>> -> memref<48xi32, #tpu.memory_space<hbm>>
        tpu.enqueue_dma source(%dma_start3A_710 : memref<48xi32, #tpu.memory_space<hbm>>) target(%dma_start3A_709 : memref<48xi32, #tpu.memory_space<vmem>>) target_semaphore(%arg11 : memref<!tpu.dma_semaphore, #tpu.memory_space<semaphore_mem>>)
      } else {
      }
      %dma_wait3A_273 = arith.constant 0 : i32
      %dma_wait3A_274 = arith.constant 0 : i32
      %dma_wait3A_275 = arith.constant 0 : i32
      %dma_wait3A_276 = arith.constant 0 : i32
      %dma_wait3A_277 = tpu.memref_slice %arg9[%dma_wait3A_274, %dma_wait3A_275, %dma_wait3A_276] : memref<4x48x256xf32, #tpu.memory_space<vmem>> -> memref<1x48x256xf32, #tpu.memory_space<vmem>>
      %dma_wait3A_278 = tpu.memref_squeeze %dma_wait3A_277 : memref<1x48x256xf32, #tpu.memory_space<vmem>> -> memref<48x256xf32, #tpu.memory_space<vmem>>
      %dma_wait3A_279 = arith.constant 0 : i32
      %dma_wait3A_280 = tpu.memref_slice %arg7[%dma_wait3A_273, %dma_wait3A_279] : memref<4x48xi32, #tpu.memory_space<vmem>> -> memref<1x48xi32, #tpu.memory_space<vmem>>
      %dma_wait3A_281 = tpu.memref_squeeze %dma_wait3A_280 : memref<1x48xi32, #tpu.memory_space<vmem>> -> memref<48xi32, #tpu.memory_space<vmem>>
      %dma_wait3A_282 = arith.constant 0 : i32
      %dma_wait3A_283 = arith.constant 0 : i32
      %dma_wait3A_284 = tpu.memref_slice %arg2[%dma_wait3A_282, %dma_wait3A_283] : memref<10000x256xf32, #tpu.memory_space<hbm>> -> memref<10000x256xf32, #tpu.memory_space<hbm>>
      tpu.wait_indirect_dma semaphore(%arg15 : memref<!tpu.dma_semaphore, #tpu.memory_space<semaphore_mem>>) src(%dma_wait3A_284 : memref<10000x256xf32, #tpu.memory_space<hbm>>) dst(%dma_wait3A_278 : memref<48x256xf32, #tpu.memory_space<vmem>>)
      %dma_wait3A_285 = arith.constant 0 : i32
      %dma_wait3A_286 = arith.constant 0 : i32
      %dma_wait3A_287 = arith.constant 0 : i32
      %dma_wait3A_288 = arith.constant 0 : i32
      %dma_wait3A_289 = tpu.memref_slice %arg10[%dma_wait3A_286, %dma_wait3A_287, %dma_wait3A_288] : memref<4x48x256xf32, #tpu.memory_space<vmem>> -> memref<1x48x256xf32, #tpu.memory_space<vmem>>
      %dma_wait3A_290 = tpu.memref_squeeze %dma_wait3A_289 : memref<1x48x256xf32, #tpu.memory_space<vmem>> -> memref<48x256xf32, #tpu.memory_space<vmem>>
      %dma_wait3A_291 = arith.constant 0 : i32
      %dma_wait3A_292 = tpu.memref_slice %arg8[%dma_wait3A_285, %dma_wait3A_291] : memref<4x48xi32, #tpu.memory_space<vmem>> -> memref<1x48xi32, #tpu.memory_space<vmem>>
      %dma_wait3A_293 = tpu.memref_squeeze %dma_wait3A_292 : memref<1x48xi32, #tpu.memory_space<vmem>> -> memref<48xi32, #tpu.memory_space<vmem>>
      %dma_wait3A_294 = arith.constant 0 : i32
      %dma_wait3A_295 = arith.constant 0 : i32
      %dma_wait3A_296 = tpu.memref_slice %arg3[%dma_wait3A_294, %dma_wait3A_295] : memref<10000x256xf32, #tpu.memory_space<hbm>> -> memref<10000x256xf32, #tpu.memory_space<hbm>>
      tpu.wait_indirect_dma semaphore(%arg19 : memref<!tpu.dma_semaphore, #tpu.memory_space<semaphore_mem>>) src(%dma_wait3A_296 : memref<10000x256xf32, #tpu.memory_space<hbm>>) dst(%dma_wait3A_290 : memref<48x256xf32, #tpu.memory_space<vmem>>)
      %mul3A_297 = arith.constant 48 : i32
      %mul3A_298 = arith.muli %add3A_216, %mul3A_297 : i32
      %add3A_299 = arith.addi %mul3A_2, %mul3A_298 : i32
      %dma_start3A_300 = arith.constant 0 : i32
      %dma_start3A_301 = arith.constant 0 : i32
      %dma_start3A_302 = arith.constant 0 : i32
      %dma_start3A_303 = tpu.memref_slice %arg9[%dma_start3A_300, %dma_start3A_301, %dma_start3A_302] : memref<4x48x256xf32, #tpu.memory_space<vmem>> -> memref<1x48x256xf32, #tpu.memory_space<vmem>>
      %dma_start3A_304 = tpu.memref_squeeze %dma_start3A_303 : memref<1x48x256xf32, #tpu.memory_space<vmem>> -> memref<48x256xf32, #tpu.memory_space<vmem>>
      %dma_start3A_305 = arith.constant 0 : i32
      %dma_start3A_306 = tpu.memref_slice %arg5[%add3A_299, %dma_start3A_305] : memref<160000x256xf32, #tpu.memory_space<hbm>> -> memref<48x256xf32, #tpu.memory_space<hbm>>
      %dma_start3A_307 = arith.constant 0 : i32
      %dma_start3A_308 = tpu.memref_slice %arg5[%add3A_299, %dma_start3A_307] : memref<160000x256xf32, #tpu.memory_space<hbm>> -> memref<48x256xf32, #tpu.memory_space<hbm>>
      %dma_start3A_309 = arith.constant 0 : i32
      %dma_start3A_310 = arith.constant 0 : i32
      %dma_start3A_311 = tpu.memref_slice %arg9[%dma_start3A_300, %dma_start3A_309, %dma_start3A_310] : memref<4x48x256xf32, #tpu.memory_space<vmem>> -> memref<1x48x256xf32, #tpu.memory_space<vmem>>
      %dma_start3A_312 = tpu.memref_squeeze %dma_start3A_311 : memref<1x48x256xf32, #tpu.memory_space<vmem>> -> memref<48x256xf32, #tpu.memory_space<vmem>>
      tpu.enqueue_dma source(%dma_start3A_312 : memref<48x256xf32, #tpu.memory_space<vmem>>) target(%dma_start3A_308 : memref<48x256xf32, #tpu.memory_space<hbm>>) target_semaphore(%arg23 : memref<!tpu.dma_semaphore, #tpu.memory_space<semaphore_mem>>)
      %mul3A_313 = arith.constant 48 : i32
      %mul3A_314 = arith.muli %add3A_216, %mul3A_313 : i32
      %add3A_315 = arith.addi %mul3A_2, %mul3A_314 : i32
      %dma_start3A_316 = arith.constant 0 : i32
      %dma_start3A_317 = arith.constant 0 : i32
      %dma_start3A_318 = arith.constant 0 : i32
      %dma_start3A_319 = tpu.memref_slice %arg10[%dma_start3A_316, %dma_start3A_317, %dma_start3A_318] : memref<4x48x256xf32, #tpu.memory_space<vmem>> -> memref<1x48x256xf32, #tpu.memory_space<vmem>>
      %dma_start3A_320 = tpu.memref_squeeze %dma_start3A_319 : memref<1x48x256xf32, #tpu.memory_space<vmem>> -> memref<48x256xf32, #tpu.memory_space<vmem>>
      %dma_start3A_321 = arith.constant 0 : i32
      %dma_start3A_322 = tpu.memref_slice %arg6[%add3A_315, %dma_start3A_321] : memref<160000x256xf32, #tpu.memory_space<hbm>> -> memref<48x256xf32, #tpu.memory_space<hbm>>
      %dma_start3A_323 = arith.constant 0 : i32
      %dma_start3A_324 = tpu.memref_slice %arg6[%add3A_315, %dma_start3A_323] : memref<160000x256xf32, #tpu.memory_space<hbm>> -> memref<48x256xf32, #tpu.memory_space<hbm>>
      %dma_start3A_325 = arith.constant 0 : i32
      %dma_start3A_326 = arith.constant 0 : i32
      %dma_start3A_327 = tpu.memref_slice %arg10[%dma_start3A_316, %dma_start3A_325, %dma_start3A_326] : memref<4x48x256xf32, #tpu.memory_space<vmem>> -> memref<1x48x256xf32, #tpu.memory_space<vmem>>
      %dma_start3A_328 = tpu.memref_squeeze %dma_start3A_327 : memref<1x48x256xf32, #tpu.memory_space<vmem>> -> memref<48x256xf32, #tpu.memory_space<vmem>>
      tpu.enqueue_dma source(%dma_start3A_328 : memref<48x256xf32, #tpu.memory_space<vmem>>) target(%dma_start3A_324 : memref<48x256xf32, #tpu.memory_space<hbm>>) target_semaphore(%arg23 : memref<!tpu.dma_semaphore, #tpu.memory_space<semaphore_mem>>)
      %mul3A_329 = arith.constant 4 : i32
      %mul3A_330 = arith.muli %scan3A_212, %mul3A_329 : i32
      %add3A_331 = arith.constant 1 : i32
      %add3A_332 = arith.addi %mul3A_330, %add3A_331 : i32
      %dma_wait3A_333 = arith.constant 1 : i32
      %dma_wait3A_334 = arith.constant 0 : i32
      %dma_wait3A_335 = tpu.memref_slice %arg7[%dma_wait3A_333, %dma_wait3A_334] : memref<4x48xi32, #tpu.memory_space<vmem>> -> memref<1x48xi32, #tpu.memory_space<vmem>>
      %dma_wait3A_336 = tpu.memref_squeeze %dma_wait3A_335 : memref<1x48xi32, #tpu.memory_space<vmem>> -> memref<48xi32, #tpu.memory_space<vmem>>
      %dma_wait3A_337 = arith.constant 0 : i32
      %dma_wait3A_338 = tpu.memref_slice %arg4[%dma_wait3A_337] : memref<320000xi32, #tpu.memory_space<hbm>> -> memref<48xi32, #tpu.memory_space<hbm>>
      %dma_wait3A_339 = arith.constant 0 : i32
      %dma_wait3A_340 = tpu.memref_slice %arg7[%dma_wait3A_333, %dma_wait3A_339] : memref<4x48xi32, #tpu.memory_space<vmem>> -> memref<1x48xi32, #tpu.memory_space<vmem>>
      %dma_wait3A_341 = tpu.memref_squeeze %dma_wait3A_340 : memref<1x48xi32, #tpu.memory_space<vmem>> -> memref<48xi32, #tpu.memory_space<vmem>>
      %dma_wait3A_342 = arith.constant 0 : i32
      %dma_wait3A_343 = tpu.memref_slice %arg4[%dma_wait3A_342] : memref<320000xi32, #tpu.memory_space<hbm>> -> memref<48xi32, #tpu.memory_space<hbm>>
      tpu.wait_dma2 semaphore(%arg12 : memref<!tpu.dma_semaphore, #tpu.memory_space<semaphore_mem>>) src(%dma_wait3A_343 : memref<48xi32, #tpu.memory_space<hbm>>) dst(%dma_wait3A_341 : memref<48xi32, #tpu.memory_space<vmem>>)
      %dma_wait3A_344 = arith.constant 1 : i32
      %dma_wait3A_345 = arith.constant 0 : i32
      %dma_wait3A_346 = tpu.memref_slice %arg8[%dma_wait3A_344, %dma_wait3A_345] : memref<4x48xi32, #tpu.memory_space<vmem>> -> memref<1x48xi32, #tpu.memory_space<vmem>>
      %dma_wait3A_347 = tpu.memref_squeeze %dma_wait3A_346 : memref<1x48xi32, #tpu.memory_space<vmem>> -> memref<48xi32, #tpu.memory_space<vmem>>
      %dma_wait3A_348 = arith.constant 0 : i32
      %dma_wait3A_349 = tpu.memref_slice %arg4[%dma_wait3A_348] : memref<320000xi32, #tpu.memory_space<hbm>> -> memref<48xi32, #tpu.memory_space<hbm>>
      %dma_wait3A_350 = arith.constant 0 : i32
      %dma_wait3A_351 = tpu.memref_slice %arg8[%dma_wait3A_344, %dma_wait3A_350] : memref<4x48xi32, #tpu.memory_space<vmem>> -> memref<1x48xi32, #tpu.memory_space<vmem>>
      %dma_wait3A_352 = tpu.memref_squeeze %dma_wait3A_351 : memref<1x48xi32, #tpu.memory_space<vmem>> -> memref<48xi32, #tpu.memory_space<vmem>>
      %dma_wait3A_353 = arith.constant 0 : i32
      %dma_wait3A_354 = tpu.memref_slice %arg4[%dma_wait3A_353] : memref<320000xi32, #tpu.memory_space<hbm>> -> memref<48xi32, #tpu.memory_space<hbm>>
      tpu.wait_dma2 semaphore(%arg12 : memref<!tpu.dma_semaphore, #tpu.memory_space<semaphore_mem>>) src(%dma_wait3A_354 : memref<48xi32, #tpu.memory_space<hbm>>) dst(%dma_wait3A_352 : memref<48xi32, #tpu.memory_space<vmem>>)
      %ge3A_355 = arith.constant 4 : i32
      %ge3A_356 = arith.cmpi sge, %add3A_332, %ge3A_355 : i32
      %convert_element_type3A_357 = arith.extui %ge3A_356 : i1 to i32
      %cond3A_358 = arith.constant 0 : i32
      %cond3A_359 = arith.cmpi ne, %convert_element_type3A_357, %cond3A_358 : i32
      scf.if %cond3A_359 {
        %dma_wait3A_683 = arith.constant 1 : i32
        %dma_wait3A_684 = arith.constant 0 : i32
        %dma_wait3A_685 = arith.constant 0 : i32
        %dma_wait3A_686 = tpu.memref_slice %arg9[%dma_wait3A_683, %dma_wait3A_684, %dma_wait3A_685] : memref<4x48x256xf32, #tpu.memory_space<vmem>> -> memref<1x48x256xf32, #tpu.memory_space<vmem>>
        %dma_wait3A_687 = tpu.memref_squeeze %dma_wait3A_686 : memref<1x48x256xf32, #tpu.memory_space<vmem>> -> memref<48x256xf32, #tpu.memory_space<vmem>>
        %dma_wait3A_688 = arith.constant 0 : i32
        %dma_wait3A_689 = tpu.memref_slice %arg5[%mul3A_2, %dma_wait3A_688] : memref<160000x256xf32, #tpu.memory_space<hbm>> -> memref<48x256xf32, #tpu.memory_space<hbm>>
        %dma_wait3A_690 = arith.constant 0 : i32
        %dma_wait3A_691 = tpu.memref_slice %arg5[%mul3A_2, %dma_wait3A_690] : memref<160000x256xf32, #tpu.memory_space<hbm>> -> memref<48x256xf32, #tpu.memory_space<hbm>>
        %dma_wait3A_692 = arith.constant 0 : i32
        %dma_wait3A_693 = arith.constant 0 : i32
        %dma_wait3A_694 = tpu.memref_slice %arg9[%dma_wait3A_683, %dma_wait3A_692, %dma_wait3A_693] : memref<4x48x256xf32, #tpu.memory_space<vmem>> -> memref<1x48x256xf32, #tpu.memory_space<vmem>>
        %dma_wait3A_695 = tpu.memref_squeeze %dma_wait3A_694 : memref<1x48x256xf32, #tpu.memory_space<vmem>> -> memref<48x256xf32, #tpu.memory_space<vmem>>
        tpu.wait_dma2 semaphore(%arg24 : memref<!tpu.dma_semaphore, #tpu.memory_space<semaphore_mem>>) src(%dma_wait3A_695 : memref<48x256xf32, #tpu.memory_space<vmem>>) dst(%dma_wait3A_691 : memref<48x256xf32, #tpu.memory_space<hbm>>)
        %dma_wait3A_696 = arith.constant 1 : i32
        %dma_wait3A_697 = arith.constant 0 : i32
        %dma_wait3A_698 = arith.constant 0 : i32
        %dma_wait3A_699 = tpu.memref_slice %arg10[%dma_wait3A_696, %dma_wait3A_697, %dma_wait3A_698] : memref<4x48x256xf32, #tpu.memory_space<vmem>> -> memref<1x48x256xf32, #tpu.memory_space<vmem>>
        %dma_wait3A_700 = tpu.memref_squeeze %dma_wait3A_699 : memref<1x48x256xf32, #tpu.memory_space<vmem>> -> memref<48x256xf32, #tpu.memory_space<vmem>>
        %dma_wait3A_701 = arith.constant 0 : i32
        %dma_wait3A_702 = tpu.memref_slice %arg6[%mul3A_2, %dma_wait3A_701] : memref<160000x256xf32, #tpu.memory_space<hbm>> -> memref<48x256xf32, #tpu.memory_space<hbm>>
        %dma_wait3A_703 = arith.constant 0 : i32
        %dma_wait3A_704 = tpu.memref_slice %arg6[%mul3A_2, %dma_wait3A_703] : memref<160000x256xf32, #tpu.memory_space<hbm>> -> memref<48x256xf32, #tpu.memory_space<hbm>>
        %dma_wait3A_705 = arith.constant 0 : i32
        %dma_wait3A_706 = arith.constant 0 : i32
        %dma_wait3A_707 = tpu.memref_slice %arg10[%dma_wait3A_696, %dma_wait3A_705, %dma_wait3A_706] : memref<4x48x256xf32, #tpu.memory_space<vmem>> -> memref<1x48x256xf32, #tpu.memory_space<vmem>>
        %dma_wait3A_708 = tpu.memref_squeeze %dma_wait3A_707 : memref<1x48x256xf32, #tpu.memory_space<vmem>> -> memref<48x256xf32, #tpu.memory_space<vmem>>
        tpu.wait_dma2 semaphore(%arg24 : memref<!tpu.dma_semaphore, #tpu.memory_space<semaphore_mem>>) src(%dma_wait3A_708 : memref<48x256xf32, #tpu.memory_space<vmem>>) dst(%dma_wait3A_704 : memref<48x256xf32, #tpu.memory_space<hbm>>)
      } else {
      }
      %dma_start3A_360 = arith.constant 1 : i32
      %dma_start3A_361 = arith.constant 1 : i32
      %dma_start3A_362 = arith.constant 0 : i32
      %dma_start3A_363 = arith.constant 0 : i32
      %dma_start3A_364 = tpu.memref_slice %arg9[%dma_start3A_361, %dma_start3A_362, %dma_start3A_363] : memref<4x48x256xf32, #tpu.memory_space<vmem>> -> memref<1x48x256xf32, #tpu.memory_space<vmem>>
      %dma_start3A_365 = tpu.memref_squeeze %dma_start3A_364 : memref<1x48x256xf32, #tpu.memory_space<vmem>> -> memref<48x256xf32, #tpu.memory_space<vmem>>
      %dma_start3A_366 = arith.constant 0 : i32
      %dma_start3A_367 = tpu.memref_slice %arg7[%dma_start3A_360, %dma_start3A_366] : memref<4x48xi32, #tpu.memory_space<vmem>> -> memref<1x48xi32, #tpu.memory_space<vmem>>
      %dma_start3A_368 = tpu.memref_squeeze %dma_start3A_367 : memref<1x48xi32, #tpu.memory_space<vmem>> -> memref<48xi32, #tpu.memory_space<vmem>>
      %dma_start3A_369 = arith.constant 0 : i32
      %dma_start3A_370 = arith.constant 0 : i32
      %dma_start3A_371 = tpu.memref_slice %arg2[%dma_start3A_369, %dma_start3A_370] : memref<10000x256xf32, #tpu.memory_space<hbm>> -> memref<10000x256xf32, #tpu.memory_space<hbm>>
      tpu.enqueue_indirect_dma source(%dma_start3A_371 : memref<10000x256xf32, #tpu.memory_space<hbm>>) target(%dma_start3A_365 : memref<48x256xf32, #tpu.memory_space<vmem>>) offsets(%dma_start3A_368 : memref<48xi32, #tpu.memory_space<vmem>>) semaphore(%arg16 : memref<!tpu.dma_semaphore, #tpu.memory_space<semaphore_mem>>)
      %dma_start3A_372 = arith.constant 1 : i32
      %dma_start3A_373 = arith.constant 1 : i32
      %dma_start3A_374 = arith.constant 0 : i32
      %dma_start3A_375 = arith.constant 0 : i32
      %dma_start3A_376 = tpu.memref_slice %arg10[%dma_start3A_373, %dma_start3A_374, %dma_start3A_375] : memref<4x48x256xf32, #tpu.memory_space<vmem>> -> memref<1x48x256xf32, #tpu.memory_space<vmem>>
      %dma_start3A_377 = tpu.memref_squeeze %dma_start3A_376 : memref<1x48x256xf32, #tpu.memory_space<vmem>> -> memref<48x256xf32, #tpu.memory_space<vmem>>
      %dma_start3A_378 = arith.constant 0 : i32
      %dma_start3A_379 = tpu.memref_slice %arg8[%dma_start3A_372, %dma_start3A_378] : memref<4x48xi32, #tpu.memory_space<vmem>> -> memref<1x48xi32, #tpu.memory_space<vmem>>
      %dma_start3A_380 = tpu.memref_squeeze %dma_start3A_379 : memref<1x48xi32, #tpu.memory_space<vmem>> -> memref<48xi32, #tpu.memory_space<vmem>>
      %dma_start3A_381 = arith.constant 0 : i32
      %dma_start3A_382 = arith.constant 0 : i32
      %dma_start3A_383 = tpu.memref_slice %arg3[%dma_start3A_381, %dma_start3A_382] : memref<10000x256xf32, #tpu.memory_space<hbm>> -> memref<10000x256xf32, #tpu.memory_space<hbm>>
      tpu.enqueue_indirect_dma source(%dma_start3A_383 : memref<10000x256xf32, #tpu.memory_space<hbm>>) target(%dma_start3A_377 : memref<48x256xf32, #tpu.memory_space<vmem>>) offsets(%dma_start3A_380 : memref<48xi32, #tpu.memory_space<vmem>>) semaphore(%arg20 : memref<!tpu.dma_semaphore, #tpu.memory_space<semaphore_mem>>)
      %add3A_384 = arith.constant 4 : i32
      %add3A_385 = arith.addi %add3A_332, %add3A_384 : i32
      %lt3A_386 = arith.constant 104 : i32
      %lt3A_387 = arith.cmpi slt, %add3A_385, %lt3A_386 : i32
      %convert_element_type3A_388 = arith.extui %lt3A_387 : i1 to i32
      %cond3A_389 = arith.constant 0 : i32
      %cond3A_390 = arith.cmpi ne, %convert_element_type3A_388, %cond3A_389 : i32
      scf.if %cond3A_390 {
        %add3A_683 = arith.constant 4 : i32
        %add3A_684 = arith.addi %add3A_332, %add3A_683 : i32
        %add3A_685 = arith.constant 160000 : i32
        %add3A_686 = arith.addi %add3A_685, %mul3A_2 : i32
        %mul3A_687 = arith.constant 48 : i32
        %mul3A_688 = arith.muli %add3A_684, %mul3A_687 : i32
        %add3A_689 = arith.addi %add3A_686, %mul3A_688 : i32
        %dma_start3A_690 = arith.constant 1 : i32
        %dma_start3A_691 = arith.constant 0 : i32
        %dma_start3A_692 = tpu.memref_slice %arg7[%dma_start3A_690, %dma_start3A_691] : memref<4x48xi32, #tpu.memory_space<vmem>> -> memref<1x48xi32, #tpu.memory_space<vmem>>
        %dma_start3A_693 = tpu.memref_squeeze %dma_start3A_692 : memref<1x48xi32, #tpu.memory_space<vmem>> -> memref<48xi32, #tpu.memory_space<vmem>>
        %dma_start3A_694 = tpu.memref_slice %arg4[%add3A_689] : memref<320000xi32, #tpu.memory_space<hbm>> -> memref<48xi32, #tpu.memory_space<hbm>>
        %dma_start3A_695 = arith.constant 0 : i32
        %dma_start3A_696 = tpu.memref_slice %arg7[%dma_start3A_690, %dma_start3A_695] : memref<4x48xi32, #tpu.memory_space<vmem>> -> memref<1x48xi32, #tpu.memory_space<vmem>>
        %dma_start3A_697 = tpu.memref_squeeze %dma_start3A_696 : memref<1x48xi32, #tpu.memory_space<vmem>> -> memref<48xi32, #tpu.memory_space<vmem>>
        %dma_start3A_698 = tpu.memref_slice %arg4[%add3A_689] : memref<320000xi32, #tpu.memory_space<hbm>> -> memref<48xi32, #tpu.memory_space<hbm>>
        tpu.enqueue_dma source(%dma_start3A_698 : memref<48xi32, #tpu.memory_space<hbm>>) target(%dma_start3A_697 : memref<48xi32, #tpu.memory_space<vmem>>) target_semaphore(%arg12 : memref<!tpu.dma_semaphore, #tpu.memory_space<semaphore_mem>>)
        %mul3A_699 = arith.constant 48 : i32
        %mul3A_700 = arith.muli %add3A_684, %mul3A_699 : i32
        %add3A_701 = arith.addi %mul3A_2, %mul3A_700 : i32
        %dma_start3A_702 = arith.constant 1 : i32
        %dma_start3A_703 = arith.constant 0 : i32
        %dma_start3A_704 = tpu.memref_slice %arg8[%dma_start3A_702, %dma_start3A_703] : memref<4x48xi32, #tpu.memory_space<vmem>> -> memref<1x48xi32, #tpu.memory_space<vmem>>
        %dma_start3A_705 = tpu.memref_squeeze %dma_start3A_704 : memref<1x48xi32, #tpu.memory_space<vmem>> -> memref<48xi32, #tpu.memory_space<vmem>>
        %dma_start3A_706 = tpu.memref_slice %arg4[%add3A_701] : memref<320000xi32, #tpu.memory_space<hbm>> -> memref<48xi32, #tpu.memory_space<hbm>>
        %dma_start3A_707 = arith.constant 0 : i32
        %dma_start3A_708 = tpu.memref_slice %arg8[%dma_start3A_702, %dma_start3A_707] : memref<4x48xi32, #tpu.memory_space<vmem>> -> memref<1x48xi32, #tpu.memory_space<vmem>>
        %dma_start3A_709 = tpu.memref_squeeze %dma_start3A_708 : memref<1x48xi32, #tpu.memory_space<vmem>> -> memref<48xi32, #tpu.memory_space<vmem>>
        %dma_start3A_710 = tpu.memref_slice %arg4[%add3A_701] : memref<320000xi32, #tpu.memory_space<hbm>> -> memref<48xi32, #tpu.memory_space<hbm>>
        tpu.enqueue_dma source(%dma_start3A_710 : memref<48xi32, #tpu.memory_space<hbm>>) target(%dma_start3A_709 : memref<48xi32, #tpu.memory_space<vmem>>) target_semaphore(%arg12 : memref<!tpu.dma_semaphore, #tpu.memory_space<semaphore_mem>>)
      } else {
      }
      %dma_wait3A_391 = arith.constant 1 : i32
      %dma_wait3A_392 = arith.constant 1 : i32
      %dma_wait3A_393 = arith.constant 0 : i32
      %dma_wait3A_394 = arith.constant 0 : i32
      %dma_wait3A_395 = tpu.memref_slice %arg9[%dma_wait3A_392, %dma_wait3A_393, %dma_wait3A_394] : memref<4x48x256xf32, #tpu.memory_space<vmem>> -> memref<1x48x256xf32, #tpu.memory_space<vmem>>
      %dma_wait3A_396 = tpu.memref_squeeze %dma_wait3A_395 : memref<1x48x256xf32, #tpu.memory_space<vmem>> -> memref<48x256xf32, #tpu.memory_space<vmem>>
      %dma_wait3A_397 = arith.constant 0 : i32
      %dma_wait3A_398 = tpu.memref_slice %arg7[%dma_wait3A_391, %dma_wait3A_397] : memref<4x48xi32, #tpu.memory_space<vmem>> -> memref<1x48xi32, #tpu.memory_space<vmem>>
      %dma_wait3A_399 = tpu.memref_squeeze %dma_wait3A_398 : memref<1x48xi32, #tpu.memory_space<vmem>> -> memref<48xi32, #tpu.memory_space<vmem>>
      %dma_wait3A_400 = arith.constant 0 : i32
      %dma_wait3A_401 = arith.constant 0 : i32
      %dma_wait3A_402 = tpu.memref_slice %arg2[%dma_wait3A_400, %dma_wait3A_401] : memref<10000x256xf32, #tpu.memory_space<hbm>> -> memref<10000x256xf32, #tpu.memory_space<hbm>>
      tpu.wait_indirect_dma semaphore(%arg16 : memref<!tpu.dma_semaphore, #tpu.memory_space<semaphore_mem>>) src(%dma_wait3A_402 : memref<10000x256xf32, #tpu.memory_space<hbm>>) dst(%dma_wait3A_396 : memref<48x256xf32, #tpu.memory_space<vmem>>)
      %dma_wait3A_403 = arith.constant 1 : i32
      %dma_wait3A_404 = arith.constant 1 : i32
      %dma_wait3A_405 = arith.constant 0 : i32
      %dma_wait3A_406 = arith.constant 0 : i32
      %dma_wait3A_407 = tpu.memref_slice %arg10[%dma_wait3A_404, %dma_wait3A_405, %dma_wait3A_406] : memref<4x48x256xf32, #tpu.memory_space<vmem>> -> memref<1x48x256xf32, #tpu.memory_space<vmem>>
      %dma_wait3A_408 = tpu.memref_squeeze %dma_wait3A_407 : memref<1x48x256xf32, #tpu.memory_space<vmem>> -> memref<48x256xf32, #tpu.memory_space<vmem>>
      %dma_wait3A_409 = arith.constant 0 : i32
      %dma_wait3A_410 = tpu.memref_slice %arg8[%dma_wait3A_403, %dma_wait3A_409] : memref<4x48xi32, #tpu.memory_space<vmem>> -> memref<1x48xi32, #tpu.memory_space<vmem>>
      %dma_wait3A_411 = tpu.memref_squeeze %dma_wait3A_410 : memref<1x48xi32, #tpu.memory_space<vmem>> -> memref<48xi32, #tpu.memory_space<vmem>>
      %dma_wait3A_412 = arith.constant 0 : i32
      %dma_wait3A_413 = arith.constant 0 : i32
      %dma_wait3A_414 = tpu.memref_slice %arg3[%dma_wait3A_412, %dma_wait3A_413] : memref<10000x256xf32, #tpu.memory_space<hbm>> -> memref<10000x256xf32, #tpu.memory_space<hbm>>
      tpu.wait_indirect_dma semaphore(%arg20 : memref<!tpu.dma_semaphore, #tpu.memory_space<semaphore_mem>>) src(%dma_wait3A_414 : memref<10000x256xf32, #tpu.memory_space<hbm>>) dst(%dma_wait3A_408 : memref<48x256xf32, #tpu.memory_space<vmem>>)
      %mul3A_415 = arith.constant 48 : i32
      %mul3A_416 = arith.muli %add3A_332, %mul3A_415 : i32
      %add3A_417 = arith.addi %mul3A_2, %mul3A_416 : i32
      %dma_start3A_418 = arith.constant 1 : i32
      %dma_start3A_419 = arith.constant 0 : i32
      %dma_start3A_420 = arith.constant 0 : i32
      %dma_start3A_421 = tpu.memref_slice %arg9[%dma_start3A_418, %dma_start3A_419, %dma_start3A_420] : memref<4x48x256xf32, #tpu.memory_space<vmem>> -> memref<1x48x256xf32, #tpu.memory_space<vmem>>
      %dma_start3A_422 = tpu.memref_squeeze %dma_start3A_421 : memref<1x48x256xf32, #tpu.memory_space<vmem>> -> memref<48x256xf32, #tpu.memory_space<vmem>>
      %dma_start3A_423 = arith.constant 0 : i32
      %dma_start3A_424 = tpu.memref_slice %arg5[%add3A_417, %dma_start3A_423] : memref<160000x256xf32, #tpu.memory_space<hbm>> -> memref<48x256xf32, #tpu.memory_space<hbm>>
      %dma_start3A_425 = arith.constant 0 : i32
      %dma_start3A_426 = tpu.memref_slice %arg5[%add3A_417, %dma_start3A_425] : memref<160000x256xf32, #tpu.memory_space<hbm>> -> memref<48x256xf32, #tpu.memory_space<hbm>>
      %dma_start3A_427 = arith.constant 0 : i32
      %dma_start3A_428 = arith.constant 0 : i32
      %dma_start3A_429 = tpu.memref_slice %arg9[%dma_start3A_418, %dma_start3A_427, %dma_start3A_428] : memref<4x48x256xf32, #tpu.memory_space<vmem>> -> memref<1x48x256xf32, #tpu.memory_space<vmem>>
      %dma_start3A_430 = tpu.memref_squeeze %dma_start3A_429 : memref<1x48x256xf32, #tpu.memory_space<vmem>> -> memref<48x256xf32, #tpu.memory_space<vmem>>
      tpu.enqueue_dma source(%dma_start3A_430 : memref<48x256xf32, #tpu.memory_space<vmem>>) target(%dma_start3A_426 : memref<48x256xf32, #tpu.memory_space<hbm>>) target_semaphore(%arg24 : memref<!tpu.dma_semaphore, #tpu.memory_space<semaphore_mem>>)
      %mul3A_431 = arith.constant 48 : i32
      %mul3A_432 = arith.muli %add3A_332, %mul3A_431 : i32
      %add3A_433 = arith.addi %mul3A_2, %mul3A_432 : i32
      %dma_start3A_434 = arith.constant 1 : i32
      %dma_start3A_435 = arith.constant 0 : i32
      %dma_start3A_436 = arith.constant 0 : i32
      %dma_start3A_437 = tpu.memref_slice %arg10[%dma_start3A_434, %dma_start3A_435, %dma_start3A_436] : memref<4x48x256xf32, #tpu.memory_space<vmem>> -> memref<1x48x256xf32, #tpu.memory_space<vmem>>
      %dma_start3A_438 = tpu.memref_squeeze %dma_start3A_437 : memref<1x48x256xf32, #tpu.memory_space<vmem>> -> memref<48x256xf32, #tpu.memory_space<vmem>>
      %dma_start3A_439 = arith.constant 0 : i32
      %dma_start3A_440 = tpu.memref_slice %arg6[%add3A_433, %dma_start3A_439] : memref<160000x256xf32, #tpu.memory_space<hbm>> -> memref<48x256xf32, #tpu.memory_space<hbm>>
      %dma_start3A_441 = arith.constant 0 : i32
      %dma_start3A_442 = tpu.memref_slice %arg6[%add3A_433, %dma_start3A_441] : memref<160000x256xf32, #tpu.memory_space<hbm>> -> memref<48x256xf32, #tpu.memory_space<hbm>>
      %dma_start3A_443 = arith.constant 0 : i32
      %dma_start3A_444 = arith.constant 0 : i32
      %dma_start3A_445 = tpu.memref_slice %arg10[%dma_start3A_434, %dma_start3A_443, %dma_start3A_444] : memref<4x48x256xf32, #tpu.memory_space<vmem>> -> memref<1x48x256xf32, #tpu.memory_space<vmem>>
      %dma_start3A_446 = tpu.memref_squeeze %dma_start3A_445 : memref<1x48x256xf32, #tpu.memory_space<vmem>> -> memref<48x256xf32, #tpu.memory_space<vmem>>
      tpu.enqueue_dma source(%dma_start3A_446 : memref<48x256xf32, #tpu.memory_space<vmem>>) target(%dma_start3A_442 : memref<48x256xf32, #tpu.memory_space<hbm>>) target_semaphore(%arg24 : memref<!tpu.dma_semaphore, #tpu.memory_space<semaphore_mem>>)
      %mul3A_447 = arith.constant 4 : i32
      %mul3A_448 = arith.muli %scan3A_212, %mul3A_447 : i32
      %add3A_449 = arith.constant 2 : i32
      %add3A_450 = arith.addi %mul3A_448, %add3A_449 : i32
      %dma_wait3A_451 = arith.constant 2 : i32
      %dma_wait3A_452 = arith.constant 0 : i32
      %dma_wait3A_453 = tpu.memref_slice %arg7[%dma_wait3A_451, %dma_wait3A_452] : memref<4x48xi32, #tpu.memory_space<vmem>> -> memref<1x48xi32, #tpu.memory_space<vmem>>
      %dma_wait3A_454 = tpu.memref_squeeze %dma_wait3A_453 : memref<1x48xi32, #tpu.memory_space<vmem>> -> memref<48xi32, #tpu.memory_space<vmem>>
      %dma_wait3A_455 = arith.constant 0 : i32
      %dma_wait3A_456 = tpu.memref_slice %arg4[%dma_wait3A_455] : memref<320000xi32, #tpu.memory_space<hbm>> -> memref<48xi32, #tpu.memory_space<hbm>>
      %dma_wait3A_457 = arith.constant 0 : i32
      %dma_wait3A_458 = tpu.memref_slice %arg7[%dma_wait3A_451, %dma_wait3A_457] : memref<4x48xi32, #tpu.memory_space<vmem>> -> memref<1x48xi32, #tpu.memory_space<vmem>>
      %dma_wait3A_459 = tpu.memref_squeeze %dma_wait3A_458 : memref<1x48xi32, #tpu.memory_space<vmem>> -> memref<48xi32, #tpu.memory_space<vmem>>
      %dma_wait3A_460 = arith.constant 0 : i32
      %dma_wait3A_461 = tpu.memref_slice %arg4[%dma_wait3A_460] : memref<320000xi32, #tpu.memory_space<hbm>> -> memref<48xi32, #tpu.memory_space<hbm>>
      tpu.wait_dma2 semaphore(%arg13 : memref<!tpu.dma_semaphore, #tpu.memory_space<semaphore_mem>>) src(%dma_wait3A_461 : memref<48xi32, #tpu.memory_space<hbm>>) dst(%dma_wait3A_459 : memref<48xi32, #tpu.memory_space<vmem>>)
      %dma_wait3A_462 = arith.constant 2 : i32
      %dma_wait3A_463 = arith.constant 0 : i32
      %dma_wait3A_464 = tpu.memref_slice %arg8[%dma_wait3A_462, %dma_wait3A_463] : memref<4x48xi32, #tpu.memory_space<vmem>> -> memref<1x48xi32, #tpu.memory_space<vmem>>
      %dma_wait3A_465 = tpu.memref_squeeze %dma_wait3A_464 : memref<1x48xi32, #tpu.memory_space<vmem>> -> memref<48xi32, #tpu.memory_space<vmem>>
      %dma_wait3A_466 = arith.constant 0 : i32
      %dma_wait3A_467 = tpu.memref_slice %arg4[%dma_wait3A_466] : memref<320000xi32, #tpu.memory_space<hbm>> -> memref<48xi32, #tpu.memory_space<hbm>>
      %dma_wait3A_468 = arith.constant 0 : i32
      %dma_wait3A_469 = tpu.memref_slice %arg8[%dma_wait3A_462, %dma_wait3A_468] : memref<4x48xi32, #tpu.memory_space<vmem>> -> memref<1x48xi32, #tpu.memory_space<vmem>>
      %dma_wait3A_470 = tpu.memref_squeeze %dma_wait3A_469 : memref<1x48xi32, #tpu.memory_space<vmem>> -> memref<48xi32, #tpu.memory_space<vmem>>
      %dma_wait3A_471 = arith.constant 0 : i32
      %dma_wait3A_472 = tpu.memref_slice %arg4[%dma_wait3A_471] : memref<320000xi32, #tpu.memory_space<hbm>> -> memref<48xi32, #tpu.memory_space<hbm>>
      tpu.wait_dma2 semaphore(%arg13 : memref<!tpu.dma_semaphore, #tpu.memory_space<semaphore_mem>>) src(%dma_wait3A_472 : memref<48xi32, #tpu.memory_space<hbm>>) dst(%dma_wait3A_470 : memref<48xi32, #tpu.memory_space<vmem>>)
      %ge3A_473 = arith.constant 4 : i32
      %ge3A_474 = arith.cmpi sge, %add3A_450, %ge3A_473 : i32
      %convert_element_type3A_475 = arith.extui %ge3A_474 : i1 to i32
      %cond3A_476 = arith.constant 0 : i32
      %cond3A_477 = arith.cmpi ne, %convert_element_type3A_475, %cond3A_476 : i32
      scf.if %cond3A_477 {
        %dma_wait3A_683 = arith.constant 2 : i32
        %dma_wait3A_684 = arith.constant 0 : i32
        %dma_wait3A_685 = arith.constant 0 : i32
        %dma_wait3A_686 = tpu.memref_slice %arg9[%dma_wait3A_683, %dma_wait3A_684, %dma_wait3A_685] : memref<4x48x256xf32, #tpu.memory_space<vmem>> -> memref<1x48x256xf32, #tpu.memory_space<vmem>>
        %dma_wait3A_687 = tpu.memref_squeeze %dma_wait3A_686 : memref<1x48x256xf32, #tpu.memory_space<vmem>> -> memref<48x256xf32, #tpu.memory_space<vmem>>
        %dma_wait3A_688 = arith.constant 0 : i32
        %dma_wait3A_689 = tpu.memref_slice %arg5[%mul3A_2, %dma_wait3A_688] : memref<160000x256xf32, #tpu.memory_space<hbm>> -> memref<48x256xf32, #tpu.memory_space<hbm>>
        %dma_wait3A_690 = arith.constant 0 : i32
        %dma_wait3A_691 = tpu.memref_slice %arg5[%mul3A_2, %dma_wait3A_690] : memref<160000x256xf32, #tpu.memory_space<hbm>> -> memref<48x256xf32, #tpu.memory_space<hbm>>
        %dma_wait3A_692 = arith.constant 0 : i32
        %dma_wait3A_693 = arith.constant 0 : i32
        %dma_wait3A_694 = tpu.memref_slice %arg9[%dma_wait3A_683, %dma_wait3A_692, %dma_wait3A_693] : memref<4x48x256xf32, #tpu.memory_space<vmem>> -> memref<1x48x256xf32, #tpu.memory_space<vmem>>
        %dma_wait3A_695 = tpu.memref_squeeze %dma_wait3A_694 : memref<1x48x256xf32, #tpu.memory_space<vmem>> -> memref<48x256xf32, #tpu.memory_space<vmem>>
        tpu.wait_dma2 semaphore(%arg25 : memref<!tpu.dma_semaphore, #tpu.memory_space<semaphore_mem>>) src(%dma_wait3A_695 : memref<48x256xf32, #tpu.memory_space<vmem>>) dst(%dma_wait3A_691 : memref<48x256xf32, #tpu.memory_space<hbm>>)
        %dma_wait3A_696 = arith.constant 2 : i32
        %dma_wait3A_697 = arith.constant 0 : i32
        %dma_wait3A_698 = arith.constant 0 : i32
        %dma_wait3A_699 = tpu.memref_slice %arg10[%dma_wait3A_696, %dma_wait3A_697, %dma_wait3A_698] : memref<4x48x256xf32, #tpu.memory_space<vmem>> -> memref<1x48x256xf32, #tpu.memory_space<vmem>>
        %dma_wait3A_700 = tpu.memref_squeeze %dma_wait3A_699 : memref<1x48x256xf32, #tpu.memory_space<vmem>> -> memref<48x256xf32, #tpu.memory_space<vmem>>
        %dma_wait3A_701 = arith.constant 0 : i32
        %dma_wait3A_702 = tpu.memref_slice %arg6[%mul3A_2, %dma_wait3A_701] : memref<160000x256xf32, #tpu.memory_space<hbm>> -> memref<48x256xf32, #tpu.memory_space<hbm>>
        %dma_wait3A_703 = arith.constant 0 : i32
        %dma_wait3A_704 = tpu.memref_slice %arg6[%mul3A_2, %dma_wait3A_703] : memref<160000x256xf32, #tpu.memory_space<hbm>> -> memref<48x256xf32, #tpu.memory_space<hbm>>
        %dma_wait3A_705 = arith.constant 0 : i32
        %dma_wait3A_706 = arith.constant 0 : i32
        %dma_wait3A_707 = tpu.memref_slice %arg10[%dma_wait3A_696, %dma_wait3A_705, %dma_wait3A_706] : memref<4x48x256xf32, #tpu.memory_space<vmem>> -> memref<1x48x256xf32, #tpu.memory_space<vmem>>
        %dma_wait3A_708 = tpu.memref_squeeze %dma_wait3A_707 : memref<1x48x256xf32, #tpu.memory_space<vmem>> -> memref<48x256xf32, #tpu.memory_space<vmem>>
        tpu.wait_dma2 semaphore(%arg25 : memref<!tpu.dma_semaphore, #tpu.memory_space<semaphore_mem>>) src(%dma_wait3A_708 : memref<48x256xf32, #tpu.memory_space<vmem>>) dst(%dma_wait3A_704 : memref<48x256xf32, #tpu.memory_space<hbm>>)
      } else {
      }
      %dma_start3A_478 = arith.constant 2 : i32
      %dma_start3A_479 = arith.constant 2 : i32
      %dma_start3A_480 = arith.constant 0 : i32
      %dma_start3A_481 = arith.constant 0 : i32
      %dma_start3A_482 = tpu.memref_slice %arg9[%dma_start3A_479, %dma_start3A_480, %dma_start3A_481] : memref<4x48x256xf32, #tpu.memory_space<vmem>> -> memref<1x48x256xf32, #tpu.memory_space<vmem>>
      %dma_start3A_483 = tpu.memref_squeeze %dma_start3A_482 : memref<1x48x256xf32, #tpu.memory_space<vmem>> -> memref<48x256xf32, #tpu.memory_space<vmem>>
      %dma_start3A_484 = arith.constant 0 : i32
      %dma_start3A_485 = tpu.memref_slice %arg7[%dma_start3A_478, %dma_start3A_484] : memref<4x48xi32, #tpu.memory_space<vmem>> -> memref<1x48xi32, #tpu.memory_space<vmem>>
      %dma_start3A_486 = tpu.memref_squeeze %dma_start3A_485 : memref<1x48xi32, #tpu.memory_space<vmem>> -> memref<48xi32, #tpu.memory_space<vmem>>
      %dma_start3A_487 = arith.constant 0 : i32
      %dma_start3A_488 = arith.constant 0 : i32
      %dma_start3A_489 = tpu.memref_slice %arg2[%dma_start3A_487, %dma_start3A_488] : memref<10000x256xf32, #tpu.memory_space<hbm>> -> memref<10000x256xf32, #tpu.memory_space<hbm>>
      tpu.enqueue_indirect_dma source(%dma_start3A_489 : memref<10000x256xf32, #tpu.memory_space<hbm>>) target(%dma_start3A_483 : memref<48x256xf32, #tpu.memory_space<vmem>>) offsets(%dma_start3A_486 : memref<48xi32, #tpu.memory_space<vmem>>) semaphore(%arg17 : memref<!tpu.dma_semaphore, #tpu.memory_space<semaphore_mem>>)
      %dma_start3A_490 = arith.constant 2 : i32
      %dma_start3A_491 = arith.constant 2 : i32
      %dma_start3A_492 = arith.constant 0 : i32
      %dma_start3A_493 = arith.constant 0 : i32
      %dma_start3A_494 = tpu.memref_slice %arg10[%dma_start3A_491, %dma_start3A_492, %dma_start3A_493] : memref<4x48x256xf32, #tpu.memory_space<vmem>> -> memref<1x48x256xf32, #tpu.memory_space<vmem>>
      %dma_start3A_495 = tpu.memref_squeeze %dma_start3A_494 : memref<1x48x256xf32, #tpu.memory_space<vmem>> -> memref<48x256xf32, #tpu.memory_space<vmem>>
      %dma_start3A_496 = arith.constant 0 : i32
      %dma_start3A_497 = tpu.memref_slice %arg8[%dma_start3A_490, %dma_start3A_496] : memref<4x48xi32, #tpu.memory_space<vmem>> -> memref<1x48xi32, #tpu.memory_space<vmem>>
      %dma_start3A_498 = tpu.memref_squeeze %dma_start3A_497 : memref<1x48xi32, #tpu.memory_space<vmem>> -> memref<48xi32, #tpu.memory_space<vmem>>
      %dma_start3A_499 = arith.constant 0 : i32
      %dma_start3A_500 = arith.constant 0 : i32
      %dma_start3A_501 = tpu.memref_slice %arg3[%dma_start3A_499, %dma_start3A_500] : memref<10000x256xf32, #tpu.memory_space<hbm>> -> memref<10000x256xf32, #tpu.memory_space<hbm>>
      tpu.enqueue_indirect_dma source(%dma_start3A_501 : memref<10000x256xf32, #tpu.memory_space<hbm>>) target(%dma_start3A_495 : memref<48x256xf32, #tpu.memory_space<vmem>>) offsets(%dma_start3A_498 : memref<48xi32, #tpu.memory_space<vmem>>) semaphore(%arg21 : memref<!tpu.dma_semaphore, #tpu.memory_space<semaphore_mem>>)
      %add3A_502 = arith.constant 4 : i32
      %add3A_503 = arith.addi %add3A_450, %add3A_502 : i32
      %lt3A_504 = arith.constant 104 : i32
      %lt3A_505 = arith.cmpi slt, %add3A_503, %lt3A_504 : i32
      %convert_element_type3A_506 = arith.extui %lt3A_505 : i1 to i32
      %cond3A_507 = arith.constant 0 : i32
      %cond3A_508 = arith.cmpi ne, %convert_element_type3A_506, %cond3A_507 : i32
      scf.if %cond3A_508 {
        %add3A_683 = arith.constant 4 : i32
        %add3A_684 = arith.addi %add3A_450, %add3A_683 : i32
        %add3A_685 = arith.constant 160000 : i32
        %add3A_686 = arith.addi %add3A_685, %mul3A_2 : i32
        %mul3A_687 = arith.constant 48 : i32
        %mul3A_688 = arith.muli %add3A_684, %mul3A_687 : i32
        %add3A_689 = arith.addi %add3A_686, %mul3A_688 : i32
        %dma_start3A_690 = arith.constant 2 : i32
        %dma_start3A_691 = arith.constant 0 : i32
        %dma_start3A_692 = tpu.memref_slice %arg7[%dma_start3A_690, %dma_start3A_691] : memref<4x48xi32, #tpu.memory_space<vmem>> -> memref<1x48xi32, #tpu.memory_space<vmem>>
        %dma_start3A_693 = tpu.memref_squeeze %dma_start3A_692 : memref<1x48xi32, #tpu.memory_space<vmem>> -> memref<48xi32, #tpu.memory_space<vmem>>
        %dma_start3A_694 = tpu.memref_slice %arg4[%add3A_689] : memref<320000xi32, #tpu.memory_space<hbm>> -> memref<48xi32, #tpu.memory_space<hbm>>
        %dma_start3A_695 = arith.constant 0 : i32
        %dma_start3A_696 = tpu.memref_slice %arg7[%dma_start3A_690, %dma_start3A_695] : memref<4x48xi32, #tpu.memory_space<vmem>> -> memref<1x48xi32, #tpu.memory_space<vmem>>
        %dma_start3A_697 = tpu.memref_squeeze %dma_start3A_696 : memref<1x48xi32, #tpu.memory_space<vmem>> -> memref<48xi32, #tpu.memory_space<vmem>>
        %dma_start3A_698 = tpu.memref_slice %arg4[%add3A_689] : memref<320000xi32, #tpu.memory_space<hbm>> -> memref<48xi32, #tpu.memory_space<hbm>>
        tpu.enqueue_dma source(%dma_start3A_698 : memref<48xi32, #tpu.memory_space<hbm>>) target(%dma_start3A_697 : memref<48xi32, #tpu.memory_space<vmem>>) target_semaphore(%arg13 : memref<!tpu.dma_semaphore, #tpu.memory_space<semaphore_mem>>)
        %mul3A_699 = arith.constant 48 : i32
        %mul3A_700 = arith.muli %add3A_684, %mul3A_699 : i32
        %add3A_701 = arith.addi %mul3A_2, %mul3A_700 : i32
        %dma_start3A_702 = arith.constant 2 : i32
        %dma_start3A_703 = arith.constant 0 : i32
        %dma_start3A_704 = tpu.memref_slice %arg8[%dma_start3A_702, %dma_start3A_703] : memref<4x48xi32, #tpu.memory_space<vmem>> -> memref<1x48xi32, #tpu.memory_space<vmem>>
        %dma_start3A_705 = tpu.memref_squeeze %dma_start3A_704 : memref<1x48xi32, #tpu.memory_space<vmem>> -> memref<48xi32, #tpu.memory_space<vmem>>
        %dma_start3A_706 = tpu.memref_slice %arg4[%add3A_701] : memref<320000xi32, #tpu.memory_space<hbm>> -> memref<48xi32, #tpu.memory_space<hbm>>
        %dma_start3A_707 = arith.constant 0 : i32
        %dma_start3A_708 = tpu.memref_slice %arg8[%dma_start3A_702, %dma_start3A_707] : memref<4x48xi32, #tpu.memory_space<vmem>> -> memref<1x48xi32, #tpu.memory_space<vmem>>
        %dma_start3A_709 = tpu.memref_squeeze %dma_start3A_708 : memref<1x48xi32, #tpu.memory_space<vmem>> -> memref<48xi32, #tpu.memory_space<vmem>>
        %dma_start3A_710 = tpu.memref_slice %arg4[%add3A_701] : memref<320000xi32, #tpu.memory_space<hbm>> -> memref<48xi32, #tpu.memory_space<hbm>>
        tpu.enqueue_dma source(%dma_start3A_710 : memref<48xi32, #tpu.memory_space<hbm>>) target(%dma_start3A_709 : memref<48xi32, #tpu.memory_space<vmem>>) target_semaphore(%arg13 : memref<!tpu.dma_semaphore, #tpu.memory_space<semaphore_mem>>)
      } else {
      }
      %dma_wait3A_509 = arith.constant 2 : i32
      %dma_wait3A_510 = arith.constant 2 : i32
      %dma_wait3A_511 = arith.constant 0 : i32
      %dma_wait3A_512 = arith.constant 0 : i32
      %dma_wait3A_513 = tpu.memref_slice %arg9[%dma_wait3A_510, %dma_wait3A_511, %dma_wait3A_512] : memref<4x48x256xf32, #tpu.memory_space<vmem>> -> memref<1x48x256xf32, #tpu.memory_space<vmem>>
      %dma_wait3A_514 = tpu.memref_squeeze %dma_wait3A_513 : memref<1x48x256xf32, #tpu.memory_space<vmem>> -> memref<48x256xf32, #tpu.memory_space<vmem>>
      %dma_wait3A_515 = arith.constant 0 : i32
      %dma_wait3A_516 = tpu.memref_slice %arg7[%dma_wait3A_509, %dma_wait3A_515] : memref<4x48xi32, #tpu.memory_space<vmem>> -> memref<1x48xi32, #tpu.memory_space<vmem>>
      %dma_wait3A_517 = tpu.memref_squeeze %dma_wait3A_516 : memref<1x48xi32, #tpu.memory_space<vmem>> -> memref<48xi32, #tpu.memory_space<vmem>>
      %dma_wait3A_518 = arith.constant 0 : i32
      %dma_wait3A_519 = arith.constant 0 : i32
      %dma_wait3A_520 = tpu.memref_slice %arg2[%dma_wait3A_518, %dma_wait3A_519] : memref<10000x256xf32, #tpu.memory_space<hbm>> -> memref<10000x256xf32, #tpu.memory_space<hbm>>
      tpu.wait_indirect_dma semaphore(%arg17 : memref<!tpu.dma_semaphore, #tpu.memory_space<semaphore_mem>>) src(%dma_wait3A_520 : memref<10000x256xf32, #tpu.memory_space<hbm>>) dst(%dma_wait3A_514 : memref<48x256xf32, #tpu.memory_space<vmem>>)
      %dma_wait3A_521 = arith.constant 2 : i32
      %dma_wait3A_522 = arith.constant 2 : i32
      %dma_wait3A_523 = arith.constant 0 : i32
      %dma_wait3A_524 = arith.constant 0 : i32
      %dma_wait3A_525 = tpu.memref_slice %arg10[%dma_wait3A_522, %dma_wait3A_523, %dma_wait3A_524] : memref<4x48x256xf32, #tpu.memory_space<vmem>> -> memref<1x48x256xf32, #tpu.memory_space<vmem>>
      %dma_wait3A_526 = tpu.memref_squeeze %dma_wait3A_525 : memref<1x48x256xf32, #tpu.memory_space<vmem>> -> memref<48x256xf32, #tpu.memory_space<vmem>>
      %dma_wait3A_527 = arith.constant 0 : i32
      %dma_wait3A_528 = tpu.memref_slice %arg8[%dma_wait3A_521, %dma_wait3A_527] : memref<4x48xi32, #tpu.memory_space<vmem>> -> memref<1x48xi32, #tpu.memory_space<vmem>>
      %dma_wait3A_529 = tpu.memref_squeeze %dma_wait3A_528 : memref<1x48xi32, #tpu.memory_space<vmem>> -> memref<48xi32, #tpu.memory_space<vmem>>
      %dma_wait3A_530 = arith.constant 0 : i32
      %dma_wait3A_531 = arith.constant 0 : i32
      %dma_wait3A_532 = tpu.memref_slice %arg3[%dma_wait3A_530, %dma_wait3A_531] : memref<10000x256xf32, #tpu.memory_space<hbm>> -> memref<10000x256xf32, #tpu.memory_space<hbm>>
      tpu.wait_indirect_dma semaphore(%arg21 : memref<!tpu.dma_semaphore, #tpu.memory_space<semaphore_mem>>) src(%dma_wait3A_532 : memref<10000x256xf32, #tpu.memory_space<hbm>>) dst(%dma_wait3A_526 : memref<48x256xf32, #tpu.memory_space<vmem>>)
      %mul3A_533 = arith.constant 48 : i32
      %mul3A_534 = arith.muli %add3A_450, %mul3A_533 : i32
      %add3A_535 = arith.addi %mul3A_2, %mul3A_534 : i32
      %dma_start3A_536 = arith.constant 2 : i32
      %dma_start3A_537 = arith.constant 0 : i32
      %dma_start3A_538 = arith.constant 0 : i32
      %dma_start3A_539 = tpu.memref_slice %arg9[%dma_start3A_536, %dma_start3A_537, %dma_start3A_538] : memref<4x48x256xf32, #tpu.memory_space<vmem>> -> memref<1x48x256xf32, #tpu.memory_space<vmem>>
      %dma_start3A_540 = tpu.memref_squeeze %dma_start3A_539 : memref<1x48x256xf32, #tpu.memory_space<vmem>> -> memref<48x256xf32, #tpu.memory_space<vmem>>
      %dma_start3A_541 = arith.constant 0 : i32
      %dma_start3A_542 = tpu.memref_slice %arg5[%add3A_535, %dma_start3A_541] : memref<160000x256xf32, #tpu.memory_space<hbm>> -> memref<48x256xf32, #tpu.memory_space<hbm>>
      %dma_start3A_543 = arith.constant 0 : i32
      %dma_start3A_544 = tpu.memref_slice %arg5[%add3A_535, %dma_start3A_543] : memref<160000x256xf32, #tpu.memory_space<hbm>> -> memref<48x256xf32, #tpu.memory_space<hbm>>
      %dma_start3A_545 = arith.constant 0 : i32
      %dma_start3A_546 = arith.constant 0 : i32
      %dma_start3A_547 = tpu.memref_slice %arg9[%dma_start3A_536, %dma_start3A_545, %dma_start3A_546] : memref<4x48x256xf32, #tpu.memory_space<vmem>> -> memref<1x48x256xf32, #tpu.memory_space<vmem>>
      %dma_start3A_548 = tpu.memref_squeeze %dma_start3A_547 : memref<1x48x256xf32, #tpu.memory_space<vmem>> -> memref<48x256xf32, #tpu.memory_space<vmem>>
      tpu.enqueue_dma source(%dma_start3A_548 : memref<48x256xf32, #tpu.memory_space<vmem>>) target(%dma_start3A_544 : memref<48x256xf32, #tpu.memory_space<hbm>>) target_semaphore(%arg25 : memref<!tpu.dma_semaphore, #tpu.memory_space<semaphore_mem>>)
      %mul3A_549 = arith.constant 48 : i32
      %mul3A_550 = arith.muli %add3A_450, %mul3A_549 : i32
      %add3A_551 = arith.addi %mul3A_2, %mul3A_550 : i32
      %dma_start3A_552 = arith.constant 2 : i32
      %dma_start3A_553 = arith.constant 0 : i32
      %dma_start3A_554 = arith.constant 0 : i32
      %dma_start3A_555 = tpu.memref_slice %arg10[%dma_start3A_552, %dma_start3A_553, %dma_start3A_554] : memref<4x48x256xf32, #tpu.memory_space<vmem>> -> memref<1x48x256xf32, #tpu.memory_space<vmem>>
      %dma_start3A_556 = tpu.memref_squeeze %dma_start3A_555 : memref<1x48x256xf32, #tpu.memory_space<vmem>> -> memref<48x256xf32, #tpu.memory_space<vmem>>
      %dma_start3A_557 = arith.constant 0 : i32
      %dma_start3A_558 = tpu.memref_slice %arg6[%add3A_551, %dma_start3A_557] : memref<160000x256xf32, #tpu.memory_space<hbm>> -> memref<48x256xf32, #tpu.memory_space<hbm>>
      %dma_start3A_559 = arith.constant 0 : i32
      %dma_start3A_560 = tpu.memref_slice %arg6[%add3A_551, %dma_start3A_559] : memref<160000x256xf32, #tpu.memory_space<hbm>> -> memref<48x256xf32, #tpu.memory_space<hbm>>
      %dma_start3A_561 = arith.constant 0 : i32
      %dma_start3A_562 = arith.constant 0 : i32
      %dma_start3A_563 = tpu.memref_slice %arg10[%dma_start3A_552, %dma_start3A_561, %dma_start3A_562] : memref<4x48x256xf32, #tpu.memory_space<vmem>> -> memref<1x48x256xf32, #tpu.memory_space<vmem>>
      %dma_start3A_564 = tpu.memref_squeeze %dma_start3A_563 : memref<1x48x256xf32, #tpu.memory_space<vmem>> -> memref<48x256xf32, #tpu.memory_space<vmem>>
      tpu.enqueue_dma source(%dma_start3A_564 : memref<48x256xf32, #tpu.memory_space<vmem>>) target(%dma_start3A_560 : memref<48x256xf32, #tpu.memory_space<hbm>>) target_semaphore(%arg25 : memref<!tpu.dma_semaphore, #tpu.memory_space<semaphore_mem>>)
      %mul3A_565 = arith.constant 4 : i32
      %mul3A_566 = arith.muli %scan3A_212, %mul3A_565 : i32
      %add3A_567 = arith.constant 3 : i32
      %add3A_568 = arith.addi %mul3A_566, %add3A_567 : i32
      %dma_wait3A_569 = arith.constant 3 : i32
      %dma_wait3A_570 = arith.constant 0 : i32
      %dma_wait3A_571 = tpu.memref_slice %arg7[%dma_wait3A_569, %dma_wait3A_570] : memref<4x48xi32, #tpu.memory_space<vmem>> -> memref<1x48xi32, #tpu.memory_space<vmem>>
      %dma_wait3A_572 = tpu.memref_squeeze %dma_wait3A_571 : memref<1x48xi32, #tpu.memory_space<vmem>> -> memref<48xi32, #tpu.memory_space<vmem>>
      %dma_wait3A_573 = arith.constant 0 : i32
      %dma_wait3A_574 = tpu.memref_slice %arg4[%dma_wait3A_573] : memref<320000xi32, #tpu.memory_space<hbm>> -> memref<48xi32, #tpu.memory_space<hbm>>
      %dma_wait3A_575 = arith.constant 0 : i32
      %dma_wait3A_576 = tpu.memref_slice %arg7[%dma_wait3A_569, %dma_wait3A_575] : memref<4x48xi32, #tpu.memory_space<vmem>> -> memref<1x48xi32, #tpu.memory_space<vmem>>
      %dma_wait3A_577 = tpu.memref_squeeze %dma_wait3A_576 : memref<1x48xi32, #tpu.memory_space<vmem>> -> memref<48xi32, #tpu.memory_space<vmem>>
      %dma_wait3A_578 = arith.constant 0 : i32
      %dma_wait3A_579 = tpu.memref_slice %arg4[%dma_wait3A_578] : memref<320000xi32, #tpu.memory_space<hbm>> -> memref<48xi32, #tpu.memory_space<hbm>>
      tpu.wait_dma2 semaphore(%arg14 : memref<!tpu.dma_semaphore, #tpu.memory_space<semaphore_mem>>) src(%dma_wait3A_579 : memref<48xi32, #tpu.memory_space<hbm>>) dst(%dma_wait3A_577 : memref<48xi32, #tpu.memory_space<vmem>>)
      %dma_wait3A_580 = arith.constant 3 : i32
      %dma_wait3A_581 = arith.constant 0 : i32
      %dma_wait3A_582 = tpu.memref_slice %arg8[%dma_wait3A_580, %dma_wait3A_581] : memref<4x48xi32, #tpu.memory_space<vmem>> -> memref<1x48xi32, #tpu.memory_space<vmem>>
      %dma_wait3A_583 = tpu.memref_squeeze %dma_wait3A_582 : memref<1x48xi32, #tpu.memory_space<vmem>> -> memref<48xi32, #tpu.memory_space<vmem>>
      %dma_wait3A_584 = arith.constant 0 : i32
      %dma_wait3A_585 = tpu.memref_slice %arg4[%dma_wait3A_584] : memref<320000xi32, #tpu.memory_space<hbm>> -> memref<48xi32, #tpu.memory_space<hbm>>
      %dma_wait3A_586 = arith.constant 0 : i32
      %dma_wait3A_587 = tpu.memref_slice %arg8[%dma_wait3A_580, %dma_wait3A_586] : memref<4x48xi32, #tpu.memory_space<vmem>> -> memref<1x48xi32, #tpu.memory_space<vmem>>
      %dma_wait3A_588 = tpu.memref_squeeze %dma_wait3A_587 : memref<1x48xi32, #tpu.memory_space<vmem>> -> memref<48xi32, #tpu.memory_space<vmem>>
      %dma_wait3A_589 = arith.constant 0 : i32
      %dma_wait3A_590 = tpu.memref_slice %arg4[%dma_wait3A_589] : memref<320000xi32, #tpu.memory_space<hbm>> -> memref<48xi32, #tpu.memory_space<hbm>>
      tpu.wait_dma2 semaphore(%arg14 : memref<!tpu.dma_semaphore, #tpu.memory_space<semaphore_mem>>) src(%dma_wait3A_590 : memref<48xi32, #tpu.memory_space<hbm>>) dst(%dma_wait3A_588 : memref<48xi32, #tpu.memory_space<vmem>>)
      %ge3A_591 = arith.constant 4 : i32
      %ge3A_592 = arith.cmpi sge, %add3A_568, %ge3A_591 : i32
      %convert_element_type3A_593 = arith.extui %ge3A_592 : i1 to i32
      %cond3A_594 = arith.constant 0 : i32
      %cond3A_595 = arith.cmpi ne, %convert_element_type3A_593, %cond3A_594 : i32
      scf.if %cond3A_595 {
        %dma_wait3A_683 = arith.constant 3 : i32
        %dma_wait3A_684 = arith.constant 0 : i32
        %dma_wait3A_685 = arith.constant 0 : i32
        %dma_wait3A_686 = tpu.memref_slice %arg9[%dma_wait3A_683, %dma_wait3A_684, %dma_wait3A_685] : memref<4x48x256xf32, #tpu.memory_space<vmem>> -> memref<1x48x256xf32, #tpu.memory_space<vmem>>
        %dma_wait3A_687 = tpu.memref_squeeze %dma_wait3A_686 : memref<1x48x256xf32, #tpu.memory_space<vmem>> -> memref<48x256xf32, #tpu.memory_space<vmem>>
        %dma_wait3A_688 = arith.constant 0 : i32
        %dma_wait3A_689 = tpu.memref_slice %arg5[%mul3A_2, %dma_wait3A_688] : memref<160000x256xf32, #tpu.memory_space<hbm>> -> memref<48x256xf32, #tpu.memory_space<hbm>>
        %dma_wait3A_690 = arith.constant 0 : i32
        %dma_wait3A_691 = tpu.memref_slice %arg5[%mul3A_2, %dma_wait3A_690] : memref<160000x256xf32, #tpu.memory_space<hbm>> -> memref<48x256xf32, #tpu.memory_space<hbm>>
        %dma_wait3A_692 = arith.constant 0 : i32
        %dma_wait3A_693 = arith.constant 0 : i32
        %dma_wait3A_694 = tpu.memref_slice %arg9[%dma_wait3A_683, %dma_wait3A_692, %dma_wait3A_693] : memref<4x48x256xf32, #tpu.memory_space<vmem>> -> memref<1x48x256xf32, #tpu.memory_space<vmem>>
        %dma_wait3A_695 = tpu.memref_squeeze %dma_wait3A_694 : memref<1x48x256xf32, #tpu.memory_space<vmem>> -> memref<48x256xf32, #tpu.memory_space<vmem>>
        tpu.wait_dma2 semaphore(%arg26 : memref<!tpu.dma_semaphore, #tpu.memory_space<semaphore_mem>>) src(%dma_wait3A_695 : memref<48x256xf32, #tpu.memory_space<vmem>>) dst(%dma_wait3A_691 : memref<48x256xf32, #tpu.memory_space<hbm>>)
        %dma_wait3A_696 = arith.constant 3 : i32
        %dma_wait3A_697 = arith.constant 0 : i32
        %dma_wait3A_698 = arith.constant 0 : i32
        %dma_wait3A_699 = tpu.memref_slice %arg10[%dma_wait3A_696, %dma_wait3A_697, %dma_wait3A_698] : memref<4x48x256xf32, #tpu.memory_space<vmem>> -> memref<1x48x256xf32, #tpu.memory_space<vmem>>
        %dma_wait3A_700 = tpu.memref_squeeze %dma_wait3A_699 : memref<1x48x256xf32, #tpu.memory_space<vmem>> -> memref<48x256xf32, #tpu.memory_space<vmem>>
        %dma_wait3A_701 = arith.constant 0 : i32
        %dma_wait3A_702 = tpu.memref_slice %arg6[%mul3A_2, %dma_wait3A_701] : memref<160000x256xf32, #tpu.memory_space<hbm>> -> memref<48x256xf32, #tpu.memory_space<hbm>>
        %dma_wait3A_703 = arith.constant 0 : i32
        %dma_wait3A_704 = tpu.memref_slice %arg6[%mul3A_2, %dma_wait3A_703] : memref<160000x256xf32, #tpu.memory_space<hbm>> -> memref<48x256xf32, #tpu.memory_space<hbm>>
        %dma_wait3A_705 = arith.constant 0 : i32
        %dma_wait3A_706 = arith.constant 0 : i32
        %dma_wait3A_707 = tpu.memref_slice %arg10[%dma_wait3A_696, %dma_wait3A_705, %dma_wait3A_706] : memref<4x48x256xf32, #tpu.memory_space<vmem>> -> memref<1x48x256xf32, #tpu.memory_space<vmem>>
        %dma_wait3A_708 = tpu.memref_squeeze %dma_wait3A_707 : memref<1x48x256xf32, #tpu.memory_space<vmem>> -> memref<48x256xf32, #tpu.memory_space<vmem>>
        tpu.wait_dma2 semaphore(%arg26 : memref<!tpu.dma_semaphore, #tpu.memory_space<semaphore_mem>>) src(%dma_wait3A_708 : memref<48x256xf32, #tpu.memory_space<vmem>>) dst(%dma_wait3A_704 : memref<48x256xf32, #tpu.memory_space<hbm>>)
      } else {
      }
      %dma_start3A_596 = arith.constant 3 : i32
      %dma_start3A_597 = arith.constant 3 : i32
      %dma_start3A_598 = arith.constant 0 : i32
      %dma_start3A_599 = arith.constant 0 : i32
      %dma_start3A_600 = tpu.memref_slice %arg9[%dma_start3A_597, %dma_start3A_598, %dma_start3A_599] : memref<4x48x256xf32, #tpu.memory_space<vmem>> -> memref<1x48x256xf32, #tpu.memory_space<vmem>>
      %dma_start3A_601 = tpu.memref_squeeze %dma_start3A_600 : memref<1x48x256xf32, #tpu.memory_space<vmem>> -> memref<48x256xf32, #tpu.memory_space<vmem>>
      %dma_start3A_602 = arith.constant 0 : i32
      %dma_start3A_603 = tpu.memref_slice %arg7[%dma_start3A_596, %dma_start3A_602] : memref<4x48xi32, #tpu.memory_space<vmem>> -> memref<1x48xi32, #tpu.memory_space<vmem>>
      %dma_start3A_604 = tpu.memref_squeeze %dma_start3A_603 : memref<1x48xi32, #tpu.memory_space<vmem>> -> memref<48xi32, #tpu.memory_space<vmem>>
      %dma_start3A_605 = arith.constant 0 : i32
      %dma_start3A_606 = arith.constant 0 : i32
      %dma_start3A_607 = tpu.memref_slice %arg2[%dma_start3A_605, %dma_start3A_606] : memref<10000x256xf32, #tpu.memory_space<hbm>> -> memref<10000x256xf32, #tpu.memory_space<hbm>>
      tpu.enqueue_indirect_dma source(%dma_start3A_607 : memref<10000x256xf32, #tpu.memory_space<hbm>>) target(%dma_start3A_601 : memref<48x256xf32, #tpu.memory_space<vmem>>) offsets(%dma_start3A_604 : memref<48xi32, #tpu.memory_space<vmem>>) semaphore(%arg18 : memref<!tpu.dma_semaphore, #tpu.memory_space<semaphore_mem>>)
      %dma_start3A_608 = arith.constant 3 : i32
      %dma_start3A_609 = arith.constant 3 : i32
      %dma_start3A_610 = arith.constant 0 : i32
      %dma_start3A_611 = arith.constant 0 : i32
      %dma_start3A_612 = tpu.memref_slice %arg10[%dma_start3A_609, %dma_start3A_610, %dma_start3A_611] : memref<4x48x256xf32, #tpu.memory_space<vmem>> -> memref<1x48x256xf32, #tpu.memory_space<vmem>>
      %dma_start3A_613 = tpu.memref_squeeze %dma_start3A_612 : memref<1x48x256xf32, #tpu.memory_space<vmem>> -> memref<48x256xf32, #tpu.memory_space<vmem>>
      %dma_start3A_614 = arith.constant 0 : i32
      %dma_start3A_615 = tpu.memref_slice %arg8[%dma_start3A_608, %dma_start3A_614] : memref<4x48xi32, #tpu.memory_space<vmem>> -> memref<1x48xi32, #tpu.memory_space<vmem>>
      %dma_start3A_616 = tpu.memref_squeeze %dma_start3A_615 : memref<1x48xi32, #tpu.memory_space<vmem>> -> memref<48xi32, #tpu.memory_space<vmem>>
      %dma_start3A_617 = arith.constant 0 : i32
      %dma_start3A_618 = arith.constant 0 : i32
      %dma_start3A_619 = tpu.memref_slice %arg3[%dma_start3A_617, %dma_start3A_618] : memref<10000x256xf32, #tpu.memory_space<hbm>> -> memref<10000x256xf32, #tpu.memory_space<hbm>>
      tpu.enqueue_indirect_dma source(%dma_start3A_619 : memref<10000x256xf32, #tpu.memory_space<hbm>>) target(%dma_start3A_613 : memref<48x256xf32, #tpu.memory_space<vmem>>) offsets(%dma_start3A_616 : memref<48xi32, #tpu.memory_space<vmem>>) semaphore(%arg22 : memref<!tpu.dma_semaphore, #tpu.memory_space<semaphore_mem>>)
      %add3A_620 = arith.constant 4 : i32
      %add3A_621 = arith.addi %add3A_568, %add3A_620 : i32
      %lt3A_622 = arith.constant 104 : i32
      %lt3A_623 = arith.cmpi slt, %add3A_621, %lt3A_622 : i32
      %convert_element_type3A_624 = arith.extui %lt3A_623 : i1 to i32
      %cond3A_625 = arith.constant 0 : i32
      %cond3A_626 = arith.cmpi ne, %convert_element_type3A_624, %cond3A_625 : i32
      scf.if %cond3A_626 {
        %add3A_683 = arith.constant 4 : i32
        %add3A_684 = arith.addi %add3A_568, %add3A_683 : i32
        %add3A_685 = arith.constant 160000 : i32
        %add3A_686 = arith.addi %add3A_685, %mul3A_2 : i32
        %mul3A_687 = arith.constant 48 : i32
        %mul3A_688 = arith.muli %add3A_684, %mul3A_687 : i32
        %add3A_689 = arith.addi %add3A_686, %mul3A_688 : i32
        %dma_start3A_690 = arith.constant 3 : i32
        %dma_start3A_691 = arith.constant 0 : i32
        %dma_start3A_692 = tpu.memref_slice %arg7[%dma_start3A_690, %dma_start3A_691] : memref<4x48xi32, #tpu.memory_space<vmem>> -> memref<1x48xi32, #tpu.memory_space<vmem>>
        %dma_start3A_693 = tpu.memref_squeeze %dma_start3A_692 : memref<1x48xi32, #tpu.memory_space<vmem>> -> memref<48xi32, #tpu.memory_space<vmem>>
        %dma_start3A_694 = tpu.memref_slice %arg4[%add3A_689] : memref<320000xi32, #tpu.memory_space<hbm>> -> memref<48xi32, #tpu.memory_space<hbm>>
        %dma_start3A_695 = arith.constant 0 : i32
        %dma_start3A_696 = tpu.memref_slice %arg7[%dma_start3A_690, %dma_start3A_695] : memref<4x48xi32, #tpu.memory_space<vmem>> -> memref<1x48xi32, #tpu.memory_space<vmem>>
        %dma_start3A_697 = tpu.memref_squeeze %dma_start3A_696 : memref<1x48xi32, #tpu.memory_space<vmem>> -> memref<48xi32, #tpu.memory_space<vmem>>
        %dma_start3A_698 = tpu.memref_slice %arg4[%add3A_689] : memref<320000xi32, #tpu.memory_space<hbm>> -> memref<48xi32, #tpu.memory_space<hbm>>
        tpu.enqueue_dma source(%dma_start3A_698 : memref<48xi32, #tpu.memory_space<hbm>>) target(%dma_start3A_697 : memref<48xi32, #tpu.memory_space<vmem>>) target_semaphore(%arg14 : memref<!tpu.dma_semaphore, #tpu.memory_space<semaphore_mem>>)
        %mul3A_699 = arith.constant 48 : i32
        %mul3A_700 = arith.muli %add3A_684, %mul3A_699 : i32
        %add3A_701 = arith.addi %mul3A_2, %mul3A_700 : i32
        %dma_start3A_702 = arith.constant 3 : i32
        %dma_start3A_703 = arith.constant 0 : i32
        %dma_start3A_704 = tpu.memref_slice %arg8[%dma_start3A_702, %dma_start3A_703] : memref<4x48xi32, #tpu.memory_space<vmem>> -> memref<1x48xi32, #tpu.memory_space<vmem>>
        %dma_start3A_705 = tpu.memref_squeeze %dma_start3A_704 : memref<1x48xi32, #tpu.memory_space<vmem>> -> memref<48xi32, #tpu.memory_space<vmem>>
        %dma_start3A_706 = tpu.memref_slice %arg4[%add3A_701] : memref<320000xi32, #tpu.memory_space<hbm>> -> memref<48xi32, #tpu.memory_space<hbm>>
        %dma_start3A_707 = arith.constant 0 : i32
        %dma_start3A_708 = tpu.memref_slice %arg8[%dma_start3A_702, %dma_start3A_707] : memref<4x48xi32, #tpu.memory_space<vmem>> -> memref<1x48xi32, #tpu.memory_space<vmem>>
        %dma_start3A_709 = tpu.memref_squeeze %dma_start3A_708 : memref<1x48xi32, #tpu.memory_space<vmem>> -> memref<48xi32, #tpu.memory_space<vmem>>
        %dma_start3A_710 = tpu.memref_slice %arg4[%add3A_701] : memref<320000xi32, #tpu.memory_space<hbm>> -> memref<48xi32, #tpu.memory_space<hbm>>
        tpu.enqueue_dma source(%dma_start3A_710 : memref<48xi32, #tpu.memory_space<hbm>>) target(%dma_start3A_709 : memref<48xi32, #tpu.memory_space<vmem>>) target_semaphore(%arg14 : memref<!tpu.dma_semaphore, #tpu.memory_space<semaphore_mem>>)
      } else {
      }
      %dma_wait3A_627 = arith.constant 3 : i32
      %dma_wait3A_628 = arith.constant 3 : i32
      %dma_wait3A_629 = arith.constant 0 : i32
      %dma_wait3A_630 = arith.constant 0 : i32
      %dma_wait3A_631 = tpu.memref_slice %arg9[%dma_wait3A_628, %dma_wait3A_629, %dma_wait3A_630] : memref<4x48x256xf32, #tpu.memory_space<vmem>> -> memref<1x48x256xf32, #tpu.memory_space<vmem>>
      %dma_wait3A_632 = tpu.memref_squeeze %dma_wait3A_631 : memref<1x48x256xf32, #tpu.memory_space<vmem>> -> memref<48x256xf32, #tpu.memory_space<vmem>>
      %dma_wait3A_633 = arith.constant 0 : i32
      %dma_wait3A_634 = tpu.memref_slice %arg7[%dma_wait3A_627, %dma_wait3A_633] : memref<4x48xi32, #tpu.memory_space<vmem>> -> memref<1x48xi32, #tpu.memory_space<vmem>>
      %dma_wait3A_635 = tpu.memref_squeeze %dma_wait3A_634 : memref<1x48xi32, #tpu.memory_space<vmem>> -> memref<48xi32, #tpu.memory_space<vmem>>
      %dma_wait3A_636 = arith.constant 0 : i32
      %dma_wait3A_637 = arith.constant 0 : i32
      %dma_wait3A_638 = tpu.memref_slice %arg2[%dma_wait3A_636, %dma_wait3A_637] : memref<10000x256xf32, #tpu.memory_space<hbm>> -> memref<10000x256xf32, #tpu.memory_space<hbm>>
      tpu.wait_indirect_dma semaphore(%arg18 : memref<!tpu.dma_semaphore, #tpu.memory_space<semaphore_mem>>) src(%dma_wait3A_638 : memref<10000x256xf32, #tpu.memory_space<hbm>>) dst(%dma_wait3A_632 : memref<48x256xf32, #tpu.memory_space<vmem>>)
      %dma_wait3A_639 = arith.constant 3 : i32
      %dma_wait3A_640 = arith.constant 3 : i32
      %dma_wait3A_641 = arith.constant 0 : i32
      %dma_wait3A_642 = arith.constant 0 : i32
      %dma_wait3A_643 = tpu.memref_slice %arg10[%dma_wait3A_640, %dma_wait3A_641, %dma_wait3A_642] : memref<4x48x256xf32, #tpu.memory_space<vmem>> -> memref<1x48x256xf32, #tpu.memory_space<vmem>>
      %dma_wait3A_644 = tpu.memref_squeeze %dma_wait3A_643 : memref<1x48x256xf32, #tpu.memory_space<vmem>> -> memref<48x256xf32, #tpu.memory_space<vmem>>
      %dma_wait3A_645 = arith.constant 0 : i32
      %dma_wait3A_646 = tpu.memref_slice %arg8[%dma_wait3A_639, %dma_wait3A_645] : memref<4x48xi32, #tpu.memory_space<vmem>> -> memref<1x48xi32, #tpu.memory_space<vmem>>
      %dma_wait3A_647 = tpu.memref_squeeze %dma_wait3A_646 : memref<1x48xi32, #tpu.memory_space<vmem>> -> memref<48xi32, #tpu.memory_space<vmem>>
      %dma_wait3A_648 = arith.constant 0 : i32
      %dma_wait3A_649 = arith.constant 0 : i32
      %dma_wait3A_650 = tpu.memref_slice %arg3[%dma_wait3A_648, %dma_wait3A_649] : memref<10000x256xf32, #tpu.memory_space<hbm>> -> memref<10000x256xf32, #tpu.memory_space<hbm>>
      tpu.wait_indirect_dma semaphore(%arg22 : memref<!tpu.dma_semaphore, #tpu.memory_space<semaphore_mem>>) src(%dma_wait3A_650 : memref<10000x256xf32, #tpu.memory_space<hbm>>) dst(%dma_wait3A_644 : memref<48x256xf32, #tpu.memory_space<vmem>>)
      %mul3A_651 = arith.constant 48 : i32
      %mul3A_652 = arith.muli %add3A_568, %mul3A_651 : i32
      %add3A_653 = arith.addi %mul3A_2, %mul3A_652 : i32
      %dma_start3A_654 = arith.constant 3 : i32
      %dma_start3A_655 = arith.constant 0 : i32
      %dma_start3A_656 = arith.constant 0 : i32
      %dma_start3A_657 = tpu.memref_slice %arg9[%dma_start3A_654, %dma_start3A_655, %dma_start3A_656] : memref<4x48x256xf32, #tpu.memory_space<vmem>> -> memref<1x48x256xf32, #tpu.memory_space<vmem>>
      %dma_start3A_658 = tpu.memref_squeeze %dma_start3A_657 : memref<1x48x256xf32, #tpu.memory_space<vmem>> -> memref<48x256xf32, #tpu.memory_space<vmem>>
      %dma_start3A_659 = arith.constant 0 : i32
      %dma_start3A_660 = tpu.memref_slice %arg5[%add3A_653, %dma_start3A_659] : memref<160000x256xf32, #tpu.memory_space<hbm>> -> memref<48x256xf32, #tpu.memory_space<hbm>>
      %dma_start3A_661 = arith.constant 0 : i32
      %dma_start3A_662 = tpu.memref_slice %arg5[%add3A_653, %dma_start3A_661] : memref<160000x256xf32, #tpu.memory_space<hbm>> -> memref<48x256xf32, #tpu.memory_space<hbm>>
      %dma_start3A_663 = arith.constant 0 : i32
      %dma_start3A_664 = arith.constant 0 : i32
      %dma_start3A_665 = tpu.memref_slice %arg9[%dma_start3A_654, %dma_start3A_663, %dma_start3A_664] : memref<4x48x256xf32, #tpu.memory_space<vmem>> -> memref<1x48x256xf32, #tpu.memory_space<vmem>>
      %dma_start3A_666 = tpu.memref_squeeze %dma_start3A_665 : memref<1x48x256xf32, #tpu.memory_space<vmem>> -> memref<48x256xf32, #tpu.memory_space<vmem>>
      tpu.enqueue_dma source(%dma_start3A_666 : memref<48x256xf32, #tpu.memory_space<vmem>>) target(%dma_start3A_662 : memref<48x256xf32, #tpu.memory_space<hbm>>) target_semaphore(%arg26 : memref<!tpu.dma_semaphore, #tpu.memory_space<semaphore_mem>>)
      %mul3A_667 = arith.constant 48 : i32
      %mul3A_668 = arith.muli %add3A_568, %mul3A_667 : i32
      %add3A_669 = arith.addi %mul3A_2, %mul3A_668 : i32
      %dma_start3A_670 = arith.constant 3 : i32
      %dma_start3A_671 = arith.constant 0 : i32
      %dma_start3A_672 = arith.constant 0 : i32
      %dma_start3A_673 = tpu.memref_slice %arg10[%dma_start3A_670, %dma_start3A_671, %dma_start3A_672] : memref<4x48x256xf32, #tpu.memory_space<vmem>> -> memref<1x48x256xf32, #tpu.memory_space<vmem>>
      %dma_start3A_674 = tpu.memref_squeeze %dma_start3A_673 : memref<1x48x256xf32, #tpu.memory_space<vmem>> -> memref<48x256xf32, #tpu.memory_space<vmem>>
      %dma_start3A_675 = arith.constant 0 : i32
      %dma_start3A_676 = tpu.memref_slice %arg6[%add3A_669, %dma_start3A_675] : memref<160000x256xf32, #tpu.memory_space<hbm>> -> memref<48x256xf32, #tpu.memory_space<hbm>>
      %dma_start3A_677 = arith.constant 0 : i32
      %dma_start3A_678 = tpu.memref_slice %arg6[%add3A_669, %dma_start3A_677] : memref<160000x256xf32, #tpu.memory_space<hbm>> -> memref<48x256xf32, #tpu.memory_space<hbm>>
      %dma_start3A_679 = arith.constant 0 : i32
      %dma_start3A_680 = arith.constant 0 : i32
      %dma_start3A_681 = tpu.memref_slice %arg10[%dma_start3A_670, %dma_start3A_679, %dma_start3A_680] : memref<4x48x256xf32, #tpu.memory_space<vmem>> -> memref<1x48x256xf32, #tpu.memory_space<vmem>>
      %dma_start3A_682 = tpu.memref_squeeze %dma_start3A_681 : memref<1x48x256xf32, #tpu.memory_space<vmem>> -> memref<48x256xf32, #tpu.memory_space<vmem>>
      tpu.enqueue_dma source(%dma_start3A_682 : memref<48x256xf32, #tpu.memory_space<vmem>>) target(%dma_start3A_678 : memref<48x256xf32, #tpu.memory_space<hbm>>) target_semaphore(%arg26 : memref<!tpu.dma_semaphore, #tpu.memory_space<semaphore_mem>>)
    }
    %scan3A_102 = arith.constant 26 : i32
    %dma_wait3A = arith.constant 0 : i32
    %dma_wait3A_103 = arith.constant 0 : i32
    %dma_wait3A_104 = arith.constant 0 : i32
    %dma_wait3A_105 = tpu.memref_slice %arg9[%dma_wait3A, %dma_wait3A_103, %dma_wait3A_104] : memref<4x48x256xf32, #tpu.memory_space<vmem>> -> memref<1x48x256xf32, #tpu.memory_space<vmem>>
    %dma_wait3A_106 = tpu.memref_squeeze %dma_wait3A_105 : memref<1x48x256xf32, #tpu.memory_space<vmem>> -> memref<48x256xf32, #tpu.memory_space<vmem>>
    %dma_wait3A_107 = arith.constant 0 : i32
    %dma_wait3A_108 = tpu.memref_slice %arg5[%mul3A_2, %dma_wait3A_107] : memref<160000x256xf32, #tpu.memory_space<hbm>> -> memref<48x256xf32, #tpu.memory_space<hbm>>
    %dma_wait3A_109 = arith.constant 0 : i32
    %dma_wait3A_110 = tpu.memref_slice %arg5[%mul3A_2, %dma_wait3A_109] : memref<160000x256xf32, #tpu.memory_space<hbm>> -> memref<48x256xf32, #tpu.memory_space<hbm>>
    %dma_wait3A_111 = arith.constant 0 : i32
    %dma_wait3A_112 = arith.constant 0 : i32
    %dma_wait3A_113 = tpu.memref_slice %arg9[%dma_wait3A, %dma_wait3A_111, %dma_wait3A_112] : memref<4x48x256xf32, #tpu.memory_space<vmem>> -> memref<1x48x256xf32, #tpu.memory_space<vmem>>
    %dma_wait3A_114 = tpu.memref_squeeze %dma_wait3A_113 : memref<1x48x256xf32, #tpu.memory_space<vmem>> -> memref<48x256xf32, #tpu.memory_space<vmem>>
    tpu.wait_dma2 semaphore(%arg23 : memref<!tpu.dma_semaphore, #tpu.memory_space<semaphore_mem>>) src(%dma_wait3A_114 : memref<48x256xf32, #tpu.memory_space<vmem>>) dst(%dma_wait3A_110 : memref<48x256xf32, #tpu.memory_space<hbm>>)
    %dma_wait3A_115 = arith.constant 0 : i32
    %dma_wait3A_116 = arith.constant 0 : i32
    %dma_wait3A_117 = arith.constant 0 : i32
    %dma_wait3A_118 = tpu.memref_slice %arg10[%dma_wait3A_115, %dma_wait3A_116, %dma_wait3A_117] : memref<4x48x256xf32, #tpu.memory_space<vmem>> -> memref<1x48x256xf32, #tpu.memory_space<vmem>>
    %dma_wait3A_119 = tpu.memref_squeeze %dma_wait3A_118 : memref<1x48x256xf32, #tpu.memory_space<vmem>> -> memref<48x256xf32, #tpu.memory_space<vmem>>
    %dma_wait3A_120 = arith.constant 0 : i32
    %dma_wait3A_121 = tpu.memref_slice %arg6[%mul3A_2, %dma_wait3A_120] : memref<160000x256xf32, #tpu.memory_space<hbm>> -> memref<48x256xf32, #tpu.memory_space<hbm>>
    %dma_wait3A_122 = arith.constant 0 : i32
    %dma_wait3A_123 = tpu.memref_slice %arg6[%mul3A_2, %dma_wait3A_122] : memref<160000x256xf32, #tpu.memory_space<hbm>> -> memref<48x256xf32, #tpu.memory_space<hbm>>
    %dma_wait3A_124 = arith.constant 0 : i32
    %dma_wait3A_125 = arith.constant 0 : i32
    %dma_wait3A_126 = tpu.memref_slice %arg10[%dma_wait3A_115, %dma_wait3A_124, %dma_wait3A_125] : memref<4x48x256xf32, #tpu.memory_space<vmem>> -> memref<1x48x256xf32, #tpu.memory_space<vmem>>
    %dma_wait3A_127 = tpu.memref_squeeze %dma_wait3A_126 : memref<1x48x256xf32, #tpu.memory_space<vmem>> -> memref<48x256xf32, #tpu.memory_space<vmem>>
    tpu.wait_dma2 semaphore(%arg23 : memref<!tpu.dma_semaphore, #tpu.memory_space<semaphore_mem>>) src(%dma_wait3A_127 : memref<48x256xf32, #tpu.memory_space<vmem>>) dst(%dma_wait3A_123 : memref<48x256xf32, #tpu.memory_space<hbm>>)
    %dma_wait3A_128 = arith.constant 1 : i32
    %dma_wait3A_129 = arith.constant 0 : i32
    %dma_wait3A_130 = arith.constant 0 : i32
    %dma_wait3A_131 = tpu.memref_slice %arg9[%dma_wait3A_128, %dma_wait3A_129, %dma_wait3A_130] : memref<4x48x256xf32, #tpu.memory_space<vmem>> -> memref<1x48x256xf32, #tpu.memory_space<vmem>>
    %dma_wait3A_132 = tpu.memref_squeeze %dma_wait3A_131 : memref<1x48x256xf32, #tpu.memory_space<vmem>> -> memref<48x256xf32, #tpu.memory_space<vmem>>
    %dma_wait3A_133 = arith.constant 0 : i32
    %dma_wait3A_134 = tpu.memref_slice %arg5[%mul3A_2, %dma_wait3A_133] : memref<160000x256xf32, #tpu.memory_space<hbm>> -> memref<48x256xf32, #tpu.memory_space<hbm>>
    %dma_wait3A_135 = arith.constant 0 : i32
    %dma_wait3A_136 = tpu.memref_slice %arg5[%mul3A_2, %dma_wait3A_135] : memref<160000x256xf32, #tpu.memory_space<hbm>> -> memref<48x256xf32, #tpu.memory_space<hbm>>
    %dma_wait3A_137 = arith.constant 0 : i32
    %dma_wait3A_138 = arith.constant 0 : i32
    %dma_wait3A_139 = tpu.memref_slice %arg9[%dma_wait3A_128, %dma_wait3A_137, %dma_wait3A_138] : memref<4x48x256xf32, #tpu.memory_space<vmem>> -> memref<1x48x256xf32, #tpu.memory_space<vmem>>
    %dma_wait3A_140 = tpu.memref_squeeze %dma_wait3A_139 : memref<1x48x256xf32, #tpu.memory_space<vmem>> -> memref<48x256xf32, #tpu.memory_space<vmem>>
    tpu.wait_dma2 semaphore(%arg24 : memref<!tpu.dma_semaphore, #tpu.memory_space<semaphore_mem>>) src(%dma_wait3A_140 : memref<48x256xf32, #tpu.memory_space<vmem>>) dst(%dma_wait3A_136 : memref<48x256xf32, #tpu.memory_space<hbm>>)
    %dma_wait3A_141 = arith.constant 1 : i32
    %dma_wait3A_142 = arith.constant 0 : i32
    %dma_wait3A_143 = arith.constant 0 : i32
    %dma_wait3A_144 = tpu.memref_slice %arg10[%dma_wait3A_141, %dma_wait3A_142, %dma_wait3A_143] : memref<4x48x256xf32, #tpu.memory_space<vmem>> -> memref<1x48x256xf32, #tpu.memory_space<vmem>>
    %dma_wait3A_145 = tpu.memref_squeeze %dma_wait3A_144 : memref<1x48x256xf32, #tpu.memory_space<vmem>> -> memref<48x256xf32, #tpu.memory_space<vmem>>
    %dma_wait3A_146 = arith.constant 0 : i32
    %dma_wait3A_147 = tpu.memref_slice %arg6[%mul3A_2, %dma_wait3A_146] : memref<160000x256xf32, #tpu.memory_space<hbm>> -> memref<48x256xf32, #tpu.memory_space<hbm>>
    %dma_wait3A_148 = arith.constant 0 : i32
    %dma_wait3A_149 = tpu.memref_slice %arg6[%mul3A_2, %dma_wait3A_148] : memref<160000x256xf32, #tpu.memory_space<hbm>> -> memref<48x256xf32, #tpu.memory_space<hbm>>
    %dma_wait3A_150 = arith.constant 0 : i32
    %dma_wait3A_151 = arith.constant 0 : i32
    %dma_wait3A_152 = tpu.memref_slice %arg10[%dma_wait3A_141, %dma_wait3A_150, %dma_wait3A_151] : memref<4x48x256xf32, #tpu.memory_space<vmem>> -> memref<1x48x256xf32, #tpu.memory_space<vmem>>
    %dma_wait3A_153 = tpu.memref_squeeze %dma_wait3A_152 : memref<1x48x256xf32, #tpu.memory_space<vmem>> -> memref<48x256xf32, #tpu.memory_space<vmem>>
    tpu.wait_dma2 semaphore(%arg24 : memref<!tpu.dma_semaphore, #tpu.memory_space<semaphore_mem>>) src(%dma_wait3A_153 : memref<48x256xf32, #tpu.memory_space<vmem>>) dst(%dma_wait3A_149 : memref<48x256xf32, #tpu.memory_space<hbm>>)
    %dma_wait3A_154 = arith.constant 2 : i32
    %dma_wait3A_155 = arith.constant 0 : i32
    %dma_wait3A_156 = arith.constant 0 : i32
    %dma_wait3A_157 = tpu.memref_slice %arg9[%dma_wait3A_154, %dma_wait3A_155, %dma_wait3A_156] : memref<4x48x256xf32, #tpu.memory_space<vmem>> -> memref<1x48x256xf32, #tpu.memory_space<vmem>>
    %dma_wait3A_158 = tpu.memref_squeeze %dma_wait3A_157 : memref<1x48x256xf32, #tpu.memory_space<vmem>> -> memref<48x256xf32, #tpu.memory_space<vmem>>
    %dma_wait3A_159 = arith.constant 0 : i32
    %dma_wait3A_160 = tpu.memref_slice %arg5[%mul3A_2, %dma_wait3A_159] : memref<160000x256xf32, #tpu.memory_space<hbm>> -> memref<48x256xf32, #tpu.memory_space<hbm>>
    %dma_wait3A_161 = arith.constant 0 : i32
    %dma_wait3A_162 = tpu.memref_slice %arg5[%mul3A_2, %dma_wait3A_161] : memref<160000x256xf32, #tpu.memory_space<hbm>> -> memref<48x256xf32, #tpu.memory_space<hbm>>
    %dma_wait3A_163 = arith.constant 0 : i32
    %dma_wait3A_164 = arith.constant 0 : i32
    %dma_wait3A_165 = tpu.memref_slice %arg9[%dma_wait3A_154, %dma_wait3A_163, %dma_wait3A_164] : memref<4x48x256xf32, #tpu.memory_space<vmem>> -> memref<1x48x256xf32, #tpu.memory_space<vmem>>
    %dma_wait3A_166 = tpu.memref_squeeze %dma_wait3A_165 : memref<1x48x256xf32, #tpu.memory_space<vmem>> -> memref<48x256xf32, #tpu.memory_space<vmem>>
    tpu.wait_dma2 semaphore(%arg25 : memref<!tpu.dma_semaphore, #tpu.memory_space<semaphore_mem>>) src(%dma_wait3A_166 : memref<48x256xf32, #tpu.memory_space<vmem>>) dst(%dma_wait3A_162 : memref<48x256xf32, #tpu.memory_space<hbm>>)
    %dma_wait3A_167 = arith.constant 2 : i32
    %dma_wait3A_168 = arith.constant 0 : i32
    %dma_wait3A_169 = arith.constant 0 : i32
    %dma_wait3A_170 = tpu.memref_slice %arg10[%dma_wait3A_167, %dma_wait3A_168, %dma_wait3A_169] : memref<4x48x256xf32, #tpu.memory_space<vmem>> -> memref<1x48x256xf32, #tpu.memory_space<vmem>>
    %dma_wait3A_171 = tpu.memref_squeeze %dma_wait3A_170 : memref<1x48x256xf32, #tpu.memory_space<vmem>> -> memref<48x256xf32, #tpu.memory_space<vmem>>
    %dma_wait3A_172 = arith.constant 0 : i32
    %dma_wait3A_173 = tpu.memref_slice %arg6[%mul3A_2, %dma_wait3A_172] : memref<160000x256xf32, #tpu.memory_space<hbm>> -> memref<48x256xf32, #tpu.memory_space<hbm>>
    %dma_wait3A_174 = arith.constant 0 : i32
    %dma_wait3A_175 = tpu.memref_slice %arg6[%mul3A_2, %dma_wait3A_174] : memref<160000x256xf32, #tpu.memory_space<hbm>> -> memref<48x256xf32, #tpu.memory_space<hbm>>
    %dma_wait3A_176 = arith.constant 0 : i32
    %dma_wait3A_177 = arith.constant 0 : i32
    %dma_wait3A_178 = tpu.memref_slice %arg10[%dma_wait3A_167, %dma_wait3A_176, %dma_wait3A_177] : memref<4x48x256xf32, #tpu.memory_space<vmem>> -> memref<1x48x256xf32, #tpu.memory_space<vmem>>
    %dma_wait3A_179 = tpu.memref_squeeze %dma_wait3A_178 : memref<1x48x256xf32, #tpu.memory_space<vmem>> -> memref<48x256xf32, #tpu.memory_space<vmem>>
    tpu.wait_dma2 semaphore(%arg25 : memref<!tpu.dma_semaphore, #tpu.memory_space<semaphore_mem>>) src(%dma_wait3A_179 : memref<48x256xf32, #tpu.memory_space<vmem>>) dst(%dma_wait3A_175 : memref<48x256xf32, #tpu.memory_space<hbm>>)
    %dma_wait3A_180 = arith.constant 3 : i32
    %dma_wait3A_181 = arith.constant 0 : i32
    %dma_wait3A_182 = arith.constant 0 : i32
    %dma_wait3A_183 = tpu.memref_slice %arg9[%dma_wait3A_180, %dma_wait3A_181, %dma_wait3A_182] : memref<4x48x256xf32, #tpu.memory_space<vmem>> -> memref<1x48x256xf32, #tpu.memory_space<vmem>>
    %dma_wait3A_184 = tpu.memref_squeeze %dma_wait3A_183 : memref<1x48x256xf32, #tpu.memory_space<vmem>> -> memref<48x256xf32, #tpu.memory_space<vmem>>
    %dma_wait3A_185 = arith.constant 0 : i32
    %dma_wait3A_186 = tpu.memref_slice %arg5[%mul3A_2, %dma_wait3A_185] : memref<160000x256xf32, #tpu.memory_space<hbm>> -> memref<48x256xf32, #tpu.memory_space<hbm>>
    %dma_wait3A_187 = arith.constant 0 : i32
    %dma_wait3A_188 = tpu.memref_slice %arg5[%mul3A_2, %dma_wait3A_187] : memref<160000x256xf32, #tpu.memory_space<hbm>> -> memref<48x256xf32, #tpu.memory_space<hbm>>
    %dma_wait3A_189 = arith.constant 0 : i32
    %dma_wait3A_190 = arith.constant 0 : i32
    %dma_wait3A_191 = tpu.memref_slice %arg9[%dma_wait3A_180, %dma_wait3A_189, %dma_wait3A_190] : memref<4x48x256xf32, #tpu.memory_space<vmem>> -> memref<1x48x256xf32, #tpu.memory_space<vmem>>
    %dma_wait3A_192 = tpu.memref_squeeze %dma_wait3A_191 : memref<1x48x256xf32, #tpu.memory_space<vmem>> -> memref<48x256xf32, #tpu.memory_space<vmem>>
    tpu.wait_dma2 semaphore(%arg26 : memref<!tpu.dma_semaphore, #tpu.memory_space<semaphore_mem>>) src(%dma_wait3A_192 : memref<48x256xf32, #tpu.memory_space<vmem>>) dst(%dma_wait3A_188 : memref<48x256xf32, #tpu.memory_space<hbm>>)
    %dma_wait3A_193 = arith.constant 3 : i32
    %dma_wait3A_194 = arith.constant 0 : i32
    %dma_wait3A_195 = arith.constant 0 : i32
    %dma_wait3A_196 = tpu.memref_slice %arg10[%dma_wait3A_193, %dma_wait3A_194, %dma_wait3A_195] : memref<4x48x256xf32, #tpu.memory_space<vmem>> -> memref<1x48x256xf32, #tpu.memory_space<vmem>>
    %dma_wait3A_197 = tpu.memref_squeeze %dma_wait3A_196 : memref<1x48x256xf32, #tpu.memory_space<vmem>> -> memref<48x256xf32, #tpu.memory_space<vmem>>
    %dma_wait3A_198 = arith.constant 0 : i32
    %dma_wait3A_199 = tpu.memref_slice %arg6[%mul3A_2, %dma_wait3A_198] : memref<160000x256xf32, #tpu.memory_space<hbm>> -> memref<48x256xf32, #tpu.memory_space<hbm>>
    %dma_wait3A_200 = arith.constant 0 : i32
    %dma_wait3A_201 = tpu.memref_slice %arg6[%mul3A_2, %dma_wait3A_200] : memref<160000x256xf32, #tpu.memory_space<hbm>> -> memref<48x256xf32, #tpu.memory_space<hbm>>
    %dma_wait3A_202 = arith.constant 0 : i32
    %dma_wait3A_203 = arith.constant 0 : i32
    %dma_wait3A_204 = tpu.memref_slice %arg10[%dma_wait3A_193, %dma_wait3A_202, %dma_wait3A_203] : memref<4x48x256xf32, #tpu.memory_space<vmem>> -> memref<1x48x256xf32, #tpu.memory_space<vmem>>
    %dma_wait3A_205 = tpu.memref_squeeze %dma_wait3A_204 : memref<1x48x256xf32, #tpu.memory_space<vmem>> -> memref<48x256xf32, #tpu.memory_space<vmem>>
    tpu.wait_dma2 semaphore(%arg26 : memref<!tpu.dma_semaphore, #tpu.memory_space<semaphore_mem>>) src(%dma_wait3A_205 : memref<48x256xf32, #tpu.memory_space<vmem>>) dst(%dma_wait3A_201 : memref<48x256xf32, #tpu.memory_space<hbm>>)
    %le3A = arith.constant 4 : i32
    %le3A_206 = arith.cmpi sle, %add3A, %le3A : i32
    %convert_element_type3A = arith.extui %le3A_206 : i1 to i32
    %cond3A = arith.constant 0 : i32
    %cond3A_207 = arith.cmpi ne, %convert_element_type3A, %cond3A : i32
    scf.if %cond3A_207 {
      %mul3A_212 = arith.constant 48 : i32
      %mul3A_213 = arith.muli %add3A, %mul3A_212 : i32
      %add3A_214 = arith.constant 159744 : i32
      %add3A_215 = arith.addi %add3A_214, %mul3A_213 : i32
      %add3A_216 = arith.constant 160000 : i32
      %add3A_217 = arith.addi %add3A_216, %add3A_215 : i32
      %run_scoped3A = arith.constant 0 : i32
      "tpu.region"() ({
        %run_scoped3A_269 = tpu.sem_alloc : memref<!tpu.dma_semaphore, #tpu.memory_space<semaphore_mem>>
        %dma_start3A_270 = arith.constant 0 : i32
        %dma_start3A_271 = tpu.memref_slice %arg7[%run_scoped3A, %dma_start3A_270] : memref<4x48xi32, #tpu.memory_space<vmem>> -> memref<1x48xi32, #tpu.memory_space<vmem>>
        %dma_start3A_272 = tpu.memref_squeeze %dma_start3A_271 : memref<1x48xi32, #tpu.memory_space<vmem>> -> memref<48xi32, #tpu.memory_space<vmem>>
        %dma_start3A_273 = tpu.memref_slice %arg4[%add3A_217] : memref<320000xi32, #tpu.memory_space<hbm>> -> memref<48xi32, #tpu.memory_space<hbm>>
        %dma_start3A_274 = arith.constant 0 : i32
        %dma_start3A_275 = tpu.memref_slice %arg7[%run_scoped3A, %dma_start3A_274] : memref<4x48xi32, #tpu.memory_space<vmem>> -> memref<1x48xi32, #tpu.memory_space<vmem>>
        %dma_start3A_276 = tpu.memref_squeeze %dma_start3A_275 : memref<1x48xi32, #tpu.memory_space<vmem>> -> memref<48xi32, #tpu.memory_space<vmem>>
        %dma_start3A_277 = tpu.memref_slice %arg4[%add3A_217] : memref<320000xi32, #tpu.memory_space<hbm>> -> memref<48xi32, #tpu.memory_space<hbm>>
        tpu.enqueue_dma source(%dma_start3A_277 : memref<48xi32, #tpu.memory_space<hbm>>) target(%dma_start3A_276 : memref<48xi32, #tpu.memory_space<vmem>>) target_semaphore(%run_scoped3A_269 : memref<!tpu.dma_semaphore, #tpu.memory_space<semaphore_mem>>)
        %dma_wait3A_278 = arith.constant 0 : i32
        %dma_wait3A_279 = tpu.memref_slice %arg7[%run_scoped3A, %dma_wait3A_278] : memref<4x48xi32, #tpu.memory_space<vmem>> -> memref<1x48xi32, #tpu.memory_space<vmem>>
        %dma_wait3A_280 = tpu.memref_squeeze %dma_wait3A_279 : memref<1x48xi32, #tpu.memory_space<vmem>> -> memref<48xi32, #tpu.memory_space<vmem>>
        %dma_wait3A_281 = tpu.memref_slice %arg4[%add3A_217] : memref<320000xi32, #tpu.memory_space<hbm>> -> memref<48xi32, #tpu.memory_space<hbm>>
        %dma_wait3A_282 = arith.constant 0 : i32
        %dma_wait3A_283 = tpu.memref_slice %arg7[%run_scoped3A, %dma_wait3A_282] : memref<4x48xi32, #tpu.memory_space<vmem>> -> memref<1x48xi32, #tpu.memory_space<vmem>>
        %dma_wait3A_284 = tpu.memref_squeeze %dma_wait3A_283 : memref<1x48xi32, #tpu.memory_space<vmem>> -> memref<48xi32, #tpu.memory_space<vmem>>
        %dma_wait3A_285 = tpu.memref_slice %arg4[%add3A_217] : memref<320000xi32, #tpu.memory_space<hbm>> -> memref<48xi32, #tpu.memory_space<hbm>>
        tpu.wait_dma2 semaphore(%run_scoped3A_269 : memref<!tpu.dma_semaphore, #tpu.memory_space<semaphore_mem>>) src(%dma_wait3A_285 : memref<48xi32, #tpu.memory_space<hbm>>) dst(%dma_wait3A_284 : memref<48xi32, #tpu.memory_space<vmem>>)
        tpu.yield
      }) : () -> ()
      %run_scoped3A_218 = arith.constant 0 : i32
      "tpu.region"() ({
        %run_scoped3A_269 = tpu.sem_alloc : memref<!tpu.dma_semaphore, #tpu.memory_space<semaphore_mem>>
        %dma_start3A_270 = arith.constant 0 : i32
        %dma_start3A_271 = tpu.memref_slice %arg8[%run_scoped3A_218, %dma_start3A_270] : memref<4x48xi32, #tpu.memory_space<vmem>> -> memref<1x48xi32, #tpu.memory_space<vmem>>
        %dma_start3A_272 = tpu.memref_squeeze %dma_start3A_271 : memref<1x48xi32, #tpu.memory_space<vmem>> -> memref<48xi32, #tpu.memory_space<vmem>>
        %dma_start3A_273 = tpu.memref_slice %arg4[%add3A_215] : memref<320000xi32, #tpu.memory_space<hbm>> -> memref<48xi32, #tpu.memory_space<hbm>>
        %dma_start3A_274 = arith.constant 0 : i32
        %dma_start3A_275 = tpu.memref_slice %arg8[%run_scoped3A_218, %dma_start3A_274] : memref<4x48xi32, #tpu.memory_space<vmem>> -> memref<1x48xi32, #tpu.memory_space<vmem>>
        %dma_start3A_276 = tpu.memref_squeeze %dma_start3A_275 : memref<1x48xi32, #tpu.memory_space<vmem>> -> memref<48xi32, #tpu.memory_space<vmem>>
        %dma_start3A_277 = tpu.memref_slice %arg4[%add3A_215] : memref<320000xi32, #tpu.memory_space<hbm>> -> memref<48xi32, #tpu.memory_space<hbm>>
        tpu.enqueue_dma source(%dma_start3A_277 : memref<48xi32, #tpu.memory_space<hbm>>) target(%dma_start3A_276 : memref<48xi32, #tpu.memory_space<vmem>>) target_semaphore(%run_scoped3A_269 : memref<!tpu.dma_semaphore, #tpu.memory_space<semaphore_mem>>)
        %dma_wait3A_278 = arith.constant 0 : i32
        %dma_wait3A_279 = tpu.memref_slice %arg8[%run_scoped3A_218, %dma_wait3A_278] : memref<4x48xi32, #tpu.memory_space<vmem>> -> memref<1x48xi32, #tpu.memory_space<vmem>>
        %dma_wait3A_280 = tpu.memref_squeeze %dma_wait3A_279 : memref<1x48xi32, #tpu.memory_space<vmem>> -> memref<48xi32, #tpu.memory_space<vmem>>
        %dma_wait3A_281 = tpu.memref_slice %arg4[%add3A_215] : memref<320000xi32, #tpu.memory_space<hbm>> -> memref<48xi32, #tpu.memory_space<hbm>>
        %dma_wait3A_282 = arith.constant 0 : i32
        %dma_wait3A_283 = tpu.memref_slice %arg8[%run_scoped3A_218, %dma_wait3A_282] : memref<4x48xi32, #tpu.memory_space<vmem>> -> memref<1x48xi32, #tpu.memory_space<vmem>>
        %dma_wait3A_284 = tpu.memref_squeeze %dma_wait3A_283 : memref<1x48xi32, #tpu.memory_space<vmem>> -> memref<48xi32, #tpu.memory_space<vmem>>
        %dma_wait3A_285 = tpu.memref_slice %arg4[%add3A_215] : memref<320000xi32, #tpu.memory_space<hbm>> -> memref<48xi32, #tpu.memory_space<hbm>>
        tpu.wait_dma2 semaphore(%run_scoped3A_269 : memref<!tpu.dma_semaphore, #tpu.memory_space<semaphore_mem>>) src(%dma_wait3A_285 : memref<48xi32, #tpu.memory_space<hbm>>) dst(%dma_wait3A_284 : memref<48xi32, #tpu.memory_space<vmem>>)
        tpu.yield
      }) : () -> ()
      %dma_start3A_219 = arith.constant 0 : i32
      %dma_start3A_220 = arith.constant 0 : i32
      %dma_start3A_221 = arith.constant 0 : i32
      %dma_start3A_222 = arith.constant 0 : i32
      %dma_start3A_223 = tpu.memref_slice %arg9[%dma_start3A_220, %dma_start3A_221, %dma_start3A_222] : memref<4x48x256xf32, #tpu.memory_space<vmem>> -> memref<1x48x256xf32, #tpu.memory_space<vmem>>
      %dma_start3A_224 = tpu.memref_squeeze %dma_start3A_223 : memref<1x48x256xf32, #tpu.memory_space<vmem>> -> memref<48x256xf32, #tpu.memory_space<vmem>>
      %dma_start3A_225 = arith.constant 0 : i32
      %dma_start3A_226 = tpu.memref_slice %arg7[%dma_start3A_219, %dma_start3A_225] : memref<4x48xi32, #tpu.memory_space<vmem>> -> memref<1x48xi32, #tpu.memory_space<vmem>>
      %dma_start3A_227 = tpu.memref_squeeze %dma_start3A_226 : memref<1x48xi32, #tpu.memory_space<vmem>> -> memref<48xi32, #tpu.memory_space<vmem>>
      %dma_start3A_228 = arith.constant 0 : i32
      %dma_start3A_229 = arith.constant 0 : i32
      %dma_start3A_230 = tpu.memref_slice %arg2[%dma_start3A_228, %dma_start3A_229] : memref<10000x256xf32, #tpu.memory_space<hbm>> -> memref<10000x256xf32, #tpu.memory_space<hbm>>
      tpu.enqueue_indirect_dma source(%dma_start3A_230 : memref<10000x256xf32, #tpu.memory_space<hbm>>) target(%dma_start3A_224 : memref<48x256xf32, #tpu.memory_space<vmem>>) offsets(%dma_start3A_227 : memref<48xi32, #tpu.memory_space<vmem>>) semaphore(%arg15 : memref<!tpu.dma_semaphore, #tpu.memory_space<semaphore_mem>>)
      %dma_wait3A_231 = arith.constant 0 : i32
      %dma_wait3A_232 = arith.constant 0 : i32
      %dma_wait3A_233 = arith.constant 0 : i32
      %dma_wait3A_234 = arith.constant 0 : i32
      %dma_wait3A_235 = tpu.memref_slice %arg9[%dma_wait3A_232, %dma_wait3A_233, %dma_wait3A_234] : memref<4x48x256xf32, #tpu.memory_space<vmem>> -> memref<1x48x256xf32, #tpu.memory_space<vmem>>
      %dma_wait3A_236 = tpu.memref_squeeze %dma_wait3A_235 : memref<1x48x256xf32, #tpu.memory_space<vmem>> -> memref<48x256xf32, #tpu.memory_space<vmem>>
      %dma_wait3A_237 = arith.constant 0 : i32
      %dma_wait3A_238 = tpu.memref_slice %arg7[%dma_wait3A_231, %dma_wait3A_237] : memref<4x48xi32, #tpu.memory_space<vmem>> -> memref<1x48xi32, #tpu.memory_space<vmem>>
      %dma_wait3A_239 = tpu.memref_squeeze %dma_wait3A_238 : memref<1x48xi32, #tpu.memory_space<vmem>> -> memref<48xi32, #tpu.memory_space<vmem>>
      %dma_wait3A_240 = arith.constant 0 : i32
      %dma_wait3A_241 = arith.constant 0 : i32
      %dma_wait3A_242 = tpu.memref_slice %arg2[%dma_wait3A_240, %dma_wait3A_241] : memref<10000x256xf32, #tpu.memory_space<hbm>> -> memref<10000x256xf32, #tpu.memory_space<hbm>>
      tpu.wait_indirect_dma semaphore(%arg15 : memref<!tpu.dma_semaphore, #tpu.memory_space<semaphore_mem>>) src(%dma_wait3A_242 : memref<10000x256xf32, #tpu.memory_space<hbm>>) dst(%dma_wait3A_236 : memref<48x256xf32, #tpu.memory_space<vmem>>)
      %dma_start3A_243 = arith.constant 0 : i32
      %dma_start3A_244 = arith.constant 0 : i32
      %dma_start3A_245 = arith.constant 0 : i32
      %dma_start3A_246 = arith.constant 0 : i32
      %dma_start3A_247 = tpu.memref_slice %arg10[%dma_start3A_244, %dma_start3A_245, %dma_start3A_246] : memref<4x48x256xf32, #tpu.memory_space<vmem>> -> memref<1x48x256xf32, #tpu.memory_space<vmem>>
      %dma_start3A_248 = tpu.memref_squeeze %dma_start3A_247 : memref<1x48x256xf32, #tpu.memory_space<vmem>> -> memref<48x256xf32, #tpu.memory_space<vmem>>
      %dma_start3A_249 = arith.constant 0 : i32
      %dma_start3A_250 = tpu.memref_slice %arg8[%dma_start3A_243, %dma_start3A_249] : memref<4x48xi32, #tpu.memory_space<vmem>> -> memref<1x48xi32, #tpu.memory_space<vmem>>
      %dma_start3A_251 = tpu.memref_squeeze %dma_start3A_250 : memref<1x48xi32, #tpu.memory_space<vmem>> -> memref<48xi32, #tpu.memory_space<vmem>>
      %dma_start3A_252 = arith.constant 0 : i32
      %dma_start3A_253 = arith.constant 0 : i32
      %dma_start3A_254 = tpu.memref_slice %arg3[%dma_start3A_252, %dma_start3A_253] : memref<10000x256xf32, #tpu.memory_space<hbm>> -> memref<10000x256xf32, #tpu.memory_space<hbm>>
      tpu.enqueue_indirect_dma source(%dma_start3A_254 : memref<10000x256xf32, #tpu.memory_space<hbm>>) target(%dma_start3A_248 : memref<48x256xf32, #tpu.memory_space<vmem>>) offsets(%dma_start3A_251 : memref<48xi32, #tpu.memory_space<vmem>>) semaphore(%arg19 : memref<!tpu.dma_semaphore, #tpu.memory_space<semaphore_mem>>)
      %dma_wait3A_255 = arith.constant 0 : i32
      %dma_wait3A_256 = arith.constant 0 : i32
      %dma_wait3A_257 = arith.constant 0 : i32
      %dma_wait3A_258 = arith.constant 0 : i32
      %dma_wait3A_259 = tpu.memref_slice %arg10[%dma_wait3A_256, %dma_wait3A_257, %dma_wait3A_258] : memref<4x48x256xf32, #tpu.memory_space<vmem>> -> memref<1x48x256xf32, #tpu.memory_space<vmem>>
      %dma_wait3A_260 = tpu.memref_squeeze %dma_wait3A_259 : memref<1x48x256xf32, #tpu.memory_space<vmem>> -> memref<48x256xf32, #tpu.memory_space<vmem>>
      %dma_wait3A_261 = arith.constant 0 : i32
      %dma_wait3A_262 = tpu.memref_slice %arg8[%dma_wait3A_255, %dma_wait3A_261] : memref<4x48xi32, #tpu.memory_space<vmem>> -> memref<1x48xi32, #tpu.memory_space<vmem>>
      %dma_wait3A_263 = tpu.memref_squeeze %dma_wait3A_262 : memref<1x48xi32, #tpu.memory_space<vmem>> -> memref<48xi32, #tpu.memory_space<vmem>>
      %dma_wait3A_264 = arith.constant 0 : i32
      %dma_wait3A_265 = arith.constant 0 : i32
      %dma_wait3A_266 = tpu.memref_slice %arg3[%dma_wait3A_264, %dma_wait3A_265] : memref<10000x256xf32, #tpu.memory_space<hbm>> -> memref<10000x256xf32, #tpu.memory_space<hbm>>
      tpu.wait_indirect_dma semaphore(%arg19 : memref<!tpu.dma_semaphore, #tpu.memory_space<semaphore_mem>>) src(%dma_wait3A_266 : memref<10000x256xf32, #tpu.memory_space<hbm>>) dst(%dma_wait3A_260 : memref<48x256xf32, #tpu.memory_space<vmem>>)
      %run_scoped3A_267 = arith.constant 0 : i32
      "tpu.region"() ({
        %run_scoped3A_269 = tpu.sem_alloc : memref<!tpu.dma_semaphore, #tpu.memory_space<semaphore_mem>>
        %dma_start3A_270 = arith.constant 0 : i32
        %dma_start3A_271 = arith.constant 0 : i32
        %dma_start3A_272 = tpu.memref_slice %arg9[%run_scoped3A_267, %dma_start3A_270, %dma_start3A_271] : memref<4x48x256xf32, #tpu.memory_space<vmem>> -> memref<1x48x256xf32, #tpu.memory_space<vmem>>
        %dma_start3A_273 = tpu.memref_squeeze %dma_start3A_272 : memref<1x48x256xf32, #tpu.memory_space<vmem>> -> memref<48x256xf32, #tpu.memory_space<vmem>>
        %dma_start3A_274 = arith.constant 0 : i32
        %dma_start3A_275 = tpu.memref_slice %arg5[%add3A_215, %dma_start3A_274] : memref<160000x256xf32, #tpu.memory_space<hbm>> -> memref<48x256xf32, #tpu.memory_space<hbm>>
        %dma_start3A_276 = arith.constant 0 : i32
        %dma_start3A_277 = tpu.memref_slice %arg5[%add3A_215, %dma_start3A_276] : memref<160000x256xf32, #tpu.memory_space<hbm>> -> memref<48x256xf32, #tpu.memory_space<hbm>>
        %dma_start3A_278 = arith.constant 0 : i32
        %dma_start3A_279 = arith.constant 0 : i32
        %dma_start3A_280 = tpu.memref_slice %arg9[%run_scoped3A_267, %dma_start3A_278, %dma_start3A_279] : memref<4x48x256xf32, #tpu.memory_space<vmem>> -> memref<1x48x256xf32, #tpu.memory_space<vmem>>
        %dma_start3A_281 = tpu.memref_squeeze %dma_start3A_280 : memref<1x48x256xf32, #tpu.memory_space<vmem>> -> memref<48x256xf32, #tpu.memory_space<vmem>>
        tpu.enqueue_dma source(%dma_start3A_281 : memref<48x256xf32, #tpu.memory_space<vmem>>) target(%dma_start3A_277 : memref<48x256xf32, #tpu.memory_space<hbm>>) target_semaphore(%run_scoped3A_269 : memref<!tpu.dma_semaphore, #tpu.memory_space<semaphore_mem>>)
        %dma_wait3A_282 = arith.constant 0 : i32
        %dma_wait3A_283 = arith.constant 0 : i32
        %dma_wait3A_284 = tpu.memref_slice %arg9[%run_scoped3A_267, %dma_wait3A_282, %dma_wait3A_283] : memref<4x48x256xf32, #tpu.memory_space<vmem>> -> memref<1x48x256xf32, #tpu.memory_space<vmem>>
        %dma_wait3A_285 = tpu.memref_squeeze %dma_wait3A_284 : memref<1x48x256xf32, #tpu.memory_space<vmem>> -> memref<48x256xf32, #tpu.memory_space<vmem>>
        %dma_wait3A_286 = arith.constant 0 : i32
        %dma_wait3A_287 = tpu.memref_slice %arg5[%add3A_215, %dma_wait3A_286] : memref<160000x256xf32, #tpu.memory_space<hbm>> -> memref<48x256xf32, #tpu.memory_space<hbm>>
        %dma_wait3A_288 = arith.constant 0 : i32
        %dma_wait3A_289 = tpu.memref_slice %arg5[%add3A_215, %dma_wait3A_288] : memref<160000x256xf32, #tpu.memory_space<hbm>> -> memref<48x256xf32, #tpu.memory_space<hbm>>
        %dma_wait3A_290 = arith.constant 0 : i32
        %dma_wait3A_291 = arith.constant 0 : i32
        %dma_wait3A_292 = tpu.memref_slice %arg9[%run_scoped3A_267, %dma_wait3A_290, %dma_wait3A_291] : memref<4x48x256xf32, #tpu.memory_space<vmem>> -> memref<1x48x256xf32, #tpu.memory_space<vmem>>
        %dma_wait3A_293 = tpu.memref_squeeze %dma_wait3A_292 : memref<1x48x256xf32, #tpu.memory_space<vmem>> -> memref<48x256xf32, #tpu.memory_space<vmem>>
        tpu.wait_dma2 semaphore(%run_scoped3A_269 : memref<!tpu.dma_semaphore, #tpu.memory_space<semaphore_mem>>) src(%dma_wait3A_293 : memref<48x256xf32, #tpu.memory_space<vmem>>) dst(%dma_wait3A_289 : memref<48x256xf32, #tpu.memory_space<hbm>>)
        tpu.yield
      }) : () -> ()
      %run_scoped3A_268 = arith.constant 0 : i32
      "tpu.region"() ({
        %run_scoped3A_269 = tpu.sem_alloc : memref<!tpu.dma_semaphore, #tpu.memory_space<semaphore_mem>>
        %dma_start3A_270 = arith.constant 0 : i32
        %dma_start3A_271 = arith.constant 0 : i32
        %dma_start3A_272 = tpu.memref_slice %arg10[%run_scoped3A_268, %dma_start3A_270, %dma_start3A_271] : memref<4x48x256xf32, #tpu.memory_space<vmem>> -> memref<1x48x256xf32, #tpu.memory_space<vmem>>
        %dma_start3A_273 = tpu.memref_squeeze %dma_start3A_272 : memref<1x48x256xf32, #tpu.memory_space<vmem>> -> memref<48x256xf32, #tpu.memory_space<vmem>>
        %dma_start3A_274 = arith.constant 0 : i32
        %dma_start3A_275 = tpu.memref_slice %arg6[%add3A_215, %dma_start3A_274] : memref<160000x256xf32, #tpu.memory_space<hbm>> -> memref<48x256xf32, #tpu.memory_space<hbm>>
        %dma_start3A_276 = arith.constant 0 : i32
        %dma_start3A_277 = tpu.memref_slice %arg6[%add3A_215, %dma_start3A_276] : memref<160000x256xf32, #tpu.memory_space<hbm>> -> memref<48x256xf32, #tpu.memory_space<hbm>>
        %dma_start3A_278 = arith.constant 0 : i32
        %dma_start3A_279 = arith.constant 0 : i32
        %dma_start3A_280 = tpu.memref_slice %arg10[%run_scoped3A_268, %dma_start3A_278, %dma_start3A_279] : memref<4x48x256xf32, #tpu.memory_space<vmem>> -> memref<1x48x256xf32, #tpu.memory_space<vmem>>
        %dma_start3A_281 = tpu.memref_squeeze %dma_start3A_280 : memref<1x48x256xf32, #tpu.memory_space<vmem>> -> memref<48x256xf32, #tpu.memory_space<vmem>>
        tpu.enqueue_dma source(%dma_start3A_281 : memref<48x256xf32, #tpu.memory_space<vmem>>) target(%dma_start3A_277 : memref<48x256xf32, #tpu.memory_space<hbm>>) target_semaphore(%run_scoped3A_269 : memref<!tpu.dma_semaphore, #tpu.memory_space<semaphore_mem>>)
        %dma_wait3A_282 = arith.constant 0 : i32
        %dma_wait3A_283 = arith.constant 0 : i32
        %dma_wait3A_284 = tpu.memref_slice %arg10[%run_scoped3A_268, %dma_wait3A_282, %dma_wait3A_283] : memref<4x48x256xf32, #tpu.memory_space<vmem>> -> memref<1x48x256xf32, #tpu.memory_space<vmem>>
        %dma_wait3A_285 = tpu.memref_squeeze %dma_wait3A_284 : memref<1x48x256xf32, #tpu.memory_space<vmem>> -> memref<48x256xf32, #tpu.memory_space<vmem>>
        %dma_wait3A_286 = arith.constant 0 : i32
        %dma_wait3A_287 = tpu.memref_slice %arg6[%add3A_215, %dma_wait3A_286] : memref<160000x256xf32, #tpu.memory_space<hbm>> -> memref<48x256xf32, #tpu.memory_space<hbm>>
        %dma_wait3A_288 = arith.constant 0 : i32
        %dma_wait3A_289 = tpu.memref_slice %arg6[%add3A_215, %dma_wait3A_288] : memref<160000x256xf32, #tpu.memory_space<hbm>> -> memref<48x256xf32, #tpu.memory_space<hbm>>
        %dma_wait3A_290 = arith.constant 0 : i32
        %dma_wait3A_291 = arith.constant 0 : i32
        %dma_wait3A_292 = tpu.memref_slice %arg10[%run_scoped3A_268, %dma_wait3A_290, %dma_wait3A_291] : memref<4x48x256xf32, #tpu.memory_space<vmem>> -> memref<1x48x256xf32, #tpu.memory_space<vmem>>
        %dma_wait3A_293 = tpu.memref_squeeze %dma_wait3A_292 : memref<1x48x256xf32, #tpu.memory_space<vmem>> -> memref<48x256xf32, #tpu.memory_space<vmem>>
        tpu.wait_dma2 semaphore(%run_scoped3A_269 : memref<!tpu.dma_semaphore, #tpu.memory_space<semaphore_mem>>) src(%dma_wait3A_293 : memref<48x256xf32, #tpu.memory_space<vmem>>) dst(%dma_wait3A_289 : memref<48x256xf32, #tpu.memory_space<hbm>>)
        tpu.yield
      }) : () -> ()
    } else {
    }
    %eq3A = arith.constant 5 : i32
    %eq3A_208 = arith.cmpi eq, %add3A, %eq3A : i32
    %convert_element_type3A_209 = arith.extui %eq3A_208 : i1 to i32
    %cond3A_210 = arith.constant 0 : i32
    %cond3A_211 = arith.cmpi ne, %convert_element_type3A_209, %cond3A_210 : i32
    scf.if %cond3A_211 {
      %run_scoped3A = arith.constant 0 : i32
      "tpu.region"() ({
        %run_scoped3A_263 = tpu.sem_alloc : memref<!tpu.dma_semaphore, #tpu.memory_space<semaphore_mem>>
        %dma_start3A_264 = arith.constant 0 : i32
        %dma_start3A_265 = tpu.memref_slice %arg7[%run_scoped3A, %dma_start3A_264] : memref<4x48xi32, #tpu.memory_space<vmem>> -> memref<1x16xi32, #tpu.memory_space<vmem>>
        %dma_start3A_266 = tpu.memref_squeeze %dma_start3A_265 : memref<1x16xi32, #tpu.memory_space<vmem>> -> memref<16xi32, #tpu.memory_space<vmem>>
        %dma_start3A_267 = arith.constant 319984 : i32
        %dma_start3A_268 = tpu.memref_slice %arg4[%dma_start3A_267] : memref<320000xi32, #tpu.memory_space<hbm>> -> memref<16xi32, #tpu.memory_space<hbm>>
        %dma_start3A_269 = arith.constant 0 : i32
        %dma_start3A_270 = tpu.memref_slice %arg7[%run_scoped3A, %dma_start3A_269] : memref<4x48xi32, #tpu.memory_space<vmem>> -> memref<1x16xi32, #tpu.memory_space<vmem>>
        %dma_start3A_271 = tpu.memref_squeeze %dma_start3A_270 : memref<1x16xi32, #tpu.memory_space<vmem>> -> memref<16xi32, #tpu.memory_space<vmem>>
        %dma_start3A_272 = arith.constant 319984 : i32
        %dma_start3A_273 = tpu.memref_slice %arg4[%dma_start3A_272] : memref<320000xi32, #tpu.memory_space<hbm>> -> memref<16xi32, #tpu.memory_space<hbm>>
        tpu.enqueue_dma source(%dma_start3A_273 : memref<16xi32, #tpu.memory_space<hbm>>) target(%dma_start3A_271 : memref<16xi32, #tpu.memory_space<vmem>>) target_semaphore(%run_scoped3A_263 : memref<!tpu.dma_semaphore, #tpu.memory_space<semaphore_mem>>)
        %dma_wait3A_274 = arith.constant 0 : i32
        %dma_wait3A_275 = tpu.memref_slice %arg7[%run_scoped3A, %dma_wait3A_274] : memref<4x48xi32, #tpu.memory_space<vmem>> -> memref<1x16xi32, #tpu.memory_space<vmem>>
        %dma_wait3A_276 = tpu.memref_squeeze %dma_wait3A_275 : memref<1x16xi32, #tpu.memory_space<vmem>> -> memref<16xi32, #tpu.memory_space<vmem>>
        %dma_wait3A_277 = arith.constant 319984 : i32
        %dma_wait3A_278 = tpu.memref_slice %arg4[%dma_wait3A_277] : memref<320000xi32, #tpu.memory_space<hbm>> -> memref<16xi32, #tpu.memory_space<hbm>>
        %dma_wait3A_279 = arith.constant 0 : i32
        %dma_wait3A_280 = tpu.memref_slice %arg7[%run_scoped3A, %dma_wait3A_279] : memref<4x48xi32, #tpu.memory_space<vmem>> -> memref<1x16xi32, #tpu.memory_space<vmem>>
        %dma_wait3A_281 = tpu.memref_squeeze %dma_wait3A_280 : memref<1x16xi32, #tpu.memory_space<vmem>> -> memref<16xi32, #tpu.memory_space<vmem>>
        %dma_wait3A_282 = arith.constant 319984 : i32
        %dma_wait3A_283 = tpu.memref_slice %arg4[%dma_wait3A_282] : memref<320000xi32, #tpu.memory_space<hbm>> -> memref<16xi32, #tpu.memory_space<hbm>>
        tpu.wait_dma2 semaphore(%run_scoped3A_263 : memref<!tpu.dma_semaphore, #tpu.memory_space<semaphore_mem>>) src(%dma_wait3A_283 : memref<16xi32, #tpu.memory_space<hbm>>) dst(%dma_wait3A_281 : memref<16xi32, #tpu.memory_space<vmem>>)
        tpu.yield
      }) : () -> ()
      %run_scoped3A_212 = arith.constant 0 : i32
      "tpu.region"() ({
        %run_scoped3A_263 = tpu.sem_alloc : memref<!tpu.dma_semaphore, #tpu.memory_space<semaphore_mem>>
        %dma_start3A_264 = arith.constant 0 : i32
        %dma_start3A_265 = tpu.memref_slice %arg8[%run_scoped3A_212, %dma_start3A_264] : memref<4x48xi32, #tpu.memory_space<vmem>> -> memref<1x16xi32, #tpu.memory_space<vmem>>
        %dma_start3A_266 = tpu.memref_squeeze %dma_start3A_265 : memref<1x16xi32, #tpu.memory_space<vmem>> -> memref<16xi32, #tpu.memory_space<vmem>>
        %dma_start3A_267 = arith.constant 159984 : i32
        %dma_start3A_268 = tpu.memref_slice %arg4[%dma_start3A_267] : memref<320000xi32, #tpu.memory_space<hbm>> -> memref<16xi32, #tpu.memory_space<hbm>>
        %dma_start3A_269 = arith.constant 0 : i32
        %dma_start3A_270 = tpu.memref_slice %arg8[%run_scoped3A_212, %dma_start3A_269] : memref<4x48xi32, #tpu.memory_space<vmem>> -> memref<1x16xi32, #tpu.memory_space<vmem>>
        %dma_start3A_271 = tpu.memref_squeeze %dma_start3A_270 : memref<1x16xi32, #tpu.memory_space<vmem>> -> memref<16xi32, #tpu.memory_space<vmem>>
        %dma_start3A_272 = arith.constant 159984 : i32
        %dma_start3A_273 = tpu.memref_slice %arg4[%dma_start3A_272] : memref<320000xi32, #tpu.memory_space<hbm>> -> memref<16xi32, #tpu.memory_space<hbm>>
        tpu.enqueue_dma source(%dma_start3A_273 : memref<16xi32, #tpu.memory_space<hbm>>) target(%dma_start3A_271 : memref<16xi32, #tpu.memory_space<vmem>>) target_semaphore(%run_scoped3A_263 : memref<!tpu.dma_semaphore, #tpu.memory_space<semaphore_mem>>)
        %dma_wait3A_274 = arith.constant 0 : i32
        %dma_wait3A_275 = tpu.memref_slice %arg8[%run_scoped3A_212, %dma_wait3A_274] : memref<4x48xi32, #tpu.memory_space<vmem>> -> memref<1x16xi32, #tpu.memory_space<vmem>>
        %dma_wait3A_276 = tpu.memref_squeeze %dma_wait3A_275 : memref<1x16xi32, #tpu.memory_space<vmem>> -> memref<16xi32, #tpu.memory_space<vmem>>
        %dma_wait3A_277 = arith.constant 159984 : i32
        %dma_wait3A_278 = tpu.memref_slice %arg4[%dma_wait3A_277] : memref<320000xi32, #tpu.memory_space<hbm>> -> memref<16xi32, #tpu.memory_space<hbm>>
        %dma_wait3A_279 = arith.constant 0 : i32
        %dma_wait3A_280 = tpu.memref_slice %arg8[%run_scoped3A_212, %dma_wait3A_279] : memref<4x48xi32, #tpu.memory_space<vmem>> -> memref<1x16xi32, #tpu.memory_space<vmem>>
        %dma_wait3A_281 = tpu.memref_squeeze %dma_wait3A_280 : memref<1x16xi32, #tpu.memory_space<vmem>> -> memref<16xi32, #tpu.memory_space<vmem>>
        %dma_wait3A_282 = arith.constant 159984 : i32
        %dma_wait3A_283 = tpu.memref_slice %arg4[%dma_wait3A_282] : memref<320000xi32, #tpu.memory_space<hbm>> -> memref<16xi32, #tpu.memory_space<hbm>>
        tpu.wait_dma2 semaphore(%run_scoped3A_263 : memref<!tpu.dma_semaphore, #tpu.memory_space<semaphore_mem>>) src(%dma_wait3A_283 : memref<16xi32, #tpu.memory_space<hbm>>) dst(%dma_wait3A_281 : memref<16xi32, #tpu.memory_space<vmem>>)
        tpu.yield
      }) : () -> ()
      %dma_start3A_213 = arith.constant 0 : i32
      %dma_start3A_214 = arith.constant 0 : i32
      %dma_start3A_215 = arith.constant 0 : i32
      %dma_start3A_216 = arith.constant 0 : i32
      %dma_start3A_217 = tpu.memref_slice %arg9[%dma_start3A_214, %dma_start3A_215, %dma_start3A_216] : memref<4x48x256xf32, #tpu.memory_space<vmem>> -> memref<1x16x256xf32, #tpu.memory_space<vmem>>
      %dma_start3A_218 = tpu.memref_squeeze %dma_start3A_217 : memref<1x16x256xf32, #tpu.memory_space<vmem>> -> memref<16x256xf32, #tpu.memory_space<vmem>>
      %dma_start3A_219 = arith.constant 0 : i32
      %dma_start3A_220 = tpu.memref_slice %arg7[%dma_start3A_213, %dma_start3A_219] : memref<4x48xi32, #tpu.memory_space<vmem>> -> memref<1x16xi32, #tpu.memory_space<vmem>>
      %dma_start3A_221 = tpu.memref_squeeze %dma_start3A_220 : memref<1x16xi32, #tpu.memory_space<vmem>> -> memref<16xi32, #tpu.memory_space<vmem>>
      %dma_start3A_222 = arith.constant 0 : i32
      %dma_start3A_223 = arith.constant 0 : i32
      %dma_start3A_224 = tpu.memref_slice %arg2[%dma_start3A_222, %dma_start3A_223] : memref<10000x256xf32, #tpu.memory_space<hbm>> -> memref<10000x256xf32, #tpu.memory_space<hbm>>
      tpu.enqueue_indirect_dma source(%dma_start3A_224 : memref<10000x256xf32, #tpu.memory_space<hbm>>) target(%dma_start3A_218 : memref<16x256xf32, #tpu.memory_space<vmem>>) offsets(%dma_start3A_221 : memref<16xi32, #tpu.memory_space<vmem>>) semaphore(%arg15 : memref<!tpu.dma_semaphore, #tpu.memory_space<semaphore_mem>>)
      %dma_wait3A_225 = arith.constant 0 : i32
      %dma_wait3A_226 = arith.constant 0 : i32
      %dma_wait3A_227 = arith.constant 0 : i32
      %dma_wait3A_228 = arith.constant 0 : i32
      %dma_wait3A_229 = tpu.memref_slice %arg9[%dma_wait3A_226, %dma_wait3A_227, %dma_wait3A_228] : memref<4x48x256xf32, #tpu.memory_space<vmem>> -> memref<1x16x256xf32, #tpu.memory_space<vmem>>
      %dma_wait3A_230 = tpu.memref_squeeze %dma_wait3A_229 : memref<1x16x256xf32, #tpu.memory_space<vmem>> -> memref<16x256xf32, #tpu.memory_space<vmem>>
      %dma_wait3A_231 = arith.constant 0 : i32
      %dma_wait3A_232 = tpu.memref_slice %arg7[%dma_wait3A_225, %dma_wait3A_231] : memref<4x48xi32, #tpu.memory_space<vmem>> -> memref<1x16xi32, #tpu.memory_space<vmem>>
      %dma_wait3A_233 = tpu.memref_squeeze %dma_wait3A_232 : memref<1x16xi32, #tpu.memory_space<vmem>> -> memref<16xi32, #tpu.memory_space<vmem>>
      %dma_wait3A_234 = arith.constant 0 : i32
      %dma_wait3A_235 = arith.constant 0 : i32
      %dma_wait3A_236 = tpu.memref_slice %arg2[%dma_wait3A_234, %dma_wait3A_235] : memref<10000x256xf32, #tpu.memory_space<hbm>> -> memref<10000x256xf32, #tpu.memory_space<hbm>>
      tpu.wait_indirect_dma semaphore(%arg15 : memref<!tpu.dma_semaphore, #tpu.memory_space<semaphore_mem>>) src(%dma_wait3A_236 : memref<10000x256xf32, #tpu.memory_space<hbm>>) dst(%dma_wait3A_230 : memref<16x256xf32, #tpu.memory_space<vmem>>)
      %dma_start3A_237 = arith.constant 0 : i32
      %dma_start3A_238 = arith.constant 0 : i32
      %dma_start3A_239 = arith.constant 0 : i32
      %dma_start3A_240 = arith.constant 0 : i32
      %dma_start3A_241 = tpu.memref_slice %arg10[%dma_start3A_238, %dma_start3A_239, %dma_start3A_240] : memref<4x48x256xf32, #tpu.memory_space<vmem>> -> memref<1x16x256xf32, #tpu.memory_space<vmem>>
      %dma_start3A_242 = tpu.memref_squeeze %dma_start3A_241 : memref<1x16x256xf32, #tpu.memory_space<vmem>> -> memref<16x256xf32, #tpu.memory_space<vmem>>
      %dma_start3A_243 = arith.constant 0 : i32
      %dma_start3A_244 = tpu.memref_slice %arg8[%dma_start3A_237, %dma_start3A_243] : memref<4x48xi32, #tpu.memory_space<vmem>> -> memref<1x16xi32, #tpu.memory_space<vmem>>
      %dma_start3A_245 = tpu.memref_squeeze %dma_start3A_244 : memref<1x16xi32, #tpu.memory_space<vmem>> -> memref<16xi32, #tpu.memory_space<vmem>>
      %dma_start3A_246 = arith.constant 0 : i32
      %dma_start3A_247 = arith.constant 0 : i32
      %dma_start3A_248 = tpu.memref_slice %arg3[%dma_start3A_246, %dma_start3A_247] : memref<10000x256xf32, #tpu.memory_space<hbm>> -> memref<10000x256xf32, #tpu.memory_space<hbm>>
      tpu.enqueue_indirect_dma source(%dma_start3A_248 : memref<10000x256xf32, #tpu.memory_space<hbm>>) target(%dma_start3A_242 : memref<16x256xf32, #tpu.memory_space<vmem>>) offsets(%dma_start3A_245 : memref<16xi32, #tpu.memory_space<vmem>>) semaphore(%arg19 : memref<!tpu.dma_semaphore, #tpu.memory_space<semaphore_mem>>)
      %dma_wait3A_249 = arith.constant 0 : i32
      %dma_wait3A_250 = arith.constant 0 : i32
      %dma_wait3A_251 = arith.constant 0 : i32
      %dma_wait3A_252 = arith.constant 0 : i32
      %dma_wait3A_253 = tpu.memref_slice %arg10[%dma_wait3A_250, %dma_wait3A_251, %dma_wait3A_252] : memref<4x48x256xf32, #tpu.memory_space<vmem>> -> memref<1x16x256xf32, #tpu.memory_space<vmem>>
      %dma_wait3A_254 = tpu.memref_squeeze %dma_wait3A_253 : memref<1x16x256xf32, #tpu.memory_space<vmem>> -> memref<16x256xf32, #tpu.memory_space<vmem>>
      %dma_wait3A_255 = arith.constant 0 : i32
      %dma_wait3A_256 = tpu.memref_slice %arg8[%dma_wait3A_249, %dma_wait3A_255] : memref<4x48xi32, #tpu.memory_space<vmem>> -> memref<1x16xi32, #tpu.memory_space<vmem>>
      %dma_wait3A_257 = tpu.memref_squeeze %dma_wait3A_256 : memref<1x16xi32, #tpu.memory_space<vmem>> -> memref<16xi32, #tpu.memory_space<vmem>>
      %dma_wait3A_258 = arith.constant 0 : i32
      %dma_wait3A_259 = arith.constant 0 : i32
      %dma_wait3A_260 = tpu.memref_slice %arg3[%dma_wait3A_258, %dma_wait3A_259] : memref<10000x256xf32, #tpu.memory_space<hbm>> -> memref<10000x256xf32, #tpu.memory_space<hbm>>
      tpu.wait_indirect_dma semaphore(%arg19 : memref<!tpu.dma_semaphore, #tpu.memory_space<semaphore_mem>>) src(%dma_wait3A_260 : memref<10000x256xf32, #tpu.memory_space<hbm>>) dst(%dma_wait3A_254 : memref<16x256xf32, #tpu.memory_space<vmem>>)
      %run_scoped3A_261 = arith.constant 0 : i32
      "tpu.region"() ({
        %run_scoped3A_263 = tpu.sem_alloc : memref<!tpu.dma_semaphore, #tpu.memory_space<semaphore_mem>>
        %dma_start3A_264 = arith.constant 0 : i32
        %dma_start3A_265 = arith.constant 0 : i32
        %dma_start3A_266 = tpu.memref_slice %arg9[%run_scoped3A_261, %dma_start3A_264, %dma_start3A_265] : memref<4x48x256xf32, #tpu.memory_space<vmem>> -> memref<1x16x256xf32, #tpu.memory_space<vmem>>
        %dma_start3A_267 = tpu.memref_squeeze %dma_start3A_266 : memref<1x16x256xf32, #tpu.memory_space<vmem>> -> memref<16x256xf32, #tpu.memory_space<vmem>>
        %dma_start3A_268 = arith.constant 159984 : i32
        %dma_start3A_269 = arith.constant 0 : i32
        %dma_start3A_270 = tpu.memref_slice %arg5[%dma_start3A_268, %dma_start3A_269] : memref<160000x256xf32, #tpu.memory_space<hbm>> -> memref<16x256xf32, #tpu.memory_space<hbm>>
        %dma_start3A_271 = arith.constant 159984 : i32
        %dma_start3A_272 = arith.constant 0 : i32
        %dma_start3A_273 = tpu.memref_slice %arg5[%dma_start3A_271, %dma_start3A_272] : memref<160000x256xf32, #tpu.memory_space<hbm>> -> memref<16x256xf32, #tpu.memory_space<hbm>>
        %dma_start3A_274 = arith.constant 0 : i32
        %dma_start3A_275 = arith.constant 0 : i32
        %dma_start3A_276 = tpu.memref_slice %arg9[%run_scoped3A_261, %dma_start3A_274, %dma_start3A_275] : memref<4x48x256xf32, #tpu.memory_space<vmem>> -> memref<1x16x256xf32, #tpu.memory_space<vmem>>
        %dma_start3A_277 = tpu.memref_squeeze %dma_start3A_276 : memref<1x16x256xf32, #tpu.memory_space<vmem>> -> memref<16x256xf32, #tpu.memory_space<vmem>>
        tpu.enqueue_dma source(%dma_start3A_277 : memref<16x256xf32, #tpu.memory_space<vmem>>) target(%dma_start3A_273 : memref<16x256xf32, #tpu.memory_space<hbm>>) target_semaphore(%run_scoped3A_263 : memref<!tpu.dma_semaphore, #tpu.memory_space<semaphore_mem>>)
        %dma_wait3A_278 = arith.constant 0 : i32
        %dma_wait3A_279 = arith.constant 0 : i32
        %dma_wait3A_280 = tpu.memref_slice %arg9[%run_scoped3A_261, %dma_wait3A_278, %dma_wait3A_279] : memref<4x48x256xf32, #tpu.memory_space<vmem>> -> memref<1x16x256xf32, #tpu.memory_space<vmem>>
        %dma_wait3A_281 = tpu.memref_squeeze %dma_wait3A_280 : memref<1x16x256xf32, #tpu.memory_space<vmem>> -> memref<16x256xf32, #tpu.memory_space<vmem>>
        %dma_wait3A_282 = arith.constant 159984 : i32
        %dma_wait3A_283 = arith.constant 0 : i32
        %dma_wait3A_284 = tpu.memref_slice %arg5[%dma_wait3A_282, %dma_wait3A_283] : memref<160000x256xf32, #tpu.memory_space<hbm>> -> memref<16x256xf32, #tpu.memory_space<hbm>>
        %dma_wait3A_285 = arith.constant 159984 : i32
        %dma_wait3A_286 = arith.constant 0 : i32
        %dma_wait3A_287 = tpu.memref_slice %arg5[%dma_wait3A_285, %dma_wait3A_286] : memref<160000x256xf32, #tpu.memory_space<hbm>> -> memref<16x256xf32, #tpu.memory_space<hbm>>
        %dma_wait3A_288 = arith.constant 0 : i32
        %dma_wait3A_289 = arith.constant 0 : i32
        %dma_wait3A_290 = tpu.memref_slice %arg9[%run_scoped3A_261, %dma_wait3A_288, %dma_wait3A_289] : memref<4x48x256xf32, #tpu.memory_space<vmem>> -> memref<1x16x256xf32, #tpu.memory_space<vmem>>
        %dma_wait3A_291 = tpu.memref_squeeze %dma_wait3A_290 : memref<1x16x256xf32, #tpu.memory_space<vmem>> -> memref<16x256xf32, #tpu.memory_space<vmem>>
        tpu.wait_dma2 semaphore(%run_scoped3A_263 : memref<!tpu.dma_semaphore, #tpu.memory_space<semaphore_mem>>) src(%dma_wait3A_291 : memref<16x256xf32, #tpu.memory_space<vmem>>) dst(%dma_wait3A_287 : memref<16x256xf32, #tpu.memory_space<hbm>>)
        tpu.yield
      }) : () -> ()
      %run_scoped3A_262 = arith.constant 0 : i32
      "tpu.region"() ({
        %run_scoped3A_263 = tpu.sem_alloc : memref<!tpu.dma_semaphore, #tpu.memory_space<semaphore_mem>>
        %dma_start3A_264 = arith.constant 0 : i32
        %dma_start3A_265 = arith.constant 0 : i32
        %dma_start3A_266 = tpu.memref_slice %arg10[%run_scoped3A_262, %dma_start3A_264, %dma_start3A_265] : memref<4x48x256xf32, #tpu.memory_space<vmem>> -> memref<1x16x256xf32, #tpu.memory_space<vmem>>
        %dma_start3A_267 = tpu.memref_squeeze %dma_start3A_266 : memref<1x16x256xf32, #tpu.memory_space<vmem>> -> memref<16x256xf32, #tpu.memory_space<vmem>>
        %dma_start3A_268 = arith.constant 159984 : i32
        %dma_start3A_269 = arith.constant 0 : i32
        %dma_start3A_270 = tpu.memref_slice %arg6[%dma_start3A_268, %dma_start3A_269] : memref<160000x256xf32, #tpu.memory_space<hbm>> -> memref<16x256xf32, #tpu.memory_space<hbm>>
        %dma_start3A_271 = arith.constant 159984 : i32
        %dma_start3A_272 = arith.constant 0 : i32
        %dma_start3A_273 = tpu.memref_slice %arg6[%dma_start3A_271, %dma_start3A_272] : memref<160000x256xf32, #tpu.memory_space<hbm>> -> memref<16x256xf32, #tpu.memory_space<hbm>>
        %dma_start3A_274 = arith.constant 0 : i32
        %dma_start3A_275 = arith.constant 0 : i32
        %dma_start3A_276 = tpu.memref_slice %arg10[%run_scoped3A_262, %dma_start3A_274, %dma_start3A_275] : memref<4x48x256xf32, #tpu.memory_space<vmem>> -> memref<1x16x256xf32, #tpu.memory_space<vmem>>
        %dma_start3A_277 = tpu.memref_squeeze %dma_start3A_276 : memref<1x16x256xf32, #tpu.memory_space<vmem>> -> memref<16x256xf32, #tpu.memory_space<vmem>>
        tpu.enqueue_dma source(%dma_start3A_277 : memref<16x256xf32, #tpu.memory_space<vmem>>) target(%dma_start3A_273 : memref<16x256xf32, #tpu.memory_space<hbm>>) target_semaphore(%run_scoped3A_263 : memref<!tpu.dma_semaphore, #tpu.memory_space<semaphore_mem>>)
        %dma_wait3A_278 = arith.constant 0 : i32
        %dma_wait3A_279 = arith.constant 0 : i32
        %dma_wait3A_280 = tpu.memref_slice %arg10[%run_scoped3A_262, %dma_wait3A_278, %dma_wait3A_279] : memref<4x48x256xf32, #tpu.memory_space<vmem>> -> memref<1x16x256xf32, #tpu.memory_space<vmem>>
        %dma_wait3A_281 = tpu.memref_squeeze %dma_wait3A_280 : memref<1x16x256xf32, #tpu.memory_space<vmem>> -> memref<16x256xf32, #tpu.memory_space<vmem>>
        %dma_wait3A_282 = arith.constant 159984 : i32
        %dma_wait3A_283 = arith.constant 0 : i32
        %dma_wait3A_284 = tpu.memref_slice %arg6[%dma_wait3A_282, %dma_wait3A_283] : memref<160000x256xf32, #tpu.memory_space<hbm>> -> memref<16x256xf32, #tpu.memory_space<hbm>>
        %dma_wait3A_285 = arith.constant 159984 : i32
        %dma_wait3A_286 = arith.constant 0 : i32
        %dma_wait3A_287 = tpu.memref_slice %arg6[%dma_wait3A_285, %dma_wait3A_286] : memref<160000x256xf32, #tpu.memory_space<hbm>> -> memref<16x256xf32, #tpu.memory_space<hbm>>
        %dma_wait3A_288 = arith.constant 0 : i32
        %dma_wait3A_289 = arith.constant 0 : i32
        %dma_wait3A_290 = tpu.memref_slice %arg10[%run_scoped3A_262, %dma_wait3A_288, %dma_wait3A_289] : memref<4x48x256xf32, #tpu.memory_space<vmem>> -> memref<1x16x256xf32, #tpu.memory_space<vmem>>
        %dma_wait3A_291 = tpu.memref_squeeze %dma_wait3A_290 : memref<1x16x256xf32, #tpu.memory_space<vmem>> -> memref<16x256xf32, #tpu.memory_space<vmem>>
        tpu.wait_dma2 semaphore(%run_scoped3A_263 : memref<!tpu.dma_semaphore, #tpu.memory_space<semaphore_mem>>) src(%dma_wait3A_291 : memref<16x256xf32, #tpu.memory_space<vmem>>) dst(%dma_wait3A_287 : memref<16x256xf32, #tpu.memory_space<hbm>>)
        tpu.yield
      }) : () -> ()
    } else {
    }
    return
  }
}

#map = affine_map<(d0, d1) -> (0, 0)>
#map1 = affine_map<(d0, d1) -> (0)>
module attributes {stable_mosaic.version = 14 : i64} {
  func.func @k(%arg0: i32, %arg1: i32, %arg2: memref<256x160000xf32, #tpu.memory_space<hbm>>, %arg3: memref<320000xi32, #tpu.memory_space<hbm>>, %arg4: memref<2621440xf32, #tpu.memory_space<hbm>>, %arg5: memref<2x640xi32, #tpu.memory_space<vmem>>, %arg6: memref<2x8x640xf32, #tpu.memory_space<vmem>>, %arg7: memref<81920xf32, #tpu.memory_space<vmem>>, %arg8: memref<!tpu.dma_semaphore, #tpu.memory_space<semaphore_mem>>, %arg9: memref<!tpu.dma_semaphore, #tpu.memory_space<semaphore_mem>>, %arg10: memref<!tpu.dma_semaphore, #tpu.memory_space<semaphore_mem>>, %arg11: memref<!tpu.dma_semaphore, #tpu.memory_space<semaphore_mem>>) attributes {dimension_semantics = [#tpu.dimension_semantics<core_parallel>, #tpu.dimension_semantics<subcore_parallel>], iteration_bounds = array<i64: 2, 16>, scalar_prefetch = 0 : i64, scratch_operands = 7 : i64, tpu.core_type = #tpu.core_type<sc_vector_subcore>, window_params = [{transform_indices = #map}, {transform_indices = #map1}, {transform_indices = #map1}]} {
    %mul3A = arith.constant 2 : i32
    %mul3A_0 = arith.muli %arg1, %mul3A : i32
    %add3A = arith.addi %mul3A_0, %arg0 : i32
    %broadcast_in_dim3A = arith.constant 0.000000e+00 : f32
    %broadcast_in_dim3A_1 = vector.broadcast %broadcast_in_dim3A : f32 to vector<16xf32>
    %dma_start3A = arith.constant 0 : i32
    %dma_start3A_2 = arith.constant 0 : i32
    %dma_start3A_3 = tpu.memref_slice %arg5[%dma_start3A, %dma_start3A_2] : memref<2x640xi32, #tpu.memory_space<vmem>> -> memref<1x640xi32, #tpu.memory_space<vmem>>
    %dma_start3A_4 = tpu.memref_squeeze %dma_start3A_3 : memref<1x640xi32, #tpu.memory_space<vmem>> -> memref<640xi32, #tpu.memory_space<vmem>>
    %dma_start3A_5 = arith.constant 160000 : i32
    %dma_start3A_6 = tpu.memref_slice %arg3[%dma_start3A_5] : memref<320000xi32, #tpu.memory_space<hbm>> -> memref<640xi32, #tpu.memory_space<hbm>>
    %dma_start3A_7 = arith.constant 0 : i32
    %dma_start3A_8 = tpu.memref_slice %arg5[%dma_start3A, %dma_start3A_7] : memref<2x640xi32, #tpu.memory_space<vmem>> -> memref<1x640xi32, #tpu.memory_space<vmem>>
    %dma_start3A_9 = tpu.memref_squeeze %dma_start3A_8 : memref<1x640xi32, #tpu.memory_space<vmem>> -> memref<640xi32, #tpu.memory_space<vmem>>
    %dma_start3A_10 = arith.constant 160000 : i32
    %dma_start3A_11 = tpu.memref_slice %arg3[%dma_start3A_10] : memref<320000xi32, #tpu.memory_space<hbm>> -> memref<640xi32, #tpu.memory_space<hbm>>
    tpu.enqueue_dma source(%dma_start3A_11 : memref<640xi32, #tpu.memory_space<hbm>>) target(%dma_start3A_9 : memref<640xi32, #tpu.memory_space<vmem>>) target_semaphore(%arg8 : memref<!tpu.dma_semaphore, #tpu.memory_space<semaphore_mem>>)
    %mul3A_12 = arith.constant 8 : i32
    %mul3A_13 = arith.muli %add3A, %mul3A_12 : i32
    %dma_start3A_14 = arith.constant 0 : i32
    %dma_start3A_15 = arith.constant 0 : i32
    %dma_start3A_16 = arith.constant 0 : i32
    %dma_start3A_17 = tpu.memref_slice %arg6[%dma_start3A_14, %dma_start3A_15, %dma_start3A_16] : memref<2x8x640xf32, #tpu.memory_space<vmem>> -> memref<1x8x640xf32, #tpu.memory_space<vmem>>
    %dma_start3A_18 = tpu.memref_squeeze %dma_start3A_17 : memref<1x8x640xf32, #tpu.memory_space<vmem>> -> memref<8x640xf32, #tpu.memory_space<vmem>>
    %dma_start3A_19 = arith.constant 0 : i32
    %dma_start3A_20 = tpu.memref_slice %arg2[%mul3A_13, %dma_start3A_19] : memref<256x160000xf32, #tpu.memory_space<hbm>> -> memref<8x640xf32, #tpu.memory_space<hbm>>
    %dma_start3A_21 = arith.constant 0 : i32
    %dma_start3A_22 = arith.constant 0 : i32
    %dma_start3A_23 = tpu.memref_slice %arg6[%dma_start3A_14, %dma_start3A_21, %dma_start3A_22] : memref<2x8x640xf32, #tpu.memory_space<vmem>> -> memref<1x8x640xf32, #tpu.memory_space<vmem>>
    %dma_start3A_24 = tpu.memref_squeeze %dma_start3A_23 : memref<1x8x640xf32, #tpu.memory_space<vmem>> -> memref<8x640xf32, #tpu.memory_space<vmem>>
    %dma_start3A_25 = arith.constant 0 : i32
    %dma_start3A_26 = tpu.memref_slice %arg2[%mul3A_13, %dma_start3A_25] : memref<256x160000xf32, #tpu.memory_space<hbm>> -> memref<8x640xf32, #tpu.memory_space<hbm>>
    tpu.enqueue_dma source(%dma_start3A_26 : memref<8x640xf32, #tpu.memory_space<hbm>>) target(%dma_start3A_24 : memref<8x640xf32, #tpu.memory_space<vmem>>) target_semaphore(%arg10 : memref<!tpu.dma_semaphore, #tpu.memory_space<semaphore_mem>>)
    %dma_start3A_27 = arith.constant 1 : i32
    %dma_start3A_28 = arith.constant 0 : i32
    %dma_start3A_29 = tpu.memref_slice %arg5[%dma_start3A_27, %dma_start3A_28] : memref<2x640xi32, #tpu.memory_space<vmem>> -> memref<1x640xi32, #tpu.memory_space<vmem>>
    %dma_start3A_30 = tpu.memref_squeeze %dma_start3A_29 : memref<1x640xi32, #tpu.memory_space<vmem>> -> memref<640xi32, #tpu.memory_space<vmem>>
    %dma_start3A_31 = arith.constant 160640 : i32
    %dma_start3A_32 = tpu.memref_slice %arg3[%dma_start3A_31] : memref<320000xi32, #tpu.memory_space<hbm>> -> memref<640xi32, #tpu.memory_space<hbm>>
    %dma_start3A_33 = arith.constant 0 : i32
    %dma_start3A_34 = tpu.memref_slice %arg5[%dma_start3A_27, %dma_start3A_33] : memref<2x640xi32, #tpu.memory_space<vmem>> -> memref<1x640xi32, #tpu.memory_space<vmem>>
    %dma_start3A_35 = tpu.memref_squeeze %dma_start3A_34 : memref<1x640xi32, #tpu.memory_space<vmem>> -> memref<640xi32, #tpu.memory_space<vmem>>
    %dma_start3A_36 = arith.constant 160640 : i32
    %dma_start3A_37 = tpu.memref_slice %arg3[%dma_start3A_36] : memref<320000xi32, #tpu.memory_space<hbm>> -> memref<640xi32, #tpu.memory_space<hbm>>
    tpu.enqueue_dma source(%dma_start3A_37 : memref<640xi32, #tpu.memory_space<hbm>>) target(%dma_start3A_35 : memref<640xi32, #tpu.memory_space<vmem>>) target_semaphore(%arg9 : memref<!tpu.dma_semaphore, #tpu.memory_space<semaphore_mem>>)
    %mul3A_38 = arith.constant 8 : i32
    %mul3A_39 = arith.muli %add3A, %mul3A_38 : i32
    %dma_start3A_40 = arith.constant 1 : i32
    %dma_start3A_41 = arith.constant 0 : i32
    %dma_start3A_42 = arith.constant 0 : i32
    %dma_start3A_43 = tpu.memref_slice %arg6[%dma_start3A_40, %dma_start3A_41, %dma_start3A_42] : memref<2x8x640xf32, #tpu.memory_space<vmem>> -> memref<1x8x640xf32, #tpu.memory_space<vmem>>
    %dma_start3A_44 = tpu.memref_squeeze %dma_start3A_43 : memref<1x8x640xf32, #tpu.memory_space<vmem>> -> memref<8x640xf32, #tpu.memory_space<vmem>>
    %dma_start3A_45 = arith.constant 640 : i32
    %dma_start3A_46 = tpu.memref_slice %arg2[%mul3A_39, %dma_start3A_45] : memref<256x160000xf32, #tpu.memory_space<hbm>> -> memref<8x640xf32, #tpu.memory_space<hbm>>
    %dma_start3A_47 = arith.constant 0 : i32
    %dma_start3A_48 = arith.constant 0 : i32
    %dma_start3A_49 = tpu.memref_slice %arg6[%dma_start3A_40, %dma_start3A_47, %dma_start3A_48] : memref<2x8x640xf32, #tpu.memory_space<vmem>> -> memref<1x8x640xf32, #tpu.memory_space<vmem>>
    %dma_start3A_50 = tpu.memref_squeeze %dma_start3A_49 : memref<1x8x640xf32, #tpu.memory_space<vmem>> -> memref<8x640xf32, #tpu.memory_space<vmem>>
    %dma_start3A_51 = arith.constant 640 : i32
    %dma_start3A_52 = tpu.memref_slice %arg2[%mul3A_39, %dma_start3A_51] : memref<256x160000xf32, #tpu.memory_space<hbm>> -> memref<8x640xf32, #tpu.memory_space<hbm>>
    tpu.enqueue_dma source(%dma_start3A_52 : memref<8x640xf32, #tpu.memory_space<hbm>>) target(%dma_start3A_50 : memref<8x640xf32, #tpu.memory_space<vmem>>) target_semaphore(%arg11 : memref<!tpu.dma_semaphore, #tpu.memory_space<semaphore_mem>>)
    %scan3A = arith.constant 0 : i32
    %scan3A_53 = arith.constant 0 : i32
    %scan3A_54 = arith.constant 320 : i32
    %scan3A_55 = arith.addi %scan3A_53, %scan3A_54 : i32
    %scan3A_56 = arith.constant 1 : i32
    scf.for %scan3A_68 = %scan3A_53 to %scan3A_55 step %scan3A_56  : i32 {
      %mul3A_69 = arith.constant 16 : i32
      %mul3A_70 = arith.muli %scan3A_68, %mul3A_69 : i32
      %add3A_71 = arith.constant 0 : i32
      %add3A_72 = arith.addi %mul3A_70, %add3A_71 : i32
      %mul3A_73 = arith.constant 16 : i32
      %mul3A_74 = arith.muli %add3A_72, %mul3A_73 : i32
      %swap3A = arith.index_cast %mul3A_74 : i32 to index
      %swap3A_75 = tpu.vector_load %arg7[%swap3A] {strides = array<i32>} : memref<81920xf32, #tpu.memory_space<vmem>>, vector<16xf32>,
      tpu.vector_store %arg7[%swap3A], %broadcast_in_dim3A_1 {strides = array<i32>} : memref<81920xf32, #tpu.memory_space<vmem>>, vector<16xf32>,
      %mul3A_76 = arith.constant 16 : i32
      %mul3A_77 = arith.muli %scan3A_68, %mul3A_76 : i32
      %add3A_78 = arith.constant 1 : i32
      %add3A_79 = arith.addi %mul3A_77, %add3A_78 : i32
      %mul3A_80 = arith.constant 16 : i32
      %mul3A_81 = arith.muli %add3A_79, %mul3A_80 : i32
      %swap3A_82 = arith.index_cast %mul3A_81 : i32 to index
      %swap3A_83 = tpu.vector_load %arg7[%swap3A_82] {strides = array<i32>} : memref<81920xf32, #tpu.memory_space<vmem>>, vector<16xf32>,
      tpu.vector_store %arg7[%swap3A_82], %broadcast_in_dim3A_1 {strides = array<i32>} : memref<81920xf32, #tpu.memory_space<vmem>>, vector<16xf32>,
      %mul3A_84 = arith.constant 16 : i32
      %mul3A_85 = arith.muli %scan3A_68, %mul3A_84 : i32
      %add3A_86 = arith.constant 2 : i32
      %add3A_87 = arith.addi %mul3A_85, %add3A_86 : i32
      %mul3A_88 = arith.constant 16 : i32
      %mul3A_89 = arith.muli %add3A_87, %mul3A_88 : i32
      %swap3A_90 = arith.index_cast %mul3A_89 : i32 to index
      %swap3A_91 = tpu.vector_load %arg7[%swap3A_90] {strides = array<i32>} : memref<81920xf32, #tpu.memory_space<vmem>>, vector<16xf32>,
      tpu.vector_store %arg7[%swap3A_90], %broadcast_in_dim3A_1 {strides = array<i32>} : memref<81920xf32, #tpu.memory_space<vmem>>, vector<16xf32>,
      %mul3A_92 = arith.constant 16 : i32
      %mul3A_93 = arith.muli %scan3A_68, %mul3A_92 : i32
      %add3A_94 = arith.constant 3 : i32
      %add3A_95 = arith.addi %mul3A_93, %add3A_94 : i32
      %mul3A_96 = arith.constant 16 : i32
      %mul3A_97 = arith.muli %add3A_95, %mul3A_96 : i32
      %swap3A_98 = arith.index_cast %mul3A_97 : i32 to index
      %swap3A_99 = tpu.vector_load %arg7[%swap3A_98] {strides = array<i32>} : memref<81920xf32, #tpu.memory_space<vmem>>, vector<16xf32>,
      tpu.vector_store %arg7[%swap3A_98], %broadcast_in_dim3A_1 {strides = array<i32>} : memref<81920xf32, #tpu.memory_space<vmem>>, vector<16xf32>,
      %mul3A_100 = arith.constant 16 : i32
      %mul3A_101 = arith.muli %scan3A_68, %mul3A_100 : i32
      %add3A_102 = arith.constant 4 : i32
      %add3A_103 = arith.addi %mul3A_101, %add3A_102 : i32
      %mul3A_104 = arith.constant 16 : i32
      %mul3A_105 = arith.muli %add3A_103, %mul3A_104 : i32
      %swap3A_106 = arith.index_cast %mul3A_105 : i32 to index
      %swap3A_107 = tpu.vector_load %arg7[%swap3A_106] {strides = array<i32>} : memref<81920xf32, #tpu.memory_space<vmem>>, vector<16xf32>,
      tpu.vector_store %arg7[%swap3A_106], %broadcast_in_dim3A_1 {strides = array<i32>} : memref<81920xf32, #tpu.memory_space<vmem>>, vector<16xf32>,
      %mul3A_108 = arith.constant 16 : i32
      %mul3A_109 = arith.muli %scan3A_68, %mul3A_108 : i32
      %add3A_110 = arith.constant 5 : i32
      %add3A_111 = arith.addi %mul3A_109, %add3A_110 : i32
      %mul3A_112 = arith.constant 16 : i32
      %mul3A_113 = arith.muli %add3A_111, %mul3A_112 : i32
      %swap3A_114 = arith.index_cast %mul3A_113 : i32 to index
      %swap3A_115 = tpu.vector_load %arg7[%swap3A_114] {strides = array<i32>} : memref<81920xf32, #tpu.memory_space<vmem>>, vector<16xf32>,
      tpu.vector_store %arg7[%swap3A_114], %broadcast_in_dim3A_1 {strides = array<i32>} : memref<81920xf32, #tpu.memory_space<vmem>>, vector<16xf32>,
      %mul3A_116 = arith.constant 16 : i32
      %mul3A_117 = arith.muli %scan3A_68, %mul3A_116 : i32
      %add3A_118 = arith.constant 6 : i32
      %add3A_119 = arith.addi %mul3A_117, %add3A_118 : i32
      %mul3A_120 = arith.constant 16 : i32
      %mul3A_121 = arith.muli %add3A_119, %mul3A_120 : i32
      %swap3A_122 = arith.index_cast %mul3A_121 : i32 to index
      %swap3A_123 = tpu.vector_load %arg7[%swap3A_122] {strides = array<i32>} : memref<81920xf32, #tpu.memory_space<vmem>>, vector<16xf32>,
      tpu.vector_store %arg7[%swap3A_122], %broadcast_in_dim3A_1 {strides = array<i32>} : memref<81920xf32, #tpu.memory_space<vmem>>, vector<16xf32>,
      %mul3A_124 = arith.constant 16 : i32
      %mul3A_125 = arith.muli %scan3A_68, %mul3A_124 : i32
      %add3A_126 = arith.constant 7 : i32
      %add3A_127 = arith.addi %mul3A_125, %add3A_126 : i32
      %mul3A_128 = arith.constant 16 : i32
      %mul3A_129 = arith.muli %add3A_127, %mul3A_128 : i32
      %swap3A_130 = arith.index_cast %mul3A_129 : i32 to index
      %swap3A_131 = tpu.vector_load %arg7[%swap3A_130] {strides = array<i32>} : memref<81920xf32, #tpu.memory_space<vmem>>, vector<16xf32>,
      tpu.vector_store %arg7[%swap3A_130], %broadcast_in_dim3A_1 {strides = array<i32>} : memref<81920xf32, #tpu.memory_space<vmem>>, vector<16xf32>,
      %mul3A_132 = arith.constant 16 : i32
      %mul3A_133 = arith.muli %scan3A_68, %mul3A_132 : i32
      %add3A_134 = arith.constant 8 : i32
      %add3A_135 = arith.addi %mul3A_133, %add3A_134 : i32
      %mul3A_136 = arith.constant 16 : i32
      %mul3A_137 = arith.muli %add3A_135, %mul3A_136 : i32
      %swap3A_138 = arith.index_cast %mul3A_137 : i32 to index
      %swap3A_139 = tpu.vector_load %arg7[%swap3A_138] {strides = array<i32>} : memref<81920xf32, #tpu.memory_space<vmem>>, vector<16xf32>,
      tpu.vector_store %arg7[%swap3A_138], %broadcast_in_dim3A_1 {strides = array<i32>} : memref<81920xf32, #tpu.memory_space<vmem>>, vector<16xf32>,
      %mul3A_140 = arith.constant 16 : i32
      %mul3A_141 = arith.muli %scan3A_68, %mul3A_140 : i32
      %add3A_142 = arith.constant 9 : i32
      %add3A_143 = arith.addi %mul3A_141, %add3A_142 : i32
      %mul3A_144 = arith.constant 16 : i32
      %mul3A_145 = arith.muli %add3A_143, %mul3A_144 : i32
      %swap3A_146 = arith.index_cast %mul3A_145 : i32 to index
      %swap3A_147 = tpu.vector_load %arg7[%swap3A_146] {strides = array<i32>} : memref<81920xf32, #tpu.memory_space<vmem>>, vector<16xf32>,
      tpu.vector_store %arg7[%swap3A_146], %broadcast_in_dim3A_1 {strides = array<i32>} : memref<81920xf32, #tpu.memory_space<vmem>>, vector<16xf32>,
      %mul3A_148 = arith.constant 16 : i32
      %mul3A_149 = arith.muli %scan3A_68, %mul3A_148 : i32
      %add3A_150 = arith.constant 10 : i32
      %add3A_151 = arith.addi %mul3A_149, %add3A_150 : i32
      %mul3A_152 = arith.constant 16 : i32
      %mul3A_153 = arith.muli %add3A_151, %mul3A_152 : i32
      %swap3A_154 = arith.index_cast %mul3A_153 : i32 to index
      %swap3A_155 = tpu.vector_load %arg7[%swap3A_154] {strides = array<i32>} : memref<81920xf32, #tpu.memory_space<vmem>>, vector<16xf32>,
      tpu.vector_store %arg7[%swap3A_154], %broadcast_in_dim3A_1 {strides = array<i32>} : memref<81920xf32, #tpu.memory_space<vmem>>, vector<16xf32>,
      %mul3A_156 = arith.constant 16 : i32
      %mul3A_157 = arith.muli %scan3A_68, %mul3A_156 : i32
      %add3A_158 = arith.constant 11 : i32
      %add3A_159 = arith.addi %mul3A_157, %add3A_158 : i32
      %mul3A_160 = arith.constant 16 : i32
      %mul3A_161 = arith.muli %add3A_159, %mul3A_160 : i32
      %swap3A_162 = arith.index_cast %mul3A_161 : i32 to index
      %swap3A_163 = tpu.vector_load %arg7[%swap3A_162] {strides = array<i32>} : memref<81920xf32, #tpu.memory_space<vmem>>, vector<16xf32>,
      tpu.vector_store %arg7[%swap3A_162], %broadcast_in_dim3A_1 {strides = array<i32>} : memref<81920xf32, #tpu.memory_space<vmem>>, vector<16xf32>,
      %mul3A_164 = arith.constant 16 : i32
      %mul3A_165 = arith.muli %scan3A_68, %mul3A_164 : i32
      %add3A_166 = arith.constant 12 : i32
      %add3A_167 = arith.addi %mul3A_165, %add3A_166 : i32
      %mul3A_168 = arith.constant 16 : i32
      %mul3A_169 = arith.muli %add3A_167, %mul3A_168 : i32
      %swap3A_170 = arith.index_cast %mul3A_169 : i32 to index
      %swap3A_171 = tpu.vector_load %arg7[%swap3A_170] {strides = array<i32>} : memref<81920xf32, #tpu.memory_space<vmem>>, vector<16xf32>,
      tpu.vector_store %arg7[%swap3A_170], %broadcast_in_dim3A_1 {strides = array<i32>} : memref<81920xf32, #tpu.memory_space<vmem>>, vector<16xf32>,
      %mul3A_172 = arith.constant 16 : i32
      %mul3A_173 = arith.muli %scan3A_68, %mul3A_172 : i32
      %add3A_174 = arith.constant 13 : i32
      %add3A_175 = arith.addi %mul3A_173, %add3A_174 : i32
      %mul3A_176 = arith.constant 16 : i32
      %mul3A_177 = arith.muli %add3A_175, %mul3A_176 : i32
      %swap3A_178 = arith.index_cast %mul3A_177 : i32 to index
      %swap3A_179 = tpu.vector_load %arg7[%swap3A_178] {strides = array<i32>} : memref<81920xf32, #tpu.memory_space<vmem>>, vector<16xf32>,
      tpu.vector_store %arg7[%swap3A_178], %broadcast_in_dim3A_1 {strides = array<i32>} : memref<81920xf32, #tpu.memory_space<vmem>>, vector<16xf32>,
      %mul3A_180 = arith.constant 16 : i32
      %mul3A_181 = arith.muli %scan3A_68, %mul3A_180 : i32
      %add3A_182 = arith.constant 14 : i32
      %add3A_183 = arith.addi %mul3A_181, %add3A_182 : i32
      %mul3A_184 = arith.constant 16 : i32
      %mul3A_185 = arith.muli %add3A_183, %mul3A_184 : i32
      %swap3A_186 = arith.index_cast %mul3A_185 : i32 to index
      %swap3A_187 = tpu.vector_load %arg7[%swap3A_186] {strides = array<i32>} : memref<81920xf32, #tpu.memory_space<vmem>>, vector<16xf32>,
      tpu.vector_store %arg7[%swap3A_186], %broadcast_in_dim3A_1 {strides = array<i32>} : memref<81920xf32, #tpu.memory_space<vmem>>, vector<16xf32>,
      %mul3A_188 = arith.constant 16 : i32
      %mul3A_189 = arith.muli %scan3A_68, %mul3A_188 : i32
      %add3A_190 = arith.constant 15 : i32
      %add3A_191 = arith.addi %mul3A_189, %add3A_190 : i32
      %mul3A_192 = arith.constant 16 : i32
      %mul3A_193 = arith.muli %add3A_191, %mul3A_192 : i32
      %swap3A_194 = arith.index_cast %mul3A_193 : i32 to index
      %swap3A_195 = tpu.vector_load %arg7[%swap3A_194] {strides = array<i32>} : memref<81920xf32, #tpu.memory_space<vmem>>, vector<16xf32>,
      tpu.vector_store %arg7[%swap3A_194], %broadcast_in_dim3A_1 {strides = array<i32>} : memref<81920xf32, #tpu.memory_space<vmem>>, vector<16xf32>,
    }
    %scan3A_57 = arith.constant 320 : i32
    %scan3A_58 = arith.constant 0 : i32
    %scan3A_59 = arith.constant 0 : i32
    %scan3A_60 = arith.constant 125 : i32
    %scan3A_61 = arith.addi %scan3A_59, %scan3A_60 : i32
    %scan3A_62 = arith.constant 1 : i32
    scf.for %scan3A_68 = %scan3A_59 to %scan3A_61 step %scan3A_62  : i32 {
      %mul3A_69 = arith.constant 2 : i32
      %mul3A_70 = arith.muli %scan3A_68, %mul3A_69 : i32
      %add3A_71 = arith.constant 0 : i32
      %add3A_72 = arith.addi %mul3A_70, %add3A_71 : i32
      %dma_wait3A = arith.constant 0 : i32
      %dma_wait3A_73 = arith.constant 0 : i32
      %dma_wait3A_74 = tpu.memref_slice %arg5[%dma_wait3A, %dma_wait3A_73] : memref<2x640xi32, #tpu.memory_space<vmem>> -> memref<1x640xi32, #tpu.memory_space<vmem>>
      %dma_wait3A_75 = tpu.memref_squeeze %dma_wait3A_74 : memref<1x640xi32, #tpu.memory_space<vmem>> -> memref<640xi32, #tpu.memory_space<vmem>>
      %dma_wait3A_76 = arith.constant 0 : i32
      %dma_wait3A_77 = tpu.memref_slice %arg3[%dma_wait3A_76] : memref<320000xi32, #tpu.memory_space<hbm>> -> memref<640xi32, #tpu.memory_space<hbm>>
      %dma_wait3A_78 = arith.constant 0 : i32
      %dma_wait3A_79 = tpu.memref_slice %arg5[%dma_wait3A, %dma_wait3A_78] : memref<2x640xi32, #tpu.memory_space<vmem>> -> memref<1x640xi32, #tpu.memory_space<vmem>>
      %dma_wait3A_80 = tpu.memref_squeeze %dma_wait3A_79 : memref<1x640xi32, #tpu.memory_space<vmem>> -> memref<640xi32, #tpu.memory_space<vmem>>
      %dma_wait3A_81 = arith.constant 0 : i32
      %dma_wait3A_82 = tpu.memref_slice %arg3[%dma_wait3A_81] : memref<320000xi32, #tpu.memory_space<hbm>> -> memref<640xi32, #tpu.memory_space<hbm>>
      tpu.wait_dma2 semaphore(%arg8 : memref<!tpu.dma_semaphore, #tpu.memory_space<semaphore_mem>>) src(%dma_wait3A_82 : memref<640xi32, #tpu.memory_space<hbm>>) dst(%dma_wait3A_80 : memref<640xi32, #tpu.memory_space<vmem>>)
      %dma_wait3A_83 = arith.constant 0 : i32
      %dma_wait3A_84 = arith.constant 0 : i32
      %dma_wait3A_85 = arith.constant 0 : i32
      %dma_wait3A_86 = tpu.memref_slice %arg6[%dma_wait3A_83, %dma_wait3A_84, %dma_wait3A_85] : memref<2x8x640xf32, #tpu.memory_space<vmem>> -> memref<1x8x640xf32, #tpu.memory_space<vmem>>
      %dma_wait3A_87 = tpu.memref_squeeze %dma_wait3A_86 : memref<1x8x640xf32, #tpu.memory_space<vmem>> -> memref<8x640xf32, #tpu.memory_space<vmem>>
      %dma_wait3A_88 = arith.constant 0 : i32
      %dma_wait3A_89 = arith.constant 0 : i32
      %dma_wait3A_90 = tpu.memref_slice %arg2[%dma_wait3A_88, %dma_wait3A_89] : memref<256x160000xf32, #tpu.memory_space<hbm>> -> memref<8x640xf32, #tpu.memory_space<hbm>>
      %dma_wait3A_91 = arith.constant 0 : i32
      %dma_wait3A_92 = arith.constant 0 : i32
      %dma_wait3A_93 = tpu.memref_slice %arg6[%dma_wait3A_83, %dma_wait3A_91, %dma_wait3A_92] : memref<2x8x640xf32, #tpu.memory_space<vmem>> -> memref<1x8x640xf32, #tpu.memory_space<vmem>>
      %dma_wait3A_94 = tpu.memref_squeeze %dma_wait3A_93 : memref<1x8x640xf32, #tpu.memory_space<vmem>> -> memref<8x640xf32, #tpu.memory_space<vmem>>
      %dma_wait3A_95 = arith.constant 0 : i32
      %dma_wait3A_96 = arith.constant 0 : i32
      %dma_wait3A_97 = tpu.memref_slice %arg2[%dma_wait3A_95, %dma_wait3A_96] : memref<256x160000xf32, #tpu.memory_space<hbm>> -> memref<8x640xf32, #tpu.memory_space<hbm>>
      tpu.wait_dma2 semaphore(%arg10 : memref<!tpu.dma_semaphore, #tpu.memory_space<semaphore_mem>>) src(%dma_wait3A_97 : memref<8x640xf32, #tpu.memory_space<hbm>>) dst(%dma_wait3A_94 : memref<8x640xf32, #tpu.memory_space<vmem>>)
      %parallel_loop3A = arith.constant 0 : i32
      %parallel_loop3A_98 = arith.constant 40 : i32
      %parallel_loop3A_99 = arith.constant 1 : i32
      scf.for %parallel_loop3A_144 = %parallel_loop3A to %parallel_loop3A_98 step %parallel_loop3A_99  : i32 {
        %parallel_loop3A_145 = arith.constant 16 : i32
        %parallel_loop3A_146 = arith.muli %parallel_loop3A_144, %parallel_loop3A_145 : i32
        %parallel_loop3A_147 = arith.constant 0 : i32
        %parallel_loop3A_148 = arith.index_cast %parallel_loop3A_147 : i32 to index
        %parallel_loop3A_149 = arith.index_cast %parallel_loop3A_146 : i32 to index
        %parallel_loop3A_150 = tpu.vector_load %arg5[%parallel_loop3A_148, %parallel_loop3A_149] {strides = array<i32>} : memref<2x640xi32, #tpu.memory_space<vmem>>, vector<16xi32>,
        %parallel_loop3A_151 = arith.constant 16 : i32
        %parallel_loop3A_152 = arith.muli %parallel_loop3A_144, %parallel_loop3A_151 : i32
        %parallel_loop3A_153 = arith.constant 0 : i32
        %parallel_loop3A_154 = arith.constant 0 : i32
        %parallel_loop3A_155 = arith.index_cast %parallel_loop3A_153 : i32 to index
        %parallel_loop3A_156 = arith.index_cast %parallel_loop3A_154 : i32 to index
        %parallel_loop3A_157 = arith.index_cast %parallel_loop3A_152 : i32 to index
        %parallel_loop3A_158 = tpu.vector_load %arg6[%parallel_loop3A_155, %parallel_loop3A_156, %parallel_loop3A_157] {strides = array<i32>} : memref<2x8x640xf32, #tpu.memory_space<vmem>>, vector<16xf32>,
        %parallel_loop3A_159 = arith.constant 0 : i32
        %parallel_loop3A_160 = vector.broadcast %parallel_loop3A_159 : i32 to vector<16xi32>
        %parallel_loop3A_161 = arith.addi %parallel_loop3A_150, %parallel_loop3A_160 : vector<16xi32>
        tpu.vector_store_idx %arg7[%parallel_loop3A_161], %parallel_loop3A_158 {add = true} : memref<81920xf32, #tpu.memory_space<vmem>>[vector<16xi32>], vector<16xf32>,
        %parallel_loop3A_162 = arith.constant 16 : i32
        %parallel_loop3A_163 = arith.muli %parallel_loop3A_144, %parallel_loop3A_162 : i32
        %parallel_loop3A_164 = arith.constant 0 : i32
        %parallel_loop3A_165 = arith.constant 1 : i32
        %parallel_loop3A_166 = arith.index_cast %parallel_loop3A_164 : i32 to index
        %parallel_loop3A_167 = arith.index_cast %parallel_loop3A_165 : i32 to index
        %parallel_loop3A_168 = arith.index_cast %parallel_loop3A_163 : i32 to index
        %parallel_loop3A_169 = tpu.vector_load %arg6[%parallel_loop3A_166, %parallel_loop3A_167, %parallel_loop3A_168] {strides = array<i32>} : memref<2x8x640xf32, #tpu.memory_space<vmem>>, vector<16xf32>,
        %parallel_loop3A_170 = arith.constant 10240 : i32
        %parallel_loop3A_171 = vector.broadcast %parallel_loop3A_170 : i32 to vector<16xi32>
        %parallel_loop3A_172 = arith.addi %parallel_loop3A_150, %parallel_loop3A_171 : vector<16xi32>
        tpu.vector_store_idx %arg7[%parallel_loop3A_172], %parallel_loop3A_169 {add = true} : memref<81920xf32, #tpu.memory_space<vmem>>[vector<16xi32>], vector<16xf32>,
        %parallel_loop3A_173 = arith.constant 16 : i32
        %parallel_loop3A_174 = arith.muli %parallel_loop3A_144, %parallel_loop3A_173 : i32
        %parallel_loop3A_175 = arith.constant 0 : i32
        %parallel_loop3A_176 = arith.constant 2 : i32
        %parallel_loop3A_177 = arith.index_cast %parallel_loop3A_175 : i32 to index
        %parallel_loop3A_178 = arith.index_cast %parallel_loop3A_176 : i32 to index
        %parallel_loop3A_179 = arith.index_cast %parallel_loop3A_174 : i32 to index
        %parallel_loop3A_180 = tpu.vector_load %arg6[%parallel_loop3A_177, %parallel_loop3A_178, %parallel_loop3A_179] {strides = array<i32>} : memref<2x8x640xf32, #tpu.memory_space<vmem>>, vector<16xf32>,
        %parallel_loop3A_181 = arith.constant 20480 : i32
        %parallel_loop3A_182 = vector.broadcast %parallel_loop3A_181 : i32 to vector<16xi32>
        %parallel_loop3A_183 = arith.addi %parallel_loop3A_150, %parallel_loop3A_182 : vector<16xi32>
        tpu.vector_store_idx %arg7[%parallel_loop3A_183], %parallel_loop3A_180 {add = true} : memref<81920xf32, #tpu.memory_space<vmem>>[vector<16xi32>], vector<16xf32>,
        %parallel_loop3A_184 = arith.constant 16 : i32
        %parallel_loop3A_185 = arith.muli %parallel_loop3A_144, %parallel_loop3A_184 : i32
        %parallel_loop3A_186 = arith.constant 0 : i32
        %parallel_loop3A_187 = arith.constant 3 : i32
        %parallel_loop3A_188 = arith.index_cast %parallel_loop3A_186 : i32 to index
        %parallel_loop3A_189 = arith.index_cast %parallel_loop3A_187 : i32 to index
        %parallel_loop3A_190 = arith.index_cast %parallel_loop3A_185 : i32 to index
        %parallel_loop3A_191 = tpu.vector_load %arg6[%parallel_loop3A_188, %parallel_loop3A_189, %parallel_loop3A_190] {strides = array<i32>} : memref<2x8x640xf32, #tpu.memory_space<vmem>>, vector<16xf32>,
        %parallel_loop3A_192 = arith.constant 30720 : i32
        %parallel_loop3A_193 = vector.broadcast %parallel_loop3A_192 : i32 to vector<16xi32>
        %parallel_loop3A_194 = arith.addi %parallel_loop3A_150, %parallel_loop3A_193 : vector<16xi32>
        tpu.vector_store_idx %arg7[%parallel_loop3A_194], %parallel_loop3A_191 {add = true} : memref<81920xf32, #tpu.memory_space<vmem>>[vector<16xi32>], vector<16xf32>,
        %parallel_loop3A_195 = arith.constant 16 : i32
        %parallel_loop3A_196 = arith.muli %parallel_loop3A_144, %parallel_loop3A_195 : i32
        %parallel_loop3A_197 = arith.constant 0 : i32
        %parallel_loop3A_198 = arith.constant 4 : i32
        %parallel_loop3A_199 = arith.index_cast %parallel_loop3A_197 : i32 to index
        %parallel_loop3A_200 = arith.index_cast %parallel_loop3A_198 : i32 to index
        %parallel_loop3A_201 = arith.index_cast %parallel_loop3A_196 : i32 to index
        %parallel_loop3A_202 = tpu.vector_load %arg6[%parallel_loop3A_199, %parallel_loop3A_200, %parallel_loop3A_201] {strides = array<i32>} : memref<2x8x640xf32, #tpu.memory_space<vmem>>, vector<16xf32>,
        %parallel_loop3A_203 = arith.constant 40960 : i32
        %parallel_loop3A_204 = vector.broadcast %parallel_loop3A_203 : i32 to vector<16xi32>
        %parallel_loop3A_205 = arith.addi %parallel_loop3A_150, %parallel_loop3A_204 : vector<16xi32>
        tpu.vector_store_idx %arg7[%parallel_loop3A_205], %parallel_loop3A_202 {add = true} : memref<81920xf32, #tpu.memory_space<vmem>>[vector<16xi32>], vector<16xf32>,
        %parallel_loop3A_206 = arith.constant 16 : i32
        %parallel_loop3A_207 = arith.muli %parallel_loop3A_144, %parallel_loop3A_206 : i32
        %parallel_loop3A_208 = arith.constant 0 : i32
        %parallel_loop3A_209 = arith.constant 5 : i32
        %parallel_loop3A_210 = arith.index_cast %parallel_loop3A_208 : i32 to index
        %parallel_loop3A_211 = arith.index_cast %parallel_loop3A_209 : i32 to index
        %parallel_loop3A_212 = arith.index_cast %parallel_loop3A_207 : i32 to index
        %parallel_loop3A_213 = tpu.vector_load %arg6[%parallel_loop3A_210, %parallel_loop3A_211, %parallel_loop3A_212] {strides = array<i32>} : memref<2x8x640xf32, #tpu.memory_space<vmem>>, vector<16xf32>,
        %parallel_loop3A_214 = arith.constant 51200 : i32
        %parallel_loop3A_215 = vector.broadcast %parallel_loop3A_214 : i32 to vector<16xi32>
        %parallel_loop3A_216 = arith.addi %parallel_loop3A_150, %parallel_loop3A_215 : vector<16xi32>
        tpu.vector_store_idx %arg7[%parallel_loop3A_216], %parallel_loop3A_213 {add = true} : memref<81920xf32, #tpu.memory_space<vmem>>[vector<16xi32>], vector<16xf32>,
        %parallel_loop3A_217 = arith.constant 16 : i32
        %parallel_loop3A_218 = arith.muli %parallel_loop3A_144, %parallel_loop3A_217 : i32
        %parallel_loop3A_219 = arith.constant 0 : i32
        %parallel_loop3A_220 = arith.constant 6 : i32
        %parallel_loop3A_221 = arith.index_cast %parallel_loop3A_219 : i32 to index
        %parallel_loop3A_222 = arith.index_cast %parallel_loop3A_220 : i32 to index
        %parallel_loop3A_223 = arith.index_cast %parallel_loop3A_218 : i32 to index
        %parallel_loop3A_224 = tpu.vector_load %arg6[%parallel_loop3A_221, %parallel_loop3A_222, %parallel_loop3A_223] {strides = array<i32>} : memref<2x8x640xf32, #tpu.memory_space<vmem>>, vector<16xf32>,
        %parallel_loop3A_225 = arith.constant 61440 : i32
        %parallel_loop3A_226 = vector.broadcast %parallel_loop3A_225 : i32 to vector<16xi32>
        %parallel_loop3A_227 = arith.addi %parallel_loop3A_150, %parallel_loop3A_226 : vector<16xi32>
        tpu.vector_store_idx %arg7[%parallel_loop3A_227], %parallel_loop3A_224 {add = true} : memref<81920xf32, #tpu.memory_space<vmem>>[vector<16xi32>], vector<16xf32>,
        %parallel_loop3A_228 = arith.constant 16 : i32
        %parallel_loop3A_229 = arith.muli %parallel_loop3A_144, %parallel_loop3A_228 : i32
        %parallel_loop3A_230 = arith.constant 0 : i32
        %parallel_loop3A_231 = arith.constant 7 : i32
        %parallel_loop3A_232 = arith.index_cast %parallel_loop3A_230 : i32 to index
        %parallel_loop3A_233 = arith.index_cast %parallel_loop3A_231 : i32 to index
        %parallel_loop3A_234 = arith.index_cast %parallel_loop3A_229 : i32 to index
        %parallel_loop3A_235 = tpu.vector_load %arg6[%parallel_loop3A_232, %parallel_loop3A_233, %parallel_loop3A_234] {strides = array<i32>} : memref<2x8x640xf32, #tpu.memory_space<vmem>>, vector<16xf32>,
        %parallel_loop3A_236 = arith.constant 71680 : i32
        %parallel_loop3A_237 = vector.broadcast %parallel_loop3A_236 : i32 to vector<16xi32>
        %parallel_loop3A_238 = arith.addi %parallel_loop3A_150, %parallel_loop3A_237 : vector<16xi32>
        tpu.vector_store_idx %arg7[%parallel_loop3A_238], %parallel_loop3A_235 {add = true} : memref<81920xf32, #tpu.memory_space<vmem>>[vector<16xi32>], vector<16xf32>,
      } {sc.loop_unroll_factor = 4 : i64, sc.parallel_access}
      %add3A_100 = arith.constant 2 : i32
      %add3A_101 = arith.addi %add3A_72, %add3A_100 : i32
      %lt3A = arith.constant 250 : i32
      %lt3A_102 = arith.cmpi slt, %add3A_101, %lt3A : i32
      %convert_element_type3A = arith.extui %lt3A_102 : i1 to i32
      %cond3A = arith.constant 0 : i32
      %cond3A_103 = arith.cmpi ne, %convert_element_type3A, %cond3A : i32
      scf.if %cond3A_103 {
        %add3A_144 = arith.constant 2 : i32
        %add3A_145 = arith.addi %add3A_72, %add3A_144 : i32
        %mul3A_146 = arith.constant 640 : i32
        %mul3A_147 = arith.muli %add3A_145, %mul3A_146 : i32
        %add3A_148 = arith.constant 160000 : i32
        %add3A_149 = arith.addi %add3A_148, %mul3A_147 : i32
        %dma_start3A_150 = arith.constant 0 : i32
        %dma_start3A_151 = arith.constant 0 : i32
        %dma_start3A_152 = tpu.memref_slice %arg5[%dma_start3A_150, %dma_start3A_151] : memref<2x640xi32, #tpu.memory_space<vmem>> -> memref<1x640xi32, #tpu.memory_space<vmem>>
        %dma_start3A_153 = tpu.memref_squeeze %dma_start3A_152 : memref<1x640xi32, #tpu.memory_space<vmem>> -> memref<640xi32, #tpu.memory_space<vmem>>
        %dma_start3A_154 = tpu.memref_slice %arg3[%add3A_149] : memref<320000xi32, #tpu.memory_space<hbm>> -> memref<640xi32, #tpu.memory_space<hbm>>
        %dma_start3A_155 = arith.constant 0 : i32
        %dma_start3A_156 = tpu.memref_slice %arg5[%dma_start3A_150, %dma_start3A_155] : memref<2x640xi32, #tpu.memory_space<vmem>> -> memref<1x640xi32, #tpu.memory_space<vmem>>
        %dma_start3A_157 = tpu.memref_squeeze %dma_start3A_156 : memref<1x640xi32, #tpu.memory_space<vmem>> -> memref<640xi32, #tpu.memory_space<vmem>>
        %dma_start3A_158 = tpu.memref_slice %arg3[%add3A_149] : memref<320000xi32, #tpu.memory_space<hbm>> -> memref<640xi32, #tpu.memory_space<hbm>>
        tpu.enqueue_dma source(%dma_start3A_158 : memref<640xi32, #tpu.memory_space<hbm>>) target(%dma_start3A_157 : memref<640xi32, #tpu.memory_space<vmem>>) target_semaphore(%arg8 : memref<!tpu.dma_semaphore, #tpu.memory_space<semaphore_mem>>)
        %mul3A_159 = arith.constant 8 : i32
        %mul3A_160 = arith.muli %add3A, %mul3A_159 : i32
        %mul3A_161 = arith.constant 640 : i32
        %mul3A_162 = arith.muli %add3A_145, %mul3A_161 : i32
        %dma_start3A_163 = arith.constant 0 : i32
        %dma_start3A_164 = arith.constant 0 : i32
        %dma_start3A_165 = arith.constant 0 : i32
        %dma_start3A_166 = tpu.memref_slice %arg6[%dma_start3A_163, %dma_start3A_164, %dma_start3A_165] : memref<2x8x640xf32, #tpu.memory_space<vmem>> -> memref<1x8x640xf32, #tpu.memory_space<vmem>>
        %dma_start3A_167 = tpu.memref_squeeze %dma_start3A_166 : memref<1x8x640xf32, #tpu.memory_space<vmem>> -> memref<8x640xf32, #tpu.memory_space<vmem>>
        %dma_start3A_168 = tpu.memref_slice %arg2[%mul3A_160, %mul3A_162] : memref<256x160000xf32, #tpu.memory_space<hbm>> -> memref<8x640xf32, #tpu.memory_space<hbm>>
        %dma_start3A_169 = arith.constant 0 : i32
        %dma_start3A_170 = arith.constant 0 : i32
        %dma_start3A_171 = tpu.memref_slice %arg6[%dma_start3A_163, %dma_start3A_169, %dma_start3A_170] : memref<2x8x640xf32, #tpu.memory_space<vmem>> -> memref<1x8x640xf32, #tpu.memory_space<vmem>>
        %dma_start3A_172 = tpu.memref_squeeze %dma_start3A_171 : memref<1x8x640xf32, #tpu.memory_space<vmem>> -> memref<8x640xf32, #tpu.memory_space<vmem>>
        %dma_start3A_173 = tpu.memref_slice %arg2[%mul3A_160, %mul3A_162] : memref<256x160000xf32, #tpu.memory_space<hbm>> -> memref<8x640xf32, #tpu.memory_space<hbm>>
        tpu.enqueue_dma source(%dma_start3A_173 : memref<8x640xf32, #tpu.memory_space<hbm>>) target(%dma_start3A_172 : memref<8x640xf32, #tpu.memory_space<vmem>>) target_semaphore(%arg10 : memref<!tpu.dma_semaphore, #tpu.memory_space<semaphore_mem>>)
      } else {
      }
      %mul3A_104 = arith.constant 2 : i32
      %mul3A_105 = arith.muli %scan3A_68, %mul3A_104 : i32
      %add3A_106 = arith.constant 1 : i32
      %add3A_107 = arith.addi %mul3A_105, %add3A_106 : i32
      %dma_wait3A_108 = arith.constant 1 : i32
      %dma_wait3A_109 = arith.constant 0 : i32
      %dma_wait3A_110 = tpu.memref_slice %arg5[%dma_wait3A_108, %dma_wait3A_109] : memref<2x640xi32, #tpu.memory_space<vmem>> -> memref<1x640xi32, #tpu.memory_space<vmem>>
      %dma_wait3A_111 = tpu.memref_squeeze %dma_wait3A_110 : memref<1x640xi32, #tpu.memory_space<vmem>> -> memref<640xi32, #tpu.memory_space<vmem>>
      %dma_wait3A_112 = arith.constant 0 : i32
      %dma_wait3A_113 = tpu.memref_slice %arg3[%dma_wait3A_112] : memref<320000xi32, #tpu.memory_space<hbm>> -> memref<640xi32, #tpu.memory_space<hbm>>
      %dma_wait3A_114 = arith.constant 0 : i32
      %dma_wait3A_115 = tpu.memref_slice %arg5[%dma_wait3A_108, %dma_wait3A_114] : memref<2x640xi32, #tpu.memory_space<vmem>> -> memref<1x640xi32, #tpu.memory_space<vmem>>
      %dma_wait3A_116 = tpu.memref_squeeze %dma_wait3A_115 : memref<1x640xi32, #tpu.memory_space<vmem>> -> memref<640xi32, #tpu.memory_space<vmem>>
      %dma_wait3A_117 = arith.constant 0 : i32
      %dma_wait3A_118 = tpu.memref_slice %arg3[%dma_wait3A_117] : memref<320000xi32, #tpu.memory_space<hbm>> -> memref<640xi32, #tpu.memory_space<hbm>>
      tpu.wait_dma2 semaphore(%arg9 : memref<!tpu.dma_semaphore, #tpu.memory_space<semaphore_mem>>) src(%dma_wait3A_118 : memref<640xi32, #tpu.memory_space<hbm>>) dst(%dma_wait3A_116 : memref<640xi32, #tpu.memory_space<vmem>>)
      %dma_wait3A_119 = arith.constant 1 : i32
      %dma_wait3A_120 = arith.constant 0 : i32
      %dma_wait3A_121 = arith.constant 0 : i32
      %dma_wait3A_122 = tpu.memref_slice %arg6[%dma_wait3A_119, %dma_wait3A_120, %dma_wait3A_121] : memref<2x8x640xf32, #tpu.memory_space<vmem>> -> memref<1x8x640xf32, #tpu.memory_space<vmem>>
      %dma_wait3A_123 = tpu.memref_squeeze %dma_wait3A_122 : memref<1x8x640xf32, #tpu.memory_space<vmem>> -> memref<8x640xf32, #tpu.memory_space<vmem>>
      %dma_wait3A_124 = arith.constant 0 : i32
      %dma_wait3A_125 = arith.constant 0 : i32
      %dma_wait3A_126 = tpu.memref_slice %arg2[%dma_wait3A_124, %dma_wait3A_125] : memref<256x160000xf32, #tpu.memory_space<hbm>> -> memref<8x640xf32, #tpu.memory_space<hbm>>
      %dma_wait3A_127 = arith.constant 0 : i32
      %dma_wait3A_128 = arith.constant 0 : i32
      %dma_wait3A_129 = tpu.memref_slice %arg6[%dma_wait3A_119, %dma_wait3A_127, %dma_wait3A_128] : memref<2x8x640xf32, #tpu.memory_space<vmem>> -> memref<1x8x640xf32, #tpu.memory_space<vmem>>
      %dma_wait3A_130 = tpu.memref_squeeze %dma_wait3A_129 : memref<1x8x640xf32, #tpu.memory_space<vmem>> -> memref<8x640xf32, #tpu.memory_space<vmem>>
      %dma_wait3A_131 = arith.constant 0 : i32
      %dma_wait3A_132 = arith.constant 0 : i32
      %dma_wait3A_133 = tpu.memref_slice %arg2[%dma_wait3A_131, %dma_wait3A_132] : memref<256x160000xf32, #tpu.memory_space<hbm>> -> memref<8x640xf32, #tpu.memory_space<hbm>>
      tpu.wait_dma2 semaphore(%arg11 : memref<!tpu.dma_semaphore, #tpu.memory_space<semaphore_mem>>) src(%dma_wait3A_133 : memref<8x640xf32, #tpu.memory_space<hbm>>) dst(%dma_wait3A_130 : memref<8x640xf32, #tpu.memory_space<vmem>>)
      %parallel_loop3A_134 = arith.constant 0 : i32
      %parallel_loop3A_135 = arith.constant 40 : i32
      %parallel_loop3A_136 = arith.constant 1 : i32
      scf.for %parallel_loop3A_144 = %parallel_loop3A_134 to %parallel_loop3A_135 step %parallel_loop3A_136  : i32 {
        %parallel_loop3A_145 = arith.constant 16 : i32
        %parallel_loop3A_146 = arith.muli %parallel_loop3A_144, %parallel_loop3A_145 : i32
        %parallel_loop3A_147 = arith.constant 1 : i32
        %parallel_loop3A_148 = arith.index_cast %parallel_loop3A_147 : i32 to index
        %parallel_loop3A_149 = arith.index_cast %parallel_loop3A_146 : i32 to index
        %parallel_loop3A_150 = tpu.vector_load %arg5[%parallel_loop3A_148, %parallel_loop3A_149] {strides = array<i32>} : memref<2x640xi32, #tpu.memory_space<vmem>>, vector<16xi32>,
        %parallel_loop3A_151 = arith.constant 16 : i32
        %parallel_loop3A_152 = arith.muli %parallel_loop3A_144, %parallel_loop3A_151 : i32
        %parallel_loop3A_153 = arith.constant 1 : i32
        %parallel_loop3A_154 = arith.constant 0 : i32
        %parallel_loop3A_155 = arith.index_cast %parallel_loop3A_153 : i32 to index
        %parallel_loop3A_156 = arith.index_cast %parallel_loop3A_154 : i32 to index
        %parallel_loop3A_157 = arith.index_cast %parallel_loop3A_152 : i32 to index
        %parallel_loop3A_158 = tpu.vector_load %arg6[%parallel_loop3A_155, %parallel_loop3A_156, %parallel_loop3A_157] {strides = array<i32>} : memref<2x8x640xf32, #tpu.memory_space<vmem>>, vector<16xf32>,
        %parallel_loop3A_159 = arith.constant 0 : i32
        %parallel_loop3A_160 = vector.broadcast %parallel_loop3A_159 : i32 to vector<16xi32>
        %parallel_loop3A_161 = arith.addi %parallel_loop3A_150, %parallel_loop3A_160 : vector<16xi32>
        tpu.vector_store_idx %arg7[%parallel_loop3A_161], %parallel_loop3A_158 {add = true} : memref<81920xf32, #tpu.memory_space<vmem>>[vector<16xi32>], vector<16xf32>,
        %parallel_loop3A_162 = arith.constant 16 : i32
        %parallel_loop3A_163 = arith.muli %parallel_loop3A_144, %parallel_loop3A_162 : i32
        %parallel_loop3A_164 = arith.constant 1 : i32
        %parallel_loop3A_165 = arith.constant 1 : i32
        %parallel_loop3A_166 = arith.index_cast %parallel_loop3A_164 : i32 to index
        %parallel_loop3A_167 = arith.index_cast %parallel_loop3A_165 : i32 to index
        %parallel_loop3A_168 = arith.index_cast %parallel_loop3A_163 : i32 to index
        %parallel_loop3A_169 = tpu.vector_load %arg6[%parallel_loop3A_166, %parallel_loop3A_167, %parallel_loop3A_168] {strides = array<i32>} : memref<2x8x640xf32, #tpu.memory_space<vmem>>, vector<16xf32>,
        %parallel_loop3A_170 = arith.constant 10240 : i32
        %parallel_loop3A_171 = vector.broadcast %parallel_loop3A_170 : i32 to vector<16xi32>
        %parallel_loop3A_172 = arith.addi %parallel_loop3A_150, %parallel_loop3A_171 : vector<16xi32>
        tpu.vector_store_idx %arg7[%parallel_loop3A_172], %parallel_loop3A_169 {add = true} : memref<81920xf32, #tpu.memory_space<vmem>>[vector<16xi32>], vector<16xf32>,
        %parallel_loop3A_173 = arith.constant 16 : i32
        %parallel_loop3A_174 = arith.muli %parallel_loop3A_144, %parallel_loop3A_173 : i32
        %parallel_loop3A_175 = arith.constant 1 : i32
        %parallel_loop3A_176 = arith.constant 2 : i32
        %parallel_loop3A_177 = arith.index_cast %parallel_loop3A_175 : i32 to index
        %parallel_loop3A_178 = arith.index_cast %parallel_loop3A_176 : i32 to index
        %parallel_loop3A_179 = arith.index_cast %parallel_loop3A_174 : i32 to index
        %parallel_loop3A_180 = tpu.vector_load %arg6[%parallel_loop3A_177, %parallel_loop3A_178, %parallel_loop3A_179] {strides = array<i32>} : memref<2x8x640xf32, #tpu.memory_space<vmem>>, vector<16xf32>,
        %parallel_loop3A_181 = arith.constant 20480 : i32
        %parallel_loop3A_182 = vector.broadcast %parallel_loop3A_181 : i32 to vector<16xi32>
        %parallel_loop3A_183 = arith.addi %parallel_loop3A_150, %parallel_loop3A_182 : vector<16xi32>
        tpu.vector_store_idx %arg7[%parallel_loop3A_183], %parallel_loop3A_180 {add = true} : memref<81920xf32, #tpu.memory_space<vmem>>[vector<16xi32>], vector<16xf32>,
        %parallel_loop3A_184 = arith.constant 16 : i32
        %parallel_loop3A_185 = arith.muli %parallel_loop3A_144, %parallel_loop3A_184 : i32
        %parallel_loop3A_186 = arith.constant 1 : i32
        %parallel_loop3A_187 = arith.constant 3 : i32
        %parallel_loop3A_188 = arith.index_cast %parallel_loop3A_186 : i32 to index
        %parallel_loop3A_189 = arith.index_cast %parallel_loop3A_187 : i32 to index
        %parallel_loop3A_190 = arith.index_cast %parallel_loop3A_185 : i32 to index
        %parallel_loop3A_191 = tpu.vector_load %arg6[%parallel_loop3A_188, %parallel_loop3A_189, %parallel_loop3A_190] {strides = array<i32>} : memref<2x8x640xf32, #tpu.memory_space<vmem>>, vector<16xf32>,
        %parallel_loop3A_192 = arith.constant 30720 : i32
        %parallel_loop3A_193 = vector.broadcast %parallel_loop3A_192 : i32 to vector<16xi32>
        %parallel_loop3A_194 = arith.addi %parallel_loop3A_150, %parallel_loop3A_193 : vector<16xi32>
        tpu.vector_store_idx %arg7[%parallel_loop3A_194], %parallel_loop3A_191 {add = true} : memref<81920xf32, #tpu.memory_space<vmem>>[vector<16xi32>], vector<16xf32>,
        %parallel_loop3A_195 = arith.constant 16 : i32
        %parallel_loop3A_196 = arith.muli %parallel_loop3A_144, %parallel_loop3A_195 : i32
        %parallel_loop3A_197 = arith.constant 1 : i32
        %parallel_loop3A_198 = arith.constant 4 : i32
        %parallel_loop3A_199 = arith.index_cast %parallel_loop3A_197 : i32 to index
        %parallel_loop3A_200 = arith.index_cast %parallel_loop3A_198 : i32 to index
        %parallel_loop3A_201 = arith.index_cast %parallel_loop3A_196 : i32 to index
        %parallel_loop3A_202 = tpu.vector_load %arg6[%parallel_loop3A_199, %parallel_loop3A_200, %parallel_loop3A_201] {strides = array<i32>} : memref<2x8x640xf32, #tpu.memory_space<vmem>>, vector<16xf32>,
        %parallel_loop3A_203 = arith.constant 40960 : i32
        %parallel_loop3A_204 = vector.broadcast %parallel_loop3A_203 : i32 to vector<16xi32>
        %parallel_loop3A_205 = arith.addi %parallel_loop3A_150, %parallel_loop3A_204 : vector<16xi32>
        tpu.vector_store_idx %arg7[%parallel_loop3A_205], %parallel_loop3A_202 {add = true} : memref<81920xf32, #tpu.memory_space<vmem>>[vector<16xi32>], vector<16xf32>,
        %parallel_loop3A_206 = arith.constant 16 : i32
        %parallel_loop3A_207 = arith.muli %parallel_loop3A_144, %parallel_loop3A_206 : i32
        %parallel_loop3A_208 = arith.constant 1 : i32
        %parallel_loop3A_209 = arith.constant 5 : i32
        %parallel_loop3A_210 = arith.index_cast %parallel_loop3A_208 : i32 to index
        %parallel_loop3A_211 = arith.index_cast %parallel_loop3A_209 : i32 to index
        %parallel_loop3A_212 = arith.index_cast %parallel_loop3A_207 : i32 to index
        %parallel_loop3A_213 = tpu.vector_load %arg6[%parallel_loop3A_210, %parallel_loop3A_211, %parallel_loop3A_212] {strides = array<i32>} : memref<2x8x640xf32, #tpu.memory_space<vmem>>, vector<16xf32>,
        %parallel_loop3A_214 = arith.constant 51200 : i32
        %parallel_loop3A_215 = vector.broadcast %parallel_loop3A_214 : i32 to vector<16xi32>
        %parallel_loop3A_216 = arith.addi %parallel_loop3A_150, %parallel_loop3A_215 : vector<16xi32>
        tpu.vector_store_idx %arg7[%parallel_loop3A_216], %parallel_loop3A_213 {add = true} : memref<81920xf32, #tpu.memory_space<vmem>>[vector<16xi32>], vector<16xf32>,
        %parallel_loop3A_217 = arith.constant 16 : i32
        %parallel_loop3A_218 = arith.muli %parallel_loop3A_144, %parallel_loop3A_217 : i32
        %parallel_loop3A_219 = arith.constant 1 : i32
        %parallel_loop3A_220 = arith.constant 6 : i32
        %parallel_loop3A_221 = arith.index_cast %parallel_loop3A_219 : i32 to index
        %parallel_loop3A_222 = arith.index_cast %parallel_loop3A_220 : i32 to index
        %parallel_loop3A_223 = arith.index_cast %parallel_loop3A_218 : i32 to index
        %parallel_loop3A_224 = tpu.vector_load %arg6[%parallel_loop3A_221, %parallel_loop3A_222, %parallel_loop3A_223] {strides = array<i32>} : memref<2x8x640xf32, #tpu.memory_space<vmem>>, vector<16xf32>,
        %parallel_loop3A_225 = arith.constant 61440 : i32
        %parallel_loop3A_226 = vector.broadcast %parallel_loop3A_225 : i32 to vector<16xi32>
        %parallel_loop3A_227 = arith.addi %parallel_loop3A_150, %parallel_loop3A_226 : vector<16xi32>
        tpu.vector_store_idx %arg7[%parallel_loop3A_227], %parallel_loop3A_224 {add = true} : memref<81920xf32, #tpu.memory_space<vmem>>[vector<16xi32>], vector<16xf32>,
        %parallel_loop3A_228 = arith.constant 16 : i32
        %parallel_loop3A_229 = arith.muli %parallel_loop3A_144, %parallel_loop3A_228 : i32
        %parallel_loop3A_230 = arith.constant 1 : i32
        %parallel_loop3A_231 = arith.constant 7 : i32
        %parallel_loop3A_232 = arith.index_cast %parallel_loop3A_230 : i32 to index
        %parallel_loop3A_233 = arith.index_cast %parallel_loop3A_231 : i32 to index
        %parallel_loop3A_234 = arith.index_cast %parallel_loop3A_229 : i32 to index
        %parallel_loop3A_235 = tpu.vector_load %arg6[%parallel_loop3A_232, %parallel_loop3A_233, %parallel_loop3A_234] {strides = array<i32>} : memref<2x8x640xf32, #tpu.memory_space<vmem>>, vector<16xf32>,
        %parallel_loop3A_236 = arith.constant 71680 : i32
        %parallel_loop3A_237 = vector.broadcast %parallel_loop3A_236 : i32 to vector<16xi32>
        %parallel_loop3A_238 = arith.addi %parallel_loop3A_150, %parallel_loop3A_237 : vector<16xi32>
        tpu.vector_store_idx %arg7[%parallel_loop3A_238], %parallel_loop3A_235 {add = true} : memref<81920xf32, #tpu.memory_space<vmem>>[vector<16xi32>], vector<16xf32>,
      } {sc.loop_unroll_factor = 4 : i64, sc.parallel_access}
      %add3A_137 = arith.constant 2 : i32
      %add3A_138 = arith.addi %add3A_107, %add3A_137 : i32
      %lt3A_139 = arith.constant 250 : i32
      %lt3A_140 = arith.cmpi slt, %add3A_138, %lt3A_139 : i32
      %convert_element_type3A_141 = arith.extui %lt3A_140 : i1 to i32
      %cond3A_142 = arith.constant 0 : i32
      %cond3A_143 = arith.cmpi ne, %convert_element_type3A_141, %cond3A_142 : i32
      scf.if %cond3A_143 {
        %add3A_144 = arith.constant 2 : i32
        %add3A_145 = arith.addi %add3A_107, %add3A_144 : i32
        %mul3A_146 = arith.constant 640 : i32
        %mul3A_147 = arith.muli %add3A_145, %mul3A_146 : i32
        %add3A_148 = arith.constant 160000 : i32
        %add3A_149 = arith.addi %add3A_148, %mul3A_147 : i32
        %dma_start3A_150 = arith.constant 1 : i32
        %dma_start3A_151 = arith.constant 0 : i32
        %dma_start3A_152 = tpu.memref_slice %arg5[%dma_start3A_150, %dma_start3A_151] : memref<2x640xi32, #tpu.memory_space<vmem>> -> memref<1x640xi32, #tpu.memory_space<vmem>>
        %dma_start3A_153 = tpu.memref_squeeze %dma_start3A_152 : memref<1x640xi32, #tpu.memory_space<vmem>> -> memref<640xi32, #tpu.memory_space<vmem>>
        %dma_start3A_154 = tpu.memref_slice %arg3[%add3A_149] : memref<320000xi32, #tpu.memory_space<hbm>> -> memref<640xi32, #tpu.memory_space<hbm>>
        %dma_start3A_155 = arith.constant 0 : i32
        %dma_start3A_156 = tpu.memref_slice %arg5[%dma_start3A_150, %dma_start3A_155] : memref<2x640xi32, #tpu.memory_space<vmem>> -> memref<1x640xi32, #tpu.memory_space<vmem>>
        %dma_start3A_157 = tpu.memref_squeeze %dma_start3A_156 : memref<1x640xi32, #tpu.memory_space<vmem>> -> memref<640xi32, #tpu.memory_space<vmem>>
        %dma_start3A_158 = tpu.memref_slice %arg3[%add3A_149] : memref<320000xi32, #tpu.memory_space<hbm>> -> memref<640xi32, #tpu.memory_space<hbm>>
        tpu.enqueue_dma source(%dma_start3A_158 : memref<640xi32, #tpu.memory_space<hbm>>) target(%dma_start3A_157 : memref<640xi32, #tpu.memory_space<vmem>>) target_semaphore(%arg9 : memref<!tpu.dma_semaphore, #tpu.memory_space<semaphore_mem>>)
        %mul3A_159 = arith.constant 8 : i32
        %mul3A_160 = arith.muli %add3A, %mul3A_159 : i32
        %mul3A_161 = arith.constant 640 : i32
        %mul3A_162 = arith.muli %add3A_145, %mul3A_161 : i32
        %dma_start3A_163 = arith.constant 1 : i32
        %dma_start3A_164 = arith.constant 0 : i32
        %dma_start3A_165 = arith.constant 0 : i32
        %dma_start3A_166 = tpu.memref_slice %arg6[%dma_start3A_163, %dma_start3A_164, %dma_start3A_165] : memref<2x8x640xf32, #tpu.memory_space<vmem>> -> memref<1x8x640xf32, #tpu.memory_space<vmem>>
        %dma_start3A_167 = tpu.memref_squeeze %dma_start3A_166 : memref<1x8x640xf32, #tpu.memory_space<vmem>> -> memref<8x640xf32, #tpu.memory_space<vmem>>
        %dma_start3A_168 = tpu.memref_slice %arg2[%mul3A_160, %mul3A_162] : memref<256x160000xf32, #tpu.memory_space<hbm>> -> memref<8x640xf32, #tpu.memory_space<hbm>>
        %dma_start3A_169 = arith.constant 0 : i32
        %dma_start3A_170 = arith.constant 0 : i32
        %dma_start3A_171 = tpu.memref_slice %arg6[%dma_start3A_163, %dma_start3A_169, %dma_start3A_170] : memref<2x8x640xf32, #tpu.memory_space<vmem>> -> memref<1x8x640xf32, #tpu.memory_space<vmem>>
        %dma_start3A_172 = tpu.memref_squeeze %dma_start3A_171 : memref<1x8x640xf32, #tpu.memory_space<vmem>> -> memref<8x640xf32, #tpu.memory_space<vmem>>
        %dma_start3A_173 = tpu.memref_slice %arg2[%mul3A_160, %mul3A_162] : memref<256x160000xf32, #tpu.memory_space<hbm>> -> memref<8x640xf32, #tpu.memory_space<hbm>>
        tpu.enqueue_dma source(%dma_start3A_173 : memref<8x640xf32, #tpu.memory_space<hbm>>) target(%dma_start3A_172 : memref<8x640xf32, #tpu.memory_space<vmem>>) target_semaphore(%arg11 : memref<!tpu.dma_semaphore, #tpu.memory_space<semaphore_mem>>)
      } else {
      }
    }
    %scan3A_63 = arith.constant 125 : i32
    %mul3A_64 = arith.constant 8 : i32
    %mul3A_65 = arith.muli %add3A, %mul3A_64 : i32
    %mul3A_66 = arith.constant 10240 : i32
    %mul3A_67 = arith.muli %mul3A_65, %mul3A_66 : i32
    "tpu.region"() ({
      %run_scoped3A = tpu.sem_alloc : memref<!tpu.dma_semaphore, #tpu.memory_space<semaphore_mem>>
      %dma_start3A_68 = tpu.memref_slice %arg4[%mul3A_67] : memref<2621440xf32, #tpu.memory_space<hbm>> -> memref<81920xf32, #tpu.memory_space<hbm>>
      %dma_start3A_69 = tpu.memref_slice %arg4[%mul3A_67] : memref<2621440xf32, #tpu.memory_space<hbm>> -> memref<81920xf32, #tpu.memory_space<hbm>>
      tpu.enqueue_dma source(%arg7 : memref<81920xf32, #tpu.memory_space<vmem>>) target(%dma_start3A_69 : memref<81920xf32, #tpu.memory_space<hbm>>) target_semaphore(%run_scoped3A : memref<!tpu.dma_semaphore, #tpu.memory_space<semaphore_mem>>)
      %dma_wait3A = tpu.memref_slice %arg4[%mul3A_67] : memref<2621440xf32, #tpu.memory_space<hbm>> -> memref<81920xf32, #tpu.memory_space<hbm>>
      %dma_wait3A_70 = tpu.memref_slice %arg4[%mul3A_67] : memref<2621440xf32, #tpu.memory_space<hbm>> -> memref<81920xf32, #tpu.memory_space<hbm>>
      tpu.wait_dma2 semaphore(%run_scoped3A : memref<!tpu.dma_semaphore, #tpu.memory_space<semaphore_mem>>) src(%arg7 : memref<81920xf32, #tpu.memory_space<vmem>>) dst(%dma_wait3A_70 : memref<81920xf32, #tpu.memory_space<hbm>>)
      tpu.yield
    }) : () -> ()
    return
  }
}

module attributes {stable_mosaic.version = 14 : i64} {
  func.func @_tables_body(%arg0: i32, %arg1: memref<2000x256xf32, #tpu.memory_space<vmem>>, %arg2: memref<256x512xf32, #tpu.memory_space<vmem>>, %arg3: memref<256x512xf32, #tpu.memory_space<vmem>>, %arg4: memref<1x512xf32, #tpu.memory_space<vmem>>, %arg5: memref<2000x256xf32, #tpu.memory_space<vmem>>, %arg6: memref<2000x256xf32, #tpu.memory_space<vmem>>) attributes {dimension_semantics = [#tpu.dimension_semantics<arbitrary>], iteration_bounds = array<i64: 5>, scalar_prefetch = 0 : i64, scratch_operands = 0 : i64, tpu.core_type = #tpu.core_type<tc>, window_params = [{transform_indices = @transform_0, window_bounds = array<i64: 2000, 256>}, {pipeline_mode = #tpu.pipeline_mode<synchronous>, transform_indices = @transform_1, window_bounds = array<i64: 256, 512>}, {pipeline_mode = #tpu.pipeline_mode<synchronous>, transform_indices = @transform_2, window_bounds = array<i64: 256, 512>}, {pipeline_mode = #tpu.pipeline_mode<synchronous>, transform_indices = @transform_3, window_bounds = array<i64: 1, 512>}, {transform_indices = @transform_4, window_bounds = array<i64: 2000, 256>}, {transform_indices = @transform_5, window_bounds = array<i64: 2000, 256>}]} {
    %get3A = arith.constant 0 : index
    %get3A_0 = arith.constant 0 : index
    %get3A_1 = vector.load %arg1[%get3A, %get3A_0] : memref<2000x256xf32, #tpu.memory_space<vmem>>, vector<2000x256xf32>
    %get3A_2 = arith.constant 0 : index
    %get3A_3 = arith.constant 0 : index
    %get3A_4 = vector.load %arg2[%get3A_2, %get3A_3] : memref<256x512xf32, #tpu.memory_space<vmem>>, vector<256x512xf32>
    %dot_general3A = arith.constant dense<0.000000e+00> : vector<2000x512xf32>
    %dot_general3A_5 = tpu.matmul %get3A_1, %get3A_4, %dot_general3A {dimension_numbers = #tpu.dot_dimension_numbers<[1], [0], [0], [1], [0, 0, 1, 1], [], []>, transpose_lhs_hint = false} : vector<2000x256xf32>, vector<256x512xf32>, vector<2000x512xf32> -> vector<2000x512xf32>
    %get3A_6 = arith.constant 0 : index
    %get3A_7 = arith.constant 0 : index
    %get3A_8 = vector.load %arg4[%get3A_6, %get3A_7] : memref<1x512xf32, #tpu.memory_space<vmem>>, vector<1x512xf32>
    %add3A = vector.broadcast %get3A_8 : vector<1x512xf32> to vector<2000x512xf32>
    %add3A_9 = arith.addf %dot_general3A_5, %add3A : vector<2000x512xf32>
    %get3A_10 = arith.constant 0 : index
    %get3A_11 = arith.constant 0 : index
    %get3A_12 = vector.load %arg3[%get3A_10, %get3A_11] : memref<256x512xf32, #tpu.memory_space<vmem>>, vector<256x512xf32>
    %dot_general3A_13 = arith.constant dense<0.000000e+00> : vector<2000x512xf32>
    %dot_general3A_14 = tpu.matmul %get3A_1, %get3A_12, %dot_general3A_13 {dimension_numbers = #tpu.dot_dimension_numbers<[1], [0], [0], [1], [0, 0, 1, 1], [], []>, transpose_lhs_hint = false} : vector<2000x256xf32>, vector<256x512xf32>, vector<2000x512xf32> -> vector<2000x512xf32>
    %slice3A = vector.extract_strided_slice %add3A_9 {offsets = [0, 0], sizes = [2000, 128], strides = [1, 1]} : vector<2000x512xf32> to vector<2000x128xf32>
    %slice3A_15 = vector.extract_strided_slice %add3A_9 {offsets = [0, 256], sizes = [2000, 128], strides = [1, 1]} : vector<2000x512xf32> to vector<2000x128xf32>
    %concatenate3A = tpu.concatenate %slice3A, %slice3A_15 in 1 : vector<2000x128xf32>, vector<2000x128xf32> -> vector<2000x256xf32>
    %slice3A_16 = vector.extract_strided_slice %add3A_9 {offsets = [0, 128], sizes = [2000, 128], strides = [1, 1]} : vector<2000x512xf32> to vector<2000x128xf32>
    %slice3A_17 = vector.extract_strided_slice %add3A_9 {offsets = [0, 384], sizes = [2000, 128], strides = [1, 1]} : vector<2000x512xf32> to vector<2000x128xf32>
    %concatenate3A_18 = tpu.concatenate %slice3A_16, %slice3A_17 in 1 : vector<2000x128xf32>, vector<2000x128xf32> -> vector<2000x256xf32>
    %bitcast_convert_type3A = tpu.bitcast %concatenate3A : vector<2000x256xf32> -> vector<2000x256xi32>
    %bitcast_convert_type3A_19 = tpu.bitcast %concatenate3A_18 : vector<2000x256xf32> -> vector<2000x256xi32>
    %add3A_20 = arith.constant 32767 : i32
    %add3A_21 = vector.broadcast %add3A_20 : i32 to vector<2000x256xi32>
    %add3A_22 = arith.addi %bitcast_convert_type3A, %add3A_21 : vector<2000x256xi32>
    %shift_right_arithmetic3A = arith.constant 16 : i32
    %shift_right_arithmetic3A_23 = vector.broadcast %shift_right_arithmetic3A : i32 to vector<2000x256xi32>
    %shift_right_arithmetic3A_24 = arith.shrsi %bitcast_convert_type3A, %shift_right_arithmetic3A_23 : vector<2000x256xi32>
    %and3A = arith.constant 1 : i32
    %and3A_25 = vector.broadcast %and3A : i32 to vector<2000x256xi32>
    %and3A_26 = arith.andi %shift_right_arithmetic3A_24, %and3A_25 : vector<2000x256xi32>
    %add3A_27 = arith.addi %add3A_22, %and3A_26 : vector<2000x256xi32>
    %add3A_28 = arith.constant 32767 : i32
    %add3A_29 = vector.broadcast %add3A_28 : i32 to vector<2000x256xi32>
    %add3A_30 = arith.addi %bitcast_convert_type3A_19, %add3A_29 : vector<2000x256xi32>
    %shift_right_arithmetic3A_31 = arith.constant 16 : i32
    %shift_right_arithmetic3A_32 = vector.broadcast %shift_right_arithmetic3A_31 : i32 to vector<2000x256xi32>
    %shift_right_arithmetic3A_33 = arith.shrsi %bitcast_convert_type3A_19, %shift_right_arithmetic3A_32 : vector<2000x256xi32>
    %and3A_34 = arith.constant 1 : i32
    %and3A_35 = vector.broadcast %and3A_34 : i32 to vector<2000x256xi32>
    %and3A_36 = arith.andi %shift_right_arithmetic3A_33, %and3A_35 : vector<2000x256xi32>
    %add3A_37 = arith.addi %add3A_30, %and3A_36 : vector<2000x256xi32>
    %shift_right_arithmetic3A_38 = arith.constant 16 : i32
    %shift_right_arithmetic3A_39 = vector.broadcast %shift_right_arithmetic3A_38 : i32 to vector<2000x256xi32>
    %shift_right_arithmetic3A_40 = arith.shrsi %add3A_27, %shift_right_arithmetic3A_39 : vector<2000x256xi32>
    %and3A_41 = arith.constant 65535 : i32
    %and3A_42 = vector.broadcast %and3A_41 : i32 to vector<2000x256xi32>
    %and3A_43 = arith.andi %shift_right_arithmetic3A_40, %and3A_42 : vector<2000x256xi32>
    %and3A_44 = arith.constant -65536 : i32
    %and3A_45 = vector.broadcast %and3A_44 : i32 to vector<2000x256xi32>
    %and3A_46 = arith.andi %add3A_37, %and3A_45 : vector<2000x256xi32>
    %or3A = arith.ori %and3A_43, %and3A_46 : vector<2000x256xi32>
    %bitcast_convert_type3A_47 = tpu.bitcast %or3A : vector<2000x256xi32> -> vector<2000x256xf32>
    %swap3A = arith.constant 0 : index
    %swap3A_48 = arith.constant 0 : index
    %swap3A_49 = vector.load %arg5[%swap3A, %swap3A_48] : memref<2000x256xf32, #tpu.memory_space<vmem>>, vector<2000x256xf32>
    tpu.vector_store %arg5[%swap3A, %swap3A_48], %bitcast_convert_type3A_47 {strides = array<i32>} : memref<2000x256xf32, #tpu.memory_space<vmem>>, vector<2000x256xf32>,
    %slice3A_50 = vector.extract_strided_slice %dot_general3A_14 {offsets = [0, 0], sizes = [2000, 128], strides = [1, 1]} : vector<2000x512xf32> to vector<2000x128xf32>
    %slice3A_51 = vector.extract_strided_slice %dot_general3A_14 {offsets = [0, 256], sizes = [2000, 128], strides = [1, 1]} : vector<2000x512xf32> to vector<2000x128xf32>
    %concatenate3A_52 = tpu.concatenate %slice3A_50, %slice3A_51 in 1 : vector<2000x128xf32>, vector<2000x128xf32> -> vector<2000x256xf32>
    %slice3A_53 = vector.extract_strided_slice %dot_general3A_14 {offsets = [0, 128], sizes = [2000, 128], strides = [1, 1]} : vector<2000x512xf32> to vector<2000x128xf32>
    %slice3A_54 = vector.extract_strided_slice %dot_general3A_14 {offsets = [0, 384], sizes = [2000, 128], strides = [1, 1]} : vector<2000x512xf32> to vector<2000x128xf32>
    %concatenate3A_55 = tpu.concatenate %slice3A_53, %slice3A_54 in 1 : vector<2000x128xf32>, vector<2000x128xf32> -> vector<2000x256xf32>
    %bitcast_convert_type3A_56 = tpu.bitcast %concatenate3A_52 : vector<2000x256xf32> -> vector<2000x256xi32>
    %bitcast_convert_type3A_57 = tpu.bitcast %concatenate3A_55 : vector<2000x256xf32> -> vector<2000x256xi32>
    %add3A_58 = arith.constant 32767 : i32
    %add3A_59 = vector.broadcast %add3A_58 : i32 to vector<2000x256xi32>
    %add3A_60 = arith.addi %bitcast_convert_type3A_56, %add3A_59 : vector<2000x256xi32>
    %shift_right_arithmetic3A_61 = arith.constant 16 : i32
    %shift_right_arithmetic3A_62 = vector.broadcast %shift_right_arithmetic3A_61 : i32 to vector<2000x256xi32>
    %shift_right_arithmetic3A_63 = arith.shrsi %bitcast_convert_type3A_56, %shift_right_arithmetic3A_62 : vector<2000x256xi32>
    %and3A_64 = arith.constant 1 : i32
    %and3A_65 = vector.broadcast %and3A_64 : i32 to vector<2000x256xi32>
    %and3A_66 = arith.andi %shift_right_arithmetic3A_63, %and3A_65 : vector<2000x256xi32>
    %add3A_67 = arith.addi %add3A_60, %and3A_66 : vector<2000x256xi32>
    %add3A_68 = arith.constant 32767 : i32
    %add3A_69 = vector.broadcast %add3A_68 : i32 to vector<2000x256xi32>
    %add3A_70 = arith.addi %bitcast_convert_type3A_57, %add3A_69 : vector<2000x256xi32>
    %shift_right_arithmetic3A_71 = arith.constant 16 : i32
    %shift_right_arithmetic3A_72 = vector.broadcast %shift_right_arithmetic3A_71 : i32 to vector<2000x256xi32>
    %shift_right_arithmetic3A_73 = arith.shrsi %bitcast_convert_type3A_57, %shift_right_arithmetic3A_72 : vector<2000x256xi32>
    %and3A_74 = arith.constant 1 : i32
    %and3A_75 = vector.broadcast %and3A_74 : i32 to vector<2000x256xi32>
    %and3A_76 = arith.andi %shift_right_arithmetic3A_73, %and3A_75 : vector<2000x256xi32>
    %add3A_77 = arith.addi %add3A_70, %and3A_76 : vector<2000x256xi32>
    %shift_right_arithmetic3A_78 = arith.constant 16 : i32
    %shift_right_arithmetic3A_79 = vector.broadcast %shift_right_arithmetic3A_78 : i32 to vector<2000x256xi32>
    %shift_right_arithmetic3A_80 = arith.shrsi %add3A_67, %shift_right_arithmetic3A_79 : vector<2000x256xi32>
    %and3A_81 = arith.constant 65535 : i32
    %and3A_82 = vector.broadcast %and3A_81 : i32 to vector<2000x256xi32>
    %and3A_83 = arith.andi %shift_right_arithmetic3A_80, %and3A_82 : vector<2000x256xi32>
    %and3A_84 = arith.constant -65536 : i32
    %and3A_85 = vector.broadcast %and3A_84 : i32 to vector<2000x256xi32>
    %and3A_86 = arith.andi %add3A_77, %and3A_85 : vector<2000x256xi32>
    %or3A_87 = arith.ori %and3A_83, %and3A_86 : vector<2000x256xi32>
    %bitcast_convert_type3A_88 = tpu.bitcast %or3A_87 : vector<2000x256xi32> -> vector<2000x256xf32>
    %swap3A_89 = arith.constant 0 : index
    %swap3A_90 = arith.constant 0 : index
    %swap3A_91 = vector.load %arg6[%swap3A_89, %swap3A_90] : memref<2000x256xf32, #tpu.memory_space<vmem>>, vector<2000x256xf32>
    tpu.vector_store %arg6[%swap3A_89, %swap3A_90], %bitcast_convert_type3A_88 {strides = array<i32>} : memref<2000x256xf32, #tpu.memory_space<vmem>>, vector<2000x256xf32>,
    return
  }
  func.func @transform_0(%arg0: i32) -> (i32, i32) {
    %c0_i32 = arith.constant 0 : i32
    %c0_i32_0 = arith.constant 0 : i32
    return %arg0, %c0_i32 : i32, i32
  }
  func.func @transform_1(%arg0: i32) -> (i32, i32) {
    %c0_i32 = arith.constant 0 : i32
    %c0_i32_0 = arith.constant 0 : i32
    %c0_i32_1 = arith.constant 0 : i32
    return %c0_i32, %c0_i32_0 : i32, i32
  }
  func.func @transform_2(%arg0: i32) -> (i32, i32) {
    %c0_i32 = arith.constant 0 : i32
    %c0_i32_0 = arith.constant 0 : i32
    %c0_i32_1 = arith.constant 0 : i32
    return %c0_i32, %c0_i32_0 : i32, i32
  }
  func.func @transform_3(%arg0: i32) -> (i32, i32) {
    %c0_i32 = arith.constant 0 : i32
    %c0_i32_0 = arith.constant 0 : i32
    %c0_i32_1 = arith.constant 0 : i32
    return %c0_i32, %c0_i32_0 : i32, i32
  }
  func.func @transform_4(%arg0: i32) -> (i32, i32) {
    %c0_i32 = arith.constant 0 : i32
    %c0_i32_0 = arith.constant 0 : i32
    return %arg0, %c0_i32 : i32, i32
  }
  func.func @transform_5(%arg0: i32) -> (i32, i32) {
    %c0_i32 = arith.constant 0 : i32
    %c0_i32_0 = arith.constant 0 : i32
    return %arg0, %c0_i32 : i32, i32
  }
}

module attributes {stable_mosaic.version = 14 : i64} {
  func.func @_edge_body(%arg0: i32, %arg1: memref<1280x256xf32, #tpu.memory_space<vmem>>, %arg2: memref<1280x256xf32, #tpu.memory_space<vmem>>, %arg3: memref<1280x16xf32, #tpu.memory_space<vmem>>, %arg4: memref<16x256xf32, #tpu.memory_space<vmem>>, %arg5: memref<256x16xf32, #tpu.memory_space<vmem>>, %arg6: memref<1x16xf32, #tpu.memory_space<vmem>>, %arg7: memref<16x256xf32, #tpu.memory_space<vmem>>, %arg8: memref<256x256xbf16, #tpu.memory_space<vmem>>, %arg9: memref<256x1xf32, #tpu.memory_space<vmem>>, %arg10: memref<1280x16xf32, #tpu.memory_space<vmem>>, %arg11: memref<256x1280xf32, #tpu.memory_space<vmem>>) attributes {dimension_semantics = [#tpu.dimension_semantics<arbitrary>], iteration_bounds = array<i64: 125>, scalar_prefetch = 0 : i64, scratch_operands = 0 : i64, tpu.core_type = #tpu.core_type<tc>, window_params = [{transform_indices = @transform_0, window_bounds = array<i64: 1280, 256>}, {transform_indices = @transform_1, window_bounds = array<i64: 1280, 256>}, {transform_indices = @transform_2, window_bounds = array<i64: 1280, 16>}, {pipeline_mode = #tpu.pipeline_mode<synchronous>, transform_indices = @transform_3, window_bounds = array<i64: 16, 256>}, {pipeline_mode = #tpu.pipeline_mode<synchronous>, transform_indices = @transform_4, window_bounds = array<i64: 256, 16>}, {pipeline_mode = #tpu.pipeline_mode<synchronous>, transform_indices = @transform_5, window_bounds = array<i64: 1, 16>}, {pipeline_mode = #tpu.pipeline_mode<synchronous>, transform_indices = @transform_6, window_bounds = array<i64: 16, 256>}, {pipeline_mode = #tpu.pipeline_mode<synchronous>, transform_indices = @transform_7, window_bounds = array<i64: 256, 256>}, {pipeline_mode = #tpu.pipeline_mode<synchronous>, transform_indices = @transform_8, window_bounds = array<i64: 256, 1>}, {transform_indices = @transform_9, window_bounds = array<i64: 1280, 16>}, {transform_indices = @transform_10, window_bounds = array<i64: 256, 1280>}]} {
    %get3A = arith.constant 0 : index
    %get3A_0 = arith.constant 0 : index
    %get3A_1 = vector.load %arg1[%get3A, %get3A_0] : memref<1280x256xf32, #tpu.memory_space<vmem>>, vector<1280x256xf32>
    %bitcast_convert_type3A = tpu.bitcast %get3A_1 : vector<1280x256xf32> -> vector<1280x256xi32>
    %shift_left3A = arith.constant 16 : i32
    %shift_left3A_2 = vector.broadcast %shift_left3A : i32 to vector<1280x256xi32>
    %shift_left3A_3 = arith.shli %bitcast_convert_type3A, %shift_left3A_2 : vector<1280x256xi32>
    %bitcast_convert_type3A_4 = tpu.bitcast %shift_left3A_3 : vector<1280x256xi32> -> vector<1280x256xf32>
    %and3A = arith.constant -65536 : i32
    %and3A_5 = vector.broadcast %and3A : i32 to vector<1280x256xi32>
    %and3A_6 = arith.andi %bitcast_convert_type3A, %and3A_5 : vector<1280x256xi32>
    %bitcast_convert_type3A_7 = tpu.bitcast %and3A_6 : vector<1280x256xi32> -> vector<1280x256xf32>
    %get3A_8 = arith.constant 0 : index
    %get3A_9 = arith.constant 0 : index
    %get3A_10 = vector.load %arg2[%get3A_8, %get3A_9] : memref<1280x256xf32, #tpu.memory_space<vmem>>, vector<1280x256xf32>
    %bitcast_convert_type3A_11 = tpu.bitcast %get3A_10 : vector<1280x256xf32> -> vector<1280x256xi32>
    %shift_left3A_12 = arith.constant 16 : i32
    %shift_left3A_13 = vector.broadcast %shift_left3A_12 : i32 to vector<1280x256xi32>
    %shift_left3A_14 = arith.shli %bitcast_convert_type3A_11, %shift_left3A_13 : vector<1280x256xi32>
    %bitcast_convert_type3A_15 = tpu.bitcast %shift_left3A_14 : vector<1280x256xi32> -> vector<1280x256xf32>
    %and3A_16 = arith.constant -65536 : i32
    %and3A_17 = vector.broadcast %and3A_16 : i32 to vector<1280x256xi32>
    %and3A_18 = arith.andi %bitcast_convert_type3A_11, %and3A_17 : vector<1280x256xi32>
    %bitcast_convert_type3A_19 = tpu.bitcast %and3A_18 : vector<1280x256xi32> -> vector<1280x256xf32>
    %add3A = arith.addf %bitcast_convert_type3A_4, %bitcast_convert_type3A_15 : vector<1280x256xf32>
    %add3A_20 = arith.addf %bitcast_convert_type3A_7, %bitcast_convert_type3A_19 : vector<1280x256xf32>
    %slice3A = vector.extract_strided_slice %add3A {offsets = [0, 0], sizes = [1280, 128], strides = [1, 1]} : vector<1280x256xf32> to vector<1280x128xf32>
    %slice3A_21 = vector.extract_strided_slice %add3A_20 {offsets = [0, 0], sizes = [1280, 128], strides = [1, 1]} : vector<1280x256xf32> to vector<1280x128xf32>
    %concatenate3A = tpu.concatenate %slice3A, %slice3A_21 in 1 : vector<1280x128xf32>, vector<1280x128xf32> -> vector<1280x256xf32>
    %slice3A_22 = vector.extract_strided_slice %add3A {offsets = [0, 128], sizes = [1280, 128], strides = [1, 1]} : vector<1280x256xf32> to vector<1280x128xf32>
    %slice3A_23 = vector.extract_strided_slice %add3A_20 {offsets = [0, 128], sizes = [1280, 128], strides = [1, 1]} : vector<1280x256xf32> to vector<1280x128xf32>
    %concatenate3A_24 = tpu.concatenate %slice3A_22, %slice3A_23 in 1 : vector<1280x128xf32>, vector<1280x128xf32> -> vector<1280x256xf32>
    %get3A_25 = arith.constant 0 : index
    %get3A_26 = arith.constant 0 : index
    %get3A_27 = vector.load %arg3[%get3A_25, %get3A_26] : memref<1280x16xf32, #tpu.memory_space<vmem>>, vector<1280x16xf32>
    %get3A_28 = arith.constant 0 : index
    %get3A_29 = arith.constant 0 : index
    %get3A_30 = vector.load %arg4[%get3A_28, %get3A_29] : memref<16x256xf32, #tpu.memory_space<vmem>>, vector<16x256xf32>
    %dot_general3A = arith.constant dense<0.000000e+00> : vector<1280x256xf32>
    %dot_general3A_31 = tpu.matmul %get3A_27, %get3A_30, %dot_general3A {dimension_numbers = #tpu.dot_dimension_numbers<[1], [0], [0], [1], [0, 0, 1, 1], [], []>, transpose_lhs_hint = false} : vector<1280x16xf32>, vector<16x256xf32>, vector<1280x256xf32> -> vector<1280x256xf32>
    %add3A_32 = arith.addf %concatenate3A, %dot_general3A_31 : vector<1280x256xf32>
    %max3A = arith.constant 0.000000e+00 : f32
    %max3A_33 = vector.broadcast %max3A : f32 to vector<1280x256xf32>
    %max3A_34 = arith.maximumf %add3A_32, %max3A_33 : vector<1280x256xf32>
    %get3A_35 = arith.constant 0 : index
    %get3A_36 = arith.constant 0 : index
    %get3A_37 = vector.load %arg5[%get3A_35, %get3A_36] : memref<256x16xf32, #tpu.memory_space<vmem>>, vector<256x16xf32>
    %dot_general3A_38 = arith.constant dense<0.000000e+00> : vector<1280x16xf32>
    %dot_general3A_39 = tpu.matmul %max3A_34, %get3A_37, %dot_general3A_38 {dimension_numbers = #tpu.dot_dimension_numbers<[1], [0], [0], [1], [0, 0, 1, 1], [], []>, transpose_lhs_hint = false} : vector<1280x256xf32>, vector<256x16xf32>, vector<1280x16xf32> -> vector<1280x16xf32>
    %get3A_40 = arith.constant 0 : index
    %get3A_41 = arith.constant 0 : index
    %get3A_42 = vector.load %arg6[%get3A_40, %get3A_41] : memref<1x16xf32, #tpu.memory_space<vmem>>, vector<1x16xf32>
    %add3A_43 = vector.broadcast %get3A_42 : vector<1x16xf32> to vector<1280x16xf32>
    %add3A_44 = arith.addf %dot_general3A_39, %add3A_43 : vector<1280x16xf32>
    %swap3A = arith.constant 0 : index
    %swap3A_45 = arith.constant 0 : index
    %swap3A_46 = vector.load %arg10[%swap3A, %swap3A_45] : memref<1280x16xf32, #tpu.memory_space<vmem>>, vector<1280x16xf32>
    tpu.vector_store %arg10[%swap3A, %swap3A_45], %add3A_44 {strides = array<i32>} : memref<1280x16xf32, #tpu.memory_space<vmem>>, vector<1280x16xf32>,
    %get3A_47 = arith.constant 0 : index
    %get3A_48 = arith.constant 0 : index
    %get3A_49 = vector.load %arg7[%get3A_47, %get3A_48] : memref<16x256xf32, #tpu.memory_space<vmem>>, vector<16x256xf32>
    %dot_general3A_50 = arith.constant dense<0.000000e+00> : vector<1280x256xf32>
    %dot_general3A_51 = tpu.matmul %add3A_44, %get3A_49, %dot_general3A_50 {dimension_numbers = #tpu.dot_dimension_numbers<[1], [0], [0], [1], [0, 0, 1, 1], [], []>, transpose_lhs_hint = false} : vector<1280x16xf32>, vector<16x256xf32>, vector<1280x256xf32> -> vector<1280x256xf32>
    %add3A_52 = arith.addf %concatenate3A_24, %dot_general3A_51 : vector<1280x256xf32>
    %max3A_53 = arith.constant 0.000000e+00 : f32
    %max3A_54 = vector.broadcast %max3A_53 : f32 to vector<1280x256xf32>
    %max3A_55 = arith.maximumf %add3A_52, %max3A_54 : vector<1280x256xf32>
    %get3A_56 = arith.constant 0 : index
    %get3A_57 = arith.constant 0 : index
    %get3A_58 = vector.load %arg8[%get3A_56, %get3A_57] : memref<256x256xbf16, #tpu.memory_space<vmem>>, vector<256x256xbf16>
    %convert_element_type3A = arith.truncf %max3A_55 : vector<1280x256xf32> to vector<1280x256xbf16>
    %dot_general3A_59 = arith.constant dense<0.000000e+00> : vector<256x1280xf32>
    %dot_general3A_60 = tpu.matmul %get3A_58, %convert_element_type3A, %dot_general3A_59 {dimension_numbers = #tpu.dot_dimension_numbers<[0], [1], [1], [0], [0, 1, 1, 0], [], []>, transpose_lhs_hint = false} : vector<256x256xbf16>, vector<1280x256xbf16>, vector<256x1280xf32> -> vector<256x1280xf32>
    %get3A_61 = arith.constant 0 : index
    %get3A_62 = arith.constant 0 : index
    %get3A_63 = vector.load %arg9[%get3A_61, %get3A_62] : memref<256x1xf32, #tpu.memory_space<vmem>>, vector<256x1xf32>
    %add3A_64 = vector.broadcast %get3A_63 : vector<256x1xf32> to vector<256x1280xf32>
    %add3A_65 = arith.addf %dot_general3A_60, %add3A_64 : vector<256x1280xf32>
    %swap3A_66 = arith.constant 0 : index
    %swap3A_67 = arith.constant 0 : index
    %swap3A_68 = vector.load %arg11[%swap3A_66, %swap3A_67] : memref<256x1280xf32, #tpu.memory_space<vmem>>, vector<256x1280xf32>
    tpu.vector_store %arg11[%swap3A_66, %swap3A_67], %add3A_65 {strides = array<i32>} : memref<256x1280xf32, #tpu.memory_space<vmem>>, vector<256x1280xf32>,
    return
  }
  func.func @transform_0(%arg0: i32) -> (i32, i32) {
    %c0_i32 = arith.constant 0 : i32
    %c0_i32_0 = arith.constant 0 : i32
    return %arg0, %c0_i32 : i32, i32
  }
  func.func @transform_1(%arg0: i32) -> (i32, i32) {
    %c0_i32 = arith.constant 0 : i32
    %c0_i32_0 = arith.constant 0 : i32
    return %arg0, %c0_i32 : i32, i32
  }
  func.func @transform_2(%arg0: i32) -> (i32, i32) {
    %c0_i32 = arith.constant 0 : i32
    %c0_i32_0 = arith.constant 0 : i32
    return %arg0, %c0_i32 : i32, i32
  }
  func.func @transform_3(%arg0: i32) -> (i32, i32) {
    %c0_i32 = arith.constant 0 : i32
    %c0_i32_0 = arith.constant 0 : i32
    %c0_i32_1 = arith.constant 0 : i32
    return %c0_i32, %c0_i32_0 : i32, i32
  }
  func.func @transform_4(%arg0: i32) -> (i32, i32) {
    %c0_i32 = arith.constant 0 : i32
    %c0_i32_0 = arith.constant 0 : i32
    %c0_i32_1 = arith.constant 0 : i32
    return %c0_i32, %c0_i32_0 : i32, i32
  }
  func.func @transform_5(%arg0: i32) -> (i32, i32) {
    %c0_i32 = arith.constant 0 : i32
    %c0_i32_0 = arith.constant 0 : i32
    %c0_i32_1 = arith.constant 0 : i32
    return %c0_i32, %c0_i32_0 : i32, i32
  }
  func.func @transform_6(%arg0: i32) -> (i32, i32) {
    %c0_i32 = arith.constant 0 : i32
    %c0_i32_0 = arith.constant 0 : i32
    %c0_i32_1 = arith.constant 0 : i32
    return %c0_i32, %c0_i32_0 : i32, i32
  }
  func.func @transform_7(%arg0: i32) -> (i32, i32) {
    %c0_i32 = arith.constant 0 : i32
    %c0_i32_0 = arith.constant 0 : i32
    %c0_i32_1 = arith.constant 0 : i32
    return %c0_i32, %c0_i32_0 : i32, i32
  }
  func.func @transform_8(%arg0: i32) -> (i32, i32) {
    %c0_i32 = arith.constant 0 : i32
    %c0_i32_0 = arith.constant 0 : i32
    %c0_i32_1 = arith.constant 0 : i32
    return %c0_i32, %c0_i32_0 : i32, i32
  }
  func.func @transform_9(%arg0: i32) -> (i32, i32) {
    %c0_i32 = arith.constant 0 : i32
    %c0_i32_0 = arith.constant 0 : i32
    return %arg0, %c0_i32 : i32, i32
  }
  func.func @transform_10(%arg0: i32) -> (i32, i32) {
    %c0_i32 = arith.constant 0 : i32
    %c0_i32_0 = arith.constant 0 : i32
    return %c0_i32, %arg0 : i32, i32
  }
}

module attributes {stable_mosaic.version = 14 : i64} {
  func.func @_node_body(%arg0: i32, %arg1: memref<2048x256xf32, #tpu.memory_space<vmem>>, %arg2: memref<256x2048xf32, #tpu.memory_space<vmem>>, %arg3: memref<256x256xf32, #tpu.memory_space<vmem>>, %arg4: memref<256x256xf32, #tpu.memory_space<vmem>>, %arg5: memref<1x256xf32, #tpu.memory_space<vmem>>, %arg6: memref<256x256xf32, #tpu.memory_space<vmem>>, %arg7: memref<1x256xf32, #tpu.memory_space<vmem>>, %arg8: memref<2048x256xf32, #tpu.memory_space<vmem>>) attributes {dimension_semantics = [#tpu.dimension_semantics<arbitrary>], iteration_bounds = array<i64: 5>, scalar_prefetch = 0 : i64, scratch_operands = 0 : i64, tpu.core_type = #tpu.core_type<tc>, window_params = [{transform_indices = @transform_0, window_bounds = array<i64: 2048, 256>}, {transform_indices = @transform_1, window_bounds = array<i64: 256, 2048>}, {pipeline_mode = #tpu.pipeline_mode<synchronous>, transform_indices = @transform_2, window_bounds = array<i64: 256, 256>}, {pipeline_mode = #tpu.pipeline_mode<synchronous>, transform_indices = @transform_3, window_bounds = array<i64: 256, 256>}, {pipeline_mode = #tpu.pipeline_mode<synchronous>, transform_indices = @transform_4, window_bounds = array<i64: 1, 256>}, {pipeline_mode = #tpu.pipeline_mode<synchronous>, transform_indices = @transform_5, window_bounds = array<i64: 256, 256>}, {pipeline_mode = #tpu.pipeline_mode<synchronous>, transform_indices = @transform_6, window_bounds = array<i64: 1, 256>}, {transform_indices = @transform_7, window_bounds = array<i64: 2048, 256>}]} {
    %get3A = arith.constant 0 : index
    %get3A_0 = arith.constant 0 : index
    %get3A_1 = vector.load %arg2[%get3A, %get3A_0] : memref<256x2048xf32, #tpu.memory_space<vmem>>, vector<256x2048xf32>
    %get3A_2 = arith.constant 0 : index
    %get3A_3 = arith.constant 0 : index
    %get3A_4 = vector.load %arg4[%get3A_2, %get3A_3] : memref<256x256xf32, #tpu.memory_space<vmem>>, vector<256x256xf32>
    %dot_general3A = arith.constant dense<0.000000e+00> : vector<2048x256xf32>
    %dot_general3A_5 = tpu.matmul %get3A_1, %get3A_4, %dot_general3A {dimension_numbers = #tpu.dot_dimension_numbers<[0], [0], [1], [1], [0, 1, 1, 1], [], []>, transpose_lhs_hint = false} : vector<256x2048xf32>, vector<256x256xf32>, vector<2048x256xf32> -> vector<2048x256xf32>
    %get3A_6 = arith.constant 0 : index
    %get3A_7 = arith.constant 0 : index
    %get3A_8 = vector.load %arg1[%get3A_6, %get3A_7] : memref<2048x256xf32, #tpu.memory_space<vmem>>, vector<2048x256xf32>
    %get3A_9 = arith.constant 0 : index
    %get3A_10 = arith.constant 0 : index
    %get3A_11 = vector.load %arg3[%get3A_9, %get3A_10] : memref<256x256xf32, #tpu.memory_space<vmem>>, vector<256x256xf32>
    %dot_general3A_12 = arith.constant dense<0.000000e+00> : vector<2048x256xf32>
    %dot_general3A_13 = tpu.matmul %get3A_8, %get3A_11, %dot_general3A_12 {dimension_numbers = #tpu.dot_dimension_numbers<[1], [0], [0], [1], [0, 0, 1, 1], [], []>, transpose_lhs_hint = false} : vector<2048x256xf32>, vector<256x256xf32>, vector<2048x256xf32> -> vector<2048x256xf32>
    %add3A = arith.addf %dot_general3A_13, %dot_general3A_5 : vector<2048x256xf32>
    %get3A_14 = arith.constant 0 : index
    %get3A_15 = arith.constant 0 : index
    %get3A_16 = vector.load %arg5[%get3A_14, %get3A_15] : memref<1x256xf32, #tpu.memory_space<vmem>>, vector<1x256xf32>
    %add3A_17 = vector.broadcast %get3A_16 : vector<1x256xf32> to vector<2048x256xf32>
    %add3A_18 = arith.addf %add3A, %add3A_17 : vector<2048x256xf32>
    %max3A = arith.constant 0.000000e+00 : f32
    %max3A_19 = vector.broadcast %max3A : f32 to vector<2048x256xf32>
    %max3A_20 = arith.maximumf %add3A_18, %max3A_19 : vector<2048x256xf32>
    %get3A_21 = arith.constant 0 : index
    %get3A_22 = arith.constant 0 : index
    %get3A_23 = vector.load %arg6[%get3A_21, %get3A_22] : memref<256x256xf32, #tpu.memory_space<vmem>>, vector<256x256xf32>
    %dot_general3A_24 = arith.constant dense<0.000000e+00> : vector<2048x256xf32>
    %dot_general3A_25 = tpu.matmul %max3A_20, %get3A_23, %dot_general3A_24 {dimension_numbers = #tpu.dot_dimension_numbers<[1], [0], [0], [1], [0, 0, 1, 1], [], []>, transpose_lhs_hint = false} : vector<2048x256xf32>, vector<256x256xf32>, vector<2048x256xf32> -> vector<2048x256xf32>
    %get3A_26 = arith.constant 0 : index
    %get3A_27 = arith.constant 0 : index
    %get3A_28 = vector.load %arg7[%get3A_26, %get3A_27] : memref<1x256xf32, #tpu.memory_space<vmem>>, vector<1x256xf32>
    %add3A_29 = vector.broadcast %get3A_28 : vector<1x256xf32> to vector<2048x256xf32>
    %add3A_30 = arith.addf %dot_general3A_25, %add3A_29 : vector<2048x256xf32>
    %swap3A = arith.constant 0 : index
    %swap3A_31 = arith.constant 0 : index
    %swap3A_32 = vector.load %arg8[%swap3A, %swap3A_31] : memref<2048x256xf32, #tpu.memory_space<vmem>>, vector<2048x256xf32>
    tpu.vector_store %arg8[%swap3A, %swap3A_31], %add3A_30 {strides = array<i32>} : memref<2048x256xf32, #tpu.memory_space<vmem>>, vector<2048x256xf32>,
    return
  }
  func.func @transform_0(%arg0: i32) -> (i32, i32) {
    %c0_i32 = arith.constant 0 : i32
    %c0_i32_0 = arith.constant 0 : i32
    return %arg0, %c0_i32 : i32, i32
  }
  func.func @transform_1(%arg0: i32) -> (i32, i32) {
    %c0_i32 = arith.constant 0 : i32
    %c0_i32_0 = arith.constant 0 : i32
    return %c0_i32, %arg0 : i32, i32
  }
  func.func @transform_2(%arg0: i32) -> (i32, i32) {
    %c0_i32 = arith.constant 0 : i32
    %c0_i32_0 = arith.constant 0 : i32
    %c0_i32_1 = arith.constant 0 : i32
    return %c0_i32, %c0_i32_0 : i32, i32
  }
  func.func @transform_3(%arg0: i32) -> (i32, i32) {
    %c0_i32 = arith.constant 0 : i32
    %c0_i32_0 = arith.constant 0 : i32
    %c0_i32_1 = arith.constant 0 : i32
    return %c0_i32, %c0_i32_0 : i32, i32
  }
  func.func @transform_4(%arg0: i32) -> (i32, i32) {
    %c0_i32 = arith.constant 0 : i32
    %c0_i32_0 = arith.constant 0 : i32
    %c0_i32_1 = arith.constant 0 : i32
    return %c0_i32, %c0_i32_0 : i32, i32
  }
  func.func @transform_5(%arg0: i32) -> (i32, i32) {
    %c0_i32 = arith.constant 0 : i32
    %c0_i32_0 = arith.constant 0 : i32
    %c0_i32_1 = arith.constant 0 : i32
    return %c0_i32, %c0_i32_0 : i32, i32
  }
  func.func @transform_6(%arg0: i32) -> (i32, i32) {
    %c0_i32 = arith.constant 0 : i32
    %c0_i32_0 = arith.constant 0 : i32
    %c0_i32_1 = arith.constant 0 : i32
    return %c0_i32, %c0_i32_0 : i32, i32
  }
  func.func @transform_7(%arg0: i32) -> (i32, i32) {
    %c0_i32 = arith.constant 0 : i32
    %c0_i32_0 = arith.constant 0 : i32
    return %arg0, %c0_i32 : i32, i32
  }
}

</mosaic_0001>

<sc_bundles>
// kernel: kernel.10.cloned.1.call-start
scs
__scs_entry_jumppad:
0x0: {  	(pc) =	sbr.rel $0x88, $3  }
0x1: {  	(tag) =	ssettag $0x0;
	lr =	simm.s32 $0x1  }
0x2: {  	[smem:$0x3F92] =	sst lr;
	_ =	strace $0xD0000000  }
0x3: {  	_ = 	snop  }
0x4: {  	_ = 	snop  }
0x5: {  	_ = 	snop  }
0x6: {  	_ = 	snop  }
0x7: {  	_ = 	snop  }
__scs_overlays_trampoline_lowered:
0x8: {  	[smem:$0x3FA1] =	sst s0  }
0x9: {  	[smem:$0x3FA2] =	sst s1  }
0xa: {  	[smem:$0x3FA3] =	sst s2  }
0xb: {  	[smem:$0x3FA4] =	sst s3  }
0xc: {  	[smem:$0x3FA5] =	sst s4  }
0xd: {  	[smem:$0x3FA6] =	sst s5  }
0xe: {  	[smem:$0x3FA7] =	sst s6  }
0xf: {  	[smem:$0x3FA8] =	sst s7  }
0x10: {  	[smem:$0x3FA9] =	sst s8  }
0x11: {  	[smem:$0x3FAA] =	sst s9;
	s0 =	simm.s32 @!p0 $0x0  }
0x12: {  	s1 =	sld [smem:$0x3F90];
	s0 =	simm.s32 @p0 $0x1  }
0x13: {  	[smem:$0x3FAB] =	sst s0;
	s0 =	simm.s32 @!p1 $0x0  }
0x14: {  	s2 =	sld [smem:$0x3F8F];
	s0 =	simm.s32 @p1 $0x1  }
0x15: {  	[smem:$0x3FAC] =	sst s0;
	s0 =	simm.s32 @!p2 $0x0  }
0x16: {  	s3 =	sld [smem:$0x3FDB];
	s0 =	simm.s32 @p2 $0x1  }
0x17: {  	s4 =	simm.s32 $0x1BF5;
	[smem:$0x3FAE] =	sst s0  }
0x18: {  	s0 =	sld [smem:$0x3F91];
	_ =	swait.ge [sflag:s4], $0x0  }
0x19: {  	s7 =	sld [smem:$0x3F92]  }
0x1a: {  	s8 =	sadd.s32 $0xFFFFE003, lr  }
0x1b: {  	s9 =	sadd.s32 $0xFFFFFEF7, lr;
	s5 =	simm.s32 $0xFFFFFFFF;
	p2 =	slt.u32 s8, $0xFFFFF086  }
0x1c: {  	p1 =	slt.u32 s9, $0xF7A;
	s5 =	simm.s32 @!p2 $0x0  }
0x1d: {  	s5 =	simm.s32 @p1 $0x1;
	p0 =	seq.s32 s7, s2  }
0x1e: {  	s7 =	smul.u32 @!p0 $0xF7A, s2;
	p2 =	seq.s32 @!p0 s5, $0x0  }
0x1f: {  	s9 =	smul.u32 $0xF7A, s1;
	s8 =	simm.s32 @!p0 $0x1BF5;
	p2 =	por !p2, p0  }
0x20: {  	[sflag:s8] =	ssyncset.s32 @!p0 $0xFFFFF086;
	s6 =	sadd.s32 @!p0 s3, s7;
	s7 =	simm.s32 @!p0 $0x108  }
0x21: {  	s3 =	sadd.s32 s3, s9;
	s6 =	sadd.s32 @!p0 $0x88, s6;
	s7 =	simm.s32 @p2 $0x1082  }
0x22: {  	[simem:s7], [sflag:s8] =	dma.local @!p0 [hbm:s6], $0xF7A  }
0x23: {  	s9 =	sor.u32 $0xD0000000, s2;
	s6 =	simm.s32 $0x108;
	_ =	swait.ge @!p0 [sflag:s8], $0x0  }
0x24: {  	s3 =	sadd.s32 $0x88, s3;
	s6 =	simm.s32 @!p1 $0x1082;
	[sflag:s4] =	ssyncset.s32 $0xFFFFF086  }
0x25: {  	[simem:s6], [sflag:s4] =	dma.local [hbm:s3], $0xF7A  }
0x26: {  	[smem:$0x3F92] =	sst s1;
	(tag) =	ssettag s2;
	_ =	strace s9  }
0x27: {  	s1 =	sld [smem:$0x3FA2]  }
0x28: {  	s2 =	sld [smem:$0x3FA3]  }
0x29: {  	s4 =	sld [smem:$0x3FA5]  }
0x2a: {  	p0 =	seq.s32 s5, $0x0;
	s5 =	sld [smem:$0x3FA6]  }
0x2b: {  	s6 =	sld [smem:$0x3FA7]  }
0x2c: {  	s7 =	sld [smem:$0x3FA8]  }
0x2d: {  	s3 =	simm.s32 $0x108;
	s8 =	sld [smem:$0x3FA9]  }
0x2e: {  	s3 =	simm.s32 @!p0 $0x1082;
	s9 =	sld [smem:$0x3FAA]  }
0x2f: {  	lr =	sadd.s32 s0, s3;
	s0 =	sld [smem:$0x3FA1]  }
0x30: {  	s3 =	sld [smem:$0x3FA4]  }
0x31: {  	[smem:$0x3FAD] =	sst s10  }
0x32: {  	s10 =	sld [smem:$0x3FAB];
	_ =	sdelay $0x3  }
0x33: {  	p0 =	seq.s32 s10, $0x1;
	s10 =	sld [smem:$0x3FAD];
	_ =	sdelay $0x3  }
0x34: {  	[smem:$0x3FAD] =	sst s10  }
0x35: {  	s10 =	sld [smem:$0x3FAC];
	_ =	sdelay $0x3  }
0x36: {  	p1 =	seq.s32 s10, $0x1;
	s10 =	sld [smem:$0x3FAD];
	_ =	sdelay $0x3  }
0x37: {  	[smem:$0x3FAD] =	sst s10  }
0x38: {  	s10 =	sld [smem:$0x3FAE]  }
0x39: {  	_ = 	snop;
	(pc) =	sbr.ind lr, $3  }
0x3a: {  	_ = 	snop  }
0x3b: {  	_ = 	snop  }
0x3c: {  	p2 =	seq.s32 s10, $0x1;
	s10 =	sld [smem:$0x3FAD]  }
0x3d: {  	_ =	shalt  }
0x3e: {  	_ =	shalt  }
0x3f: {  	_ =	shalt  }
0x40: {  	_ =	shalt  }
0x41: {  	_ =	shalt  }
0x42: {  	_ =	shalt  }
0x43: {  	_ =	shalt  }
0x44: {  	_ =	shalt  }
0x45: {  	_ =	shalt  }
0x46: {  	_ =	shalt  }
0x47: {  	_ =	shalt  }
0x48: {  	_ =	shalt  }
0x49: {  	_ =	shalt  }
0x4a: {  	_ =	shalt  }
0x4b: {  	_ =	shalt  }
0x4c: {  	_ =	shalt  }
0x4d: {  	_ =	shalt  }
0x4e: {  	_ =	shalt  }
0x4f: {  	_ =	shalt  }
0x50: {  	_ =	shalt  }
0x51: {  	_ =	shalt  }
0x52: {  	_ =	shalt  }
0x53: {  	_ =	shalt  }
0x54: {  	_ =	shalt  }
0x55: {  	_ =	shalt  }
0x56: {  	_ =	shalt  }
0x57: {  	_ =	shalt  }
0x58: {  	_ =	shalt  }
0x59: {  	_ =	shalt  }
0x5a: {  	_ =	shalt  }
0x5b: {  	_ =	shalt  }
0x5c: {  	_ =	shalt  }
0x5d: {  	_ =	shalt  }
0x5e: {  	_ =	shalt  }
0x5f: {  	_ =	shalt  }
0x60: {  	_ =	shalt  }
0x61: {  	_ =	shalt  }
0x62: {  	_ =	shalt  }
0x63: {  	_ =	shalt  }
0x64: {  	_ =	shalt  }
0x65: {  	_ =	shalt  }
0x66: {  	_ =	shalt  }
0x67: {  	_ =	shalt  }
0x68: {  	_ =	shalt  }
0x69: {  	_ =	shalt  }
0x6a: {  	_ =	shalt  }
0x6b: {  	_ =	shalt  }
0x6c: {  	_ =	shalt  }
0x6d: {  	_ =	shalt  }
0x6e: {  	_ =	shalt  }
0x6f: {  	_ =	shalt  }
0x70: {  	_ =	shalt  }
0x71: {  	_ =	shalt  }
0x72: {  	_ =	shalt  }
0x73: {  	_ =	shalt  }
0x74: {  	_ =	shalt  }
0x75: {  	_ =	shalt  }
0x76: {  	_ =	shalt  }
0x77: {  	_ =	shalt  }
0x78: {  	_ =	shalt  }
0x79: {  	_ =	shalt  }
0x7a: {  	_ =	shalt  }
0x7b: {  	_ =	shalt  }
0x7c: {  	_ =	shalt  }
0x7d: {  	_ =	shalt  }
0x7e: {  	_ =	shalt  }
0x7f: {  	_ =	shalt  }
0x80: {  	_ =	shalt  }
0x81: {  	_ =	shalt  }
0x82: {  	_ =	shalt  }
0x83: {  	_ =	shalt  }
0x84: {  	_ =	shalt  }
0x85: {  	_ =	shalt  }
0x86: {  	_ =	shalt  }
0x87: {  	_ =	shalt  }
.Lfunc_end0:
.L_simem_size_0:
called_computation.1_lowered:
.L_overlay_start_0:
0x88: {  	s2 =	sld [smem:$0x3FD9]  }
0x89: {  	s3 =	sld [smem:$0x3FFE];
	_ =	sdelay $0x1  }
0x8a: {  	s1 =	srdreg.scid  }
0x8b: {  	s0 =	sand.u32 $0x1, s1  }
0x8c: {  	s16 =	sshll.u32 s0, $0xA;
	s2 =	sadd.s32 s3, s2  }
0x8d: {  	s2 =	sadd.s32 s2, s16  }
0x8e: {  	[smem:$0x3FB9] =	sst s2  }
0x8f: {  	_ = 	snop  }
0x90: {  	(tm) =	ssettm $0x1  }
0x91: {  	s17 =	sld [smem:$0x3FFB];
	_ =	sdelay $0x3  }
0x92: {  	_ =	strace s17  }
0x93: {  	s2 =	sld [smem:$0x3FFC];
	_ =	sdelay $0x3  }
0x94: {  	_ =	strace s2  }
0x95: {  	s2 =	sld [smem:$0x3FFD];
	_ =	sdelay $0x3  }
0x96: {  	_ =	strace s2  }
0x97: {  	_ =	strace $0x8FFFFFFF  }
0x98: {  	s18 =	sld [smem:$0x3FDB];
	_ =	sdelay $0x1  }
0x99: {  	s19 =	simm.s32 $_scs_section_size  }
0x9a: {  	s4 =	simm.s32 $_size__tile_overlayer_lowered;
	s5 =	simm.s32 $_tile_overlayer_lowered  }
0x9b: {  	s22 =	simm.s32 $0x1BFF;
	s21 =	sshll.u32 s5, $0x1;
	s2 =	sadd.s32 s19, s18  }
0x9c: {  	s6 =	simm.s32 $0x0;
	s20 =	sshll.u32 s4, $0x1;
	s4 =	sadd.s32 s21, s2  }
0x9d: {  	[timem:s6], [sflag:s22] =	dma.local [hbm:s4], s20  }
0x9e: {  	_ =	swait.ge [sflag:s22], s20  }
0x9f: {  	s3 =	ssub.s32 $0x0, s20;
	[sflag:s22] =	ssyncset.done $0x0  }
0xa0: {  	[sflag:s22] =	ssyncadd.s32 s3;
	_ =	sdelay $0x1  }
0xa1: {  	s23 =	simm.s32 $0x1B8B  }
0xa2: {  	_ =	swait.ge [sflag:s23], $0x1  }
0xa3: {  	[sflag:s23] =	ssyncset.done $0x0  }
0xa4: {  	s25 =	simm.s32 $0x1B8E;
	s24 =	sld [smem:$0x3FFE];
	[sflag:s23] =	ssyncadd.s32 $0xFFFFFFFF  }
0xa5: {  	s26 =	simm.s32 $execute0_lowered;
	[smem:$0x3FD2] =	sst s25  }
0xa6: {  	s4 =	sshll.u32 s26, $0x1;
	_ =	strace $0x80000049;
	[dreg:$0x1] =	wrdreg $0xFFFFFFFF  }
0xa7: {  	s28 =	simm.s32 $_size_execute0_lowered;
	s2 =	sadd.s32 s2, s4;
	[dreg:$0x0] =	wrdreg $0x0  }
0xa8: {  	s4 =	sshll.u32 s28, $0x1;
	[dreg:$0x2] =	wrdreg s2  }
0xa9: {  	[dreg:$0x3] =	wrdreg s4  }
0xaa: {  	[dreg:$0x4] =	wrdreg $0xC0  }
0xab: {  	_ =	task [dreg:s6], $0x5FFFF  }
0xac: {  	[dreg:$0x1] =	wrdreg $0xFFFFFFFF  }
0xad: {  	[dreg:$0x0] =	wrdreg $0x60  }
0xae: {  	[dreg:$0x2] =	wrdreg s24  }
0xaf: {  	[dreg:$0x3] =	wrdreg $0x9  }
0xb0: {  	_ =	task.clear_ibuf [dreg:s6], $0x4FFFF;
	_ =	strace $0x90000049  }
0xb1: {  	s29 =	simm.s32 $0x9;
	_ =	strace $0x8000004B  }
0xb2: {  	_ =	swait.ge [sflag:s29], $0x1  }
0xb3: {  	[sflag:s29] =	ssyncadd.s32 $0xFFFFFFFF  }
0xb4: {  	_ =	strace $0x9000004B  }
0xb5: {  	_ =	sfence  }
0xb6: {  	s30 =	sld [smem:$0x0];
	_ =	sdelay $0x2  }
0xb7: {  	s31 =	sshll.u32 s1, $0xD;
	s1 =	sshrl.u32 s1, $0x2  }
0xb8: {  	s3 =	sand.u32 $0x4000, s31;
	s1 =	sadd.s32 s1, s30  }
0xb9: {  	s0 =	sor.u32 s3, s0;
	s1 =	sshll.u32 s1, $0x11  }
0xba: {  	s0 =	sor.u32 s1, s0  }
0xbb: {  	s0 =	sadd.s32 $0x8F2B, s0  }
0xbc: {  	[sflag:s0] =	ssyncadd.remote.s32 $0x1  }
0xbd: {  	_ =	sfence.sel $0xFFFF  }
0xbe: {  	[dreg:$0x0] =	wrdreg $0xFFFFFFFF;
	(pc) =	sbr.abs _section_cstart, $3  }
0xbf: {  	[dreg:$0x1] =	wrdreg $0xFFFFFFFF  }
0xc0: {  	_ =	task.clear_ibuf [dreg:s6], $0x2FFFF;
	_ =	strace $0x9FFFFFFF  }
0xc1: {  	(tm) =	ssettm $0x7FFFFFFF  }
tec
execute0_lowered:
.L_overlay_start_1:
0x0: {  	(tag) =	ssettag $0x1  }
0x1: {  	s2 =	stileid.u32  }
0x2: {  	s1 =	rddreg [dreg:$0x0];
	s3 =	sshll.u32 s2, $0x1;
	s2 =	simm.s32 $0x0  }
0x3: {  	s0 =	srdreg.scid;
	s18 =	sadd.s32 $0x8820, s1;
	[smem:$0x7FF] =	sst s2  }
0x4: {  	s20 =	sadd.s32 $0x8870, s1;
	_ =	strace $0x8000004A;
	[dreg:$0x2] =	wrdreg s18  }
0x5: {  	s30 =	simm.s32 $0x480;
	s21 =	sadd.s32 $0x8830, s1;
	[dreg:$0x4] =	wrdreg s20  }
0x6: {  	s31 =	simm.s32 $0x1900;
	s22 =	sadd.s32 $0x8840, s1;
	[dreg:$0x8] =	wrdreg s21  }
0x7: {  	s0 =	sand.u32 $0x1, s0;
	s23 =	sadd.s32 $0x8850, s1;
	[dreg:$0x9] =	wrdreg s22  }
0x8: {  	s4 =	sadd.s32 $0xEB3800, s1;
	s24 =	sadd.s32 $0x8860, s1;
	[dreg:$0xa] =	wrdreg s23  }
0x9: {  	s5 =	sadd.s32 $0x3A00, s1;
	s25 =	sadd.s32 $0x8880, s1;
	[dreg:$0xb] =	wrdreg s24  }
0xa: {  	s26 =	sadd.s32 $0x8890, s1;
	s28 =	sadd.s32 $0x88A0, s1;
	[dreg:$0xc] =	wrdreg s25  }
0xb: {  	s29 =	sadd.s32 $0x88B0, s1;
	s3 =	sor.u32 s0, s3;
	[dreg:$0xd] =	wrdreg s26  }
0xc: {  	s0 =	ssub.s32 $0x2, s0;
	s6 =	smul.u32 $0x2800, s3;
	[dreg:$0xe] =	wrdreg s28  }
0xd: {  	s3 =	smul.u32 $0x138800, s3;
	s7 =	sshrl.u32 s0, $0x1;
	[dreg:$0xf] =	wrdreg s29  }
0xe: {  	s20 =	simm.s32 $0x2D00;
	s21 =	simm.s32 $0x2;
	s0 =	ssub.s32 s0, s7  }
.Ltmp0:
0xf: {  	s8 =	sshrl.u32 s3, $0x3;
	s0 =	smax.u32 s0, $0x1;
	(pc) =	sbr.rel .LBB2_1-.Ltmp0, $4  }
0x10: {  	s6 =	sadd.s32 s6, s1;
	s19 =	sadd.s32 s4, s8;
	[dreg:$0x7] =	wrdreg s0  }
0x11: {  	s22 =	simm.s32 $0x4;
	s6 =	sadd.s32 $0xD800, s6;
	[dreg:$0x3] =	wrdreg s19  }
0x12: {  	s1 =	simm.s32 $0x1;
	s7 =	sadd.s32 $0x280, s19;
	[dreg:$0x6] =	wrdreg s6  }
0x13: {  	v0 =	vimm.f32 $0.0e+00;
	s0 =	simm.s32 $0x3;
	s8 =	simm.s32 $0x0;
	[dreg:$0x5] =	wrdreg s7  }
.LBB2_10:
0x14: {  	s6 =	rddreg [dreg:$0x6];
	s7 =	simm.s32 $0x5  }
0x15: {  	[hbm4b:s6+s2] =	stream.linear.scatter [tilespmem:s20], [sflag:$0x5], $0x14000, $0x38;
	[tilespmem:$0x16D00] =	vst v63  }
0x16: {  	_ =	swait.ge [sflag:s7], $0x14000  }
0x17: {  	s8 =	rddreg [dreg:$0x10]  }
0x18: {  	s29 =	rddreg [dreg:$0x7];
	s8 =	sadd.s32 $0x1, s8  }
0x19: {  	p0 =	sne.s32 s8, s29  }
.Ltmp1:
0x1a: {  	_ = 	snop;
	(pc) =	sbr.rel @!p0 .LBB2_11-.Ltmp1, $3  }
0x1b: {  	_ =	sdelay $0x1  }
0x1c: {  	[sflag:s7] =	ssyncset.done $0x0  }
0x1d: {  	[sflag:s7] =	ssyncadd.s32 $0xFFFEC000  }
.LBB2_1:
0x1e: {  	[dreg:$0x10] =	wrdreg s8  }
0x1f: {  	s6 =	rddreg [dreg:$0x2]  }
0x20: {  	[tilespmem:s2], [sflag:$0x1] =	stream.linear.gather [hbm4b:s6+s2], $0x80, $0x38;
	[tilespmem:$0x16D00] =	vst v63  }
0x21: {  	s29 =	rddreg [dreg:$0x8];
	s7 =	simm.s32 $0x100  }
0x22: {  	[tilespmem:s7], [sflag:$0x1] =	stream.linear.gather [hbm4b:s29+s2], $0x80, $0x38;
	[tilespmem:$0x16D00] =	vst v63  }
0x23: {  	s8 =	rddreg [dreg:$0x9];
	s9 =	simm.s32 $0x200  }
0x24: {  	[tilespmem:s9], [sflag:$0x1] =	stream.linear.gather [hbm4b:s8+s2], $0x80, $0x38;
	[tilespmem:$0x16D00] =	vst v63  }
0x25: {  	s10 =	rddreg [dreg:$0xa];
	s11 =	simm.s32 $0x300  }
0x26: {  	[tilespmem:s11], [sflag:$0x1] =	stream.linear.gather [hbm4b:s10+s2], $0x80, $0x38;
	[tilespmem:$0x16D00] =	vst v63  }
0x27: {  	s12 =	rddreg [dreg:$0xb];
	s13 =	simm.s32 $0x400  }
0x28: {  	[tilespmem:s13], [sflag:$0x1] =	stream.linear.gather [hbm4b:s12+s2], $0x80, $0x38;
	[tilespmem:$0x16D00] =	vst v63  }
0x29: {  	s14 =	rddreg [dreg:$0x3];
	s15 =	simm.s32 $0x500  }
0x2a: {  	[tilespmem:s15], [sflag:$0x3] =	stream.linear.gather [hbm4b:s14+s2], $0x1400, $0x38;
	[tilespmem:$0x16D00] =	vst v63  }
0x2b: {  	s16 =	rddreg [dreg:$0x4];
	s17 =	simm.s32 $0x80  }
0x2c: {  	[tilespmem:s17], [sflag:$0x2] =	stream.linear.gather [hbm4b:s16+s2], $0x80, $0x38;
	[tilespmem:$0x16D00] =	vst v63  }
0x2d: {  	s18 =	rddreg [dreg:$0xc];
	s19 =	simm.s32 $0x180  }
0x2e: {  	[tilespmem:s19], [sflag:$0x2] =	stream.linear.gather [hbm4b:s18+s2], $0x80, $0x38;
	[tilespmem:$0x16D00] =	vst v63  }
0x2f: {  	s23 =	rddreg [dreg:$0xd];
	s24 =	simm.s32 $0x280  }
0x30: {  	[tilespmem:s24], [sflag:$0x2] =	stream.linear.gather [hbm4b:s23+s2], $0x80, $0x38;
	[tilespmem:$0x16D00] =	vst v63  }
0x31: {  	s25 =	rddreg [dreg:$0xe];
	s26 =	simm.s32 $0x380  }
0x32: {  	[tilespmem:s26], [sflag:$0x2] =	stream.linear.gather [hbm4b:s25+s2], $0x80, $0x38;
	[tilespmem:$0x16D00] =	vst v63  }
0x33: {  	s28 =	rddreg [dreg:$0xf]  }
0x34: {  	[tilespmem:s30], [sflag:$0x2] =	stream.linear.gather [hbm4b:s28+s2], $0x80, $0x38;
	[tilespmem:$0x16D00] =	vst v63  }
0x35: {  	s6 =	simm.s32 $0x400;
	s29 =	rddreg [dreg:$0x5];
	s8 =	simm.s32 $0x0  }
0x36: {  	[tilespmem:s31], [sflag:$0x4] =	stream.linear.gather [hbm4b:s29+s2], $0x1400, $0x38;
	[tilespmem:$0x16D00] =	vst v63  }
.LBB2_2:
0x37: {  	p0 =	sne.s32 s6, $0x4FC00;
	[tilespmem:s8+$0x2DF0] =	vst v0  }
0x38: {  	[tilespmem:s8+$0x2D00] =	vst v0  }
0x39: {  	[tilespmem:s8+$0x2D10] =	vst v0  }
0x3a: {  	[tilespmem:s8+$0x2D20] =	vst v0  }
0x3b: {  	[tilespmem:s8+$0x2D30] =	vst v0  }
0x3c: {  	[tilespmem:s8+$0x2D40] =	vst v0  }
0x3d: {  	[tilespmem:s8+$0x2D50] =	vst v0  }
0x3e: {  	[tilespmem:s8+$0x2D60] =	vst v0  }
0x3f: {  	[tilespmem:s8+$0x2D70] =	vst v0  }
0x40: {  	[tilespmem:s8+$0x2D80] =	vst v0  }
0x41: {  	[tilespmem:s8+$0x2D90] =	vst v0  }
.Ltmp2:
0x42: {  	[tilespmem:s8+$0x2DA0] =	vst v0;
	(pc) =	sbr.rel @p0 .LBB2_2-.Ltmp2, $4  }
0x43: {  	[tilespmem:s8+$0x2DB0] =	vst v0  }
0x44: {  	[tilespmem:s8+$0x2DC0] =	vst v0  }
0x45: {  	[tilespmem:s8+$0x2DD0] =	vst v0  }
0x46: {  	[tilespmem:s8+$0x2DE0] =	vst v0;
	s8 =	sshra.s32 s6, $0x2;
	s6 =	sadd.s32 $0x400, s6  }
0x47: {  	[tilespmem:s8+$0x2DF0] =	vst v0  }
0x48: {  	[tilespmem:s8+$0x2D00] =	vst v0  }
0x49: {  	[tilespmem:s8+$0x2D10] =	vst v0  }
0x4a: {  	[tilespmem:s8+$0x2D20] =	vst v0  }
0x4b: {  	[tilespmem:s8+$0x2D30] =	vst v0  }
0x4c: {  	[tilespmem:s8+$0x2D40] =	vst v0  }
0x4d: {  	[tilespmem:s8+$0x2D50] =	vst v0  }
0x4e: {  	[tilespmem:s8+$0x2D60] =	vst v0  }
0x4f: {  	[tilespmem:s8+$0x2D70] =	vst v0  }
0x50: {  	[tilespmem:s8+$0x2D80] =	vst v0  }
0x51: {  	[tilespmem:s8+$0x2D90] =	vst v0  }
0x52: {  	[tilespmem:s8+$0x2DA0] =	vst v0  }
0x53: {  	[tilespmem:s8+$0x2DB0] =	vst v0  }
0x54: {  	[tilespmem:s8+$0x2DC0] =	vst v0  }
0x55: {  	[tilespmem:s8+$0x2DD0] =	vst v0  }
0x56: {  	s6 =	simm.s32 $0x0;
	[tilespmem:s8+$0x2DE0] =	vst v0;
	s8 =	simm.s32 $0x0  }
.LBB2_4:
0x57: {  	_ =	swait.ge [sflag:s1], $0x280  }
0x58: {  	[sflag:s1] =	ssyncset.done $0x0  }
0x59: {  	[sflag:s1] =	ssyncadd.s32 $0xFFFFFD80  }
0x5a: {  	s9 =	sand.u32 $0x40, s6;
	s10 =	sand.u32 $0x1C00, s6;
	_ =	swait.ge [sflag:s0], $0x1400  }
0x5b: {  	s11 =	sshrl.u32 s10, $0x2;
	s12 =	sor.u32 $0x30, s9;
	[sflag:s0] =	ssyncset.done $0x0  }
0x5c: {  	s13 =	sor.u32 s12, s11;
	[sflag:s0] =	ssyncadd.s32 $0xFFFFEC00  }
0x5d: {  	s14 =	sor.u32 $0x10, s9;
	s15 =	sor.u32 s9, s11;
	v1 =	vld [tilespmem:s13+$0x0]  }
0x5e: {  	s10 =	sadd.s32 $0x500, s10;
	s25 =	sor.u32 s14, s11;
	v2 =	vld [tilespmem:s15+$0x0]  }
0x5f: {  	s26 =	sor.u32 $0x20, s9;
	s12 =	sor.u32 s12, s10;
	v3 =	vld [tilespmem:s25+$0x0]  }
0x60: {  	s28 =	sor.u32 s26, s11;
	v4 =	vld [tilespmem:s12+$0x0]  }
0x61: {  	s29 =	sor.u32 s9, s10;
	v7 =	vld [tilespmem:s28+$0x0]  }
0x62: {  	s9 =	sor.u32 s14, s10;
	v5 =	vld [tilespmem:s29+$0x0]  }
0x63: {  	v6 =	vld [tilespmem:s9+$0x0]  }
0x64: {  	s10 =	sor.u32 s26, s10  }
0x65: {  	v8 =	vld [tilespmem:s10+$0x0]  }
0x66: {  	[tilespmem:v1+s20+$0x0] =	vst.idx.add.f32.msk $0xffff, v4  }
0x67: {  	[tilespmem:v2+s20+$0x0] =	vst.idx.add.f32.msk $0xffff, v5  }
0x68: {  	[tilespmem:v3+s20+$0x0] =	vst.idx.add.f32.msk $0xffff, v6  }
0x69: {  	v9 =	vadd.s32 $0x2800, v1;
	v4 =	vld [tilespmem:s12+$0x80]  }
0x6a: {  	v5 =	vadd.s32 $0x2800, v2;
	v6 =	vld [tilespmem:s29+$0x80]  }
0x6b: {  	[tilespmem:v7+s20+$0x0] =	vst.idx.add.f32.msk $0xffff, v8  }
0x6c: {  	v10 =	vadd.s32 $0x2800, v3;
	v54 =	vld [tilespmem:s9+$0x80]  }
0x6d: {  	v12 =	vadd.s32 $0x2800, v7;
	v11 =	vld [tilespmem:s10+$0x80]  }
0x6e: {  	[tilespmem:v9+s20+$0x0] =	vst.idx.add.f32.msk $0xffff, v4  }
0x6f: {  	[tilespmem:v5+s20+$0x0] =	vst.idx.add.f32.msk $0xffff, v6  }
0x70: {  	v8 =	vadd.s32 $0x5000, v1;
	v4 =	vld [tilespmem:s12+$0x100]  }
0x71: {  	[tilespmem:v10+s20+$0x0] =	vst.idx.add.f32.msk $0xffff, v54  }
0x72: {  	[tilespmem:v12+s20+$0x0] =	vst.idx.add.f32.msk $0xffff, v11  }
0x73: {  	v55 =	vadd.s32 $0x5000, v3;
	v10 =	vld [tilespmem:s9+$0x100]  }
0x74: {  	v5 =	vld [tilespmem:s29+$0x100]  }
0x75: {  	[tilespmem:v8+s20+$0x0] =	vst.idx.add.f32.msk $0xffff, v4;
	v8 =	vadd.s32 $0x5000, v2  }
0x76: {  	v6 =	vadd.s32 $0x7800, v1;
	v4 =	vld [tilespmem:s12+$0x180]  }
0x77: {  	v12 =	vld [tilespmem:s10+$0x100]  }
0x78: {  	[tilespmem:v55+s20+$0x0] =	vst.idx.add.f32.msk $0xffff, v10  }
0x79: {  	v56 =	vadd.s32 $0x5000, v7;
	v9 =	vld [tilespmem:s9+$0x180]  }
0x7a: {  	[tilespmem:v8+s20+$0x0] =	vst.idx.add.f32.msk $0xffff, v5  }
0x7b: {  	v57 =	vadd.s32 $0x7800, v3;
	[tilespmem:v6+s20+$0x0] =	vst.idx.add.f32.msk $0xffff, v4  }
0x7c: {  	v5 =	vadd.s32 $0x7800, v2;
	v8 =	vld [tilespmem:s29+$0x180]  }
0x7d: {  	v6 =	vadd.s32 $0xA000, v1;
	v4 =	vld [tilespmem:s12+$0x200]  }
0x7e: {  	[tilespmem:v56+s20+$0x0] =	vst.idx.add.f32.msk $0xffff, v12  }
0x7f: {  	v11 =	vld [tilespmem:s10+$0x180]  }
0x80: {  	[tilespmem:v57+s20+$0x0] =	vst.idx.add.f32.msk $0xffff, v9  }
0x81: {  	[tilespmem:v5+s20+$0x0] =	vst.idx.add.f32.msk $0xffff, v8;
	v5 =	vadd.s32 $0x7800, v7  }
0x82: {  	[tilespmem:v6+s20+$0x0] =	vst.idx.add.f32.msk $0xffff, v4  }
0x83: {  	v6 =	vadd.s32 $0xC800, v1;
	v4 =	vld [tilespmem:s12+$0x280]  }
0x84: {  	v10 =	vld [tilespmem:s9+$0x200]  }
0x85: {  	v59 =	vadd.s32 $0xA000, v3;
	v8 =	vld [tilespmem:s29+$0x200]  }
0x86: {  	v58 =	vadd.s32 $0xA000, v2;
	[tilespmem:v5+s20+$0x0] =	vst.idx.add.f32.msk $0xffff, v11  }
0x87: {  	v11 =	vld [tilespmem:s10+$0x200]  }
0x88: {  	v5 =	vadd.s32 $0xA000, v7;
	[tilespmem:v6+s20+$0x0] =	vst.idx.add.f32.msk $0xffff, v4  }
0x89: {  	v6 =	vadd.s32 $0xF000, v1;
	v4 =	vld [tilespmem:s12+$0x300]  }
0x8a: {  	[tilespmem:v59+s20+$0x0] =	vst.idx.add.f32.msk $0xffff, v10  }
0x8b: {  	[tilespmem:v58+s20+$0x0] =	vst.idx.add.f32.msk $0xffff, v8  }
0x8c: {  	v8 =	vld [tilespmem:s9+$0x280]  }
0x8d: {  	[tilespmem:v5+s20+$0x0] =	vst.idx.add.f32.msk $0xffff, v11;
	v5 =	vadd.s32 $0xC800, v3  }
0x8e: {  	[tilespmem:v6+s20+$0x0] =	vst.idx.add.f32.msk $0xffff, v4  }
0x8f: {  	v4 =	vadd.s32 $0xC800, v2;
	v6 =	vld [tilespmem:s29+$0x280];
	_ =	sdelay $0x1  }
0x90: {  	v61 =	vld [tilespmem:s10+$0x280]  }
0x91: {  	v60 =	vadd.s32 $0xC800, v7;
	[tilespmem:v5+s20+$0x0] =	vst.idx.add.f32.msk $0xffff, v8  }
0x92: {  	v8 =	vld [tilespmem:s9+$0x300]  }
0x93: {  	v5 =	vadd.s32 $0xF000, v3;
	[tilespmem:v4+s20+$0x0] =	vst.idx.add.f32.msk $0xffff, v6  }
0x94: {  	v6 =	vadd.s32 $0xF000, v2;
	v4 =	vld [tilespmem:s29+$0x300]  }
0x95: {  	v62 =	vld [tilespmem:s12+$0x380]  }
0x96: {  	v1 =	vadd.s32 $0x11800, v1;
	[tilespmem:v60+s20+$0x0] =	vst.idx.add.f32.msk $0xffff, v61  }
0x97: {  	v63 =	vadd.s32 $0xF000, v7;
	v10 =	vld [tilespmem:s10+$0x300]  }
0x98: {  	[tilespmem:v5+s20+$0x0] =	vst.idx.add.f32.msk $0xffff, v8  }
0x99: {  	[tilespmem:v6+s20+$0x0] =	vst.idx.add.f32.msk $0xffff, v4  }
0x9a: {  	v5 =	vadd.s32 $0x11800, v2;
	v6 =	vld [tilespmem:s29+$0x380]  }
0x9b: {  	[tilespmem:v1+s20+$0x0] =	vst.idx.add.f32.msk $0xffff, v62  }
0x9c: {  	s11 =	simm.s32 $0x0;
	s13 =	simm.s32 $0x200;
	s12 =	simm.s32 $0x40;
	v1 =	vadd.s32 $0x11800, v7;
	v2 =	vadd.s32 $0x11800, v3;
	[tilespmem:v63+s20+$0x0] =	vst.idx.add.f32.msk $0xffff, v10  }
.LBB2_5:
0x9d: {  	s14 =	sand.u32 $0x40, s12;
	s15 =	sand.u32 $0x1C00, s13;
	s11 =	sadd.s32 $0x4, s11;
	v4 =	vld [tilespmem:s9+$0x380]  }
0x9e: {  	s9 =	sshrl.u32 s15, $0x2;
	s16 =	sor.u32 $0x30, s14;
	p0 =	slt.u32 s11, $0x24;
	v3 =	vld [tilespmem:s10+$0x380]  }
0x9f: {  	s10 =	sor.u32 $0x10, s14;
	s17 =	sor.u32 $0x20, s14;
	s18 =	sor.u32 s16, s9;
	[tilespmem:v5+s20+$0x0] =	vst.idx.add.f32.msk $0xffff, v6  }
0xa0: {  	s19 =	sor.u32 s14, s9;
	s7 =	sor.u32 s10, s9;
	s23 =	sor.u32 s17, s9;
	v6 =	vld [tilespmem:s18+$0x0]  }
0xa1: {  	s18 =	sadd.s32 $0x500, s15;
	v5 =	vld [tilespmem:s19+$0x0]  }
0xa2: {  	s14 =	sor.u32 s14, s18;
	s9 =	sor.u32 s10, s18;
	s15 =	sor.u32 s16, s18;
	v7 =	vld [tilespmem:s7+$0x0]  }
0xa3: {  	s10 =	sor.u32 s17, s18;
	v8 =	vld [tilespmem:s15+$0x0]  }
0xa4: {  	v9 =	vld [tilespmem:s23+$0x0]  }
0xa5: {  	v10 =	vld [tilespmem:s14+$0x0]  }
0xa6: {  	v11 =	vadd.s32 $0x2800, v5;
	v12 =	vadd.s32 $0x5000, v5;
	v13 =	vadd.s32 $0x7800, v5;
	v14 =	vld [tilespmem:s9+$0x0]  }
0xa7: {  	v15 =	vadd.s32 $0x2800, v7;
	v16 =	vadd.s32 $0x5000, v7;
	v17 =	vadd.s32 $0x7800, v7;
	v18 =	vld [tilespmem:s10+$0x0]  }
0xa8: {  	v19 =	vadd.s32 $0xA000, v5;
	v20 =	vadd.s32 $0xC800, v5;
	v21 =	vadd.s32 $0xA000, v7;
	[tilespmem:v6+s20+$0x0] =	vst.idx.add.f32.msk $0xffff, v8  }
0xa9: {  	v24 =	vadd.s32 $0x2800, v6;
	v8 =	vadd.s32 $0x2800, v9;
	v22 =	vadd.s32 $0x5000, v9;
	v23 =	vld [tilespmem:s15+$0x80]  }
0xaa: {  	v25 =	vadd.s32 $0x7800, v9;
	v26 =	vadd.s32 $0xA000, v9;
	[tilespmem:v5+s20+$0x0] =	vst.idx.add.f32.msk $0xffff, v10;
	v10 =	vadd.s32 $0xC800, v7  }
0xab: {  	v27 =	vadd.s32 $0xF000, v5;
	v28 =	vadd.s32 $0xC800, v9;
	[tilespmem:v7+s20+$0x0] =	vst.idx.add.f32.msk $0xffff, v14;
	v14 =	vadd.s32 $0xF000, v7  }
0xac: {  	v5 =	vadd.s32 $0x11800, v5;
	v7 =	vadd.s32 $0x11800, v7;
	[tilespmem:v9+s20+$0x0] =	vst.idx.add.f32.msk $0xffff, v18;
	v18 =	vadd.s32 $0xF000, v9  }
0xad: {  	v9 =	vadd.s32 $0x11800, v9;
	v29 =	vld [tilespmem:s14+$0x80]  }
0xae: {  	[tilespmem:v24+s20+$0x0] =	vst.idx.add.f32.msk $0xffff, v23  }
0xaf: {  	v24 =	vadd.s32 $0x5000, v6;
	v23 =	vld [tilespmem:s15+$0x100]  }
0xb0: {  	v30 =	vld [tilespmem:s9+$0x80]  }
0xb1: {  	v31 =	vld [tilespmem:s10+$0x80]  }
0xb2: {  	[tilespmem:v11+s20+$0x0] =	vst.idx.add.f32.msk $0xffff, v29  }
0xb3: {  	v11 =	vld [tilespmem:s14+$0x100]  }
0xb4: {  	[tilespmem:v24+s20+$0x0] =	vst.idx.add.f32.msk $0xffff, v23  }
0xb5: {  	v24 =	vadd.s32 $0x7800, v6;
	v23 =	vld [tilespmem:s15+$0x180]  }
0xb6: {  	[tilespmem:v15+s20+$0x0] =	vst.idx.add.f32.msk $0xffff, v30  }
0xb7: {  	[tilespmem:v8+s20+$0x0] =	vst.idx.add.f32.msk $0xffff, v31  }
0xb8: {  	v8 =	vld [tilespmem:s9+$0x100]  }
0xb9: {  	v15 =	vld [tilespmem:s10+$0x100]  }
0xba: {  	[tilespmem:v24+s20+$0x0] =	vst.idx.add.f32.msk $0xffff, v23  }
0xbb: {  	v24 =	vadd.s32 $0xA000, v6;
	v23 =	vld [tilespmem:s15+$0x200]  }
0xbc: {  	[tilespmem:v12+s20+$0x0] =	vst.idx.add.f32.msk $0xffff, v11  }
0xbd: {  	[tilespmem:v16+s20+$0x0] =	vst.idx.add.f32.msk $0xffff, v8  }
0xbe: {  	[tilespmem:v22+s20+$0x0] =	vst.idx.add.f32.msk $0xffff, v15  }
0xbf: {  	v8 =	vld [tilespmem:s14+$0x180]  }
0xc0: {  	[tilespmem:v24+s20+$0x0] =	vst.idx.add.f32.msk $0xffff, v23  }
0xc1: {  	v12 =	vadd.s32 $0xC800, v6;
	v11 =	vld [tilespmem:s15+$0x280]  }
0xc2: {  	v15 =	vld [tilespmem:s9+$0x180]  }
0xc3: {  	v16 =	vld [tilespmem:s10+$0x180]  }
0xc4: {  	[tilespmem:v13+s20+$0x0] =	vst.idx.add.f32.msk $0xffff, v8  }
0xc5: {  	v8 =	vld [tilespmem:s14+$0x200]  }
0xc6: {  	[tilespmem:v12+s20+$0x0] =	vst.idx.add.f32.msk $0xffff, v11  }
0xc7: {  	v12 =	vadd.s32 $0xF000, v6;
	v11 =	vld [tilespmem:s15+$0x300]  }
0xc8: {  	[tilespmem:v17+s20+$0x0] =	vst.idx.add.f32.msk $0xffff, v15  }
0xc9: {  	[tilespmem:v25+s20+$0x0] =	vst.idx.add.f32.msk $0xffff, v16  }
0xca: {  	v13 =	vld [tilespmem:s9+$0x200]  }
0xcb: {  	v15 =	vld [tilespmem:s10+$0x200]  }
0xcc: {  	[tilespmem:v12+s20+$0x0] =	vst.idx.add.f32.msk $0xffff, v11  }
0xcd: {  	v6 =	vadd.s32 $0x11800, v6;
	v11 =	vld [tilespmem:s15+$0x380]  }
0xce: {  	[tilespmem:v19+s20+$0x0] =	vst.idx.add.f32.msk $0xffff, v8  }
0xcf: {  	[tilespmem:v21+s20+$0x0] =	vst.idx.add.f32.msk $0xffff, v13  }
0xd0: {  	[tilespmem:v26+s20+$0x0] =	vst.idx.add.f32.msk $0xffff, v15  }
0xd1: {  	v8 =	vld [tilespmem:s14+$0x280]  }
0xd2: {  	[tilespmem:v6+s20+$0x0] =	vst.idx.add.f32.msk $0xffff, v11  }
0xd3: {  	v6 =	vld [tilespmem:s9+$0x280]  }
0xd4: {  	v11 =	vld [tilespmem:s10+$0x280]  }
0xd5: {  	[tilespmem:v2+s20+$0x0] =	vst.idx.add.f32.msk $0xffff, v4;
	v2 =	vmov v7  }
0xd6: {  	[tilespmem:v20+s20+$0x0] =	vst.idx.add.f32.msk $0xffff, v8  }
0xd7: {  	v4 =	vld [tilespmem:s14+$0x300]  }
0xd8: {  	[tilespmem:v10+s20+$0x0] =	vst.idx.add.f32.msk $0xffff, v6  }
0xd9: {  	[tilespmem:v28+s20+$0x0] =	vst.idx.add.f32.msk $0xffff, v11  }
0xda: {  	v7 =	vld [tilespmem:s9+$0x300]  }
0xdb: {  	v8 =	vld [tilespmem:s10+$0x300]  }
.Ltmp3:
0xdc: {  	[tilespmem:v27+s20+$0x0] =	vst.idx.add.f32.msk $0xffff, v4;
	(pc) =	sbr.rel @p0 .LBB2_5-.Ltmp3, $4  }
0xdd: {  	v6 =	vld [tilespmem:s14+$0x380]  }
0xde: {  	[tilespmem:v1+s20+$0x0] =	vst.idx.add.f32.msk $0xffff, v3;
	v1 =	vmov v9  }
0xdf: {  	[tilespmem:v14+s20+$0x0] =	vst.idx.add.f32.msk $0xffff, v7  }
0xe0: {  	s12 =	sadd.s32 $0x40, s12;
	s13 =	sadd.s32 $0x200, s13;
	[tilespmem:v18+s20+$0x0] =	vst.idx.add.f32.msk $0xffff, v8  }
0xe1: {  	v3 =	vld [tilespmem:s9+$0x380];
	s9 =	sshll.u32 s8, $0x1;
	p0 =	seq.s32 s8, $0x7C  }
0xe2: {  	v4 =	vld [tilespmem:s10+$0x380];
	s7 =	sadd.s32 @!p0 $0x2, s9  }
0xe3: {  	s10 =	smul.u32 @!p0 $0x280, s7;
	_ =	sdelay $0x1  }
0xe4: {  	[tilespmem:v5+s20+$0x0] =	vst.idx.add.f32.msk $0xffff, v6;
	s10 =	sshrl.u32 @!p0 s10, $0x3  }
0xe5: {  	[tilespmem:v2+s20+$0x0] =	vst.idx.add.f32.msk $0xffff, v3;
	s10 =	sadd.s32 @!p0 s5, s10  }
0xe6: {  	s12 =	simm.s32 @!p0 $0x0;
	[tilespmem:v1+s20+$0x0] =	vst.idx.add.f32.msk $0xffff, v4;
	s11 =	sadd.s32 @!p0 $0x4E20, s10  }
0xe7: {  	[tilespmem:s12], [sflag:$0x1] =	stream.linear.gather @!p0 [hbm4b:s11+s12], $0x80, $0x38;
	[tilespmem:$0x16D00] =	vst v63  }
0xe8: {  	s13 =	simm.s32 @!p0 $0x100;
	s11 =	sadd.s32 @!p0 $0x4E30, s10  }
0xe9: {  	[tilespmem:s13], [sflag:$0x1] =	stream.linear.gather @!p0 [hbm4b:s11+s12], $0x80, $0x38;
	[tilespmem:$0x16D00] =	vst v63  }
0xea: {  	s7 =	smul.u32 @!p0 $0x1400, s7;
	s11 =	sadd.s32 @!p0 $0x4E40, s10;
	s13 =	simm.s32 @!p0 $0x200  }
0xeb: {  	[tilespmem:s13], [sflag:$0x1] =	stream.linear.gather @!p0 [hbm4b:s11+s12], $0x80, $0x38;
	[tilespmem:$0x16D00] =	vst v63  }
0xec: {  	s7 =	sadd.s32 @!p0 s3, s7;
	s11 =	sadd.s32 @!p0 $0x4E50, s10;
	s13 =	simm.s32 @!p0 $0x300  }
0xed: {  	[tilespmem:s13], [sflag:$0x1] =	stream.linear.gather @!p0 [hbm4b:s11+s12], $0x80, $0x38;
	[tilespmem:$0x16D00] =	vst v63  }
0xee: {  	s7 =	sshrl.u32 @!p0 s7, $0x3;
	s10 =	sadd.s32 @!p0 $0x4E60, s10;
	s11 =	simm.s32 @!p0 $0x400  }
0xef: {  	[tilespmem:s11], [sflag:$0x1] =	stream.linear.gather @!p0 [hbm4b:s10+s12], $0x80, $0x38;
	[tilespmem:$0x16D00] =	vst v63  }
0xf0: {  	s7 =	sadd.s32 @!p0 s4, s7;
	s10 =	simm.s32 @!p0 $0x500  }
0xf1: {  	[tilespmem:s10], [sflag:$0x3] =	stream.linear.gather @!p0 [hbm4b:s7+s12], $0x1400, $0x38;
	[tilespmem:$0x16D00] =	vst v63  }
0xf2: {  	_ =	swait.ge [sflag:s21], $0x280  }
0xf3: {  	[sflag:s21] =	ssyncset.done $0x0  }
0xf4: {  	s15 =	simm.s32 $0x0;
	[sflag:s21] =	ssyncadd.s32 $0xFFFFFD80  }
0xf5: {  	s13 =	sand.u32 $0x1C00, s15;
	s10 =	sand.u32 $0x40, s15;
	_ =	swait.ge [sflag:s22], $0x1400  }
0xf6: {  	s7 =	sshrl.u32 s13, $0x2;
	s14 =	sor.u32 $0x30, s10;
	[sflag:s22] =	ssyncset.done $0x0  }
0xf7: {  	s16 =	sor.u32 s14, s7;
	[sflag:s22] =	ssyncadd.s32 $0xFFFFEC00  }
0xf8: {  	s17 =	sadd.s32 $0x1900, s13;
	s15 =	sor.u32 s10, s7;
	v1 =	vld [tilespmem:s16+$0x80]  }
0xf9: {  	s11 =	sor.u32 $0x10, s10;
	s18 =	sor.u32 s14, s17;
	v2 =	vld [tilespmem:s15+$0x80]  }
0xfa: {  	s16 =	sor.u32 s11, s7;
	v4 =	vld [tilespmem:s18+$0x0]  }
0xfb: {  	s12 =	sor.u32 $0x20, s10;
	s19 =	sor.u32 s10, s17;
	v3 =	vld [tilespmem:s16+$0x80]  }
0xfc: {  	s7 =	sor.u32 s12, s7;
	v5 =	vld [tilespmem:s19+$0x0]  }
0xfd: {  	s23 =	sor.u32 s11, s17;
	v7 =	vld [tilespmem:s7+$0x80]  }
0xfe: {  	s15 =	sor.u32 s12, s17;
	v6 =	vld [tilespmem:s23+$0x0]  }
0xff: {  	v8 =	vld [tilespmem:s15+$0x0]  }
0x100: {  	s24 =	sadd.s32 $0x1980, s13;
	[tilespmem:v1+s20+$0x0] =	vst.idx.add.f32.msk $0xffff, v4  }
0x101: {  	s25 =	sor.u32 s14, s24;
	[tilespmem:v2+s20+$0x0] =	vst.idx.add.f32.msk $0xffff, v5  }
0x102: {  	v4 =	vld [tilespmem:s25+$0x0]  }
0x103: {  	s26 =	sor.u32 s10, s24;
	v9 =	vadd.s32 $0x2800, v1;
	[tilespmem:v3+s20+$0x0] =	vst.idx.add.f32.msk $0xffff, v6  }
0x104: {  	v5 =	vadd.s32 $0x2800, v2;
	v6 =	vld [tilespmem:s26+$0x0]  }
0x105: {  	s17 =	sor.u32 s11, s24;
	[tilespmem:v7+s20+$0x0] =	vst.idx.add.f32.msk $0xffff, v8  }
0x106: {  	s7 =	sor.u32 s12, s24;
	v54 =	vld [tilespmem:s17+$0x0]  }
0x107: {  	v10 =	vadd.s32 $0x2800, v3;
	v11 =	vld [tilespmem:s7+$0x0]  }
0x108: {  	s28 =	sadd.s32 $0x1A00, s13;
	[tilespmem:v9+s20+$0x0] =	vst.idx.add.f32.msk $0xffff, v4  }
0x109: {  	s29 =	sor.u32 s14, s28;
	v12 =	vadd.s32 $0x2800, v7;
	[tilespmem:v5+s20+$0x0] =	vst.idx.add.f32.msk $0xffff, v6  }
0x10a: {  	s18 =	sor.u32 s10, s28;
	v8 =	vadd.s32 $0x5000, v1;
	v4 =	vld [tilespmem:s29+$0x0]  }
0x10b: {  	v5 =	vld [tilespmem:s18+$0x0]  }
0x10c: {  	s23 =	sor.u32 s11, s28;
	[tilespmem:v10+s20+$0x0] =	vst.idx.add.f32.msk $0xffff, v54  }
0x10d: {  	v55 =	vadd.s32 $0x5000, v3;
	v10 =	vld [tilespmem:s23+$0x0]  }
0x10e: {  	s7 =	sadd.s32 $0x1A80, s13;
	[tilespmem:v12+s20+$0x0] =	vst.idx.add.f32.msk $0xffff, v11  }
0x10f: {  	s19 =	sor.u32 s14, s7;
	[tilespmem:v8+s20+$0x0] =	vst.idx.add.f32.msk $0xffff, v4;
	v8 =	vadd.s32 $0x5000, v2  }
0x110: {  	s15 =	sor.u32 s12, s28;
	v6 =	vadd.s32 $0x7800, v1;
	v4 =	vld [tilespmem:s19+$0x0]  }
0x111: {  	v12 =	vld [tilespmem:s15+$0x0]  }
0x112: {  	s18 =	sor.u32 s11, s7;
	[tilespmem:v55+s20+$0x0] =	vst.idx.add.f32.msk $0xffff, v10  }
0x113: {  	v56 =	vadd.s32 $0x5000, v7;
	v9 =	vld [tilespmem:s18+$0x0]  }
0x114: {  	[tilespmem:v8+s20+$0x0] =	vst.idx.add.f32.msk $0xffff, v5  }
0x115: {  	s24 =	sadd.s32 $0x1B00, s13;
	v57 =	vadd.s32 $0x7800, v3;
	s26 =	sor.u32 s10, s7;
	[tilespmem:v6+s20+$0x0] =	vst.idx.add.f32.msk $0xffff, v4  }
0x116: {  	s25 =	sor.u32 s14, s24;
	v5 =	vadd.s32 $0x7800, v2;
	v8 =	vld [tilespmem:s26+$0x0]  }
0x117: {  	v6 =	vadd.s32 $0xA000, v1;
	v4 =	vld [tilespmem:s25+$0x0]  }
0x118: {  	s7 =	sor.u32 s12, s7;
	[tilespmem:v56+s20+$0x0] =	vst.idx.add.f32.msk $0xffff, v12  }
0x119: {  	v11 =	vld [tilespmem:s7+$0x0]  }
0x11a: {  	[tilespmem:v57+s20+$0x0] =	vst.idx.add.f32.msk $0xffff, v9  }
0x11b: {  	s28 =	sadd.s32 $0x1B80, s13;
	[tilespmem:v5+s20+$0x0] =	vst.idx.add.f32.msk $0xffff, v8;
	v5 =	vadd.s32 $0x7800, v7  }
0x11c: {  	s29 =	sor.u32 s14, s28;
	[tilespmem:v6+s20+$0x0] =	vst.idx.add.f32.msk $0xffff, v4  }
0x11d: {  	s23 =	sor.u32 s11, s24;
	v6 =	vadd.s32 $0xC800, v1;
	v4 =	vld [tilespmem:s29+$0x0]  }
0x11e: {  	s17 =	sor.u32 s10, s24;
	v10 =	vld [tilespmem:s23+$0x0]  }
0x11f: {  	v59 =	vadd.s32 $0xA000, v3;
	v8 =	vld [tilespmem:s17+$0x0]  }
0x120: {  	s16 =	sor.u32 s12, s24;
	v58 =	vadd.s32 $0xA000, v2;
	[tilespmem:v5+s20+$0x0] =	vst.idx.add.f32.msk $0xffff, v11  }
0x121: {  	s18 =	sadd.s32 $0x1C00, s13;
	v11 =	vld [tilespmem:s16+$0x0]  }
0x122: {  	s19 =	sor.u32 s14, s18;
	v5 =	vadd.s32 $0xA000, v7;
	[tilespmem:v6+s20+$0x0] =	vst.idx.add.f32.msk $0xffff, v4  }
0x123: {  	v6 =	vadd.s32 $0xF000, v1;
	v4 =	vld [tilespmem:s19+$0x0]  }
0x124: {  	[tilespmem:v59+s20+$0x0] =	vst.idx.add.f32.msk $0xffff, v10  }
0x125: {  	s25 =	sor.u32 s11, s28;
	[tilespmem:v58+s20+$0x0] =	vst.idx.add.f32.msk $0xffff, v8  }
0x126: {  	v8 =	vld [tilespmem:s25+$0x0]  }
0x127: {  	[tilespmem:v5+s20+$0x0] =	vst.idx.add.f32.msk $0xffff, v11;
	v5 =	vadd.s32 $0xC800, v3  }
0x128: {  	s24 =	sor.u32 s10, s28;
	[tilespmem:v6+s20+$0x0] =	vst.idx.add.f32.msk $0xffff, v4  }
0x129: {  	v4 =	vadd.s32 $0xC800, v2;
	v6 =	vld [tilespmem:s24+$0x0]  }
0x12a: {  	s15 =	sor.u32 s12, s28  }
0x12b: {  	v61 =	vld [tilespmem:s15+$0x0]  }
0x12c: {  	v60 =	vadd.s32 $0xC800, v7;
	s28 =	sor.u32 s11, s18;
	[tilespmem:v5+s20+$0x0] =	vst.idx.add.f32.msk $0xffff, v8  }
0x12d: {  	v8 =	vld [tilespmem:s28+$0x0]  }
0x12e: {  	s13 =	sadd.s32 $0x1C80, s13;
	s26 =	sor.u32 s10, s18;
	v5 =	vadd.s32 $0xF000, v3;
	[tilespmem:v4+s20+$0x0] =	vst.idx.add.f32.msk $0xffff, v6  }
0x12f: {  	s14 =	sor.u32 s14, s13;
	v6 =	vadd.s32 $0xF000, v2;
	v4 =	vld [tilespmem:s26+$0x0]  }
0x130: {  	v62 =	vld [tilespmem:s14+$0x0]  }
0x131: {  	s7 =	sor.u32 s12, s18;
	v1 =	vadd.s32 $0x11800, v1;
	[tilespmem:v60+s20+$0x0] =	vst.idx.add.f32.msk $0xffff, v61  }
0x132: {  	v63 =	vadd.s32 $0xF000, v7;
	v10 =	vld [tilespmem:s7+$0x0]  }
0x133: {  	[tilespmem:v5+s20+$0x0] =	vst.idx.add.f32.msk $0xffff, v8  }
0x134: {  	s29 =	sor.u32 s10, s13;
	[tilespmem:v6+s20+$0x0] =	vst.idx.add.f32.msk $0xffff, v4  }
0x135: {  	v5 =	vadd.s32 $0x11800, v2;
	v6 =	vld [tilespmem:s29+$0x0]  }
0x136: {  	s17 =	sor.u32 s11, s13;
	s11 =	simm.s32 $0x40;
	[tilespmem:v1+s20+$0x0] =	vst.idx.add.f32.msk $0xffff, v62  }
0x137: {  	s10 =	simm.s32 $0x0;
	s16 =	sor.u32 s12, s13;
	s12 =	simm.s32 $0x200;
	v1 =	vadd.s32 $0x11800, v3;
	v2 =	vadd.s32 $0x11800, v7;
	[tilespmem:v63+s20+$0x0] =	vst.idx.add.f32.msk $0xffff, v10  }
.LBB2_7:
0x138: {  	s13 =	sand.u32 $0x40, s11;
	s15 =	sand.u32 $0x1C00, s12;
	s10 =	sadd.s32 $0x4, s10;
	v4 =	vld [tilespmem:s17+$0x0]  }
0x139: {  	s7 =	sshrl.u32 s15, $0x2;
	s14 =	sor.u32 $0x30, s13;
	p1 =	slt.u32 s10, $0x24;
	v3 =	vld [tilespmem:s16+$0x0]  }
0x13a: {  	s17 =	sor.u32 $0x10, s13;
	s16 =	sor.u32 $0x20, s13;
	s18 =	sor.u32 s14, s7;
	[tilespmem:v5+s20+$0x0] =	vst.idx.add.f32.msk $0xffff, v6  }
0x13b: {  	s19 =	sor.u32 s13, s7;
	s23 =	sor.u32 s17, s7;
	s7 =	sor.u32 s16, s7;
	v6 =	vld [tilespmem:s18+$0x80]  }
0x13c: {  	s18 =	sadd.s32 $0x1900, s15;
	v5 =	vld [tilespmem:s19+$0x80]  }
0x13d: {  	s19 =	sor.u32 s13, s18;
	s24 =	sor.u32 s14, s18;
	v9 =	vld [tilespmem:s23+$0x80];
	s23 =	sor.u32 s17, s18  }
0x13e: {  	s18 =	sor.u32 s16, s18;
	v8 =	vld [tilespmem:s24+$0x0]  }
0x13f: {  	v12 =	vld [tilespmem:s7+$0x80]  }
0x140: {  	v10 =	vld [tilespmem:s19+$0x0]  }
0x141: {  	v16 =	vadd.s32 $0x2800, v5;
	v17 =	vadd.s32 $0x5000, v5;
	v18 =	vadd.s32 $0x7800, v5;
	v13 =	vld [tilespmem:s23+$0x0]  }
0x142: {  	s7 =	sadd.s32 $0x1980, s15;
	v19 =	vadd.s32 $0x2800, v9;
	v20 =	vadd.s32 $0x5000, v9;
	v21 =	vadd.s32 $0x7800, v9;
	v22 =	vld [tilespmem:s18+$0x0]  }
0x143: {  	s19 =	sor.u32 s17, s7;
	v14 =	vadd.s32 $0xA000, v5;
	v7 =	vadd.s32 $0xC800, v5;
	s23 =	sor.u32 s14, s7;
	s18 =	sor.u32 s13, s7;
	v15 =	vadd.s32 $0xA000, v9;
	[tilespmem:v6+s20+$0x0] =	vst.idx.add.f32.msk $0xffff, v8  }
0x144: {  	v26 =	vadd.s32 $0x2800, v6;
	s7 =	sor.u32 s16, s7;
	v23 =	vadd.s32 $0x2800, v12;
	v24 =	vadd.s32 $0x5000, v12;
	v25 =	vld [tilespmem:s23+$0x0]  }
0x145: {  	v11 =	vadd.s32 $0xC800, v9;
	v27 =	vadd.s32 $0x7800, v12;
	v28 =	vadd.s32 $0xA000, v12;
	[tilespmem:v5+s20+$0x0] =	vst.idx.add.f32.msk $0xffff, v10  }
0x146: {  	v8 =	vadd.s32 $0xF000, v9;
	v10 =	vadd.s32 $0xF000, v5;
	[tilespmem:v9+s20+$0x0] =	vst.idx.add.f32.msk $0xffff, v13;
	v13 =	vadd.s32 $0xC800, v12  }
0x147: {  	v29 =	vadd.s32 $0x11800, v9;
	v5 =	vadd.s32 $0x11800, v5;
	v9 =	vadd.s32 $0xF000, v12;
	[tilespmem:v12+s20+$0x0] =	vst.idx.add.f32.msk $0xffff, v22  }
0x148: {  	v12 =	vadd.s32 $0x11800, v12;
	v22 =	vld [tilespmem:s18+$0x0];
	s18 =	sadd.s32 $0x1A00, s15  }
0x149: {  	s23 =	sor.u32 s13, s18;
	s24 =	sor.u32 s17, s18;
	[tilespmem:v26+s20+$0x0] =	vst.idx.add.f32.msk $0xffff, v25;
	s25 =	sor.u32 s14, s18  }
0x14a: {  	s18 =	sor.u32 s16, s18;
	v26 =	vadd.s32 $0x5000, v6;
	v25 =	vld [tilespmem:s25+$0x0]  }
0x14b: {  	v30 =	vld [tilespmem:s19+$0x0]  }
0x14c: {  	v31 =	vld [tilespmem:s7+$0x0]  }
0x14d: {  	[tilespmem:v16+s20+$0x0] =	vst.idx.add.f32.msk $0xffff, v22  }
0x14e: {  	s7 =	sadd.s32 $0x1A80, s15;
	v16 =	vld [tilespmem:s23+$0x0]  }
0x14f: {  	s19 =	sor.u32 s13, s7;
	s25 =	sor.u32 s14, s7;
	s23 =	sor.u32 s17, s7;
	[tilespmem:v26+s20+$0x0] =	vst.idx.add.f32.msk $0xffff, v25  }
0x150: {  	s7 =	sor.u32 s16, s7;
	v25 =	vadd.s32 $0x7800, v6;
	v22 =	vld [tilespmem:s25+$0x0]  }
0x151: {  	[tilespmem:v19+s20+$0x0] =	vst.idx.add.f32.msk $0xffff, v30  }
0x152: {  	[tilespmem:v23+s20+$0x0] =	vst.idx.add.f32.msk $0xffff, v31  }
0x153: {  	v19 =	vld [tilespmem:s24+$0x0]  }
0x154: {  	s24 =	sadd.s32 $0x1B00, s15;
	v23 =	vld [tilespmem:s18+$0x0]  }
0x155: {  	s18 =	sor.u32 s13, s24;
	s25 =	sor.u32 s17, s24;
	s26 =	sor.u32 s14, s24;
	[tilespmem:v25+s20+$0x0] =	vst.idx.add.f32.msk $0xffff, v22  }
0x156: {  	s24 =	sor.u32 s16, s24;
	v25 =	vadd.s32 $0xA000, v6;
	v22 =	vld [tilespmem:s26+$0x0]  }
0x157: {  	[tilespmem:v17+s20+$0x0] =	vst.idx.add.f32.msk $0xffff, v16  }
0x158: {  	[tilespmem:v20+s20+$0x0] =	vst.idx.add.f32.msk $0xffff, v19  }
0x159: {  	[tilespmem:v24+s20+$0x0] =	vst.idx.add.f32.msk $0xffff, v23  }
0x15a: {  	v16 =	vld [tilespmem:s19+$0x0];
	s19 =	sadd.s32 $0x1B80, s15  }
0x15b: {  	s26 =	sor.u32 s13, s19;
	s28 =	sor.u32 s17, s19;
	[tilespmem:v25+s20+$0x0] =	vst.idx.add.f32.msk $0xffff, v22;
	s29 =	sor.u32 s14, s19  }
0x15c: {  	v19 =	vadd.s32 $0xC800, v6;
	s19 =	sor.u32 s16, s19;
	v17 =	vld [tilespmem:s29+$0x0]  }
0x15d: {  	v20 =	vld [tilespmem:s23+$0x0]  }
0x15e: {  	v22 =	vld [tilespmem:s7+$0x0]  }
0x15f: {  	[tilespmem:v18+s20+$0x0] =	vst.idx.add.f32.msk $0xffff, v16  }
0x160: {  	s7 =	sadd.s32 $0x1C00, s15;
	v16 =	vld [tilespmem:s18+$0x0]  }
0x161: {  	s23 =	sor.u32 s17, s7;
	s29 =	sor.u32 s14, s7;
	s18 =	sor.u32 s13, s7;
	[tilespmem:v19+s20+$0x0] =	vst.idx.add.f32.msk $0xffff, v17  }
0x162: {  	v18 =	vadd.s32 $0xF000, v6;
	s7 =	sor.u32 s16, s7;
	v17 =	vld [tilespmem:s29+$0x0]  }
0x163: {  	[tilespmem:v21+s20+$0x0] =	vst.idx.add.f32.msk $0xffff, v20  }
0x164: {  	[tilespmem:v27+s20+$0x0] =	vst.idx.add.f32.msk $0xffff, v22  }
0x165: {  	v19 =	vld [tilespmem:s25+$0x0]  }
0x166: {  	s15 =	sadd.s32 $0x1C80, s15;
	v20 =	vld [tilespmem:s24+$0x0]  }
0x167: {  	s17 =	sor.u32 s17, s15;
	s14 =	sor.u32 s14, s15;
	s13 =	sor.u32 s13, s15;
	[tilespmem:v18+s20+$0x0] =	vst.idx.add.f32.msk $0xffff, v17  }
0x168: {  	v6 =	vadd.s32 $0x11800, v6;
	s16 =	sor.u32 s16, s15;
	v17 =	vld [tilespmem:s14+$0x0]  }
0x169: {  	[tilespmem:v14+s20+$0x0] =	vst.idx.add.f32.msk $0xffff, v16  }
0x16a: {  	[tilespmem:v15+s20+$0x0] =	vst.idx.add.f32.msk $0xffff, v19  }
0x16b: {  	[tilespmem:v28+s20+$0x0] =	vst.idx.add.f32.msk $0xffff, v20  }
0x16c: {  	v14 =	vld [tilespmem:s26+$0x0]  }
0x16d: {  	[tilespmem:v6+s20+$0x0] =	vst.idx.add.f32.msk $0xffff, v17  }
0x16e: {  	v6 =	vld [tilespmem:s28+$0x0]  }
0x16f: {  	v15 =	vld [tilespmem:s19+$0x0]  }
0x170: {  	[tilespmem:v1+s20+$0x0] =	vst.idx.add.f32.msk $0xffff, v4;
	v1 =	vmov v29  }
0x171: {  	[tilespmem:v7+s20+$0x0] =	vst.idx.add.f32.msk $0xffff, v14  }
0x172: {  	v4 =	vld [tilespmem:s18+$0x0]  }
0x173: {  	[tilespmem:v11+s20+$0x0] =	vst.idx.add.f32.msk $0xffff, v6  }
0x174: {  	[tilespmem:v13+s20+$0x0] =	vst.idx.add.f32.msk $0xffff, v15  }
0x175: {  	v7 =	vld [tilespmem:s23+$0x0]  }
0x176: {  	v11 =	vld [tilespmem:s7+$0x0]  }
.Ltmp4:
0x177: {  	[tilespmem:v10+s20+$0x0] =	vst.idx.add.f32.msk $0xffff, v4;
	(pc) =	sbr.rel @p1 .LBB2_7-.Ltmp4, $4  }
0x178: {  	v6 =	vld [tilespmem:s13+$0x0]  }
0x179: {  	[tilespmem:v2+s20+$0x0] =	vst.idx.add.f32.msk $0xffff, v3;
	v2 =	vmov v12  }
0x17a: {  	[tilespmem:v8+s20+$0x0] =	vst.idx.add.f32.msk $0xffff, v7  }
0x17b: {  	s11 =	sadd.s32 $0x40, s11;
	s12 =	sadd.s32 $0x200, s12;
	[tilespmem:v9+s20+$0x0] =	vst.idx.add.f32.msk $0xffff, v11  }
0x17c: {  	v3 =	vld [tilespmem:s17+$0x0]  }
0x17d: {  	v4 =	vld [tilespmem:s16+$0x0]  }
.Ltmp5:
0x17e: {  	_ = 	snop;
	(pc) =	sbr.rel @p0 .LBB2_10-.Ltmp5, $4  }
0x17f: {  	_ = 	snop  }
0x180: {  	[tilespmem:v5+s20+$0x0] =	vst.idx.add.f32.msk $0xffff, v6  }
0x181: {  	[tilespmem:v1+s20+$0x0] =	vst.idx.add.f32.msk $0xffff, v3  }
0x182: {  	[tilespmem:v2+s20+$0x0] =	vst.idx.add.f32.msk $0xffff, v4  }
0x183: {  	s7 =	sadd.s32 $0x3, s9  }
0x184: {  	s9 =	smul.u32 $0x280, s7;
	_ =	sdelay $0x1  }
0x185: {  	s9 =	sshrl.u32 s9, $0x3  }
0x186: {  	s9 =	sadd.s32 s5, s9  }
0x187: {  	s11 =	simm.s32 $0x80;
	s10 =	sadd.s32 $0x4E20, s9  }
0x188: {  	[tilespmem:s11], [sflag:$0x2] =	stream.linear.gather [hbm4b:s10+s2], $0x80, $0x38;
	[tilespmem:$0x16D00] =	vst v63  }
0x189: {  	s24 =	simm.s32 $0x180;
	s23 =	sadd.s32 $0x4E30, s9  }
0x18a: {  	[tilespmem:s24], [sflag:$0x2] =	stream.linear.gather [hbm4b:s23+s2], $0x80, $0x38;
	[tilespmem:$0x16D00] =	vst v63  }
0x18b: {  	s26 =	simm.s32 $0x280;
	s25 =	sadd.s32 $0x4E40, s9  }
0x18c: {  	[tilespmem:s26], [sflag:$0x2] =	stream.linear.gather [hbm4b:s25+s2], $0x80, $0x38;
	[tilespmem:$0x16D00] =	vst v63  }
0x18d: {  	s29 =	simm.s32 $0x380;
	s7 =	smul.u32 $0x1400, s7;
	s28 =	sadd.s32 $0x4E50, s9  }
0x18e: {  	[tilespmem:s29], [sflag:$0x2] =	stream.linear.gather [hbm4b:s28+s2], $0x80, $0x38;
	[tilespmem:$0x16D00] =	vst v63  }
.Ltmp6:
0x18f: {  	s7 =	sadd.s32 s3, s7;
	(pc) =	sbr.rel .LBB2_4-.Ltmp6, $4  }
0x190: {  	s7 =	sshrl.u32 s7, $0x3;
	s9 =	sadd.s32 $0x4E60, s9  }
0x191: {  	[tilespmem:s30], [sflag:$0x2] =	stream.linear.gather [hbm4b:s9+s2], $0x80, $0x38;
	[tilespmem:$0x16D00] =	vst v63  }
0x192: {  	s8 =	sadd.s32 $0x1, s8;
	s7 =	sadd.s32 s4, s7  }
0x193: {  	[tilespmem:s31], [sflag:$0x4] =	stream.linear.gather [hbm4b:s7+s2], $0x1400, $0x38;
	[tilespmem:$0x16D00] =	vst v63  }
.LBB2_11:
0x194: {  	_ =	sfence.sel $0x180000  }
0x195: {  	[bflag:$0x0] =	sbarrier.arrive $0xFFFF  }
0x196: {  	_ =	strace $0x9000004A  }
0x197: {  	s0 =	stileid.u32;
	[bflag:$0x2] =	sbarrier.arrive $0xFFFF  }
0x198: {  	p0 =	sne.s32 s0, $0x0;
	s0 =	rddreg [dreg:$0x1]  }
0x199: {  	s0 =	sadd.s32 @!p0 $0x100000, s0  }
0x19a: {  	[sflag:s0] =	ssyncadd.tile.s32 @!p0 $0x1;
	_ =	shalt  }
.Lfunc_end2:
_tile_overlayer_lowered:
.L_overlay_start_2:
0x19b: {  	(tag) =	ssettag $0x2  }
0x19c: {  	s0 =	rddreg [dreg:$0x0];
	s2 =	stileid.u32  }
0x19d: {  	s1 =	rddreg [dreg:$0x1];
	p0 =	sne.s32 s2, $0x0  }
0x19e: {  	s3 =	rddreg [dreg:$0x2];
	[bflag:$0x3] =	sbarrier.arrive $0xFFFF;
	s2 =	simm.s32 @!p0 $0x1C05  }
0x19f: {  	[timem:s3], [sflag:s2] =	dma.local @!p0 [hbm:s0], s1  }
0x1a0: {  	s0 =	simm.s32 @!p0 $0x5  }
0x1a1: {  	_ =	swait.ge @!p0 [sflag:s0], s1  }
0x1a2: {  	s1 =	ssub.s32 @!p0 $0x0, s1;
	[sflag:s0] =	ssyncset.done @!p0 $0x0  }
0x1a3: {  	[sflag:s0] =	ssyncadd.s32 @!p0 s1  }
0x1a4: {  	[bflag:$0x3] =	sbarrier.arrive $0xFFFF  }
0x1a5: {  	_ =	shalt  }

// kernel: kernel.7.cloned.1.call-start
scs
__scs_entry_jumppad:
0x0: {  	(pc) =	sbr.rel $0x88, $3  }
0x1: {  	(tag) =	ssettag $0x0;
	lr =	simm.s32 $0x1  }
0x2: {  	[smem:$0x3F92] =	sst lr;
	_ =	strace $0xD0000000  }
0x3: {  	_ = 	snop  }
0x4: {  	_ = 	snop  }
0x5: {  	_ = 	snop  }
0x6: {  	_ = 	snop  }
0x7: {  	_ = 	snop  }
__scs_overlays_trampoline_lowered:
0x8: {  	[smem:$0x3FA1] =	sst s0  }
0x9: {  	[smem:$0x3FA2] =	sst s1  }
0xa: {  	[smem:$0x3FA3] =	sst s2  }
0xb: {  	[smem:$0x3FA4] =	sst s3  }
0xc: {  	[smem:$0x3FA5] =	sst s4  }
0xd: {  	[smem:$0x3FA6] =	sst s5  }
0xe: {  	[smem:$0x3FA7] =	sst s6  }
0xf: {  	[smem:$0x3FA8] =	sst s7  }
0x10: {  	[smem:$0x3FA9] =	sst s8  }
0x11: {  	[smem:$0x3FAA] =	sst s9;
	s0 =	simm.s32 @!p0 $0x0  }
0x12: {  	s1 =	sld [smem:$0x3F90];
	s0 =	simm.s32 @p0 $0x1  }
0x13: {  	[smem:$0x3FAB] =	sst s0;
	s0 =	simm.s32 @!p1 $0x0  }
0x14: {  	s2 =	sld [smem:$0x3F8F];
	s0 =	simm.s32 @p1 $0x1  }
0x15: {  	[smem:$0x3FAC] =	sst s0;
	s0 =	simm.s32 @!p2 $0x0  }
0x16: {  	s3 =	sld [smem:$0x3FDB];
	s0 =	simm.s32 @p2 $0x1  }
0x17: {  	s4 =	simm.s32 $0x1BF5;
	[smem:$0x3FAE] =	sst s0  }
0x18: {  	s0 =	sld [smem:$0x3F91];
	_ =	swait.ge [sflag:s4], $0x0  }
0x19: {  	s7 =	sld [smem:$0x3F92]  }
0x1a: {  	s8 =	sadd.s32 $0xFFFFE003, lr  }
0x1b: {  	s9 =	sadd.s32 $0xFFFFFEF7, lr;
	s5 =	simm.s32 $0xFFFFFFFF;
	p2 =	slt.u32 s8, $0xFFFFF086  }
0x1c: {  	p1 =	slt.u32 s9, $0xF7A;
	s5 =	simm.s32 @!p2 $0x0  }
0x1d: {  	s5 =	simm.s32 @p1 $0x1;
	p0 =	seq.s32 s7, s2  }
0x1e: {  	s7 =	smul.u32 @!p0 $0xF7A, s2;
	p2 =	seq.s32 @!p0 s5, $0x0  }
0x1f: {  	s9 =	smul.u32 $0xF7A, s1;
	s8 =	simm.s32 @!p0 $0x1BF5;
	p2 =	por !p2, p0  }
0x20: {  	[sflag:s8] =	ssyncset.s32 @!p0 $0xFFFFF086;
	s6 =	sadd.s32 @!p0 s3, s7;
	s7 =	simm.s32 @!p0 $0x108  }
0x21: {  	s3 =	sadd.s32 s3, s9;
	s6 =	sadd.s32 @!p0 $0x88, s6;
	s7 =	simm.s32 @p2 $0x1082  }
0x22: {  	[simem:s7], [sflag:s8] =	dma.local @!p0 [hbm:s6], $0xF7A  }
0x23: {  	s9 =	sor.u32 $0xD0000000, s2;
	s6 =	simm.s32 $0x108;
	_ =	swait.ge @!p0 [sflag:s8], $0x0  }
0x24: {  	s3 =	sadd.s32 $0x88, s3;
	s6 =	simm.s32 @!p1 $0x1082;
	[sflag:s4] =	ssyncset.s32 $0xFFFFF086  }
0x25: {  	[simem:s6], [sflag:s4] =	dma.local [hbm:s3], $0xF7A  }
0x26: {  	[smem:$0x3F92] =	sst s1;
	(tag) =	ssettag s2;
	_ =	strace s9  }
0x27: {  	s1 =	sld [smem:$0x3FA2]  }
0x28: {  	s2 =	sld [smem:$0x3FA3]  }
0x29: {  	s4 =	sld [smem:$0x3FA5]  }
0x2a: {  	p0 =	seq.s32 s5, $0x0;
	s5 =	sld [smem:$0x3FA6]  }
0x2b: {  	s6 =	sld [smem:$0x3FA7]  }
0x2c: {  	s7 =	sld [smem:$0x3FA8]  }
0x2d: {  	s3 =	simm.s32 $0x108;
	s8 =	sld [smem:$0x3FA9]  }
0x2e: {  	s3 =	simm.s32 @!p0 $0x1082;
	s9 =	sld [smem:$0x3FAA]  }
0x2f: {  	lr =	sadd.s32 s0, s3;
	s0 =	sld [smem:$0x3FA1]  }
0x30: {  	s3 =	sld [smem:$0x3FA4]  }
0x31: {  	[smem:$0x3FAD] =	sst s10  }
0x32: {  	s10 =	sld [smem:$0x3FAB];
	_ =	sdelay $0x3  }
0x33: {  	p0 =	seq.s32 s10, $0x1;
	s10 =	sld [smem:$0x3FAD];
	_ =	sdelay $0x3  }
0x34: {  	[smem:$0x3FAD] =	sst s10  }
0x35: {  	s10 =	sld [smem:$0x3FAC];
	_ =	sdelay $0x3  }
0x36: {  	p1 =	seq.s32 s10, $0x1;
	s10 =	sld [smem:$0x3FAD];
	_ =	sdelay $0x3  }
0x37: {  	[smem:$0x3FAD] =	sst s10  }
0x38: {  	s10 =	sld [smem:$0x3FAE]  }
0x39: {  	_ = 	snop;
	(pc) =	sbr.ind lr, $3  }
0x3a: {  	_ = 	snop  }
0x3b: {  	_ = 	snop  }
0x3c: {  	p2 =	seq.s32 s10, $0x1;
	s10 =	sld [smem:$0x3FAD]  }
0x3d: {  	_ =	shalt  }
0x3e: {  	_ =	shalt  }
0x3f: {  	_ =	shalt  }
0x40: {  	_ =	shalt  }
0x41: {  	_ =	shalt  }
0x42: {  	_ =	shalt  }
0x43: {  	_ =	shalt  }
0x44: {  	_ =	shalt  }
0x45: {  	_ =	shalt  }
0x46: {  	_ =	shalt  }
0x47: {  	_ =	shalt  }
0x48: {  	_ =	shalt  }
0x49: {  	_ =	shalt  }
0x4a: {  	_ =	shalt  }
0x4b: {  	_ =	shalt  }
0x4c: {  	_ =	shalt  }
0x4d: {  	_ =	shalt  }
0x4e: {  	_ =	shalt  }
0x4f: {  	_ =	shalt  }
0x50: {  	_ =	shalt  }
0x51: {  	_ =	shalt  }
0x52: {  	_ =	shalt  }
0x53: {  	_ =	shalt  }
0x54: {  	_ =	shalt  }
0x55: {  	_ =	shalt  }
0x56: {  	_ =	shalt  }
0x57: {  	_ =	shalt  }
0x58: {  	_ =	shalt  }
0x59: {  	_ =	shalt  }
0x5a: {  	_ =	shalt  }
0x5b: {  	_ =	shalt  }
0x5c: {  	_ =	shalt  }
0x5d: {  	_ =	shalt  }
0x5e: {  	_ =	shalt  }
0x5f: {  	_ =	shalt  }
0x60: {  	_ =	shalt  }
0x61: {  	_ =	shalt  }
0x62: {  	_ =	shalt  }
0x63: {  	_ =	shalt  }
0x64: {  	_ =	shalt  }
0x65: {  	_ =	shalt  }
0x66: {  	_ =	shalt  }
0x67: {  	_ =	shalt  }
0x68: {  	_ =	shalt  }
0x69: {  	_ =	shalt  }
0x6a: {  	_ =	shalt  }
0x6b: {  	_ =	shalt  }
0x6c: {  	_ =	shalt  }
0x6d: {  	_ =	shalt  }
0x6e: {  	_ =	shalt  }
0x6f: {  	_ =	shalt  }
0x70: {  	_ =	shalt  }
0x71: {  	_ =	shalt  }
0x72: {  	_ =	shalt  }
0x73: {  	_ =	shalt  }
0x74: {  	_ =	shalt  }
0x75: {  	_ =	shalt  }
0x76: {  	_ =	shalt  }
0x77: {  	_ =	shalt  }
0x78: {  	_ =	shalt  }
0x79: {  	_ =	shalt  }
0x7a: {  	_ =	shalt  }
0x7b: {  	_ =	shalt  }
0x7c: {  	_ =	shalt  }
0x7d: {  	_ =	shalt  }
0x7e: {  	_ =	shalt  }
0x7f: {  	_ =	shalt  }
0x80: {  	_ =	shalt  }
0x81: {  	_ =	shalt  }
0x82: {  	_ =	shalt  }
0x83: {  	_ =	shalt  }
0x84: {  	_ =	shalt  }
0x85: {  	_ =	shalt  }
0x86: {  	_ =	shalt  }
0x87: {  	_ =	shalt  }
.Lfunc_end0:
.L_simem_size_0:
called_computation_lowered:
.L_overlay_start_0:
0x88: {  	s2 =	sld [smem:$0x3FD9]  }
0x89: {  	s3 =	sld [smem:$0x3FFE];
	_ =	sdelay $0x1  }
0x8a: {  	s1 =	srdreg.scid  }
0x8b: {  	s0 =	sand.u32 $0x1, s1  }
0x8c: {  	s14 =	sshll.u32 s0, $0xA;
	s2 =	sadd.s32 s3, s2  }
0x8d: {  	s2 =	sadd.s32 s2, s14  }
0x8e: {  	[smem:$0x3FB9] =	sst s2  }
0x8f: {  	_ = 	snop  }
0x90: {  	s2 =	sld [smem:$0x3FD0];
	_ =	sdelay $0x2  }
0x91: {  	s15 =	simm.s32 $0xA;
	s4 =	simm.s32 $0x10  }
0x92: {  	[smem:s4], [sflag:s15] =	dma.local [hbm:s2], $0x1  }
0x93: {  	_ =	swait.eq [sflag:s15], $0x1  }
0x94: {  	[sflag:s15] =	ssyncset.done $0x0  }
0x95: {  	s16 =	sld [smem:$0x10];
	[sflag:s15] =	ssyncadd.s32 $0xFFFFFFFF  }
0x96: {  	s17 =	sld [smem:$0x11];
	(tm) =	ssettm $0x1  }
0x97: {  	s18 =	sld [smem:$0x3FFB];
	_ =	sdelay $0x3  }
0x98: {  	_ =	strace s18  }
0x99: {  	s4 =	sld [smem:$0x3FFC];
	_ =	sdelay $0x3  }
0x9a: {  	_ =	strace s4  }
0x9b: {  	s4 =	sld [smem:$0x3FFD];
	_ =	sdelay $0x3  }
0x9c: {  	_ =	strace s4  }
0x9d: {  	_ =	strace $0x8FFFFFFF  }
0x9e: {  	s19 =	sld [smem:$0x3FDB];
	_ =	sdelay $0x1  }
0x9f: {  	s5 =	simm.s32 $_scs_section_size  }
0xa0: {  	s6 =	simm.s32 $_size__tile_overlayer_lowered;
	s7 =	simm.s32 $_tile_overlayer_lowered  }
0xa1: {  	s22 =	simm.s32 $0x1BFF;
	s21 =	sshll.u32 s7, $0x1;
	s4 =	sadd.s32 s5, s19  }
0xa2: {  	s8 =	simm.s32 $0x0;
	s20 =	sshll.u32 s6, $0x1;
	s6 =	sadd.s32 s21, s4  }
0xa3: {  	[timem:s8], [sflag:s22] =	dma.local [hbm:s6], s20  }
0xa4: {  	_ =	swait.ge [sflag:s22], s20  }
0xa5: {  	s5 =	ssub.s32 $0x0, s20;
	[sflag:s22] =	ssyncset.done $0x0  }
0xa6: {  	[sflag:s22] =	ssyncadd.s32 s5;
	_ =	sdelay $0x1  }
0xa7: {  	s23 =	simm.s32 $0x1B8B  }
0xa8: {  	_ =	swait.ge [sflag:s23], $0x1  }
0xa9: {  	[sflag:s23] =	ssyncset.done $0x0  }
0xaa: {  	s25 =	simm.s32 $0x1B8E;
	s24 =	sld [smem:$0x3FFE];
	[sflag:s23] =	ssyncadd.s32 $0xFFFFFFFF  }
0xab: {  	s26 =	simm.s32 $execute0_lowered;
	[smem:$0x3FD2] =	sst s25  }
0xac: {  	s6 =	sshll.u32 s26, $0x1;
	_ =	strace $0x80000046;
	[dreg:$0x1] =	wrdreg $0xFFFFFFFF  }
0xad: {  	s28 =	simm.s32 $_size_execute0_lowered;
	s4 =	sadd.s32 s4, s6;
	[dreg:$0x0] =	wrdreg $0x0  }
0xae: {  	s6 =	sshll.u32 s28, $0x1;
	[dreg:$0x2] =	wrdreg s4  }
0xaf: {  	[dreg:$0x3] =	wrdreg s6  }
0xb0: {  	[dreg:$0x4] =	wrdreg $0xC0  }
0xb1: {  	_ =	task [dreg:s8], $0x5FFFF  }
0xb2: {  	[dreg:$0x1] =	wrdreg $0xFFFFFFFF  }
0xb3: {  	[dreg:$0x0] =	wrdreg $0x60  }
0xb4: {  	[dreg:$0x2] =	wrdreg s17  }
0xb5: {  	[dreg:$0x3] =	wrdreg s16  }
0xb6: {  	[dreg:$0x4] =	wrdreg s24  }
0xb7: {  	[dreg:$0x5] =	wrdreg $0x9  }
0xb8: {  	_ =	task.clear_ibuf [dreg:s8], $0x6FFFF;
	_ =	strace $0x90000046  }
0xb9: {  	s29 =	simm.s32 $0x9;
	_ =	strace $0x80000048  }
0xba: {  	_ =	swait.ge [sflag:s29], $0x1  }
0xbb: {  	[sflag:s29] =	ssyncadd.s32 $0xFFFFFFFF  }
0xbc: {  	_ =	strace $0x90000048  }
0xbd: {  	_ =	sfence  }
0xbe: {  	s30 =	sld [smem:$0x0];
	_ =	sdelay $0x2  }
0xbf: {  	s31 =	sshll.u32 s1, $0xD;
	s1 =	sshrl.u32 s1, $0x2  }
0xc0: {  	s3 =	sand.u32 $0x4000, s31;
	s1 =	sadd.s32 s1, s30  }
0xc1: {  	s0 =	sor.u32 s3, s0;
	s1 =	sshll.u32 s1, $0x11  }
0xc2: {  	s0 =	sor.u32 s1, s0  }
0xc3: {  	s0 =	sadd.s32 $0x8F2B, s0  }
0xc4: {  	[sflag:s0] =	ssyncadd.remote.s32 $0x1  }
0xc5: {  	_ =	sfence.sel $0xFFFF  }
0xc6: {  	[dreg:$0x0] =	wrdreg $0xFFFFFFFF;
	(pc) =	sbr.abs _section_cstart, $3  }
0xc7: {  	[dreg:$0x1] =	wrdreg $0xFFFFFFFF  }
0xc8: {  	_ =	task.clear_ibuf [dreg:s8], $0x2FFFF;
	_ =	strace $0x9FFFFFFF  }
0xc9: {  	(tm) =	ssettm $0x7FFFFFFF  }
tec
execute0_lowered:
.L_overlay_start_1:
0x0: {  	(tag) =	ssettag $0x1  }
0x1: {  	s1 =	rddreg [dreg:$0x0]  }
0x2: {  	s3 =	rddreg [dreg:$0x1]  }
0x3: {  	s10 =	rddreg [dreg:$0x2];
	s5 =	simm.s32 $0x0  }
0x4: {  	s8 =	simm.s32 $0x3C00;
	[smem:$0x7FF] =	sst s5  }
0x5: {  	s11 =	simm.s32 $0x4400;
	_ =	strace $0x80000047;
	[dreg:$0x7] =	wrdreg s8  }
0x6: {  	s12 =	simm.s32 $0x4C00;
	[dreg:$0x8] =	wrdreg s11  }
0x7: {  	s13 =	simm.s32 $0x5400;
	[dreg:$0x9] =	wrdreg s12  }
0x8: {  	s14 =	simm.s32 $0x5C00;
	[dreg:$0xa] =	wrdreg s13  }
0x9: {  	s15 =	simm.s32 $0xFC00;
	[dreg:$0xb] =	wrdreg s14  }
0xa: {  	s16 =	simm.s32 $0x10400;
	[dreg:$0xc] =	wrdreg s15  }
0xb: {  	s17 =	simm.s32 $0x11C00;
	[dreg:$0xd] =	wrdreg s16  }
0xc: {  	s18 =	simm.s32 $0x6C00;
	[dreg:$0x10] =	wrdreg s17  }
0xd: {  	s19 =	simm.s32 $0x7C00;
	[dreg:$0x11] =	wrdreg s18  }
0xe: {  	s20 =	simm.s32 $0x8400;
	[dreg:$0x13] =	wrdreg s19  }
0xf: {  	s22 =	simm.s32 $0x8C00;
	[dreg:$0x14] =	wrdreg s20  }
0x10: {  	s23 =	simm.s32 $0x12C00;
	[dreg:$0x15] =	wrdreg s22  }
0x11: {  	s25 =	simm.s32 $0x13400;
	[dreg:$0x16] =	wrdreg s23  }
0x12: {  	s0 =	srdreg.scid;
	s26 =	simm.s32 $0x13C00;
	[dreg:$0x17] =	wrdreg s25  }
0x13: {  	s2 =	stileid.u32;
	s8 =	simm.s32 $0x10C00;
	[dreg:$0x18] =	wrdreg s26  }
0x14: {  	s9 =	sand.u32 $0x1, s0;
	s11 =	simm.s32 $0x11400;
	[dreg:$0xe] =	wrdreg s8  }
0x15: {  	s30 =	sshll.u32 s2, $0x1;
	s13 =	simm.s32 $0x7400;
	[dreg:$0xf] =	wrdreg s11  }
0x16: {  	s0 =	sor.u32 s9, s30;
	s30 =	simm.s32 $0x14400;
	[dreg:$0x12] =	wrdreg s13  }
0x17: {  	s28 =	simm.s32 $0x6;
	s15 =	simm.s32 $0x14C00;
	[dreg:$0x19] =	wrdreg s30  }
0x18: {  	s29 =	simm.s32 $0xA;
	s16 =	simm.s32 $0x9C00;
	[dreg:$0x1a] =	wrdreg s15  }
0x19: {  	s2 =	smul.u32 $0x2700, s2;
	s18 =	simm.s32 $0xA400;
	[dreg:$0x1b] =	wrdreg s16  }
0x1a: {  	s6 =	smul.u32 $0x1380, s9;
	s19 =	simm.s32 $0xAC00;
	[dreg:$0x1c] =	wrdreg s18  }
0x1b: {  	s9 =	ssub.s32 $0x2, s9;
	s23 =	sadd.s32 $0x881E, s10;
	[dreg:$0x1d] =	wrdreg s19  }
0x1c: {  	s22 =	simm.s32 $0xB400;
	s25 =	sadd.s32 $0x4EF600, s10;
	[smem:$0x7EC] =	sst s23  }
0x1d: {  	s26 =	simm.s32 $0x15C00;
	s4 =	smul.u32 $0x1380, s0;
	[dreg:$0x1e] =	wrdreg s22  }
0x1e: {  	s8 =	sadd.s32 $0x4EF800, s10;
	s12 =	sshrl.u32 s9, $0x1;
	[smem:$0x7ED] =	sst s25  }
0x1f: {  	s30 =	smul.u32 $0x30, s0;
	[smem:$0x7EE] =	sst s26;
	s15 =	simm.s32 $0x16C00  }
0x20: {  	s18 =	simm.s32 $0x17C00;
	p0 =	sgt.u32 s0, $0x4;
	p1 =	sne.s32 s0, $0x5  }
0x21: {  	s2 =	sadd.s32 s6, s2;
	s11 =	ssub.s32 s9, s12;
	[smem:$0x7F1] =	sst s15  }
0x22: {  	[smem:$0x7F3] =	sst s18;
	s12 =	simm.s32 $0x5;
	s15 =	simm.s32 $0x2  }
0x23: {  	s7 =	sor.u32 $0x30, s4;
	s31 =	sor.u32 $0x60, s4;
	s6 =	sadd.s32 $0xC0, s2  }
0x24: {  	s9 =	sadd.s32 $0x27100, s4;
	s24 =	sshrl.u32 s4, $0x3;
	[dreg:$0x4] =	wrdreg s7  }
0x25: {  	s20 =	sadd.s32 $0x90, s4;
	s25 =	smax.u32 s11, $0x1;
	[dreg:$0x5] =	wrdreg s31  }
0x26: {  	[dreg:$0x6] =	wrdreg s6;
	s6 =	sadd.s32 $0x3A00, s10;
	s21 =	sshrl.u32 s9, $0x3  }
0x27: {  	s16 =	sor.u32 $0x27000, s30;
	[smem:$0x7F8] =	sst s25;
	s13 =	sadd.s32 s6, s21  }
0x28: {  	s2 =	sadd.s32 $0x271C0, s2;
	s21 =	sadd.s32 $0xD63E, s10;
	[smem:$0x7E7] =	sst s13  }
0x29: {  	s14 =	sadd.s32 s6, s24;
	s24 =	simm.s32 $0xBC00;
	[smem:$0x7EB] =	sst s21  }
0x2a: {  	s7 =	sadd.s32 $0xD800, s10;
	s10 =	sadd.s32 $0x9D1600, s10;
	[dreg:$0x1f] =	wrdreg s24  }
0x2b: {  	s17 =	sshrl.u32 s20, $0x3;
	s19 =	sshrl.u32 s16, $0x3;
	[smem:$0x7EF] =	sst s10  }
0x2c: {  	s25 =	simm.s32 $0x3;
	s13 =	sadd.s32 $0x4E26, s14;
	[smem:$0x7FC] =	sst s14  }
0x2d: {  	s31 =	sadd.s32 $0x6, s14;
	s10 =	sadd.s32 s6, s19;
	[smem:$0x7E8] =	sst s13  }
0x2e: {  	s21 =	sshll.u32 s16, $0x5;
	s24 =	sshrl.u32 s2, $0x3;
	[smem:$0x7E9] =	sst s31  }
0x2f: {  	s26 =	sadd.s32 $0x4E2C, s14;
	s19 =	simm.s32 $0x1;
	[smem:$0x7F5] =	sst s10  }
0x30: {  	s16 =	simm.s32 $0xB;
	s13 =	sadd.s32 s6, s17;
	[smem:$0x7FA] =	sst s26  }
0x31: {  	s2 =	simm.s32 $0x0;
	s31 =	simm.s32 $0x16400;
	[smem:$0x7EA] =	sst s13  }
0x32: {  	s17 =	simm.s32 $0x17400;
	s22 =	sadd.s32 s7, s21;
	[smem:$0x7F0] =	sst s31  }
0x33: {  	s23 =	sadd.s32 s8, s21;
	s0 =	sadd.s32 s24, s6;
	[smem:$0x7F2] =	sst s17  }
0x34: {  	s24 =	simm.s32 $0x1400;
	s26 =	simm.s32 $0x1C00;
	[smem:$0x7F6] =	sst s22  }
0x35: {  	s21 =	simm.s32 $0x15400;
	s13 =	sshrl.u32 s30, $0x3;
	[smem:$0x7F7] =	sst s23  }
.Ltmp0:
0x36: {  	[smem:$0x7F9] =	sst s0;
	s30 =	sadd.s32 $0xC, s14;
	(pc) =	sbr.rel .LBB2_1-.Ltmp0, $4  }
0x37: {  	s31 =	sadd.s32 $0x4E32, s14;
	s14 =	simm.s32 $0xC00;
	s0 =	simm.s32 $0x7  }
0x38: {  	v2 =	vlaneseq.u32;
	s17 =	simm.s32 $0x4;
	s13 =	sadd.s32 s6, s13;
	[smem:$0x7FB] =	sst s30  }
0x39: {  	vm0 =	vmmov $0xffff;
	v1 =	vshrl.u32 v2, $0x3;
	v0 =	vand.u32 $0x7, v2;
	s22 =	simm.s32 $0x8;
	[smem:$0x7FD] =	sst s31;
	s13 =	sadd.s32 $0x9C20, s13  }
0x3a: {  	v2 =	vor.u32 $0x8, v2;
	v1 =	vmul.u32 $0x8, v1;
	vm1 =	vmmov @!p1 $0xffff;
	s23 =	simm.s32 $0xC;
	[smem:$0x7F4] =	sst s13;
	s13 =	simm.s32 $0x9  }
.LBB2_5:
0x3b: {  	s14 =	sld [smem:$0x7EB];
	_ =	sdelay $0x1  }
0x3c: {  	s10 =	simm.s32 @!p1 $0x0  }
0x3d: {  	[tilespmem:s10], [sflag:$0x11] =	stream.linear.gather @!p1 [hbm4b:s14+s10], $0x10, $0x38;
	[tilespmem:$0x18400] =	vst v63  }
0x3e: {  	s14 =	simm.s32 @!p1 $0x11  }
0x3f: {  	_ =	swait.ge @!p1 [sflag:s14], $0x10  }
0x40: {  	s24 =	sld [smem:$0x7EC]  }
0x41: {  	[sflag:s14] =	ssyncset.done @!p1 $0x0  }
0x42: {  	s20 =	simm.s32 @!p1 $0x200;
	[sflag:s14] =	ssyncadd.s32 @!p1 $0xFFFFFFF0  }
0x43: {  	[tilespmem:s20], [sflag:$0x11] =	stream.linear.gather @!p1 [hbm4b:s24+s10], $0x10, $0x38;
	[tilespmem:$0x18400] =	vst v63  }
0x44: {  	_ =	swait.ge @!p1 [sflag:s14], $0x10  }
0x45: {  	[sflag:s14] =	ssyncset.done @!p1 $0x0  }
0x46: {  	[sflag:s14] =	ssyncadd.s32 @!p1 $0xFFFFFFF0  }
0x47: {  	v3 =	vld @!p1 [tilespmem:$0x0];
	_ =	sdelay $0x4  }
0x48: {  	v4 =	vshll.u32 @!p1 v3, $0x1  }
0x49: {  	v5 =	vlaneseq.u32 @!p1;
	v3 =	vand.u32 @!p1 $0x7, v3;
	v4 =	vand.u32 @!p1 $0xFFFFFFF0, v4  }
0x4a: {  	v6 =	vshrl.u32 @!p1 v5, $0x3;
	v3 =	vor.u32 @!p1 v3, v4;
	v4 =	vand.u32 @!p1 $0x7, v5  }
0x4b: {  	v6 =	vmul.u32 @!p1 $0x8, v6;
	v7 =	vperm.xlane @!p1 v3, v4  }
0x4c: {  	v5 =	vor.u32 @!p1 $0x8, v5  }
0x4d: {  	v3 =	vperm.xlane @!p1 v3, v5;
	v7 =	vadd.s32 @!p1 v6, v7;
	_ =	sdelay $0x1  }
0x4e: {  	v3 =	vadd.s32 @!p1 v6, v3;
	_ =	sdelay $0x1  }
0x4f: {  	s20 =	simm.s32 @!p1 $0x400  }
0x50: {  	[tilespmem:s20], [sflag:$0x5] =	stream.indirect_vreg.gather @!p1 [hbm4b:s1+s10], $0x80, v7, vm1, $0xb8;
	[tilespmem:$0x18400] =	vst v63  }
0x51: {  	s24 =	simm.s32 @!p1 $0xC00  }
0x52: {  	[tilespmem:s24], [sflag:$0x5] =	stream.indirect_vreg.gather @!p1 [hbm4b:s1+s10], $0x80, v3, vm1, $0xb8;
	[tilespmem:$0x18400] =	vst v63  }
0x53: {  	s24 =	simm.s32 @!p1 $0x5  }
0x54: {  	_ =	swait.ge @!p1 [sflag:s24], $0x1000  }
0x55: {  	[sflag:s24] =	ssyncset.done @!p1 $0x0  }
0x56: {  	[sflag:s24] =	ssyncadd.s32 @!p1 $0xFFFFF000  }
0x57: {  	v3 =	vld @!p1 [tilespmem:$0x200];
	_ =	sdelay $0x4  }
0x58: {  	v7 =	vshll.u32 @!p1 v3, $0x1  }
0x59: {  	v3 =	vand.u32 @!p1 $0x7, v3;
	v7 =	vand.u32 @!p1 $0xFFFFFFF0, v7  }
0x5a: {  	v3 =	vor.u32 @!p1 v3, v7  }
0x5b: {  	v4 =	vperm.xlane @!p1 v3, v4;
	_ =	sdelay $0x1  }
0x5c: {  	v3 =	vperm.xlane @!p1 v3, v5;
	v4 =	vadd.s32 @!p1 v6, v4;
	_ =	sdelay $0x1  }
0x5d: {  	v3 =	vadd.s32 @!p1 v6, v3;
	_ =	sdelay $0x1  }
0x5e: {  	s24 =	simm.s32 @!p1 $0xC400  }
0x5f: {  	[tilespmem:s24], [sflag:$0x9] =	stream.indirect_vreg.gather @!p1 [hbm4b:s3+s10], $0x80, v4, vm1, $0xb8;
	[tilespmem:$0x18400] =	vst v63  }
0x60: {  	s26 =	simm.s32 @!p1 $0xCC00  }
0x61: {  	[tilespmem:s26], [sflag:$0x9] =	stream.indirect_vreg.gather @!p1 [hbm4b:s3+s10], $0x80, v3, vm1, $0xb8;
	[tilespmem:$0x18400] =	vst v63  }
0x62: {  	s26 =	simm.s32 @!p1 $0x9  }
0x63: {  	_ =	swait.ge @!p1 [sflag:s26], $0x1000  }
0x64: {  	[sflag:s26] =	ssyncset.done @!p1 $0x0  }
0x65: {  	[sflag:s26] =	ssyncadd.s32 @!p1 $0xFFFFF000;
	s26 =	sld [smem:$0x7ED];
	_ =	sdelay $0x2  }
0x66: {  	[hbm4b:s26+s10] =	stream.linear.scatter @!p1 [tilespmem:s20], [sflag:$0x11], $0x1000, $0x38;
	[tilespmem:$0x18400] =	vst v63  }
0x67: {  	_ =	swait.ge @!p1 [sflag:s14], $0x1000  }
0x68: {  	s20 =	smov.u32 s11;
	s11 =	sld [smem:$0x7EF]  }
0x69: {  	[sflag:s14] =	ssyncset.done @!p1 $0x0  }
0x6a: {  	[sflag:s14] =	ssyncadd.s32 @!p1 $0xFFFFF000  }
0x6b: {  	[hbm4b:s11+s10] =	stream.linear.scatter @!p1 [tilespmem:s24], [sflag:$0x11], $0x1000, $0x38;
	[tilespmem:$0x18400] =	vst v63  }
0x6c: {  	_ =	swait.ge @!p1 [sflag:s14], $0x1000  }
0x6d: {  	s26 =	simm.s32 $0x1C00;
	s24 =	simm.s32 $0x1400;
	[sflag:s14] =	ssyncset.done @!p1 $0x0  }
0x6e: {  	s2 =	sld [smem:$0x7E6];
	[sflag:s14] =	ssyncadd.s32 @!p1 $0xFFFFF000;
	s14 =	simm.s32 $0xC00  }
.LBB2_6:
0x6f: {  	s10 =	sld [smem:$0x7F8];
	_ =	sdelay $0x1  }
0x70: {  	s2 =	sadd.s32 $0x1, s2  }
0x71: {  	p2 =	sne.s32 s2, s10  }
.Ltmp1:
0x72: {  	_ = 	snop;
	(pc) =	sbr.rel @!p2 .LBB2_7-.Ltmp1, $1  }
0x73: {  	_ =	sdelay $0x3  }
.LBB2_1:
0x74: {  	s10 =	sld [smem:$0x7E7]  }
0x75: {  	[smem:$0x7E6] =	sst s2  }
0x76: {  	s2 =	sld [smem:$0x7FC]  }
0x77: {  	[tilespmem:s5], [sflag:$0x1] =	stream.linear.gather [hbm4b:s10+s5], $0x30, $0x38;
	[tilespmem:$0x18400] =	vst v63  }
0x78: {  	s11 =	simm.s32 $0x200;
	s18 =	sld [smem:$0x7E8]  }
0x79: {  	[tilespmem:s11], [sflag:$0x1] =	stream.linear.gather [hbm4b:s2+s5], $0x30, $0x38;
	[tilespmem:$0x18400] =	vst v63  }
0x7a: {  	s2 =	simm.s32 $0x80  }
0x7b: {  	[tilespmem:s2], [sflag:$0x2] =	stream.linear.gather [hbm4b:s18+s5], $0x30, $0x38;
	[tilespmem:$0x18400] =	vst v63  }
0x7c: {  	s18 =	sld [smem:$0x7E9];
	_ =	sdelay $0x1  }
0x7d: {  	s2 =	simm.s32 $0x280  }
0x7e: {  	[tilespmem:s2], [sflag:$0x2] =	stream.linear.gather [hbm4b:s18+s5], $0x30, $0x38;
	[tilespmem:$0x18400] =	vst v63  }
0x7f: {  	s18 =	sld [smem:$0x7FA];
	_ =	sdelay $0x1  }
0x80: {  	s2 =	simm.s32 $0x100  }
0x81: {  	[tilespmem:s2], [sflag:$0x3] =	stream.linear.gather [hbm4b:s18+s5], $0x30, $0x38;
	[tilespmem:$0x18400] =	vst v63  }
0x82: {  	s18 =	sld [smem:$0x7FB];
	_ =	sdelay $0x1  }
0x83: {  	s2 =	simm.s32 $0x300  }
0x84: {  	[tilespmem:s2], [sflag:$0x3] =	stream.linear.gather [hbm4b:s18+s5], $0x30, $0x38;
	[tilespmem:$0x18400] =	vst v63  }
0x85: {  	s18 =	sld [smem:$0x7FD];
	_ =	sdelay $0x1  }
0x86: {  	s11 =	sld [smem:$0x7EA];
	s2 =	simm.s32 $0x180  }
0x87: {  	[tilespmem:s2], [sflag:$0x4] =	stream.linear.gather [hbm4b:s18+s5], $0x30, $0x38;
	[tilespmem:$0x18400] =	vst v63  }
0x88: {  	s30 =	sld [smem:$0x7F9];
	s31 =	simm.s32 $0x0;
	s18 =	simm.s32 $0x380  }
0x89: {  	[tilespmem:s18], [sflag:$0x4] =	stream.linear.gather [hbm4b:s11+s5], $0x30, $0x38;
	[tilespmem:$0x18400] =	vst v63  }
.LBB2_2:
0x8a: {  	_ =	swait.ge [sflag:s19], $0x30  }
0x8b: {  	[sflag:s19] =	ssyncset.done $0x0  }
0x8c: {  	[sflag:s19] =	ssyncadd.s32 $0xFFFFFFD0  }
0x8d: {  	_ =	swait.ge [sflag:s19], $0x30  }
0x8e: {  	p3 =	seq.s32 s31, $0x0;
	[sflag:s19] =	ssyncset.done $0x0  }
0x8f: {  	s10 =	simm.s32 @!p3 $0xD;
	[sflag:s19] =	ssyncadd.s32 $0xFFFFFFD0  }
0x90: {  	_ =	swait.ge @!p3 [sflag:s10], $0x3000  }
0x91: {  	[sflag:s10] =	ssyncset.done @!p3 $0x0  }
0x92: {  	[sflag:s10] =	ssyncadd.s32 @!p3 $0xFFFFD000  }
0x93: {  	_ =	swait.ge @!p3 [sflag:s10], $0x3000  }
0x94: {  	[sflag:s10] =	ssyncset.done @!p3 $0x0  }
0x95: {  	[sflag:s10] =	ssyncadd.s32 @!p3 $0xFFFFD000  }
0x96: {  	v3 =	vld [tilespmem:$0x0];
	_ =	sdelay $0x4  }
0x97: {  	v4 =	vshll.u32 v3, $0x1  }
0x98: {  	v3 =	vand.u32 $0x7, v3;
	v4 =	vand.u32 $0xFFFFFFF0, v4  }
0x99: {  	v3 =	vor.u32 v3, v4  }
0x9a: {  	v4 =	vperm.xlane v3, v0;
	_ =	sdelay $0x1  }
0x9b: {  	v3 =	vperm.xlane v3, v2;
	v4 =	vadd.s32 v1, v4;
	_ =	sdelay $0x1  }
0x9c: {  	v3 =	vadd.s32 v1, v3;
	_ =	sdelay $0x1  }
0x9d: {  	s11 =	simm.s32 $0x400  }
0x9e: {  	[tilespmem:s11], [sflag:$0x5] =	stream.indirect_vreg.gather [hbm4b:s1+s5], $0x80, v4, vm0, $0xb8;
	[tilespmem:$0x18400] =	vst v63  }
0x9f: {  	_ = 	snop  }
0xa0: {  	[tilespmem:s14], [sflag:$0x5] =	stream.indirect_vreg.gather [hbm4b:s1+s5], $0x80, v3, vm0, $0xb8;
	[tilespmem:$0x18400] =	vst v63  }
0xa1: {  	v3 =	vld [tilespmem:$0x10];
	_ =	sdelay $0x4  }
0xa2: {  	v41 =	vshll.u32 v3, $0x1  }
0xa3: {  	v3 =	vand.u32 $0x7, v3;
	v4 =	vand.u32 $0xFFFFFFF0, v41  }
0xa4: {  	v3 =	vor.u32 v3, v4  }
0xa5: {  	v4 =	vperm.xlane v3, v0;
	_ =	sdelay $0x1  }
0xa6: {  	v3 =	vperm.xlane v3, v2;
	v4 =	vadd.s32 v1, v4;
	_ =	sdelay $0x1  }
0xa7: {  	v3 =	vadd.s32 v1, v3;
	_ =	sdelay $0x2  }
0xa8: {  	[tilespmem:s24], [sflag:$0x5] =	stream.indirect_vreg.gather [hbm4b:s1+s5], $0x80, v4, vm0, $0xb8;
	[tilespmem:$0x18400] =	vst v63  }
0xa9: {  	_ = 	snop  }
0xaa: {  	[tilespmem:s26], [sflag:$0x5] =	stream.indirect_vreg.gather [hbm4b:s1+s5], $0x80, v3, vm0, $0xb8;
	[tilespmem:$0x18400] =	vst v63  }
0xab: {  	v3 =	vld [tilespmem:$0x20];
	_ =	sdelay $0x4  }
0xac: {  	v42 =	vshll.u32 v3, $0x1  }
0xad: {  	v3 =	vand.u32 $0x7, v3;
	v4 =	vand.u32 $0xFFFFFFF0, v42  }
0xae: {  	v3 =	vor.u32 v3, v4  }
0xaf: {  	v4 =	vperm.xlane v3, v0;
	_ =	sdelay $0x1  }
0xb0: {  	v3 =	vperm.xlane v3, v2;
	v4 =	vadd.s32 v1, v4;
	_ =	sdelay $0x1  }
0xb1: {  	v3 =	vadd.s32 v1, v3;
	_ =	sdelay $0x1  }
0xb2: {  	s2 =	simm.s32 $0x2400  }
0xb3: {  	[tilespmem:s2], [sflag:$0x5] =	stream.indirect_vreg.gather [hbm4b:s1+s5], $0x80, v4, vm0, $0xb8;
	[tilespmem:$0x18400] =	vst v63  }
0xb4: {  	s18 =	simm.s32 $0x2C00  }
0xb5: {  	[tilespmem:s18], [sflag:$0x5] =	stream.indirect_vreg.gather [hbm4b:s1+s5], $0x80, v3, vm0, $0xb8;
	[tilespmem:$0x18400] =	vst v63  }
0xb6: {  	v3 =	vld [tilespmem:$0x200];
	_ =	sdelay $0x4  }
0xb7: {  	v43 =	vshll.u32 v3, $0x1  }
0xb8: {  	v3 =	vand.u32 $0x7, v3;
	v4 =	vand.u32 $0xFFFFFFF0, v43  }
0xb9: {  	v3 =	vor.u32 v3, v4  }
0xba: {  	v4 =	vperm.xlane v3, v0;
	_ =	sdelay $0x1  }
0xbb: {  	v3 =	vperm.xlane v3, v2;
	v4 =	vadd.s32 v1, v4;
	_ =	sdelay $0x1  }
0xbc: {  	v3 =	vadd.s32 v1, v3;
	_ =	sdelay $0x1  }
0xbd: {  	s18 =	simm.s32 $0xC400  }
0xbe: {  	[tilespmem:s18], [sflag:$0x9] =	stream.indirect_vreg.gather [hbm4b:s3+s5], $0x80, v4, vm0, $0xb8;
	[tilespmem:$0x18400] =	vst v63  }
0xbf: {  	s24 =	simm.s32 $0xCC00  }
0xc0: {  	[tilespmem:s24], [sflag:$0x9] =	stream.indirect_vreg.gather [hbm4b:s3+s5], $0x80, v3, vm0, $0xb8;
	[tilespmem:$0x18400] =	vst v63  }
0xc1: {  	v3 =	vld [tilespmem:$0x210];
	_ =	sdelay $0x4  }
0xc2: {  	v44 =	vshll.u32 v3, $0x1  }
0xc3: {  	v3 =	vand.u32 $0x7, v3;
	v4 =	vand.u32 $0xFFFFFFF0, v44  }
0xc4: {  	v3 =	vor.u32 v3, v4  }
0xc5: {  	v4 =	vperm.xlane v3, v0;
	_ =	sdelay $0x1  }
0xc6: {  	v3 =	vperm.xlane v3, v2;
	v4 =	vadd.s32 v1, v4;
	_ =	sdelay $0x1  }
0xc7: {  	v3 =	vadd.s32 v1, v3;
	_ =	sdelay $0x1  }
0xc8: {  	s26 =	simm.s32 $0xD400  }
0xc9: {  	[tilespmem:s26], [sflag:$0x9] =	stream.indirect_vreg.gather [hbm4b:s3+s5], $0x80, v4, vm0, $0xb8;
	[tilespmem:$0x18400] =	vst v63  }
0xca: {  	s10 =	simm.s32 $0xDC00  }
0xcb: {  	[tilespmem:s10], [sflag:$0x9] =	stream.indirect_vreg.gather [hbm4b:s3+s5], $0x80, v3, vm0, $0xb8;
	[tilespmem:$0x18400] =	vst v63  }
0xcc: {  	v3 =	vld [tilespmem:$0x220];
	_ =	sdelay $0x4  }
0xcd: {  	v45 =	vshll.u32 v3, $0x1  }
0xce: {  	v3 =	vand.u32 $0x7, v3;
	v4 =	vand.u32 $0xFFFFFFF0, v45  }
0xcf: {  	v3 =	vor.u32 v3, v4  }
0xd0: {  	v4 =	vperm.xlane v3, v0;
	_ =	sdelay $0x1  }
0xd1: {  	v3 =	vperm.xlane v3, v2;
	v4 =	vadd.s32 v1, v4;
	_ =	sdelay $0x1  }
0xd2: {  	v3 =	vadd.s32 v1, v3;
	_ =	sdelay $0x1  }
0xd3: {  	p2 =	seq.s32 s31, $0x12C0;
	s14 =	simm.s32 $0xE400;
	s10 =	rddreg [dreg:$0x6]  }
0xd4: {  	[tilespmem:s14], [sflag:$0x9] =	stream.indirect_vreg.gather [hbm4b:s3+s5], $0x80, v4, vm0, $0xb8;
	[tilespmem:$0x18400] =	vst v63  }
0xd5: {  	s24 =	simm.s32 $0xEC00;
	s10 =	sadd.s32 @!p2 s31, s10  }
0xd6: {  	[tilespmem:s24], [sflag:$0x9] =	stream.indirect_vreg.gather [hbm4b:s3+s5], $0x80, v3, vm0, $0xb8;
	[tilespmem:$0x18400] =	vst v63  }
0xd7: {  	s10 =	sshrl.u32 @!p2 s10, $0x3;
	s14 =	simm.s32 @!p2 $0x0  }
0xd8: {  	[tilespmem:s14], [sflag:$0x1] =	stream.linear.gather @!p2 [hbm4b:s30+s14], $0x30, $0x38;
	[tilespmem:$0x18400] =	vst v63  }
0xd9: {  	s10 =	sadd.s32 @!p2 s6, s10;
	s24 =	simm.s32 @!p2 $0x200  }
0xda: {  	[tilespmem:s24], [sflag:$0x1] =	stream.linear.gather @!p2 [hbm4b:s10+s14], $0x30, $0x38;
	[tilespmem:$0x18400] =	vst v63  }
0xdb: {  	_ =	swait.ge [sflag:s12], $0x3000  }
0xdc: {  	s10 =	smov.u32 s31;
	[sflag:s12] =	ssyncset.done $0x0  }
0xdd: {  	s10 =	simm.s32 @p2 $0x12C0;
	[sflag:s12] =	ssyncadd.s32 $0xFFFFD000  }
0xde: {  	s26 =	sadd.s32 s4, s10;
	_ =	swait.ge [sflag:s13], $0x3000  }
0xdf: {  	s24 =	sshll.u32 s26, $0x5;
	[sflag:s13] =	ssyncset.done $0x0  }
0xe0: {  	s2 =	sadd.s32 s7, s24;
	[sflag:s13] =	ssyncadd.s32 $0xFFFFD000  }
0xe1: {  	[hbm4b:s2+s5] =	stream.linear.scatter [tilespmem:s11], [sflag:$0xD], $0x3000, $0x38;
	[tilespmem:$0x18400] =	vst v63  }
0xe2: {  	s24 =	sadd.s32 s8, s24  }
0xe3: {  	[hbm4b:s24+s5] =	stream.linear.scatter [tilespmem:s18], [sflag:$0xD], $0x3000, $0x38;
	[tilespmem:$0x18400] =	vst v63  }
0xe4: {  	_ =	swait.ge [sflag:s15], $0x30  }
0xe5: {  	[sflag:s15] =	ssyncset.done $0x0  }
0xe6: {  	[sflag:s15] =	ssyncadd.s32 $0xFFFFFFD0  }
0xe7: {  	_ =	swait.ge [sflag:s15], $0x30  }
0xe8: {  	[sflag:s15] =	ssyncset.done $0x0  }
0xe9: {  	s24 =	simm.s32 @!p3 $0xE;
	[sflag:s15] =	ssyncadd.s32 $0xFFFFFFD0  }
0xea: {  	_ =	swait.ge @!p3 [sflag:s24], $0x3000  }
0xeb: {  	[sflag:s24] =	ssyncset.done @!p3 $0x0  }
0xec: {  	[sflag:s24] =	ssyncadd.s32 @!p3 $0xFFFFD000  }
0xed: {  	_ =	swait.ge @!p3 [sflag:s24], $0x3000  }
0xee: {  	[sflag:s24] =	ssyncset.done @!p3 $0x0  }
0xef: {  	[sflag:s24] =	ssyncadd.s32 @!p3 $0xFFFFD000  }
0xf0: {  	v3 =	vld [tilespmem:$0x80];
	_ =	sdelay $0x4  }
0xf1: {  	v46 =	vshll.u32 v3, $0x1  }
0xf2: {  	v3 =	vand.u32 $0x7, v3;
	v4 =	vand.u32 $0xFFFFFFF0, v46  }
0xf3: {  	v3 =	vor.u32 v3, v4  }
0xf4: {  	v4 =	vperm.xlane v3, v0;
	_ =	sdelay $0x1  }
0xf5: {  	v3 =	vperm.xlane v3, v2;
	v4 =	vadd.s32 v1, v4;
	_ =	sdelay $0x1  }
0xf6: {  	v3 =	vadd.s32 v1, v3;
	_ =	sdelay $0x1  }
0xf7: {  	s2 =	simm.s32 $0x3400  }
0xf8: {  	[tilespmem:s2], [sflag:$0x6] =	stream.indirect_vreg.gather [hbm4b:s1+s5], $0x80, v4, vm0, $0xb8;
	[tilespmem:$0x18400] =	vst v63  }
0xf9: {  	s26 =	rddreg [dreg:$0x7]  }
0xfa: {  	[tilespmem:s26], [sflag:$0x6] =	stream.indirect_vreg.gather [hbm4b:s1+s5], $0x80, v3, vm0, $0xb8;
	[tilespmem:$0x18400] =	vst v63  }
0xfb: {  	v3 =	vld [tilespmem:$0x90];
	_ =	sdelay $0x4  }
0xfc: {  	v47 =	vshll.u32 v3, $0x1  }
0xfd: {  	v3 =	vand.u32 $0x7, v3;
	v4 =	vand.u32 $0xFFFFFFF0, v47  }
0xfe: {  	v3 =	vor.u32 v3, v4  }
0xff: {  	v4 =	vperm.xlane v3, v0;
	_ =	sdelay $0x1  }
0x100: {  	v3 =	vperm.xlane v3, v2;
	v4 =	vadd.s32 v1, v4;
	_ =	sdelay $0x1  }
0x101: {  	v3 =	vadd.s32 v1, v3;
	_ =	sdelay $0x1  }
0x102: {  	s11 =	rddreg [dreg:$0x8]  }
0x103: {  	[tilespmem:s11], [sflag:$0x6] =	stream.indirect_vreg.gather [hbm4b:s1+s5], $0x80, v4, vm0, $0xb8;
	[tilespmem:$0x18400] =	vst v63  }
0x104: {  	s18 =	rddreg [dreg:$0x9]  }
0x105: {  	[tilespmem:s18], [sflag:$0x6] =	stream.indirect_vreg.gather [hbm4b:s1+s5], $0x80, v3, vm0, $0xb8;
	[tilespmem:$0x18400] =	vst v63  }
0x106: {  	v3 =	vld [tilespmem:$0xA0];
	_ =	sdelay $0x4  }
0x107: {  	v48 =	vshll.u32 v3, $0x1  }
0x108: {  	v3 =	vand.u32 $0x7, v3;
	v4 =	vand.u32 $0xFFFFFFF0, v48  }
0x109: {  	v3 =	vor.u32 v3, v4  }
0x10a: {  	v4 =	vperm.xlane v3, v0;
	_ =	sdelay $0x1  }
0x10b: {  	v3 =	vperm.xlane v3, v2;
	v4 =	vadd.s32 v1, v4;
	_ =	sdelay $0x1  }
0x10c: {  	v3 =	vadd.s32 v1, v3;
	_ =	sdelay $0x1  }
0x10d: {  	s11 =	rddreg [dreg:$0xa]  }
0x10e: {  	[tilespmem:s11], [sflag:$0x6] =	stream.indirect_vreg.gather [hbm4b:s1+s5], $0x80, v4, vm0, $0xb8;
	[tilespmem:$0x18400] =	vst v63  }
0x10f: {  	s18 =	rddreg [dreg:$0xb]  }
0x110: {  	[tilespmem:s18], [sflag:$0x6] =	stream.indirect_vreg.gather [hbm4b:s1+s5], $0x80, v3, vm0, $0xb8;
	[tilespmem:$0x18400] =	vst v63  }
0x111: {  	v3 =	vld [tilespmem:$0x280];
	_ =	sdelay $0x4  }
0x112: {  	v49 =	vshll.u32 v3, $0x1  }
0x113: {  	v3 =	vand.u32 $0x7, v3;
	v4 =	vand.u32 $0xFFFFFFF0, v49  }
0x114: {  	v3 =	vor.u32 v3, v4  }
0x115: {  	v4 =	vperm.xlane v3, v0;
	_ =	sdelay $0x1  }
0x116: {  	v3 =	vperm.xlane v3, v2;
	v4 =	vadd.s32 v1, v4;
	_ =	sdelay $0x1  }
0x117: {  	v3 =	vadd.s32 v1, v3;
	_ =	sdelay $0x1  }
0x118: {  	s18 =	simm.s32 $0xF400  }
0x119: {  	[tilespmem:s18], [sflag:$0xA] =	stream.indirect_vreg.gather [hbm4b:s3+s5], $0x80, v4, vm0, $0xb8;
	[tilespmem:$0x18400] =	vst v63  }
0x11a: {  	s11 =	rddreg [dreg:$0xc]  }
0x11b: {  	[tilespmem:s11], [sflag:$0xA] =	stream.indirect_vreg.gather [hbm4b:s3+s5], $0x80, v3, vm0, $0xb8;
	[tilespmem:$0x18400] =	vst v63  }
0x11c: {  	v3 =	vld [tilespmem:$0x290];
	_ =	sdelay $0x4  }
0x11d: {  	v50 =	vshll.u32 v3, $0x1  }
0x11e: {  	v3 =	vand.u32 $0x7, v3;
	v4 =	vand.u32 $0xFFFFFFF0, v50  }
0x11f: {  	v3 =	vor.u32 v3, v4  }
0x120: {  	v4 =	vperm.xlane v3, v0;
	_ =	sdelay $0x1  }
0x121: {  	v3 =	vperm.xlane v3, v2;
	v4 =	vadd.s32 v1, v4;
	_ =	sdelay $0x1  }
0x122: {  	v3 =	vadd.s32 v1, v3;
	_ =	sdelay $0x1  }
0x123: {  	s26 =	rddreg [dreg:$0xd]  }
0x124: {  	[tilespmem:s26], [sflag:$0xA] =	stream.indirect_vreg.gather [hbm4b:s3+s5], $0x80, v4, vm0, $0xb8;
	[tilespmem:$0x18400] =	vst v63  }
0x125: {  	s11 =	rddreg [dreg:$0xe]  }
0x126: {  	[tilespmem:s11], [sflag:$0xA] =	stream.indirect_vreg.gather [hbm4b:s3+s5], $0x80, v3, vm0, $0xb8;
	[tilespmem:$0x18400] =	vst v63  }
0x127: {  	v3 =	vld [tilespmem:$0x2A0];
	_ =	sdelay $0x4  }
0x128: {  	v51 =	vshll.u32 v3, $0x1  }
0x129: {  	v3 =	vand.u32 $0x7, v3;
	v4 =	vand.u32 $0xFFFFFFF0, v51  }
0x12a: {  	v3 =	vor.u32 v3, v4  }
0x12b: {  	v4 =	vperm.xlane v3, v0;
	_ =	sdelay $0x1  }
0x12c: {  	v4 =	vadd.s32 v1, v4  }
0x12d: {  	v3 =	vperm.xlane v3, v2;
	_ =	sdelay $0x1  }
0x12e: {  	v3 =	vadd.s32 v1, v3  }
0x12f: {  	s24 =	sadd.s32 @!p2 $0xF0, s10;
	s26 =	rddreg [dreg:$0xf]  }
0x130: {  	[tilespmem:s26], [sflag:$0xA] =	stream.indirect_vreg.gather [hbm4b:s3+s5], $0x80, v4, vm0, $0xb8;
	[tilespmem:$0x18400] =	vst v63  }
0x131: {  	s26 =	sadd.s32 @!p2 s9, s24  }
0x132: {  	s11 =	rddreg [dreg:$0x10];
	s26 =	sshrl.u32 @!p2 s26, $0x3  }
0x133: {  	[tilespmem:s11], [sflag:$0xA] =	stream.indirect_vreg.gather [hbm4b:s3+s5], $0x80, v3, vm0, $0xb8;
	[tilespmem:$0x18400] =	vst v63  }
0x134: {  	s26 =	sadd.s32 @!p2 s6, s26;
	s11 =	smov.u32 s20;
	s20 =	simm.s32 @!p2 $0x80  }
0x135: {  	[tilespmem:s20], [sflag:$0x2] =	stream.linear.gather @!p2 [hbm4b:s26+s14], $0x30, $0x38;
	[tilespmem:$0x18400] =	vst v63  }
0x136: {  	s20 =	sadd.s32 @!p2 s4, s24  }
0x137: {  	s20 =	sshrl.u32 @!p2 s20, $0x3  }
0x138: {  	s24 =	simm.s32 @!p2 $0x280;
	s20 =	sadd.s32 @!p2 s6, s20  }
0x139: {  	[tilespmem:s24], [sflag:$0x2] =	stream.linear.gather @!p2 [hbm4b:s20+s14], $0x30, $0x38;
	[tilespmem:$0x18400] =	vst v63  }
0x13a: {  	_ =	swait.ge [sflag:s28], $0x3000  }
0x13b: {  	[sflag:s28] =	ssyncset.done $0x0  }
0x13c: {  	[sflag:s28] =	ssyncadd.s32 $0xFFFFD000  }
0x13d: {  	_ =	swait.ge [sflag:s29], $0x3000  }
0x13e: {  	s24 =	rddreg [dreg:$0x4]  }
0x13f: {  	s20 =	sadd.s32 s10, s24  }
0x140: {  	[sflag:s29] =	ssyncset.done $0x0;
	s20 =	sshll.u32 s20, $0x5  }
0x141: {  	[sflag:s29] =	ssyncadd.s32 $0xFFFFD000;
	s26 =	sadd.s32 s7, s20  }
0x142: {  	[hbm4b:s26+s5] =	stream.linear.scatter [tilespmem:s2], [sflag:$0xE], $0x3000, $0x38;
	[tilespmem:$0x18400] =	vst v63  }
0x143: {  	s20 =	sadd.s32 s8, s20  }
0x144: {  	[hbm4b:s20+s5] =	stream.linear.scatter [tilespmem:s18], [sflag:$0xE], $0x3000, $0x38;
	[tilespmem:$0x18400] =	vst v63  }
0x145: {  	_ =	swait.ge [sflag:s25], $0x30  }
0x146: {  	[sflag:s25] =	ssyncset.done $0x0  }
0x147: {  	[sflag:s25] =	ssyncadd.s32 $0xFFFFFFD0  }
0x148: {  	_ =	swait.ge [sflag:s25], $0x30  }
0x149: {  	[sflag:s25] =	ssyncset.done $0x0  }
0x14a: {  	s20 =	simm.s32 @!p3 $0xF;
	[sflag:s25] =	ssyncadd.s32 $0xFFFFFFD0  }
0x14b: {  	_ =	swait.ge @!p3 [sflag:s20], $0x3000  }
0x14c: {  	[sflag:s20] =	ssyncset.done @!p3 $0x0  }
0x14d: {  	[sflag:s20] =	ssyncadd.s32 @!p3 $0xFFFFD000  }
0x14e: {  	_ =	swait.ge @!p3 [sflag:s20], $0x3000  }
0x14f: {  	[sflag:s20] =	ssyncset.done @!p3 $0x0  }
0x150: {  	[sflag:s20] =	ssyncadd.s32 @!p3 $0xFFFFD000  }
0x151: {  	v3 =	vld [tilespmem:$0x100];
	_ =	sdelay $0x4  }
0x152: {  	v52 =	vshll.u32 v3, $0x1  }
0x153: {  	v3 =	vand.u32 $0x7, v3;
	v4 =	vand.u32 $0xFFFFFFF0, v52  }
0x154: {  	v3 =	vor.u32 v3, v4  }
0x155: {  	v4 =	vperm.xlane v3, v0;
	_ =	sdelay $0x1  }
0x156: {  	v3 =	vperm.xlane v3, v2;
	v4 =	vadd.s32 v1, v4;
	_ =	sdelay $0x1  }
0x157: {  	v3 =	vadd.s32 v1, v3;
	_ =	sdelay $0x1  }
0x158: {  	s18 =	simm.s32 $0x6400  }
0x159: {  	[tilespmem:s18], [sflag:$0x7] =	stream.indirect_vreg.gather [hbm4b:s1+s5], $0x80, v4, vm0, $0xb8;
	[tilespmem:$0x18400] =	vst v63  }
0x15a: {  	s24 =	rddreg [dreg:$0x11]  }
0x15b: {  	[tilespmem:s24], [sflag:$0x7] =	stream.indirect_vreg.gather [hbm4b:s1+s5], $0x80, v3, vm0, $0xb8;
	[tilespmem:$0x18400] =	vst v63  }
0x15c: {  	v3 =	vld [tilespmem:$0x110];
	_ =	sdelay $0x4  }
0x15d: {  	v53 =	vshll.u32 v3, $0x1  }
0x15e: {  	v3 =	vand.u32 $0x7, v3;
	v4 =	vand.u32 $0xFFFFFFF0, v53  }
0x15f: {  	v3 =	vor.u32 v3, v4  }
0x160: {  	v4 =	vperm.xlane v3, v0;
	_ =	sdelay $0x1  }
0x161: {  	v3 =	vperm.xlane v3, v2;
	v4 =	vadd.s32 v1, v4;
	_ =	sdelay $0x1  }
0x162: {  	v3 =	vadd.s32 v1, v3;
	_ =	sdelay $0x1  }
0x163: {  	s26 =	rddreg [dreg:$0x12]  }
0x164: {  	[tilespmem:s26], [sflag:$0x7] =	stream.indirect_vreg.gather [hbm4b:s1+s5], $0x80, v4, vm0, $0xb8;
	[tilespmem:$0x18400] =	vst v63  }
0x165: {  	s2 =	rddreg [dreg:$0x13]  }
0x166: {  	[tilespmem:s2], [sflag:$0x7] =	stream.indirect_vreg.gather [hbm4b:s1+s5], $0x80, v3, vm0, $0xb8;
	[tilespmem:$0x18400] =	vst v63  }
0x167: {  	v3 =	vld [tilespmem:$0x120];
	_ =	sdelay $0x4  }
0x168: {  	v54 =	vshll.u32 v3, $0x1  }
0x169: {  	v3 =	vand.u32 $0x7, v3;
	v4 =	vand.u32 $0xFFFFFFF0, v54  }
0x16a: {  	v3 =	vor.u32 v3, v4  }
0x16b: {  	v4 =	vperm.xlane v3, v0;
	_ =	sdelay $0x1  }
0x16c: {  	v3 =	vperm.xlane v3, v2;
	v4 =	vadd.s32 v1, v4;
	_ =	sdelay $0x1  }
0x16d: {  	v3 =	vadd.s32 v1, v3;
	_ =	sdelay $0x1  }
0x16e: {  	s26 =	rddreg [dreg:$0x14]  }
0x16f: {  	[tilespmem:s26], [sflag:$0x7] =	stream.indirect_vreg.gather [hbm4b:s1+s5], $0x80, v4, vm0, $0xb8;
	[tilespmem:$0x18400] =	vst v63  }
0x170: {  	s2 =	rddreg [dreg:$0x15]  }
0x171: {  	[tilespmem:s2], [sflag:$0x7] =	stream.indirect_vreg.gather [hbm4b:s1+s5], $0x80, v3, vm0, $0xb8;
	[tilespmem:$0x18400] =	vst v63  }
0x172: {  	v3 =	vld [tilespmem:$0x300];
	_ =	sdelay $0x4  }
0x173: {  	v55 =	vshll.u32 v3, $0x1  }
0x174: {  	v3 =	vand.u32 $0x7, v3;
	v4 =	vand.u32 $0xFFFFFFF0, v55  }
0x175: {  	v3 =	vor.u32 v3, v4  }
0x176: {  	v4 =	vperm.xlane v3, v0;
	_ =	sdelay $0x1  }
0x177: {  	v3 =	vperm.xlane v3, v2;
	v4 =	vadd.s32 v1, v4;
	_ =	sdelay $0x1  }
0x178: {  	v3 =	vadd.s32 v1, v3;
	_ =	sdelay $0x1  }
0x179: {  	s2 =	simm.s32 $0x12400  }
0x17a: {  	[tilespmem:s2], [sflag:$0xB] =	stream.indirect_vreg.gather [hbm4b:s3+s5], $0x80, v4, vm0, $0xb8;
	[tilespmem:$0x18400] =	vst v63  }
0x17b: {  	s26 =	rddreg [dreg:$0x16]  }
0x17c: {  	[tilespmem:s26], [sflag:$0xB] =	stream.indirect_vreg.gather [hbm4b:s3+s5], $0x80, v3, vm0, $0xb8;
	[tilespmem:$0x18400] =	vst v63  }
0x17d: {  	v3 =	vld [tilespmem:$0x310];
	_ =	sdelay $0x4  }
0x17e: {  	v56 =	vshll.u32 v3, $0x1  }
0x17f: {  	v3 =	vand.u32 $0x7, v3;
	v4 =	vand.u32 $0xFFFFFFF0, v56  }
0x180: {  	v3 =	vor.u32 v3, v4  }
0x181: {  	v4 =	vperm.xlane v3, v0;
	_ =	sdelay $0x1  }
0x182: {  	v3 =	vperm.xlane v3, v2;
	v4 =	vadd.s32 v1, v4;
	_ =	sdelay $0x1  }
0x183: {  	v3 =	vadd.s32 v1, v3;
	_ =	sdelay $0x1  }
0x184: {  	s24 =	rddreg [dreg:$0x17]  }
0x185: {  	[tilespmem:s24], [sflag:$0xB] =	stream.indirect_vreg.gather [hbm4b:s3+s5], $0x80, v4, vm0, $0xb8;
	[tilespmem:$0x18400] =	vst v63  }
0x186: {  	s26 =	rddreg [dreg:$0x18]  }
0x187: {  	[tilespmem:s26], [sflag:$0xB] =	stream.indirect_vreg.gather [hbm4b:s3+s5], $0x80, v3, vm0, $0xb8;
	[tilespmem:$0x18400] =	vst v63  }
0x188: {  	v3 =	vld [tilespmem:$0x320];
	_ =	sdelay $0x4  }
0x189: {  	v57 =	vshll.u32 v3, $0x1  }
0x18a: {  	v3 =	vand.u32 $0x7, v3;
	v4 =	vand.u32 $0xFFFFFFF0, v57  }
0x18b: {  	v3 =	vor.u32 v3, v4  }
0x18c: {  	v4 =	vperm.xlane v3, v0;
	_ =	sdelay $0x1  }
0x18d: {  	v4 =	vadd.s32 v1, v4  }
0x18e: {  	v3 =	vperm.xlane v3, v2;
	_ =	sdelay $0x1  }
0x18f: {  	v3 =	vadd.s32 v1, v3  }
0x190: {  	s20 =	sadd.s32 @!p2 $0x120, s10;
	s24 =	rddreg [dreg:$0x19]  }
0x191: {  	[tilespmem:s24], [sflag:$0xB] =	stream.indirect_vreg.gather [hbm4b:s3+s5], $0x80, v4, vm0, $0xb8;
	[tilespmem:$0x18400] =	vst v63  }
0x192: {  	s24 =	sadd.s32 @!p2 s9, s20  }
0x193: {  	s26 =	rddreg [dreg:$0x1a];
	s20 =	sadd.s32 @!p2 s4, s20;
	s24 =	sshrl.u32 @!p2 s24, $0x3  }
0x194: {  	[tilespmem:s26], [sflag:$0xB] =	stream.indirect_vreg.gather [hbm4b:s3+s5], $0x80, v3, vm0, $0xb8;
	[tilespmem:$0x18400] =	vst v63  }
0x195: {  	s20 =	sshrl.u32 @!p2 s20, $0x3;
	s24 =	sadd.s32 @!p2 s6, s24;
	s26 =	simm.s32 @!p2 $0x100  }
0x196: {  	[tilespmem:s26], [sflag:$0x3] =	stream.linear.gather @!p2 [hbm4b:s24+s14], $0x30, $0x38;
	[tilespmem:$0x18400] =	vst v63  }
0x197: {  	s20 =	sadd.s32 @!p2 s6, s20;
	s24 =	simm.s32 @!p2 $0x300  }
0x198: {  	[tilespmem:s24], [sflag:$0x3] =	stream.linear.gather @!p2 [hbm4b:s20+s14], $0x30, $0x38;
	[tilespmem:$0x18400] =	vst v63  }
0x199: {  	_ =	swait.ge [sflag:s0], $0x3000  }
0x19a: {  	[sflag:s0] =	ssyncset.done $0x0  }
0x19b: {  	[sflag:s0] =	ssyncadd.s32 $0xFFFFD000  }
0x19c: {  	_ =	swait.ge [sflag:s16], $0x3000  }
0x19d: {  	s24 =	rddreg [dreg:$0x5]  }
0x19e: {  	s20 =	sadd.s32 s10, s24  }
0x19f: {  	[sflag:s16] =	ssyncset.done $0x0;
	s20 =	sshll.u32 s20, $0x5  }
0x1a0: {  	[sflag:s16] =	ssyncadd.s32 $0xFFFFD000;
	s26 =	sadd.s32 s7, s20  }
0x1a1: {  	[hbm4b:s26+s5] =	stream.linear.scatter [tilespmem:s18], [sflag:$0xF], $0x3000, $0x38;
	[tilespmem:$0x18400] =	vst v63  }
0x1a2: {  	s20 =	sadd.s32 s8, s20  }
0x1a3: {  	[hbm4b:s20+s5] =	stream.linear.scatter [tilespmem:s2], [sflag:$0xF], $0x3000, $0x38;
	[tilespmem:$0x18400] =	vst v63  }
0x1a4: {  	_ =	swait.ge [sflag:s17], $0x30  }
0x1a5: {  	[sflag:s17] =	ssyncset.done $0x0  }
0x1a6: {  	[sflag:s17] =	ssyncadd.s32 $0xFFFFFFD0  }
0x1a7: {  	_ =	swait.ge [sflag:s17], $0x30  }
0x1a8: {  	[sflag:s17] =	ssyncset.done $0x0  }
0x1a9: {  	s20 =	simm.s32 @!p3 $0x10;
	[sflag:s17] =	ssyncadd.s32 $0xFFFFFFD0  }
0x1aa: {  	_ =	swait.ge @!p3 [sflag:s20], $0x3000  }
0x1ab: {  	[sflag:s20] =	ssyncset.done @!p3 $0x0  }
0x1ac: {  	[sflag:s20] =	ssyncadd.s32 @!p3 $0xFFFFD000  }
0x1ad: {  	_ =	swait.ge @!p3 [sflag:s20], $0x3000  }
0x1ae: {  	[sflag:s20] =	ssyncset.done @!p3 $0x0  }
0x1af: {  	[sflag:s20] =	ssyncadd.s32 @!p3 $0xFFFFD000  }
0x1b0: {  	v3 =	vld [tilespmem:$0x180];
	_ =	sdelay $0x4  }
0x1b1: {  	v58 =	vshll.u32 v3, $0x1  }
0x1b2: {  	v3 =	vand.u32 $0x7, v3;
	v4 =	vand.u32 $0xFFFFFFF0, v58  }
0x1b3: {  	v3 =	vor.u32 v3, v4  }
0x1b4: {  	v4 =	vperm.xlane v3, v0;
	_ =	sdelay $0x1  }
0x1b5: {  	v3 =	vperm.xlane v3, v2;
	v4 =	vadd.s32 v1, v4;
	_ =	sdelay $0x1  }
0x1b6: {  	v3 =	vadd.s32 v1, v3;
	_ =	sdelay $0x1  }
0x1b7: {  	s2 =	simm.s32 $0x9400  }
0x1b8: {  	[tilespmem:s2], [sflag:$0x8] =	stream.indirect_vreg.gather [hbm4b:s1+s5], $0x80, v4, vm0, $0xb8;
	[tilespmem:$0x18400] =	vst v63  }
0x1b9: {  	s24 =	rddreg [dreg:$0x1b]  }
0x1ba: {  	[tilespmem:s24], [sflag:$0x8] =	stream.indirect_vreg.gather [hbm4b:s1+s5], $0x80, v3, vm0, $0xb8;
	[tilespmem:$0x18400] =	vst v63  }
0x1bb: {  	v3 =	vld [tilespmem:$0x190];
	_ =	sdelay $0x4  }
0x1bc: {  	v59 =	vshll.u32 v3, $0x1  }
0x1bd: {  	v3 =	vand.u32 $0x7, v3;
	v4 =	vand.u32 $0xFFFFFFF0, v59  }
0x1be: {  	v3 =	vor.u32 v3, v4  }
0x1bf: {  	v4 =	vperm.xlane v3, v0;
	_ =	sdelay $0x1  }
0x1c0: {  	v3 =	vperm.xlane v3, v2;
	v4 =	vadd.s32 v1, v4;
	_ =	sdelay $0x1  }
0x1c1: {  	v3 =	vadd.s32 v1, v3;
	_ =	sdelay $0x1  }
0x1c2: {  	s26 =	rddreg [dreg:$0x1c]  }
0x1c3: {  	[tilespmem:s26], [sflag:$0x8] =	stream.indirect_vreg.gather [hbm4b:s1+s5], $0x80, v4, vm0, $0xb8;
	[tilespmem:$0x18400] =	vst v63  }
0x1c4: {  	s18 =	rddreg [dreg:$0x1d]  }
0x1c5: {  	[tilespmem:s18], [sflag:$0x8] =	stream.indirect_vreg.gather [hbm4b:s1+s5], $0x80, v3, vm0, $0xb8;
	[tilespmem:$0x18400] =	vst v63  }
0x1c6: {  	v3 =	vld [tilespmem:$0x1A0];
	_ =	sdelay $0x4  }
0x1c7: {  	v60 =	vshll.u32 v3, $0x1  }
0x1c8: {  	v3 =	vand.u32 $0x7, v3;
	v4 =	vand.u32 $0xFFFFFFF0, v60  }
0x1c9: {  	v3 =	vor.u32 v3, v4  }
0x1ca: {  	v4 =	vperm.xlane v3, v0;
	_ =	sdelay $0x1  }
0x1cb: {  	v3 =	vperm.xlane v3, v2;
	v4 =	vadd.s32 v1, v4;
	_ =	sdelay $0x1  }
0x1cc: {  	v3 =	vadd.s32 v1, v3;
	_ =	sdelay $0x1  }
0x1cd: {  	s26 =	rddreg [dreg:$0x1e]  }
0x1ce: {  	[tilespmem:s26], [sflag:$0x8] =	stream.indirect_vreg.gather [hbm4b:s1+s5], $0x80, v4, vm0, $0xb8;
	[tilespmem:$0x18400] =	vst v63  }
0x1cf: {  	s18 =	rddreg [dreg:$0x1f]  }
0x1d0: {  	[tilespmem:s18], [sflag:$0x8] =	stream.indirect_vreg.gather [hbm4b:s1+s5], $0x80, v3, vm0, $0xb8;
	[tilespmem:$0x18400] =	vst v63  }
0x1d1: {  	v3 =	vld [tilespmem:$0x380];
	_ =	sdelay $0x4  }
0x1d2: {  	v61 =	vshll.u32 v3, $0x1  }
0x1d3: {  	v3 =	vand.u32 $0x7, v3;
	v4 =	vand.u32 $0xFFFFFFF0, v61  }
0x1d4: {  	v3 =	vor.u32 v3, v4  }
0x1d5: {  	v4 =	vperm.xlane v3, v0;
	_ =	sdelay $0x1  }
0x1d6: {  	v3 =	vperm.xlane v3, v2;
	v4 =	vadd.s32 v1, v4;
	_ =	sdelay $0x1  }
0x1d7: {  	v3 =	vadd.s32 v1, v3;
	_ =	sdelay $0x1  }
0x1d8: {  	s24 =	sld [smem:$0x7EE]  }
0x1d9: {  	[tilespmem:s21], [sflag:$0xC] =	stream.indirect_vreg.gather [hbm4b:s3+s5], $0x80, v4, vm0, $0xb8;
	[tilespmem:$0x18400] =	vst v63  }
0x1da: {  	_ = 	snop  }
0x1db: {  	[tilespmem:s24], [sflag:$0xC] =	stream.indirect_vreg.gather [hbm4b:s3+s5], $0x80, v3, vm0, $0xb8;
	[tilespmem:$0x18400] =	vst v63  }
0x1dc: {  	v3 =	vld [tilespmem:$0x390];
	_ =	sdelay $0x4  }
0x1dd: {  	v62 =	vshll.u32 v3, $0x1  }
0x1de: {  	v3 =	vand.u32 $0x7, v3;
	v4 =	vand.u32 $0xFFFFFFF0, v62  }
0x1df: {  	v3 =	vor.u32 v3, v4  }
0x1e0: {  	v4 =	vperm.xlane v3, v0;
	_ =	sdelay $0x1  }
0x1e1: {  	v3 =	vperm.xlane v3, v2;
	v4 =	vadd.s32 v1, v4;
	_ =	sdelay $0x1  }
0x1e2: {  	s26 =	sld [smem:$0x7F0];
	v3 =	vadd.s32 v1, v3;
	_ =	sdelay $0x1  }
0x1e3: {  	s18 =	sld [smem:$0x7F1]  }
0x1e4: {  	[tilespmem:s26], [sflag:$0xC] =	stream.indirect_vreg.gather [hbm4b:s3+s5], $0x80, v4, vm0, $0xb8;
	[tilespmem:$0x18400] =	vst v63  }
0x1e5: {  	_ = 	snop  }
0x1e6: {  	[tilespmem:s18], [sflag:$0xC] =	stream.indirect_vreg.gather [hbm4b:s3+s5], $0x80, v3, vm0, $0xb8;
	[tilespmem:$0x18400] =	vst v63  }
0x1e7: {  	v3 =	vld [tilespmem:$0x3A0];
	_ =	sdelay $0x4  }
0x1e8: {  	v63 =	vshll.u32 v3, $0x1  }
0x1e9: {  	v3 =	vand.u32 $0x7, v3;
	v4 =	vand.u32 $0xFFFFFFF0, v63  }
0x1ea: {  	v3 =	vor.u32 v3, v4  }
0x1eb: {  	v4 =	vperm.xlane v3, v0;
	_ =	sdelay $0x1  }
0x1ec: {  	v4 =	vadd.s32 v1, v4  }
0x1ed: {  	v3 =	vperm.xlane v3, v2  }
0x1ee: {  	s24 =	sld [smem:$0x7F2]  }
0x1ef: {  	v3 =	vadd.s32 v1, v3  }
0x1f0: {  	s20 =	sadd.s32 @!p2 $0x150, s10;
	s26 =	sld [smem:$0x7F3]  }
0x1f1: {  	[tilespmem:s24], [sflag:$0xC] =	stream.indirect_vreg.gather [hbm4b:s3+s5], $0x80, v4, vm0, $0xb8;
	[tilespmem:$0x18400] =	vst v63  }
0x1f2: {  	s24 =	sadd.s32 @!p2 s9, s20  }
0x1f3: {  	s20 =	sadd.s32 @!p2 s4, s20;
	s24 =	sshrl.u32 @!p2 s24, $0x3  }
0x1f4: {  	[tilespmem:s26], [sflag:$0xC] =	stream.indirect_vreg.gather [hbm4b:s3+s5], $0x80, v3, vm0, $0xb8;
	[tilespmem:$0x18400] =	vst v63  }
0x1f5: {  	s20 =	sshrl.u32 @!p2 s20, $0x3;
	s24 =	sadd.s32 @!p2 s6, s24;
	s26 =	simm.s32 @!p2 $0x180  }
0x1f6: {  	[tilespmem:s26], [sflag:$0x4] =	stream.linear.gather @!p2 [hbm4b:s24+s14], $0x30, $0x38;
	[tilespmem:$0x18400] =	vst v63  }
0x1f7: {  	s20 =	sadd.s32 @!p2 s6, s20;
	s24 =	simm.s32 @!p2 $0x380  }
0x1f8: {  	[tilespmem:s24], [sflag:$0x4] =	stream.linear.gather @!p2 [hbm4b:s20+s14], $0x30, $0x38;
	[tilespmem:$0x18400] =	vst v63  }
0x1f9: {  	_ =	swait.ge [sflag:s22], $0x3000  }
0x1fa: {  	s30 =	sadd.s32 $0x18, s30;
	[sflag:s22] =	ssyncset.done $0x0  }
0x1fb: {  	s31 =	sadd.s32 $0xC0, s31;
	s10 =	sadd.s32 s10, s11;
	[sflag:s22] =	ssyncadd.s32 $0xFFFFD000  }
0x1fc: {  	s10 =	sshll.u32 s10, $0x5;
	p2 =	sne.s32 s31, $0x1380;
	_ =	swait.ge [sflag:s23], $0x3000  }
.Ltmp2:
0x1fd: {  	s18 =	sadd.s32 s7, s10;
	[sflag:s23] =	ssyncset.done $0x0;
	(pc) =	sbr.rel @p2 .LBB2_2-.Ltmp2, $4  }
0x1fe: {  	s10 =	sadd.s32 s8, s10;
	s26 =	simm.s32 $0x1C00;
	[sflag:s23] =	ssyncadd.s32 $0xFFFFD000  }
0x1ff: {  	[hbm4b:s18+s5] =	stream.linear.scatter [tilespmem:s2], [sflag:$0x10], $0x3000, $0x38;
	[tilespmem:$0x18400] =	vst v63  }
0x200: {  	s24 =	simm.s32 $0x1400;
	s20 =	smov.u32 s11;
	s14 =	simm.s32 $0xC00  }
0x201: {  	[hbm4b:s10+s5] =	stream.linear.scatter [tilespmem:s21], [sflag:$0x10], $0x3000, $0x38;
	[tilespmem:$0x18400] =	vst v63  }
0x202: {  	s2 =	simm.s32 $0xD  }
0x203: {  	_ =	swait.ge [sflag:s2], $0x3000  }
0x204: {  	[sflag:s2] =	ssyncset.done $0x0  }
0x205: {  	[sflag:s2] =	ssyncadd.s32 $0xFFFFD000  }
0x206: {  	_ =	swait.ge [sflag:s2], $0x3000  }
0x207: {  	[sflag:s2] =	ssyncset.done $0x0  }
0x208: {  	s18 =	simm.s32 $0xE;
	[sflag:s2] =	ssyncadd.s32 $0xFFFFD000  }
0x209: {  	_ =	swait.ge [sflag:s18], $0x3000  }
0x20a: {  	[sflag:s18] =	ssyncset.done $0x0  }
0x20b: {  	[sflag:s18] =	ssyncadd.s32 $0xFFFFD000  }
0x20c: {  	_ =	swait.ge [sflag:s18], $0x3000  }
0x20d: {  	[sflag:s18] =	ssyncset.done $0x0  }
0x20e: {  	s30 =	simm.s32 $0xF;
	[sflag:s18] =	ssyncadd.s32 $0xFFFFD000  }
0x20f: {  	_ =	swait.ge [sflag:s30], $0x3000  }
0x210: {  	[sflag:s30] =	ssyncset.done $0x0  }
0x211: {  	[sflag:s30] =	ssyncadd.s32 $0xFFFFD000  }
0x212: {  	_ =	swait.ge [sflag:s30], $0x3000  }
0x213: {  	[sflag:s30] =	ssyncset.done $0x0  }
0x214: {  	s31 =	simm.s32 $0x10;
	[sflag:s30] =	ssyncadd.s32 $0xFFFFD000  }
0x215: {  	_ =	swait.ge [sflag:s31], $0x3000  }
.Ltmp3:
0x216: {  	[sflag:s31] =	ssyncset.done $0x0;
	(pc) =	sbr.rel @p0 .LBB2_5-.Ltmp3, $4  }
0x217: {  	[sflag:s31] =	ssyncadd.s32 $0xFFFFD000  }
0x218: {  	_ =	swait.ge [sflag:s31], $0x3000  }
0x219: {  	[sflag:s31] =	ssyncset.done $0x0  }
0x21a: {  	[sflag:s31] =	ssyncadd.s32 $0xFFFFD000  }
0x21b: {  	s10 =	sld [smem:$0x7F4];
	_ =	sdelay $0x1  }
0x21c: {  	s18 =	simm.s32 $0x11  }
0x21d: {  	[tilespmem:s5], [sflag:$0x11] =	stream.linear.gather [hbm4b:s10+s5], $0x30, $0x38;
	[tilespmem:$0x18400] =	vst v63  }
0x21e: {  	_ =	swait.ge [sflag:s18], $0x30  }
0x21f: {  	s2 =	sld [smem:$0x7F5]  }
0x220: {  	[sflag:s18] =	ssyncset.done $0x0  }
0x221: {  	s11 =	simm.s32 $0x200;
	[sflag:s18] =	ssyncadd.s32 $0xFFFFFFD0  }
0x222: {  	[tilespmem:s11], [sflag:$0x11] =	stream.linear.gather [hbm4b:s2+s5], $0x30, $0x38;
	[tilespmem:$0x18400] =	vst v63  }
0x223: {  	_ =	swait.ge [sflag:s18], $0x30  }
0x224: {  	[sflag:s18] =	ssyncset.done $0x0  }
0x225: {  	[sflag:s18] =	ssyncadd.s32 $0xFFFFFFD0  }
0x226: {  	v3 =	vld [tilespmem:$0x0];
	_ =	sdelay $0x4  }
0x227: {  	v4 =	vshll.u32 v3, $0x1  }
0x228: {  	v3 =	vand.u32 $0x7, v3;
	v4 =	vand.u32 $0xFFFFFFF0, v4  }
0x229: {  	v3 =	vor.u32 v3, v4  }
0x22a: {  	v4 =	vperm.xlane v3, v0;
	_ =	sdelay $0x1  }
0x22b: {  	v3 =	vperm.xlane v3, v2;
	v4 =	vadd.s32 v1, v4;
	_ =	sdelay $0x1  }
0x22c: {  	v3 =	vadd.s32 v1, v3;
	_ =	sdelay $0x1  }
0x22d: {  	s2 =	simm.s32 $0x400  }
0x22e: {  	[tilespmem:s2], [sflag:$0x5] =	stream.indirect_vreg.gather [hbm4b:s1+s5], $0x80, v4, vm0, $0xb8;
	[tilespmem:$0x18400] =	vst v63  }
0x22f: {  	_ = 	snop  }
0x230: {  	[tilespmem:s14], [sflag:$0x5] =	stream.indirect_vreg.gather [hbm4b:s1+s5], $0x80, v3, vm0, $0xb8;
	[tilespmem:$0x18400] =	vst v63  }
0x231: {  	v3 =	vld [tilespmem:$0x10];
	_ =	sdelay $0x4  }
0x232: {  	v59 =	vshll.u32 v3, $0x1  }
0x233: {  	v3 =	vand.u32 $0x7, v3;
	v4 =	vand.u32 $0xFFFFFFF0, v59  }
0x234: {  	v3 =	vor.u32 v3, v4  }
0x235: {  	v4 =	vperm.xlane v3, v0;
	_ =	sdelay $0x1  }
0x236: {  	v3 =	vperm.xlane v3, v2;
	v4 =	vadd.s32 v1, v4;
	_ =	sdelay $0x1  }
0x237: {  	v3 =	vadd.s32 v1, v3;
	_ =	sdelay $0x2  }
0x238: {  	[tilespmem:s24], [sflag:$0x5] =	stream.indirect_vreg.gather [hbm4b:s1+s5], $0x80, v4, vm0, $0xb8;
	[tilespmem:$0x18400] =	vst v63  }
0x239: {  	_ = 	snop  }
0x23a: {  	[tilespmem:s26], [sflag:$0x5] =	stream.indirect_vreg.gather [hbm4b:s1+s5], $0x80, v3, vm0, $0xb8;
	[tilespmem:$0x18400] =	vst v63  }
0x23b: {  	v3 =	vld [tilespmem:$0x20];
	_ =	sdelay $0x4  }
0x23c: {  	v60 =	vshll.u32 v3, $0x1  }
0x23d: {  	v3 =	vand.u32 $0x7, v3;
	v4 =	vand.u32 $0xFFFFFFF0, v60  }
0x23e: {  	v3 =	vor.u32 v3, v4  }
0x23f: {  	v4 =	vperm.xlane v3, v0;
	_ =	sdelay $0x1  }
0x240: {  	v3 =	vperm.xlane v3, v2;
	v4 =	vadd.s32 v1, v4;
	_ =	sdelay $0x1  }
0x241: {  	v3 =	vadd.s32 v1, v3;
	_ =	sdelay $0x1  }
0x242: {  	s11 =	simm.s32 $0x2400  }
0x243: {  	[tilespmem:s11], [sflag:$0x5] =	stream.indirect_vreg.gather [hbm4b:s1+s5], $0x80, v4, vm0, $0xb8;
	[tilespmem:$0x18400] =	vst v63  }
0x244: {  	s30 =	simm.s32 $0x2C00  }
0x245: {  	[tilespmem:s30], [sflag:$0x5] =	stream.indirect_vreg.gather [hbm4b:s1+s5], $0x80, v3, vm0, $0xb8;
	[tilespmem:$0x18400] =	vst v63  }
0x246: {  	_ =	swait.ge [sflag:s12], $0x3000  }
0x247: {  	[sflag:s12] =	ssyncset.done $0x0  }
0x248: {  	[sflag:s12] =	ssyncadd.s32 $0xFFFFD000  }
0x249: {  	v3 =	vld [tilespmem:$0x200];
	_ =	sdelay $0x4  }
0x24a: {  	v61 =	vshll.u32 v3, $0x1  }
0x24b: {  	v3 =	vand.u32 $0x7, v3;
	v4 =	vand.u32 $0xFFFFFFF0, v61  }
0x24c: {  	v3 =	vor.u32 v3, v4  }
0x24d: {  	v4 =	vperm.xlane v3, v0;
	_ =	sdelay $0x1  }
0x24e: {  	v3 =	vperm.xlane v3, v2;
	v4 =	vadd.s32 v1, v4;
	_ =	sdelay $0x1  }
0x24f: {  	v3 =	vadd.s32 v1, v3;
	_ =	sdelay $0x1  }
0x250: {  	s11 =	simm.s32 $0xC400  }
0x251: {  	[tilespmem:s11], [sflag:$0x9] =	stream.indirect_vreg.gather [hbm4b:s3+s5], $0x80, v4, vm0, $0xb8;
	[tilespmem:$0x18400] =	vst v63  }
0x252: {  	s31 =	simm.s32 $0xCC00  }
0x253: {  	[tilespmem:s31], [sflag:$0x9] =	stream.indirect_vreg.gather [hbm4b:s3+s5], $0x80, v3, vm0, $0xb8;
	[tilespmem:$0x18400] =	vst v63  }
0x254: {  	v3 =	vld [tilespmem:$0x210];
	_ =	sdelay $0x4  }
0x255: {  	v62 =	vshll.u32 v3, $0x1  }
0x256: {  	v3 =	vand.u32 $0x7, v3;
	v4 =	vand.u32 $0xFFFFFFF0, v62  }
0x257: {  	v3 =	vor.u32 v3, v4  }
0x258: {  	v4 =	vperm.xlane v3, v0;
	_ =	sdelay $0x1  }
0x259: {  	v3 =	vperm.xlane v3, v2;
	v4 =	vadd.s32 v1, v4;
	_ =	sdelay $0x1  }
0x25a: {  	v3 =	vadd.s32 v1, v3;
	_ =	sdelay $0x1  }
0x25b: {  	s30 =	simm.s32 $0xD400  }
0x25c: {  	[tilespmem:s30], [sflag:$0x9] =	stream.indirect_vreg.gather [hbm4b:s3+s5], $0x80, v4, vm0, $0xb8;
	[tilespmem:$0x18400] =	vst v63  }
0x25d: {  	s31 =	simm.s32 $0xDC00  }
0x25e: {  	[tilespmem:s31], [sflag:$0x9] =	stream.indirect_vreg.gather [hbm4b:s3+s5], $0x80, v3, vm0, $0xb8;
	[tilespmem:$0x18400] =	vst v63  }
0x25f: {  	v3 =	vld [tilespmem:$0x220];
	_ =	sdelay $0x4  }
0x260: {  	v63 =	vshll.u32 v3, $0x1  }
0x261: {  	v3 =	vand.u32 $0x7, v3;
	v4 =	vand.u32 $0xFFFFFFF0, v63  }
0x262: {  	v3 =	vor.u32 v3, v4  }
0x263: {  	v4 =	vperm.xlane v3, v0;
	_ =	sdelay $0x1  }
0x264: {  	v3 =	vperm.xlane v3, v2;
	v4 =	vadd.s32 v1, v4;
	_ =	sdelay $0x1  }
0x265: {  	v3 =	vadd.s32 v1, v3;
	_ =	sdelay $0x1  }
0x266: {  	s30 =	simm.s32 $0xE400  }
0x267: {  	[tilespmem:s30], [sflag:$0x9] =	stream.indirect_vreg.gather [hbm4b:s3+s5], $0x80, v4, vm0, $0xb8;
	[tilespmem:$0x18400] =	vst v63  }
0x268: {  	s31 =	simm.s32 $0xEC00  }
0x269: {  	[tilespmem:s31], [sflag:$0x9] =	stream.indirect_vreg.gather [hbm4b:s3+s5], $0x80, v3, vm0, $0xb8;
	[tilespmem:$0x18400] =	vst v63  }
0x26a: {  	_ =	swait.ge [sflag:s13], $0x3000  }
0x26b: {  	s30 =	sld [smem:$0x7F6]  }
0x26c: {  	[sflag:s13] =	ssyncset.done $0x0  }
0x26d: {  	[sflag:s13] =	ssyncadd.s32 $0xFFFFD000  }
0x26e: {  	[hbm4b:s30+s5] =	stream.linear.scatter [tilespmem:s2], [sflag:$0x11], $0x3000, $0x38;
	[tilespmem:$0x18400] =	vst v63  }
0x26f: {  	_ =	swait.ge [sflag:s18], $0x3000  }
0x270: {  	s31 =	sld [smem:$0x7F7]  }
0x271: {  	[sflag:s18] =	ssyncset.done $0x0  }
.Ltmp4:
0x272: {  	[sflag:s18] =	ssyncadd.s32 $0xFFFFD000;
	(pc) =	sbr.rel .LBB2_6-.Ltmp4, $4  }
0x273: {  	[hbm4b:s31+s5] =	stream.linear.scatter [tilespmem:s11], [sflag:$0x11], $0x3000, $0x38;
	[tilespmem:$0x18400] =	vst v63  }
0x274: {  	_ =	swait.ge [sflag:s18], $0x3000  }
0x275: {  	[sflag:s18] =	ssyncset.done $0x0  }
0x276: {  	s2 =	sld [smem:$0x7E6];
	[sflag:s18] =	ssyncadd.s32 $0xFFFFD000  }
.LBB2_7:
0x277: {  	_ =	sfence.sel $0x180000  }
0x278: {  	[bflag:$0x0] =	sbarrier.arrive $0xFFFF  }
0x279: {  	_ =	strace $0x90000047  }
0x27a: {  	s0 =	stileid.u32;
	[bflag:$0x2] =	sbarrier.arrive $0xFFFF  }
0x27b: {  	p0 =	sne.s32 s0, $0x0;
	s0 =	rddreg [dreg:$0x3]  }
0x27c: {  	s0 =	sadd.s32 @!p0 $0x100000, s0  }
0x27d: {  	[sflag:s0] =	ssyncadd.tile.s32 @!p0 $0x1;
	_ =	shalt  }
.Lfunc_end2:
_tile_overlayer_lowered:
.L_overlay_start_2:
0x27e: {  	(tag) =	ssettag $0x2  }
0x27f: {  	s0 =	rddreg [dreg:$0x0];
	s2 =	stileid.u32  }
0x280: {  	s1 =	rddreg [dreg:$0x1];
	p0 =	sne.s32 s2, $0x0  }
0x281: {  	s3 =	rddreg [dreg:$0x2];
	[bflag:$0x3] =	sbarrier.arrive $0xFFFF;
	s2 =	simm.s32 @!p0 $0x1C11  }
0x282: {  	[timem:s3], [sflag:s2] =	dma.local @!p0 [hbm:s0], s1  }
0x283: {  	s0 =	simm.s32 @!p0 $0x11  }
0x284: {  	_ =	swait.ge @!p0 [sflag:s0], s1  }
0x285: {  	s1 =	ssub.s32 @!p0 $0x0, s1;
	[sflag:s0] =	ssyncset.done @!p0 $0x0  }
0x286: {  	[sflag:s0] =	ssyncadd.s32 @!p0 s1  }
0x287: {  	[bflag:$0x3] =	sbarrier.arrive $0xFFFF  }
0x288: {  	_ =	shalt  }

</sc_bundles>
